<compile_context>
chip_gen: v7x
topology: tpu7x:2x2x1
jax: 0.10.2.dev20260603
libtpu: 0.0.44.dev20260713+nightly
codegen_flags: <defaults>
</compile_context>

<pallas_src>
import jax
import jax.numpy as jnp
from jax import lax
from jax.experimental import pallas as pl
from jax.experimental.pallas import tpu as pltpu
from jax.experimental.pallas import tpu_sc as plsc

N = 10000
E = 320000
D_IN = 128
H = 256
DH = H // 2

NC = 2
NS = 16
CHUNK = 128
N_CHUNKS = E // CHUNK
CHUNKS_PER_TILE = -(-N_CHUNKS // NS)
ZROWS = 125
N_ZSPANS = N // ZROWS
OUT_SPAN = 640
OUT_SPAN_LAST = N - 15 * OUT_SPAN

_sc_mesh = plsc.VectorSubcoreMesh(core_axis_name="c", subcore_axis_name="s")


def _fill(buf, nrows, ncols, val):
    @pl.loop(0, nrows)
    def _(r):
        @pl.loop(0, ncols // 16)
        def _(c):
            buf[r, pl.ds(c * 16, 16)] = jnp.full((16,), val, jnp.float32)


def _zero_fill(buf, nrows, ncols):
    _fill(buf, nrows, ncols, 0.0)


def _sc_deg_body(src_hbm, dst_hbm, deg_hbm, idx0_v, idx1_v, idx2_v,
                 ones_v, zeros_v, isem0, isem1, isem2,
                 ssem0, ssem1, ssem2, deg_sh):
    cid = lax.axis_index("c")
    sid = lax.axis_index("s")

    _fill(ones_v, CHUNK, 128, 1.0)
    _zero_fill(zeros_v, ZROWS, 128)

    @pl.loop(0, N_ZSPANS)
    def _(k):
        @pl.when(lax.rem(k, NS) == sid)
        def _():
            pltpu.sync_copy(zeros_v, deg_sh.at[pl.ds(k * ZROWS, ZROWS)])
    plsc.subcore_barrier()

    def count(e_hbm):
        idx = (idx0_v, idx1_v, idx2_v)
        isems = (isem0, isem1, isem2)
        ssems = (ssem0, ssem1, ssem2)

        def idx_fire(c, b):
            pltpu.async_copy(e_hbm.at[pl.ds(c * CHUNK, CHUNK)], idx[b],
                             isems[b])

        def idx_wait(c, b):
            pltpu.make_async_copy(e_hbm.at[pl.ds(c * CHUNK, CHUNK)], idx[b],
                                  isems[b]).wait()

        idx_fire(sid, 0)
        idx_fire(sid + NS, 1)
        idx_fire(sid + 2 * NS, 2)

        nslots3 = -(-CHUNKS_PER_TILE // 3) * 3

        @pl.loop(0, nslots3 + 3, step=3)
        def _(k):
            for j in range(3):
                b = j
                bp = (j + 2) % 3
                slot = k + j
                c = sid + slot * NS
                c2 = c + 2 * NS

                @pl.when(c < N_CHUNKS)
                def _():
                    idx_wait(c, b)
                    pltpu.async_copy(ones_v, deg_sh.at[idx[b]], ssems[b],
                                     add=True)

                @pl.when((slot >= 1) & (c - NS < N_CHUNKS))
                def _():
                    pltpu.make_async_copy(ones_v, deg_sh.at[idx[bp]],
                                          ssems[bp]).wait()

                @pl.when(c2 < N_CHUNKS)
                def _():
                    idx_fire(c2, bp)

    @pl.when(cid == 0)
    def _():
        count(src_hbm)

    @pl.when(cid == 1)
    def _():
        count(dst_hbm)

    plsc.subcore_barrier()
    rbase = sid * OUT_SPAN

    @pl.when(sid < NS - 1)
    def _():
        pltpu.sync_copy(deg_sh.at[pl.ds(rbase, OUT_SPAN)],
                        deg_hbm.at[cid, pl.ds(rbase, OUT_SPAN)])

    @pl.when(sid == NS - 1)
    def _():
        pltpu.sync_copy(deg_sh.at[pl.ds(rbase, OUT_SPAN_LAST)],
                        deg_hbm.at[cid, pl.ds(rbase, OUT_SPAN_LAST)])


_sc_deg = pl.kernel(
    _sc_deg_body,
    out_type=jax.ShapeDtypeStruct((NC, N, 128), jnp.float32),
    mesh=_sc_mesh,
    scratch_types=(
        [pltpu.VMEM((CHUNK,), jnp.int32)] * 3
        + [pltpu.VMEM((CHUNK, 128), jnp.float32),
           pltpu.VMEM((ZROWS, 128), jnp.float32)]
        + [pltpu.SemaphoreType.DMA] * 6
        + [pltpu.VMEM_SHARED((N, 128), jnp.float32)]
    ),
)


def _zero_spmem_acc(zrows, agg_sh, sid):
    _zero_fill(zrows, ZROWS, DH)

    @pl.loop(0, N_ZSPANS)
    def _(k):
        @pl.when(lax.rem(k, NS) == sid)
        def _():
            pltpu.sync_copy(zrows.at[pl.ds(0, ZROWS)],
                            agg_sh.at[pl.ds(k * ZROWS, ZROWS)])
    plsc.subcore_barrier()


def _edge_pipeline(src_hbm, dst_hbm, h_hbm, agg_sh, bufs, c0, lim, nslots):
    sidx, didx, rows, gsem, isem = bufs

    def idx_fire(c, b):
        base = c * CHUNK
        pltpu.async_copy(src_hbm.at[pl.ds(base, CHUNK)], sidx[b], isem[b])
        pltpu.async_copy(dst_hbm.at[pl.ds(base, CHUNK)], didx[b], isem[b])

    def idx_wait(c, b):
        base = c * CHUNK
        pltpu.make_async_copy(src_hbm.at[pl.ds(base, CHUNK)], sidx[b],
                              isem[b]).wait()
        pltpu.make_async_copy(dst_hbm.at[pl.ds(base, CHUNK)], didx[b],
                              isem[b]).wait()

    def idx_sync(c, b):
        base = c * CHUNK
        pltpu.sync_copy(src_hbm.at[pl.ds(base, CHUNK)], sidx[b])
        pltpu.sync_copy(dst_hbm.at[pl.ds(base, CHUNK)], didx[b])

    def gather_fire(b):
        pltpu.async_copy(h_hbm.at[sidx[b]], rows[b], gsem[b])

    idx_sync(c0, 0)
    gather_fire(0)
    idx_sync(c0 + NS, 1)
    gather_fire(1)
    idx_fire(c0 + 2 * NS, 2)

    nslots3 = -(-nslots // 3) * 3

    @pl.loop(0, nslots3, step=3)
    def _(k):
        for j in range(3):
            b = j
            b2 = (j + 2) % 3
            slot = k + j
            c = c0 + slot * NS
            c2 = c + 2 * NS
            c3 = c + 3 * NS

            @pl.when(c < lim)
            def _():
                pltpu.make_async_copy(h_hbm.at[sidx[b]], rows[b],
                                      gsem[b]).wait()
                pltpu.sync_copy(rows[b], agg_sh.at[didx[b]], add=True)

            @pl.when(c3 < lim)
            def _():
                idx_fire(c3, b)

            @pl.when(c2 < lim)
            def _():
                idx_wait(c2, b2)
                gather_fire(b2)


def _acc_copy_out(agg_sh, agg_hbm, cid, sid):
    plsc.subcore_barrier()
    rbase = sid * OUT_SPAN

    @pl.when(sid < NS - 1)
    def _():
        pltpu.sync_copy(agg_sh.at[pl.ds(rbase, OUT_SPAN)],
                        agg_hbm.at[cid, pl.ds(rbase, OUT_SPAN)])

    @pl.when(sid == NS - 1)
    def _():
        pltpu.sync_copy(agg_sh.at[pl.ds(rbase, OUT_SPAN_LAST)],
                        agg_hbm.at[cid, pl.ds(rbase, OUT_SPAN_LAST)])


def _sc_agg_body(src_hbm, dst_hbm, ha_hbm, hb_hbm, agg_hbm,
                 sidx0, sidx1, sidx2, didx0, didx1, didx2,
                 rows0, rows1, rows2, gsem0, gsem1, gsem2,
                 isem0, isem1, isem2, agg_sh):
    cid = lax.axis_index("c")
    sid = lax.axis_index("s")
    _zero_spmem_acc(rows0, agg_sh, sid)

    bufs = ((sidx0, sidx1, sidx2), (didx0, didx1, didx2),
            (rows0, rows1, rows2), (gsem0, gsem1, gsem2),
            (isem0, isem1, isem2))

    @pl.when(cid == 0)
    def _():
        _edge_pipeline(src_hbm, dst_hbm, ha_hbm, agg_sh, bufs,
                       sid, N_CHUNKS, CHUNKS_PER_TILE)

    @pl.when(cid == 1)
    def _():
        _edge_pipeline(src_hbm, dst_hbm, hb_hbm, agg_sh, bufs,
                       sid, N_CHUNKS, CHUNKS_PER_TILE)

    _acc_copy_out(agg_sh, agg_hbm, cid, sid)


_AGG_SCRATCH = (
    [pltpu.VMEM((CHUNK,), jnp.int32)] * 6
    + [pltpu.VMEM((CHUNK, DH), jnp.float32)] * 3
    + [pltpu.SemaphoreType.DMA] * 6
    + [pltpu.VMEM_SHARED((N, DH), jnp.float32)]
)

_sc_agg = pl.kernel(
    _sc_agg_body,
    out_type=jax.ShapeDtypeStruct((NC, N, DH), jnp.float32),
    mesh=_sc_mesh,
    scratch_types=list(_AGG_SCRATCH),
)

HALF_CHUNKS = N_CHUNKS // NC
CHUNKS_PER_TILE_H = -(-HALF_CHUNKS // NS)


def _sc_agg1_body(src_hbm, dst_hbm, xs_hbm, agg_hbm,
                  sidx0, sidx1, sidx2, didx0, didx1, didx2,
                  rows0, rows1, rows2, gsem0, gsem1, gsem2,
                  isem0, isem1, isem2, agg_sh):
    cid = lax.axis_index("c")
    sid = lax.axis_index("s")
    _zero_spmem_acc(rows0, agg_sh, sid)

    bufs = ((sidx0, sidx1, sidx2), (didx0, didx1, didx2),
            (rows0, rows1, rows2), (gsem0, gsem1, gsem2),
            (isem0, isem1, isem2))
    _edge_pipeline(src_hbm, dst_hbm, xs_hbm, agg_sh, bufs,
                   cid * HALF_CHUNKS + sid, (cid + 1) * HALF_CHUNKS,
                   CHUNKS_PER_TILE_H)

    _acc_copy_out(agg_sh, agg_hbm, cid, sid)


_sc_agg1 = pl.kernel(
    _sc_agg1_body,
    out_type=jax.ShapeDtypeStruct((NC, N, DH), jnp.float32),
    mesh=_sc_mesh,
    scratch_types=list(_AGG_SCRATCH),
)


def _dot(a, b):
    return jnp.dot(a, b, preferred_element_type=jnp.float32,
                   precision=lax.Precision.HIGHEST)


BR = 2000
G_TC = N // BR


def _tc_prep_body(x_ref, dsrc_ref, ddst_ref, xs_ref, nsrc_ref, ndst_ref):
    nsrc = lax.rsqrt(jnp.maximum(dsrc_ref[...], 1.0))
    ndst = lax.rsqrt(jnp.maximum(ddst_ref[...], 1.0))
    nsrc_ref[...] = nsrc
    ndst_ref[...] = ndst
    xs_ref[...] = x_ref[...] * nsrc


_tc_prep = pl.pallas_call(
    _tc_prep_body,
    grid=(G_TC,),
    in_specs=[
        pl.BlockSpec((BR, D_IN), lambda i: (i, 0)),
        pl.BlockSpec((BR, 1), lambda i: (i, 0)),
        pl.BlockSpec((BR, 1), lambda i: (i, 0)),
    ],
    out_specs=(
        pl.BlockSpec((BR, D_IN), lambda i: (i, 0)),
        pl.BlockSpec((BR, 1), lambda i: (i, 0)),
        pl.BlockSpec((BR, 1), lambda i: (i, 0)),
    ),
    out_shape=(
        jax.ShapeDtypeStruct((N, D_IN), jnp.float32),
        jax.ShapeDtypeStruct((N, 1), jnp.float32),
        jax.ShapeDtypeStruct((N, 1), jnp.float32),
    ),
)


def _tc_l1_body(agg_ref, w1_ref, b1_ref, ndst_ref, nsrc_ref, w2_ref,
                ha_ref, hb_ref, r_ref):
    a1 = agg_ref[0] + agg_ref[1]
    g = jnp.maximum(_dot(a1, w1_ref[...]) * ndst_ref[...] + b1_ref[...], 0.0)

    @pl.when(pl.program_id(0) == 0)
    def _():
        r_ref[...] = jnp.zeros((1, H), jnp.float32)

    r_ref[...] += jnp.sum(g, axis=0, keepdims=True) * (1.0 / N)
    hn = _dot(g, w2_ref[...]) * nsrc_ref[...]
    ha_ref[...] = hn[:, :DH]
    hb_ref[...] = hn[:, DH:]


_tc_l1 = pl.pallas_call(
    _tc_l1_body,
    grid=(G_TC,),
    in_specs=[
        pl.BlockSpec((NC, BR, DH), lambda i: (0, i, 0)),
        pl.BlockSpec((D_IN, H), lambda i: (0, 0)),
        pl.BlockSpec((1, H), lambda i: (0, 0)),
        pl.BlockSpec((BR, 1), lambda i: (i, 0)),
        pl.BlockSpec((BR, 1), lambda i: (i, 0)),
        pl.BlockSpec((H, H), lambda i: (0, 0)),
    ],
    out_specs=(
        pl.BlockSpec((BR, DH), lambda i: (i, 0)),
        pl.BlockSpec((BR, DH), lambda i: (i, 0)),
        pl.BlockSpec((1, H), lambda i: (0, 0)),
    ),
    out_shape=(
        jax.ShapeDtypeStruct((N, DH), jnp.float32),
        jax.ShapeDtypeStruct((N, DH), jnp.float32),
        jax.ShapeDtypeStruct((1, H), jnp.float32),
    ),
)


def _gcn_epilogue(agg_ref, ndst_ref, b_ref):
    ndst = ndst_ref[...]
    ga = jnp.maximum(agg_ref[0] * ndst + b_ref[0:1, :DH], 0.0)
    gb = jnp.maximum(agg_ref[1] * ndst + b_ref[0:1, DH:], 0.0)
    return ga, gb


def _tc_mid_body(agg_ref, ndst_ref, b_ref, w_ref, nsrc_ref,
                 ha_ref, hb_ref, r_ref):
    ga, gb = _gcn_epilogue(agg_ref, ndst_ref, b_ref)
    ra = jnp.sum(ga, axis=0, keepdims=True) * (1.0 / N)
    rb = jnp.sum(gb, axis=0, keepdims=True) * (1.0 / N)

    @pl.when(pl.program_id(0) == 0)
    def _():
        r_ref[...] = jnp.zeros((1, H), jnp.float32)

    r_ref[0:1, :DH] += ra
    r_ref[0:1, DH:] += rb
    hn = (_dot(ga, w_ref[:DH, :]) + _dot(gb, w_ref[DH:, :])) * nsrc_ref[...]
    ha_ref[...] = hn[:, :DH]
    hb_ref[...] = hn[:, DH:]


_tc_mid = pl.pallas_call(
    _tc_mid_body,
    grid=(G_TC,),
    in_specs=[
        pl.BlockSpec((NC, BR, DH), lambda i: (0, i, 0)),
        pl.BlockSpec((BR, 1), lambda i: (i, 0)),
        pl.BlockSpec((1, H), lambda i: (0, 0)),
        pl.BlockSpec((H, H), lambda i: (0, 0)),
        pl.BlockSpec((BR, 1), lambda i: (i, 0)),
    ],
    out_specs=(
        pl.BlockSpec((BR, DH), lambda i: (i, 0)),
        pl.BlockSpec((BR, DH), lambda i: (i, 0)),
        pl.BlockSpec((1, H), lambda i: (0, 0)),
    ),
    out_shape=(
        jax.ShapeDtypeStruct((N, DH), jnp.float32),
        jax.ShapeDtypeStruct((N, DH), jnp.float32),
        jax.ShapeDtypeStruct((1, H), jnp.float32),
    ),
)


def _tc_pool_body(agg_ref, ndst_ref, b_ref, r_ref):
    ga, gb = _gcn_epilogue(agg_ref, ndst_ref, b_ref)

    @pl.when(pl.program_id(0) == 0)
    def _():
        r_ref[...] = jnp.zeros((1, H), jnp.float32)

    r_ref[0:1, :DH] += jnp.sum(ga, axis=0, keepdims=True) * (1.0 / N)
    r_ref[0:1, DH:] += jnp.sum(gb, axis=0, keepdims=True) * (1.0 / N)


_tc_pool = pl.pallas_call(
    _tc_pool_body,
    grid=(G_TC,),
    in_specs=[
        pl.BlockSpec((NC, BR, DH), lambda i: (0, i, 0)),
        pl.BlockSpec((BR, 1), lambda i: (i, 0)),
        pl.BlockSpec((1, H), lambda i: (0, 0)),
    ],
    out_specs=pl.BlockSpec((1, H), lambda i: (0, 0)),
    out_shape=jax.ShapeDtypeStruct((1, H), jnp.float32),
)


def _tc_head_body(r1_ref, r2_ref, r3_ref,
                  wf1_ref, bf1_ref, wf2_ref, bf2_ref, out_ref):
    t = (_dot(r1_ref[...], wf1_ref[0:H, :])
         + _dot(r2_ref[...], wf1_ref[H:2 * H, :])
         + _dot(r3_ref[...], wf1_ref[2 * H:, :]))
    fc1 = jnp.maximum(t + bf1_ref[...], 0.0)
    fc2 = _dot(fc1, wf2_ref[...]) + bf2_ref[...]
    out_ref[...] = jax.nn.sigmoid(fc2)


_tc_head = pl.pallas_call(
    _tc_head_body,
    out_shape=jax.ShapeDtypeStruct((1, 2), jnp.float32),
)


def kernel(x, edge_index, W1, b1, W2, b2, W3, b3, Wf1, bf1, Wf2, bf2):
    src = edge_index[0].astype(jnp.int32)
    dst = edge_index[1].astype(jnp.int32)

    deg2 = _sc_deg(src, dst)
    dsrc = deg2[0, :, 0:1]
    ddst = deg2[1, :, 0:1]

    xs, nsrc, ndst = _tc_prep(x, dsrc, ddst)
    agg1 = _sc_agg1(src, dst, xs)
    ha, hb, r1 = _tc_l1(agg1, W1, b1.reshape(1, H), ndst, nsrc, W2)
    agg2 = _sc_agg(src, dst, ha, hb)
    ha, hb, r2 = _tc_mid(agg2, ndst, b2.reshape(1, H), W3, nsrc)
    agg3 = _sc_agg(src, dst, ha, hb)
    r3 = _tc_pool(agg3, ndst, b3.reshape(1, H))
    return _tc_head(r1, r2, r3,
                    Wf1, bf1.reshape(1, 128), Wf2, bf2.reshape(1, 2))

# --- scband reference (transcript-rebuilt; emitter-appended) ---
"""Pipeline reference for scband-gcnmodel-83494164234356 (READ-ONLY COPY).

The authoritative reference and input builder live on the scoring server;
editing this copy changes nothing except your own understanding.
"""

import jax, jax.numpy as jnp
import numpy as np

N_NODES = 10000
N_EDGES = 320000
D_IN = 128
H = 256

def setup_inputs(seed: int = 0) -> dict:
    key = jax.random.key(seed)
    ks = jax.random.split(key, 12)
    x = jax.random.normal(ks[0], (N_NODES, D_IN), dtype=jnp.float32)
    edge_index = jax.random.randint(ks[1], (2, N_EDGES), 0, N_NODES, dtype=jnp.int64 if jax.config.jax_enable_x64 else jnp.int32)
    def glorot(k, shape):
        lim = float(np.sqrt(6.0 / (shape[0] + shape[1])))
        return jax.random.uniform(k, shape, dtype=jnp.float32, minval=-lim, maxval=lim)
    W1 = glorot(ks[2], (D_IN, H)); b1 = jnp.zeros((H,), jnp.float32)
    W2 = glorot(ks[3], (H, H));    b2 = jnp.zeros((H,), jnp.float32)
    W3 = glorot(ks[4], (H, H));    b3 = jnp.zeros((H,), jnp.float32)
    Wf1 = glorot(ks[5], (768, 128)); bf1 = jnp.zeros((128,), jnp.float32)
    Wf2 = glorot(ks[6], (128, 2));   bf2 = jnp.zeros((2,), jnp.float32)
    return {"x": x, "edge_index": edge_index, "W1": W1, "b1": b1, "W2": W2, "b2": b2, "W3": W3, "b3": b3, "Wf1": Wf1, "bf1": bf1, "Wf2": Wf2, "bf2": bf2}

def _gcn_layer(x, src, dst, W, b):
    n = x.shape[0]
    ones = jnp.ones((src.shape[0],), jnp.float32)
    deg_out = jnp.zeros((n,), jnp.float32).at[src].add(ones)
    deg_in = jnp.zeros((n,), jnp.float32).at[dst].add(ones)
    norm_src = jnp.clip(deg_out, 1.0, None) ** -0.5
    norm_dst = jnp.clip(deg_in, 1.0, None) ** -0.5
    h = x @ W
    m = jnp.take(h, src, axis=0) * norm_src[src][:, None]
    agg = jnp.zeros((n, W.shape[1]), jnp.float32).at[dst].add(m)
    out = agg * norm_dst[:, None] + b
    return jax.nn.relu(out)

def reference(x, edge_index, W1, b1, W2, b2, W3, b3, Wf1, bf1, Wf2, bf2):
    src = edge_index[0]
    dst = edge_index[1]
    g1 = _gcn_layer(x, src, dst, W1, b1)
    r1 = jnp.mean(g1, axis=0, keepdims=True)
    g2 = _gcn_layer(g1, src, dst, W2, b2)
    r2 = jnp.mean(g2, axis=0, keepdims=True)
    g3 = _gcn_layer(g2, src, dst, W3, b3)
    r3 = jnp.mean(g3, axis=0, keepdims=True)
    merged = jnp.concatenate([r1, r2, r3], axis=1)  # [1, 768]
    fc1 = jax.nn.relu(merged @ Wf1 + bf1)
    fc2 = fc1 @ Wf2 + bf2
    return jax.nn.sigmoid(fc2)

if __name__ == "__main__":
    import jax
    _d = setup_inputs()
    print(jax.jit(kernel)(*tuple(_d.values())))

</pallas_src>

<mosaic_0001>
#map = affine_map<(d0, d1) -> (0)>
#map1 = affine_map<(d0, d1) -> (0, 0)>
#map2 = affine_map<(d0, d1) -> (0, 0, 0)>
module attributes {stable_mosaic.version = 14 : i64} {
  func.func @_sc_agg_body(%arg0: i32, %arg1: i32, %arg2: memref<320000xi32, #tpu.memory_space<hbm>>, %arg3: memref<320000xi32, #tpu.memory_space<hbm>>, %arg4: memref<10000x128xf32, #tpu.memory_space<hbm>>, %arg5: memref<10000x128xf32, #tpu.memory_space<hbm>>, %arg6: memref<2x10000x128xf32, #tpu.memory_space<hbm>>, %arg7: memref<128xi32, #tpu.memory_space<vmem>>, %arg8: memref<128xi32, #tpu.memory_space<vmem>>, %arg9: memref<128xi32, #tpu.memory_space<vmem>>, %arg10: memref<128xi32, #tpu.memory_space<vmem>>, %arg11: memref<128xi32, #tpu.memory_space<vmem>>, %arg12: memref<128xi32, #tpu.memory_space<vmem>>, %arg13: memref<128x128xf32, #tpu.memory_space<vmem>>, %arg14: memref<128x128xf32, #tpu.memory_space<vmem>>, %arg15: memref<128x128xf32, #tpu.memory_space<vmem>>, %arg16: memref<!tpu.dma_semaphore, #tpu.memory_space<semaphore_mem>>, %arg17: memref<!tpu.dma_semaphore, #tpu.memory_space<semaphore_mem>>, %arg18: memref<!tpu.dma_semaphore, #tpu.memory_space<semaphore_mem>>, %arg19: memref<!tpu.dma_semaphore, #tpu.memory_space<semaphore_mem>>, %arg20: memref<!tpu.dma_semaphore, #tpu.memory_space<semaphore_mem>>, %arg21: memref<!tpu.dma_semaphore, #tpu.memory_space<semaphore_mem>>, %arg22: memref<10000x128xf32, #tpu.memory_space<vmem_shared>>) attributes {dimension_semantics = [#tpu.dimension_semantics<core_parallel>, #tpu.dimension_semantics<subcore_parallel>], iteration_bounds = array<i64: 2, 16>, scalar_prefetch = 0 : i64, scratch_operands = 16 : i64, tpu.core_type = #tpu.core_type<sc_vector_subcore>, window_params = [{transform_indices = #map}, {transform_indices = #map}, {transform_indices = #map1}, {transform_indices = #map1}, {transform_indices = #map2}]} {
    %scan3A = arith.constant 0 : i32
    %scan3A_0 = arith.constant 125 : i32
    %scan3A_1 = arith.addi %scan3A, %scan3A_0 : i32
    %scan3A_2 = arith.constant 1 : i32
    scf.for %scan3A_27 = %scan3A to %scan3A_1 step %scan3A_2  : i32 {
      %mul3A_28 = arith.constant 1 : i32
      %mul3A_29 = arith.muli %scan3A_27, %mul3A_28 : i32
      %add3A = arith.constant 0 : i32
      %add3A_30 = arith.addi %add3A, %mul3A_29 : i32
      %scan3A_31 = arith.constant 0 : i32
      %scan3A_32 = arith.constant 8 : i32
      %scan3A_33 = arith.addi %scan3A_31, %scan3A_32 : i32
      %scan3A_34 = arith.constant 1 : i32
      scf.for %scan3A_36 = %scan3A_31 to %scan3A_33 step %scan3A_34  : i32 {
        %mul3A_37 = arith.constant 1 : i32
        %mul3A_38 = arith.muli %scan3A_36, %mul3A_37 : i32
        %add3A_39 = arith.constant 0 : i32
        %add3A_40 = arith.addi %add3A_39, %mul3A_38 : i32
        %broadcast_in_dim3A = arith.constant 0.000000e+00 : f32
        %broadcast_in_dim3A_41 = vector.broadcast %broadcast_in_dim3A : f32 to vector<16xf32>
        %mul3A_42 = arith.constant 16 : i32
        %mul3A_43 = arith.muli %add3A_40, %mul3A_42 : i32
        %swap3A = arith.index_cast %add3A_30 : i32 to index
        %swap3A_44 = arith.index_cast %mul3A_43 : i32 to index
        %swap3A_45 = tpu.vector_load %arg13[%swap3A, %swap3A_44] {strides = array<i32>} : memref<128x128xf32, #tpu.memory_space<vmem>>, vector<1x16xf32>,
        %swap3A_46 = vector.shape_cast %swap3A_45 : vector<1x16xf32> to vector<16xf32>
        %swap3A_47 = vector.shape_cast %broadcast_in_dim3A_41 : vector<16xf32> to vector<1x16xf32>
        tpu.vector_store %arg13[%swap3A, %swap3A_44], %swap3A_47 {strides = array<i32>} : memref<128x128xf32, #tpu.memory_space<vmem>>, vector<1x16xf32>,
      }
      %scan3A_35 = arith.constant 8 : i32
    }
    %scan3A_3 = arith.constant 125 : i32
    %scan3A_4 = arith.constant 0 : i32
    %scan3A_5 = arith.constant 80 : i32
    %scan3A_6 = arith.addi %scan3A_4, %scan3A_5 : i32
    %scan3A_7 = arith.constant 1 : i32
    scf.for %scan3A_27 = %scan3A_4 to %scan3A_6 step %scan3A_7  : i32 {
      %mul3A_28 = arith.constant 1 : i32
      %mul3A_29 = arith.muli %scan3A_27, %mul3A_28 : i32
      %add3A = arith.constant 0 : i32
      %add3A_30 = arith.addi %add3A, %mul3A_29 : i32
      %rem3A = arith.constant 16 : i32
      %rem3A_31 = arith.remsi %add3A_30, %rem3A : i32
      %eq3A_32 = arith.cmpi eq, %rem3A_31, %arg1 : i32
      %convert_element_type3A_33 = arith.extui %eq3A_32 : i1 to i32
      %cond3A_34 = arith.constant 0 : i32
      %cond3A_35 = arith.cmpi ne, %convert_element_type3A_33, %cond3A_34 : i32
      scf.if %cond3A_35 {
        %mul3A_36 = arith.constant 125 : i32
        %mul3A_37 = arith.muli %add3A_30, %mul3A_36 : i32
        "tpu.region"() ({
          %run_scoped3A = tpu.sem_alloc : memref<!tpu.dma_semaphore, #tpu.memory_space<semaphore_mem>>
          %dma_start3A = arith.constant 0 : i32
          %dma_start3A_38 = arith.constant 0 : i32
          %dma_start3A_39 = tpu.memref_slice %arg13[%dma_start3A, %dma_start3A_38] : memref<128x128xf32, #tpu.memory_space<vmem>> -> memref<125x128xf32, #tpu.memory_space<vmem>>
          %dma_start3A_40 = arith.constant 0 : i32
          %dma_start3A_41 = tpu.memref_slice %arg22[%mul3A_37, %dma_start3A_40] : memref<10000x128xf32, #tpu.memory_space<vmem_shared>> -> memref<125x128xf32, #tpu.memory_space<vmem_shared>>
          %dma_start3A_42 = arith.constant 0 : i32
          %dma_start3A_43 = tpu.memref_slice %arg22[%mul3A_37, %dma_start3A_42] : memref<10000x128xf32, #tpu.memory_space<vmem_shared>> -> memref<125x128xf32, #tpu.memory_space<vmem_shared>>
          %dma_start3A_44 = arith.constant 0 : i32
          %dma_start3A_45 = arith.constant 0 : i32
          %dma_start3A_46 = tpu.memref_slice %arg13[%dma_start3A_44, %dma_start3A_45] : memref<128x128xf32, #tpu.memory_space<vmem>> -> memref<125x128xf32, #tpu.memory_space<vmem>>
          tpu.enqueue_dma source(%dma_start3A_46 : memref<125x128xf32, #tpu.memory_space<vmem>>) target(%dma_start3A_43 : memref<125x128xf32, #tpu.memory_space<vmem_shared>>) target_semaphore(%run_scoped3A : memref<!tpu.dma_semaphore, #tpu.memory_space<semaphore_mem>>)
          %dma_wait3A = arith.constant 0 : i32
          %dma_wait3A_47 = arith.constant 0 : i32
          %dma_wait3A_48 = tpu.memref_slice %arg13[%dma_wait3A, %dma_wait3A_47] : memref<128x128xf32, #tpu.memory_space<vmem>> -> memref<125x128xf32, #tpu.memory_space<vmem>>
          %dma_wait3A_49 = arith.constant 0 : i32
          %dma_wait3A_50 = tpu.memref_slice %arg22[%mul3A_37, %dma_wait3A_49] : memref<10000x128xf32, #tpu.memory_space<vmem_shared>> -> memref<125x128xf32, #tpu.memory_space<vmem_shared>>
          %dma_wait3A_51 = arith.constant 0 : i32
          %dma_wait3A_52 = tpu.memref_slice %arg22[%mul3A_37, %dma_wait3A_51] : memref<10000x128xf32, #tpu.memory_space<vmem_shared>> -> memref<125x128xf32, #tpu.memory_space<vmem_shared>>
          %dma_wait3A_53 = arith.constant 0 : i32
          %dma_wait3A_54 = arith.constant 0 : i32
          %dma_wait3A_55 = tpu.memref_slice %arg13[%dma_wait3A_53, %dma_wait3A_54] : memref<128x128xf32, #tpu.memory_space<vmem>> -> memref<125x128xf32, #tpu.memory_space<vmem>>
          tpu.wait_dma2 semaphore(%run_scoped3A : memref<!tpu.dma_semaphore, #tpu.memory_space<semaphore_mem>>) src(%dma_wait3A_55 : memref<125x128xf32, #tpu.memory_space<vmem>>) dst(%dma_wait3A_52 : memref<125x128xf32, #tpu.memory_space<vmem_shared>>)
          tpu.yield
        }) : () -> ()
      } else {
      }
    }
    %scan3A_8 = arith.constant 80 : i32
    %barrier3A = arith.constant 0 : index
    tpu.barrier barrier_id(%barrier3A)
    %eq3A = arith.constant 0 : i32
    %eq3A_9 = arith.cmpi eq, %arg0, %eq3A : i32
    %convert_element_type3A = arith.extui %eq3A_9 : i1 to i32
    %cond3A = arith.constant 0 : i32
    %cond3A_10 = arith.cmpi ne, %convert_element_type3A, %cond3A : i32
    scf.if %cond3A_10 {
      %mul3A_27 = arith.constant 128 : i32
      %mul3A_28 = arith.muli %arg1, %mul3A_27 : i32
      "tpu.region"() ({
        %run_scoped3A = tpu.sem_alloc : memref<!tpu.dma_semaphore, #tpu.memory_space<semaphore_mem>>
        %dma_start3A_50 = tpu.memref_slice %arg2[%mul3A_28] : memref<320000xi32, #tpu.memory_space<hbm>> -> memref<128xi32, #tpu.memory_space<hbm>>
        %dma_start3A_51 = tpu.memref_slice %arg2[%mul3A_28] : memref<320000xi32, #tpu.memory_space<hbm>> -> memref<128xi32, #tpu.memory_space<hbm>>
        tpu.enqueue_dma source(%dma_start3A_51 : memref<128xi32, #tpu.memory_space<hbm>>) target(%arg7 : memref<128xi32, #tpu.memory_space<vmem>>) target_semaphore(%run_scoped3A : memref<!tpu.dma_semaphore, #tpu.memory_space<semaphore_mem>>)
        %dma_wait3A = tpu.memref_slice %arg2[%mul3A_28] : memref<320000xi32, #tpu.memory_space<hbm>> -> memref<128xi32, #tpu.memory_space<hbm>>
        %dma_wait3A_52 = tpu.memref_slice %arg2[%mul3A_28] : memref<320000xi32, #tpu.memory_space<hbm>> -> memref<128xi32, #tpu.memory_space<hbm>>
        tpu.wait_dma2 semaphore(%run_scoped3A : memref<!tpu.dma_semaphore, #tpu.memory_space<semaphore_mem>>) src(%dma_wait3A_52 : memref<128xi32, #tpu.memory_space<hbm>>) dst(%arg7 : memref<128xi32, #tpu.memory_space<vmem>>)
        tpu.yield
      }) : () -> ()
      "tpu.region"() ({
        %run_scoped3A = tpu.sem_alloc : memref<!tpu.dma_semaphore, #tpu.memory_space<semaphore_mem>>
        %dma_start3A_50 = tpu.memref_slice %arg3[%mul3A_28] : memref<320000xi32, #tpu.memory_space<hbm>> -> memref<128xi32, #tpu.memory_space<hbm>>
        %dma_start3A_51 = tpu.memref_slice %arg3[%mul3A_28] : memref<320000xi32, #tpu.memory_space<hbm>> -> memref<128xi32, #tpu.memory_space<hbm>>
        tpu.enqueue_dma source(%dma_start3A_51 : memref<128xi32, #tpu.memory_space<hbm>>) target(%arg10 : memref<128xi32, #tpu.memory_space<vmem>>) target_semaphore(%run_scoped3A : memref<!tpu.dma_semaphore, #tpu.memory_space<semaphore_mem>>)
        %dma_wait3A = tpu.memref_slice %arg3[%mul3A_28] : memref<320000xi32, #tpu.memory_space<hbm>> -> memref<128xi32, #tpu.memory_space<hbm>>
        %dma_wait3A_52 = tpu.memref_slice %arg3[%mul3A_28] : memref<320000xi32, #tpu.memory_space<hbm>> -> memref<128xi32, #tpu.memory_space<hbm>>
        tpu.wait_dma2 semaphore(%run_scoped3A : memref<!tpu.dma_semaphore, #tpu.memory_space<semaphore_mem>>) src(%dma_wait3A_52 : memref<128xi32, #tpu.memory_space<hbm>>) dst(%arg10 : memref<128xi32, #tpu.memory_space<vmem>>)
        tpu.yield
      }) : () -> ()
      %dma_start3A = arith.constant 0 : i32
      %dma_start3A_29 = arith.constant 0 : i32
      %dma_start3A_30 = tpu.memref_slice %arg4[%dma_start3A, %dma_start3A_29] : memref<10000x128xf32, #tpu.memory_space<hbm>> -> memref<10000x128xf32, #tpu.memory_space<hbm>>
      tpu.enqueue_indirect_dma source(%dma_start3A_30 : memref<10000x128xf32, #tpu.memory_space<hbm>>) target(%arg13 : memref<128x128xf32, #tpu.memory_space<vmem>>) offsets(%arg7 : memref<128xi32, #tpu.memory_space<vmem>>) semaphore(%arg16 : memref<!tpu.dma_semaphore, #tpu.memory_space<semaphore_mem>>)
      %add3A = arith.constant 16 : i32
      %add3A_31 = arith.addi %arg1, %add3A : i32
      %mul3A_32 = arith.constant 128 : i32
      %mul3A_33 = arith.muli %add3A_31, %mul3A_32 : i32
      "tpu.region"() ({
        %run_scoped3A = tpu.sem_alloc : memref<!tpu.dma_semaphore, #tpu.memory_space<semaphore_mem>>
        %dma_start3A_50 = tpu.memref_slice %arg2[%mul3A_33] : memref<320000xi32, #tpu.memory_space<hbm>> -> memref<128xi32, #tpu.memory_space<hbm>>
        %dma_start3A_51 = tpu.memref_slice %arg2[%mul3A_33] : memref<320000xi32, #tpu.memory_space<hbm>> -> memref<128xi32, #tpu.memory_space<hbm>>
        tpu.enqueue_dma source(%dma_start3A_51 : memref<128xi32, #tpu.memory_space<hbm>>) target(%arg8 : memref<128xi32, #tpu.memory_space<vmem>>) target_semaphore(%run_scoped3A : memref<!tpu.dma_semaphore, #tpu.memory_space<semaphore_mem>>)
        %dma_wait3A = tpu.memref_slice %arg2[%mul3A_33] : memref<320000xi32, #tpu.memory_space<hbm>> -> memref<128xi32, #tpu.memory_space<hbm>>
        %dma_wait3A_52 = tpu.memref_slice %arg2[%mul3A_33] : memref<320000xi32, #tpu.memory_space<hbm>> -> memref<128xi32, #tpu.memory_space<hbm>>
        tpu.wait_dma2 semaphore(%run_scoped3A : memref<!tpu.dma_semaphore, #tpu.memory_space<semaphore_mem>>) src(%dma_wait3A_52 : memref<128xi32, #tpu.memory_space<hbm>>) dst(%arg8 : memref<128xi32, #tpu.memory_space<vmem>>)
        tpu.yield
      }) : () -> ()
      "tpu.region"() ({
        %run_scoped3A = tpu.sem_alloc : memref<!tpu.dma_semaphore, #tpu.memory_space<semaphore_mem>>
        %dma_start3A_50 = tpu.memref_slice %arg3[%mul3A_33] : memref<320000xi32, #tpu.memory_space<hbm>> -> memref<128xi32, #tpu.memory_space<hbm>>
        %dma_start3A_51 = tpu.memref_slice %arg3[%mul3A_33] : memref<320000xi32, #tpu.memory_space<hbm>> -> memref<128xi32, #tpu.memory_space<hbm>>
        tpu.enqueue_dma source(%dma_start3A_51 : memref<128xi32, #tpu.memory_space<hbm>>) target(%arg11 : memref<128xi32, #tpu.memory_space<vmem>>) target_semaphore(%run_scoped3A : memref<!tpu.dma_semaphore, #tpu.memory_space<semaphore_mem>>)
        %dma_wait3A = tpu.memref_slice %arg3[%mul3A_33] : memref<320000xi32, #tpu.memory_space<hbm>> -> memref<128xi32, #tpu.memory_space<hbm>>
        %dma_wait3A_52 = tpu.memref_slice %arg3[%mul3A_33] : memref<320000xi32, #tpu.memory_space<hbm>> -> memref<128xi32, #tpu.memory_space<hbm>>
        tpu.wait_dma2 semaphore(%run_scoped3A : memref<!tpu.dma_semaphore, #tpu.memory_space<semaphore_mem>>) src(%dma_wait3A_52 : memref<128xi32, #tpu.memory_space<hbm>>) dst(%arg11 : memref<128xi32, #tpu.memory_space<vmem>>)
        tpu.yield
      }) : () -> ()
      %dma_start3A_34 = arith.constant 0 : i32
      %dma_start3A_35 = arith.constant 0 : i32
      %dma_start3A_36 = tpu.memref_slice %arg4[%dma_start3A_34, %dma_start3A_35] : memref<10000x128xf32, #tpu.memory_space<hbm>> -> memref<10000x128xf32, #tpu.memory_space<hbm>>
      tpu.enqueue_indirect_dma source(%dma_start3A_36 : memref<10000x128xf32, #tpu.memory_space<hbm>>) target(%arg14 : memref<128x128xf32, #tpu.memory_space<vmem>>) offsets(%arg8 : memref<128xi32, #tpu.memory_space<vmem>>) semaphore(%arg17 : memref<!tpu.dma_semaphore, #tpu.memory_space<semaphore_mem>>)
      %add3A_37 = arith.constant 32 : i32
      %add3A_38 = arith.addi %arg1, %add3A_37 : i32
      %mul3A_39 = arith.constant 128 : i32
      %mul3A_40 = arith.muli %add3A_38, %mul3A_39 : i32
      %dma_start3A_41 = tpu.memref_slice %arg2[%mul3A_40] : memref<320000xi32, #tpu.memory_space<hbm>> -> memref<128xi32, #tpu.memory_space<hbm>>
      %dma_start3A_42 = tpu.memref_slice %arg2[%mul3A_40] : memref<320000xi32, #tpu.memory_space<hbm>> -> memref<128xi32, #tpu.memory_space<hbm>>
      tpu.enqueue_dma source(%dma_start3A_42 : memref<128xi32, #tpu.memory_space<hbm>>) target(%arg9 : memref<128xi32, #tpu.memory_space<vmem>>) target_semaphore(%arg21 : memref<!tpu.dma_semaphore, #tpu.memory_space<semaphore_mem>>)
      %dma_start3A_43 = tpu.memref_slice %arg3[%mul3A_40] : memref<320000xi32, #tpu.memory_space<hbm>> -> memref<128xi32, #tpu.memory_space<hbm>>
      %dma_start3A_44 = tpu.memref_slice %arg3[%mul3A_40] : memref<320000xi32, #tpu.memory_space<hbm>> -> memref<128xi32, #tpu.memory_space<hbm>>
      tpu.enqueue_dma source(%dma_start3A_44 : memref<128xi32, #tpu.memory_space<hbm>>) target(%arg12 : memref<128xi32, #tpu.memory_space<vmem>>) target_semaphore(%arg21 : memref<!tpu.dma_semaphore, #tpu.memory_space<semaphore_mem>>)
      %scan3A_45 = arith.constant 0 : i32
      %scan3A_46 = arith.constant 53 : i32
      %scan3A_47 = arith.addi %scan3A_45, %scan3A_46 : i32
      %scan3A_48 = arith.constant 1 : i32
      scf.for %scan3A_50 = %scan3A_45 to %scan3A_47 step %scan3A_48  : i32 {
        %mul3A_51 = arith.constant 3 : i32
        %mul3A_52 = arith.muli %scan3A_50, %mul3A_51 : i32
        %add3A_53 = arith.constant 0 : i32
        %add3A_54 = arith.addi %add3A_53, %mul3A_52 : i32
        %add3A_55 = arith.constant 0 : i32
        %add3A_56 = arith.addi %add3A_54, %add3A_55 : i32
        %mul3A_57 = arith.constant 16 : i32
        %mul3A_58 = arith.muli %add3A_56, %mul3A_57 : i32
        %add3A_59 = arith.addi %arg1, %mul3A_58 : i32
        %add3A_60 = arith.constant 32 : i32
        %add3A_61 = arith.addi %add3A_59, %add3A_60 : i32
        %add3A_62 = arith.constant 48 : i32
        %add3A_63 = arith.addi %add3A_59, %add3A_62 : i32
        %lt3A_64 = arith.constant 2500 : i32
        %lt3A_65 = arith.cmpi slt, %add3A_59, %lt3A_64 : i32
        %convert_element_type3A_66 = arith.extui %lt3A_65 : i1 to i32
        %cond3A_67 = arith.constant 0 : i32
        %cond3A_68 = arith.cmpi ne, %convert_element_type3A_66, %cond3A_67 : i32
        scf.if %cond3A_68 {
          %dma_wait3A = arith.constant 0 : i32
          %dma_wait3A_127 = arith.constant 0 : i32
          %dma_wait3A_128 = tpu.memref_slice %arg4[%dma_wait3A, %dma_wait3A_127] : memref<10000x128xf32, #tpu.memory_space<hbm>> -> memref<10000x128xf32, #tpu.memory_space<hbm>>
          tpu.wait_indirect_dma semaphore(%arg16 : memref<!tpu.dma_semaphore, #tpu.memory_space<semaphore_mem>>) src(%dma_wait3A_128 : memref<10000x128xf32, #tpu.memory_space<hbm>>) dst(%arg13 : memref<128x128xf32, #tpu.memory_space<vmem>>)
          "tpu.region"() ({
            %run_scoped3A = tpu.sem_alloc : memref<!tpu.dma_semaphore, #tpu.memory_space<semaphore_mem>>
            %dma_start3A_129 = arith.constant 0 : i32
            %dma_start3A_130 = arith.constant 0 : i32
            %dma_start3A_131 = tpu.memref_slice %arg22[%dma_start3A_129, %dma_start3A_130] : memref<10000x128xf32, #tpu.memory_space<vmem_shared>> -> memref<10000x128xf32, #tpu.memory_space<vmem_shared>>
            tpu.enqueue_indirect_dma source(%arg13 : memref<128x128xf32, #tpu.memory_space<vmem>>) target(%dma_start3A_131 : memref<10000x128xf32, #tpu.memory_space<vmem_shared>>) offsets(%arg10 : memref<128xi32, #tpu.memory_space<vmem>>) semaphore(%run_scoped3A : memref<!tpu.dma_semaphore, #tpu.memory_space<semaphore_mem>>) {add = true}
            %dma_wait3A_132 = arith.constant 0 : i32
            %dma_wait3A_133 = arith.constant 0 : i32
            %dma_wait3A_134 = tpu.memref_slice %arg22[%dma_wait3A_132, %dma_wait3A_133] : memref<10000x128xf32, #tpu.memory_space<vmem_shared>> -> memref<10000x128xf32, #tpu.memory_space<vmem_shared>>
            tpu.wait_indirect_dma semaphore(%run_scoped3A : memref<!tpu.dma_semaphore, #tpu.memory_space<semaphore_mem>>) src(%arg13 : memref<128x128xf32, #tpu.memory_space<vmem>>) dst(%dma_wait3A_134 : memref<10000x128xf32, #tpu.memory_space<vmem_shared>>)
            tpu.yield
          }) : () -> ()
        } else {
        }
        %lt3A_69 = arith.constant 2500 : i32
        %lt3A_70 = arith.cmpi slt, %add3A_63, %lt3A_69 : i32
        %convert_element_type3A_71 = arith.extui %lt3A_70 : i1 to i32
        %cond3A_72 = arith.constant 0 : i32
        %cond3A_73 = arith.cmpi ne, %convert_element_type3A_71, %cond3A_72 : i32
        scf.if %cond3A_73 {
          %mul3A_127 = arith.constant 128 : i32
          %mul3A_128 = arith.muli %add3A_63, %mul3A_127 : i32
          %dma_start3A_129 = tpu.memref_slice %arg2[%mul3A_128] : memref<320000xi32, #tpu.memory_space<hbm>> -> memref<128xi32, #tpu.memory_space<hbm>>
          %dma_start3A_130 = tpu.memref_slice %arg2[%mul3A_128] : memref<320000xi32, #tpu.memory_space<hbm>> -> memref<128xi32, #tpu.memory_space<hbm>>
          tpu.enqueue_dma source(%dma_start3A_130 : memref<128xi32, #tpu.memory_space<hbm>>) target(%arg7 : memref<128xi32, #tpu.memory_space<vmem>>) target_semaphore(%arg19 : memref<!tpu.dma_semaphore, #tpu.memory_space<semaphore_mem>>)
          %dma_start3A_131 = tpu.memref_slice %arg3[%mul3A_128] : memref<320000xi32, #tpu.memory_space<hbm>> -> memref<128xi32, #tpu.memory_space<hbm>>
          %dma_start3A_132 = tpu.memref_slice %arg3[%mul3A_128] : memref<320000xi32, #tpu.memory_space<hbm>> -> memref<128xi32, #tpu.memory_space<hbm>>
          tpu.enqueue_dma source(%dma_start3A_132 : memref<128xi32, #tpu.memory_space<hbm>>) target(%arg10 : memref<128xi32, #tpu.memory_space<vmem>>) target_semaphore(%arg19 : memref<!tpu.dma_semaphore, #tpu.memory_space<semaphore_mem>>)
        } else {
        }
        %lt3A_74 = arith.constant 2500 : i32
        %lt3A_75 = arith.cmpi slt, %add3A_61, %lt3A_74 : i32
        %convert_element_type3A_76 = arith.extui %lt3A_75 : i1 to i32
        %cond3A_77 = arith.constant 0 : i32
        %cond3A_78 = arith.cmpi ne, %convert_element_type3A_76, %cond3A_77 : i32
        scf.if %cond3A_78 {
          %mul3A_127 = arith.constant 128 : i32
          %mul3A_128 = arith.muli %add3A_61, %mul3A_127 : i32
          %dma_wait3A = tpu.memref_slice %arg2[%mul3A_128] : memref<320000xi32, #tpu.memory_space<hbm>> -> memref<128xi32, #tpu.memory_space<hbm>>
          %dma_wait3A_129 = tpu.memref_slice %arg2[%mul3A_128] : memref<320000xi32, #tpu.memory_space<hbm>> -> memref<128xi32, #tpu.memory_space<hbm>>
          tpu.wait_dma2 semaphore(%arg21 : memref<!tpu.dma_semaphore, #tpu.memory_space<semaphore_mem>>) src(%dma_wait3A_129 : memref<128xi32, #tpu.memory_space<hbm>>) dst(%arg9 : memref<128xi32, #tpu.memory_space<vmem>>)
          %dma_wait3A_130 = tpu.memref_slice %arg3[%mul3A_128] : memref<320000xi32, #tpu.memory_space<hbm>> -> memref<128xi32, #tpu.memory_space<hbm>>
          %dma_wait3A_131 = tpu.memref_slice %arg3[%mul3A_128] : memref<320000xi32, #tpu.memory_space<hbm>> -> memref<128xi32, #tpu.memory_space<hbm>>
          tpu.wait_dma2 semaphore(%arg21 : memref<!tpu.dma_semaphore, #tpu.memory_space<semaphore_mem>>) src(%dma_wait3A_131 : memref<128xi32, #tpu.memory_space<hbm>>) dst(%arg12 : memref<128xi32, #tpu.memory_space<vmem>>)
          %dma_start3A_132 = arith.constant 0 : i32
          %dma_start3A_133 = arith.constant 0 : i32
          %dma_start3A_134 = tpu.memref_slice %arg4[%dma_start3A_132, %dma_start3A_133] : memref<10000x128xf32, #tpu.memory_space<hbm>> -> memref<10000x128xf32, #tpu.memory_space<hbm>>
          tpu.enqueue_indirect_dma source(%dma_start3A_134 : memref<10000x128xf32, #tpu.memory_space<hbm>>) target(%arg15 : memref<128x128xf32, #tpu.memory_space<vmem>>) offsets(%arg9 : memref<128xi32, #tpu.memory_space<vmem>>) semaphore(%arg18 : memref<!tpu.dma_semaphore, #tpu.memory_space<semaphore_mem>>)
        } else {
        }
        %add3A_79 = arith.constant 1 : i32
        %add3A_80 = arith.addi %add3A_54, %add3A_79 : i32
        %mul3A_81 = arith.constant 16 : i32
        %mul3A_82 = arith.muli %add3A_80, %mul3A_81 : i32
        %add3A_83 = arith.addi %arg1, %mul3A_82 : i32
        %add3A_84 = arith.constant 32 : i32
        %add3A_85 = arith.addi %add3A_83, %add3A_84 : i32
        %add3A_86 = arith.constant 48 : i32
        %add3A_87 = arith.addi %add3A_83, %add3A_86 : i32
        %lt3A_88 = arith.constant 2500 : i32
        %lt3A_89 = arith.cmpi slt, %add3A_83, %lt3A_88 : i32
        %convert_element_type3A_90 = arith.extui %lt3A_89 : i1 to i32
        %cond3A_91 = arith.constant 0 : i32
        %cond3A_92 = arith.cmpi ne, %convert_element_type3A_90, %cond3A_91 : i32
        scf.if %cond3A_92 {
          %dma_wait3A = arith.constant 0 : i32
          %dma_wait3A_127 = arith.constant 0 : i32
          %dma_wait3A_128 = tpu.memref_slice %arg4[%dma_wait3A, %dma_wait3A_127] : memref<10000x128xf32, #tpu.memory_space<hbm>> -> memref<10000x128xf32, #tpu.memory_space<hbm>>
          tpu.wait_indirect_dma semaphore(%arg17 : memref<!tpu.dma_semaphore, #tpu.memory_space<semaphore_mem>>) src(%dma_wait3A_128 : memref<10000x128xf32, #tpu.memory_space<hbm>>) dst(%arg14 : memref<128x128xf32, #tpu.memory_space<vmem>>)
          "tpu.region"() ({
            %run_scoped3A = tpu.sem_alloc : memref<!tpu.dma_semaphore, #tpu.memory_space<semaphore_mem>>
            %dma_start3A_129 = arith.constant 0 : i32
            %dma_start3A_130 = arith.constant 0 : i32
            %dma_start3A_131 = tpu.memref_slice %arg22[%dma_start3A_129, %dma_start3A_130] : memref<10000x128xf32, #tpu.memory_space<vmem_shared>> -> memref<10000x128xf32, #tpu.memory_space<vmem_shared>>
            tpu.enqueue_indirect_dma source(%arg14 : memref<128x128xf32, #tpu.memory_space<vmem>>) target(%dma_start3A_131 : memref<10000x128xf32, #tpu.memory_space<vmem_shared>>) offsets(%arg11 : memref<128xi32, #tpu.memory_space<vmem>>) semaphore(%run_scoped3A : memref<!tpu.dma_semaphore, #tpu.memory_space<semaphore_mem>>) {add = true}
            %dma_wait3A_132 = arith.constant 0 : i32
            %dma_wait3A_133 = arith.constant 0 : i32
            %dma_wait3A_134 = tpu.memref_slice %arg22[%dma_wait3A_132, %dma_wait3A_133] : memref<10000x128xf32, #tpu.memory_space<vmem_shared>> -> memref<10000x128xf32, #tpu.memory_space<vmem_shared>>
            tpu.wait_indirect_dma semaphore(%run_scoped3A : memref<!tpu.dma_semaphore, #tpu.memory_space<semaphore_mem>>) src(%arg14 : memref<128x128xf32, #tpu.memory_space<vmem>>) dst(%dma_wait3A_134 : memref<10000x128xf32, #tpu.memory_space<vmem_shared>>)
            tpu.yield
          }) : () -> ()
        } else {
        }
        %lt3A_93 = arith.constant 2500 : i32
        %lt3A_94 = arith.cmpi slt, %add3A_87, %lt3A_93 : i32
        %convert_element_type3A_95 = arith.extui %lt3A_94 : i1 to i32
        %cond3A_96 = arith.constant 0 : i32
        %cond3A_97 = arith.cmpi ne, %convert_element_type3A_95, %cond3A_96 : i32
        scf.if %cond3A_97 {
          %mul3A_127 = arith.constant 128 : i32
          %mul3A_128 = arith.muli %add3A_87, %mul3A_127 : i32
          %dma_start3A_129 = tpu.memref_slice %arg2[%mul3A_128] : memref<320000xi32, #tpu.memory_space<hbm>> -> memref<128xi32, #tpu.memory_space<hbm>>
          %dma_start3A_130 = tpu.memref_slice %arg2[%mul3A_128] : memref<320000xi32, #tpu.memory_space<hbm>> -> memref<128xi32, #tpu.memory_space<hbm>>
          tpu.enqueue_dma source(%dma_start3A_130 : memref<128xi32, #tpu.memory_space<hbm>>) target(%arg8 : memref<128xi32, #tpu.memory_space<vmem>>) target_semaphore(%arg20 : memref<!tpu.dma_semaphore, #tpu.memory_space<semaphore_mem>>)
          %dma_start3A_131 = tpu.memref_slice %arg3[%mul3A_128] : memref<320000xi32, #tpu.memory_space<hbm>> -> memref<128xi32, #tpu.memory_space<hbm>>
          %dma_start3A_132 = tpu.memref_slice %arg3[%mul3A_128] : memref<320000xi32, #tpu.memory_space<hbm>> -> memref<128xi32, #tpu.memory_space<hbm>>
          tpu.enqueue_dma source(%dma_start3A_132 : memref<128xi32, #tpu.memory_space<hbm>>) target(%arg11 : memref<128xi32, #tpu.memory_space<vmem>>) target_semaphore(%arg20 : memref<!tpu.dma_semaphore, #tpu.memory_space<semaphore_mem>>)
        } else {
        }
        %lt3A_98 = arith.constant 2500 : i32
        %lt3A_99 = arith.cmpi slt, %add3A_85, %lt3A_98 : i32
        %convert_element_type3A_100 = arith.extui %lt3A_99 : i1 to i32
        %cond3A_101 = arith.constant 0 : i32
        %cond3A_102 = arith.cmpi ne, %convert_element_type3A_100, %cond3A_101 : i32
        scf.if %cond3A_102 {
          %mul3A_127 = arith.constant 128 : i32
          %mul3A_128 = arith.muli %add3A_85, %mul3A_127 : i32
          %dma_wait3A = tpu.memref_slice %arg2[%mul3A_128] : memref<320000xi32, #tpu.memory_space<hbm>> -> memref<128xi32, #tpu.memory_space<hbm>>
          %dma_wait3A_129 = tpu.memref_slice %arg2[%mul3A_128] : memref<320000xi32, #tpu.memory_space<hbm>> -> memref<128xi32, #tpu.memory_space<hbm>>
          tpu.wait_dma2 semaphore(%arg19 : memref<!tpu.dma_semaphore, #tpu.memory_space<semaphore_mem>>) src(%dma_wait3A_129 : memref<128xi32, #tpu.memory_space<hbm>>) dst(%arg7 : memref<128xi32, #tpu.memory_space<vmem>>)
          %dma_wait3A_130 = tpu.memref_slice %arg3[%mul3A_128] : memref<320000xi32, #tpu.memory_space<hbm>> -> memref<128xi32, #tpu.memory_space<hbm>>
          %dma_wait3A_131 = tpu.memref_slice %arg3[%mul3A_128] : memref<320000xi32, #tpu.memory_space<hbm>> -> memref<128xi32, #tpu.memory_space<hbm>>
          tpu.wait_dma2 semaphore(%arg19 : memref<!tpu.dma_semaphore, #tpu.memory_space<semaphore_mem>>) src(%dma_wait3A_131 : memref<128xi32, #tpu.memory_space<hbm>>) dst(%arg10 : memref<128xi32, #tpu.memory_space<vmem>>)
          %dma_start3A_132 = arith.constant 0 : i32
          %dma_start3A_133 = arith.constant 0 : i32
          %dma_start3A_134 = tpu.memref_slice %arg4[%dma_start3A_132, %dma_start3A_133] : memref<10000x128xf32, #tpu.memory_space<hbm>> -> memref<10000x128xf32, #tpu.memory_space<hbm>>
          tpu.enqueue_indirect_dma source(%dma_start3A_134 : memref<10000x128xf32, #tpu.memory_space<hbm>>) target(%arg13 : memref<128x128xf32, #tpu.memory_space<vmem>>) offsets(%arg7 : memref<128xi32, #tpu.memory_space<vmem>>) semaphore(%arg16 : memref<!tpu.dma_semaphore, #tpu.memory_space<semaphore_mem>>)
        } else {
        }
        %add3A_103 = arith.constant 2 : i32
        %add3A_104 = arith.addi %add3A_54, %add3A_103 : i32
        %mul3A_105 = arith.constant 16 : i32
        %mul3A_106 = arith.muli %add3A_104, %mul3A_105 : i32
        %add3A_107 = arith.addi %arg1, %mul3A_106 : i32
        %add3A_108 = arith.constant 32 : i32
        %add3A_109 = arith.addi %add3A_107, %add3A_108 : i32
        %add3A_110 = arith.constant 48 : i32
        %add3A_111 = arith.addi %add3A_107, %add3A_110 : i32
        %lt3A_112 = arith.constant 2500 : i32
        %lt3A_113 = arith.cmpi slt, %add3A_107, %lt3A_112 : i32
        %convert_element_type3A_114 = arith.extui %lt3A_113 : i1 to i32
        %cond3A_115 = arith.constant 0 : i32
        %cond3A_116 = arith.cmpi ne, %convert_element_type3A_114, %cond3A_115 : i32
        scf.if %cond3A_116 {
          %dma_wait3A = arith.constant 0 : i32
          %dma_wait3A_127 = arith.constant 0 : i32
          %dma_wait3A_128 = tpu.memref_slice %arg4[%dma_wait3A, %dma_wait3A_127] : memref<10000x128xf32, #tpu.memory_space<hbm>> -> memref<10000x128xf32, #tpu.memory_space<hbm>>
          tpu.wait_indirect_dma semaphore(%arg18 : memref<!tpu.dma_semaphore, #tpu.memory_space<semaphore_mem>>) src(%dma_wait3A_128 : memref<10000x128xf32, #tpu.memory_space<hbm>>) dst(%arg15 : memref<128x128xf32, #tpu.memory_space<vmem>>)
          "tpu.region"() ({
            %run_scoped3A = tpu.sem_alloc : memref<!tpu.dma_semaphore, #tpu.memory_space<semaphore_mem>>
            %dma_start3A_129 = arith.constant 0 : i32
            %dma_start3A_130 = arith.constant 0 : i32
            %dma_start3A_131 = tpu.memref_slice %arg22[%dma_start3A_129, %dma_start3A_130] : memref<10000x128xf32, #tpu.memory_space<vmem_shared>> -> memref<10000x128xf32, #tpu.memory_space<vmem_shared>>
            tpu.enqueue_indirect_dma source(%arg15 : memref<128x128xf32, #tpu.memory_space<vmem>>) target(%dma_start3A_131 : memref<10000x128xf32, #tpu.memory_space<vmem_shared>>) offsets(%arg12 : memref<128xi32, #tpu.memory_space<vmem>>) semaphore(%run_scoped3A : memref<!tpu.dma_semaphore, #tpu.memory_space<semaphore_mem>>) {add = true}
            %dma_wait3A_132 = arith.constant 0 : i32
            %dma_wait3A_133 = arith.constant 0 : i32
            %dma_wait3A_134 = tpu.memref_slice %arg22[%dma_wait3A_132, %dma_wait3A_133] : memref<10000x128xf32, #tpu.memory_space<vmem_shared>> -> memref<10000x128xf32, #tpu.memory_space<vmem_shared>>
            tpu.wait_indirect_dma semaphore(%run_scoped3A : memref<!tpu.dma_semaphore, #tpu.memory_space<semaphore_mem>>) src(%arg15 : memref<128x128xf32, #tpu.memory_space<vmem>>) dst(%dma_wait3A_134 : memref<10000x128xf32, #tpu.memory_space<vmem_shared>>)
            tpu.yield
          }) : () -> ()
        } else {
        }
        %lt3A_117 = arith.constant 2500 : i32
        %lt3A_118 = arith.cmpi slt, %add3A_111, %lt3A_117 : i32
        %convert_element_type3A_119 = arith.extui %lt3A_118 : i1 to i32
        %cond3A_120 = arith.constant 0 : i32
        %cond3A_121 = arith.cmpi ne, %convert_element_type3A_119, %cond3A_120 : i32
        scf.if %cond3A_121 {
          %mul3A_127 = arith.constant 128 : i32
          %mul3A_128 = arith.muli %add3A_111, %mul3A_127 : i32
          %dma_start3A_129 = tpu.memref_slice %arg2[%mul3A_128] : memref<320000xi32, #tpu.memory_space<hbm>> -> memref<128xi32, #tpu.memory_space<hbm>>
          %dma_start3A_130 = tpu.memref_slice %arg2[%mul3A_128] : memref<320000xi32, #tpu.memory_space<hbm>> -> memref<128xi32, #tpu.memory_space<hbm>>
          tpu.enqueue_dma source(%dma_start3A_130 : memref<128xi32, #tpu.memory_space<hbm>>) target(%arg9 : memref<128xi32, #tpu.memory_space<vmem>>) target_semaphore(%arg21 : memref<!tpu.dma_semaphore, #tpu.memory_space<semaphore_mem>>)
          %dma_start3A_131 = tpu.memref_slice %arg3[%mul3A_128] : memref<320000xi32, #tpu.memory_space<hbm>> -> memref<128xi32, #tpu.memory_space<hbm>>
          %dma_start3A_132 = tpu.memref_slice %arg3[%mul3A_128] : memref<320000xi32, #tpu.memory_space<hbm>> -> memref<128xi32, #tpu.memory_space<hbm>>
          tpu.enqueue_dma source(%dma_start3A_132 : memref<128xi32, #tpu.memory_space<hbm>>) target(%arg12 : memref<128xi32, #tpu.memory_space<vmem>>) target_semaphore(%arg21 : memref<!tpu.dma_semaphore, #tpu.memory_space<semaphore_mem>>)
        } else {
        }
        %lt3A_122 = arith.constant 2500 : i32
        %lt3A_123 = arith.cmpi slt, %add3A_109, %lt3A_122 : i32
        %convert_element_type3A_124 = arith.extui %lt3A_123 : i1 to i32
        %cond3A_125 = arith.constant 0 : i32
        %cond3A_126 = arith.cmpi ne, %convert_element_type3A_124, %cond3A_125 : i32
        scf.if %cond3A_126 {
          %mul3A_127 = arith.constant 128 : i32
          %mul3A_128 = arith.muli %add3A_109, %mul3A_127 : i32
          %dma_wait3A = tpu.memref_slice %arg2[%mul3A_128] : memref<320000xi32, #tpu.memory_space<hbm>> -> memref<128xi32, #tpu.memory_space<hbm>>
          %dma_wait3A_129 = tpu.memref_slice %arg2[%mul3A_128] : memref<320000xi32, #tpu.memory_space<hbm>> -> memref<128xi32, #tpu.memory_space<hbm>>
          tpu.wait_dma2 semaphore(%arg20 : memref<!tpu.dma_semaphore, #tpu.memory_space<semaphore_mem>>) src(%dma_wait3A_129 : memref<128xi32, #tpu.memory_space<hbm>>) dst(%arg8 : memref<128xi32, #tpu.memory_space<vmem>>)
          %dma_wait3A_130 = tpu.memref_slice %arg3[%mul3A_128] : memref<320000xi32, #tpu.memory_space<hbm>> -> memref<128xi32, #tpu.memory_space<hbm>>
          %dma_wait3A_131 = tpu.memref_slice %arg3[%mul3A_128] : memref<320000xi32, #tpu.memory_space<hbm>> -> memref<128xi32, #tpu.memory_space<hbm>>
          tpu.wait_dma2 semaphore(%arg20 : memref<!tpu.dma_semaphore, #tpu.memory_space<semaphore_mem>>) src(%dma_wait3A_131 : memref<128xi32, #tpu.memory_space<hbm>>) dst(%arg11 : memref<128xi32, #tpu.memory_space<vmem>>)
          %dma_start3A_132 = arith.constant 0 : i32
          %dma_start3A_133 = arith.constant 0 : i32
          %dma_start3A_134 = tpu.memref_slice %arg4[%dma_start3A_132, %dma_start3A_133] : memref<10000x128xf32, #tpu.memory_space<hbm>> -> memref<10000x128xf32, #tpu.memory_space<hbm>>
          tpu.enqueue_indirect_dma source(%dma_start3A_134 : memref<10000x128xf32, #tpu.memory_space<hbm>>) target(%arg14 : memref<128x128xf32, #tpu.memory_space<vmem>>) offsets(%arg8 : memref<128xi32, #tpu.memory_space<vmem>>) semaphore(%arg17 : memref<!tpu.dma_semaphore, #tpu.memory_space<semaphore_mem>>)
        } else {
        }
      }
      %scan3A_49 = arith.constant 53 : i32
    } else {
    }
    %eq3A_11 = arith.constant 1 : i32
    %eq3A_12 = arith.cmpi eq, %arg0, %eq3A_11 : i32
    %convert_element_type3A_13 = arith.extui %eq3A_12 : i1 to i32
    %cond3A_14 = arith.constant 0 : i32
    %cond3A_15 = arith.cmpi ne, %convert_element_type3A_13, %cond3A_14 : i32
    scf.if %cond3A_15 {
      %mul3A_27 = arith.constant 128 : i32
      %mul3A_28 = arith.muli %arg1, %mul3A_27 : i32
      "tpu.region"() ({
        %run_scoped3A = tpu.sem_alloc : memref<!tpu.dma_semaphore, #tpu.memory_space<semaphore_mem>>
        %dma_start3A_50 = tpu.memref_slice %arg2[%mul3A_28] : memref<320000xi32, #tpu.memory_space<hbm>> -> memref<128xi32, #tpu.memory_space<hbm>>
        %dma_start3A_51 = tpu.memref_slice %arg2[%mul3A_28] : memref<320000xi32, #tpu.memory_space<hbm>> -> memref<128xi32, #tpu.memory_space<hbm>>
        tpu.enqueue_dma source(%dma_start3A_51 : memref<128xi32, #tpu.memory_space<hbm>>) target(%arg7 : memref<128xi32, #tpu.memory_space<vmem>>) target_semaphore(%run_scoped3A : memref<!tpu.dma_semaphore, #tpu.memory_space<semaphore_mem>>)
        %dma_wait3A = tpu.memref_slice %arg2[%mul3A_28] : memref<320000xi32, #tpu.memory_space<hbm>> -> memref<128xi32, #tpu.memory_space<hbm>>
        %dma_wait3A_52 = tpu.memref_slice %arg2[%mul3A_28] : memref<320000xi32, #tpu.memory_space<hbm>> -> memref<128xi32, #tpu.memory_space<hbm>>
        tpu.wait_dma2 semaphore(%run_scoped3A : memref<!tpu.dma_semaphore, #tpu.memory_space<semaphore_mem>>) src(%dma_wait3A_52 : memref<128xi32, #tpu.memory_space<hbm>>) dst(%arg7 : memref<128xi32, #tpu.memory_space<vmem>>)
        tpu.yield
      }) : () -> ()
      "tpu.region"() ({
        %run_scoped3A = tpu.sem_alloc : memref<!tpu.dma_semaphore, #tpu.memory_space<semaphore_mem>>
        %dma_start3A_50 = tpu.memref_slice %arg3[%mul3A_28] : memref<320000xi32, #tpu.memory_space<hbm>> -> memref<128xi32, #tpu.memory_space<hbm>>
        %dma_start3A_51 = tpu.memref_slice %arg3[%mul3A_28] : memref<320000xi32, #tpu.memory_space<hbm>> -> memref<128xi32, #tpu.memory_space<hbm>>
        tpu.enqueue_dma source(%dma_start3A_51 : memref<128xi32, #tpu.memory_space<hbm>>) target(%arg10 : memref<128xi32, #tpu.memory_space<vmem>>) target_semaphore(%run_scoped3A : memref<!tpu.dma_semaphore, #tpu.memory_space<semaphore_mem>>)
        %dma_wait3A = tpu.memref_slice %arg3[%mul3A_28] : memref<320000xi32, #tpu.memory_space<hbm>> -> memref<128xi32, #tpu.memory_space<hbm>>
        %dma_wait3A_52 = tpu.memref_slice %arg3[%mul3A_28] : memref<320000xi32, #tpu.memory_space<hbm>> -> memref<128xi32, #tpu.memory_space<hbm>>
        tpu.wait_dma2 semaphore(%run_scoped3A : memref<!tpu.dma_semaphore, #tpu.memory_space<semaphore_mem>>) src(%dma_wait3A_52 : memref<128xi32, #tpu.memory_space<hbm>>) dst(%arg10 : memref<128xi32, #tpu.memory_space<vmem>>)
        tpu.yield
      }) : () -> ()
      %dma_start3A = arith.constant 0 : i32
      %dma_start3A_29 = arith.constant 0 : i32
      %dma_start3A_30 = tpu.memref_slice %arg5[%dma_start3A, %dma_start3A_29] : memref<10000x128xf32, #tpu.memory_space<hbm>> -> memref<10000x128xf32, #tpu.memory_space<hbm>>
      tpu.enqueue_indirect_dma source(%dma_start3A_30 : memref<10000x128xf32, #tpu.memory_space<hbm>>) target(%arg13 : memref<128x128xf32, #tpu.memory_space<vmem>>) offsets(%arg7 : memref<128xi32, #tpu.memory_space<vmem>>) semaphore(%arg16 : memref<!tpu.dma_semaphore, #tpu.memory_space<semaphore_mem>>)
      %add3A = arith.constant 16 : i32
      %add3A_31 = arith.addi %arg1, %add3A : i32
      %mul3A_32 = arith.constant 128 : i32
      %mul3A_33 = arith.muli %add3A_31, %mul3A_32 : i32
      "tpu.region"() ({
        %run_scoped3A = tpu.sem_alloc : memref<!tpu.dma_semaphore, #tpu.memory_space<semaphore_mem>>
        %dma_start3A_50 = tpu.memref_slice %arg2[%mul3A_33] : memref<320000xi32, #tpu.memory_space<hbm>> -> memref<128xi32, #tpu.memory_space<hbm>>
        %dma_start3A_51 = tpu.memref_slice %arg2[%mul3A_33] : memref<320000xi32, #tpu.memory_space<hbm>> -> memref<128xi32, #tpu.memory_space<hbm>>
        tpu.enqueue_dma source(%dma_start3A_51 : memref<128xi32, #tpu.memory_space<hbm>>) target(%arg8 : memref<128xi32, #tpu.memory_space<vmem>>) target_semaphore(%run_scoped3A : memref<!tpu.dma_semaphore, #tpu.memory_space<semaphore_mem>>)
        %dma_wait3A = tpu.memref_slice %arg2[%mul3A_33] : memref<320000xi32, #tpu.memory_space<hbm>> -> memref<128xi32, #tpu.memory_space<hbm>>
        %dma_wait3A_52 = tpu.memref_slice %arg2[%mul3A_33] : memref<320000xi32, #tpu.memory_space<hbm>> -> memref<128xi32, #tpu.memory_space<hbm>>
        tpu.wait_dma2 semaphore(%run_scoped3A : memref<!tpu.dma_semaphore, #tpu.memory_space<semaphore_mem>>) src(%dma_wait3A_52 : memref<128xi32, #tpu.memory_space<hbm>>) dst(%arg8 : memref<128xi32, #tpu.memory_space<vmem>>)
        tpu.yield
      }) : () -> ()
      "tpu.region"() ({
        %run_scoped3A = tpu.sem_alloc : memref<!tpu.dma_semaphore, #tpu.memory_space<semaphore_mem>>
        %dma_start3A_50 = tpu.memref_slice %arg3[%mul3A_33] : memref<320000xi32, #tpu.memory_space<hbm>> -> memref<128xi32, #tpu.memory_space<hbm>>
        %dma_start3A_51 = tpu.memref_slice %arg3[%mul3A_33] : memref<320000xi32, #tpu.memory_space<hbm>> -> memref<128xi32, #tpu.memory_space<hbm>>
        tpu.enqueue_dma source(%dma_start3A_51 : memref<128xi32, #tpu.memory_space<hbm>>) target(%arg11 : memref<128xi32, #tpu.memory_space<vmem>>) target_semaphore(%run_scoped3A : memref<!tpu.dma_semaphore, #tpu.memory_space<semaphore_mem>>)
        %dma_wait3A = tpu.memref_slice %arg3[%mul3A_33] : memref<320000xi32, #tpu.memory_space<hbm>> -> memref<128xi32, #tpu.memory_space<hbm>>
        %dma_wait3A_52 = tpu.memref_slice %arg3[%mul3A_33] : memref<320000xi32, #tpu.memory_space<hbm>> -> memref<128xi32, #tpu.memory_space<hbm>>
        tpu.wait_dma2 semaphore(%run_scoped3A : memref<!tpu.dma_semaphore, #tpu.memory_space<semaphore_mem>>) src(%dma_wait3A_52 : memref<128xi32, #tpu.memory_space<hbm>>) dst(%arg11 : memref<128xi32, #tpu.memory_space<vmem>>)
        tpu.yield
      }) : () -> ()
      %dma_start3A_34 = arith.constant 0 : i32
      %dma_start3A_35 = arith.constant 0 : i32
      %dma_start3A_36 = tpu.memref_slice %arg5[%dma_start3A_34, %dma_start3A_35] : memref<10000x128xf32, #tpu.memory_space<hbm>> -> memref<10000x128xf32, #tpu.memory_space<hbm>>
      tpu.enqueue_indirect_dma source(%dma_start3A_36 : memref<10000x128xf32, #tpu.memory_space<hbm>>) target(%arg14 : memref<128x128xf32, #tpu.memory_space<vmem>>) offsets(%arg8 : memref<128xi32, #tpu.memory_space<vmem>>) semaphore(%arg17 : memref<!tpu.dma_semaphore, #tpu.memory_space<semaphore_mem>>)
      %add3A_37 = arith.constant 32 : i32
      %add3A_38 = arith.addi %arg1, %add3A_37 : i32
      %mul3A_39 = arith.constant 128 : i32
      %mul3A_40 = arith.muli %add3A_38, %mul3A_39 : i32
      %dma_start3A_41 = tpu.memref_slice %arg2[%mul3A_40] : memref<320000xi32, #tpu.memory_space<hbm>> -> memref<128xi32, #tpu.memory_space<hbm>>
      %dma_start3A_42 = tpu.memref_slice %arg2[%mul3A_40] : memref<320000xi32, #tpu.memory_space<hbm>> -> memref<128xi32, #tpu.memory_space<hbm>>
      tpu.enqueue_dma source(%dma_start3A_42 : memref<128xi32, #tpu.memory_space<hbm>>) target(%arg9 : memref<128xi32, #tpu.memory_space<vmem>>) target_semaphore(%arg21 : memref<!tpu.dma_semaphore, #tpu.memory_space<semaphore_mem>>)
      %dma_start3A_43 = tpu.memref_slice %arg3[%mul3A_40] : memref<320000xi32, #tpu.memory_space<hbm>> -> memref<128xi32, #tpu.memory_space<hbm>>
      %dma_start3A_44 = tpu.memref_slice %arg3[%mul3A_40] : memref<320000xi32, #tpu.memory_space<hbm>> -> memref<128xi32, #tpu.memory_space<hbm>>
      tpu.enqueue_dma source(%dma_start3A_44 : memref<128xi32, #tpu.memory_space<hbm>>) target(%arg12 : memref<128xi32, #tpu.memory_space<vmem>>) target_semaphore(%arg21 : memref<!tpu.dma_semaphore, #tpu.memory_space<semaphore_mem>>)
      %scan3A_45 = arith.constant 0 : i32
      %scan3A_46 = arith.constant 53 : i32
      %scan3A_47 = arith.addi %scan3A_45, %scan3A_46 : i32
      %scan3A_48 = arith.constant 1 : i32
      scf.for %scan3A_50 = %scan3A_45 to %scan3A_47 step %scan3A_48  : i32 {
        %mul3A_51 = arith.constant 3 : i32
        %mul3A_52 = arith.muli %scan3A_50, %mul3A_51 : i32
        %add3A_53 = arith.constant 0 : i32
        %add3A_54 = arith.addi %add3A_53, %mul3A_52 : i32
        %add3A_55 = arith.constant 0 : i32
        %add3A_56 = arith.addi %add3A_54, %add3A_55 : i32
        %mul3A_57 = arith.constant 16 : i32
        %mul3A_58 = arith.muli %add3A_56, %mul3A_57 : i32
        %add3A_59 = arith.addi %arg1, %mul3A_58 : i32
        %add3A_60 = arith.constant 32 : i32
        %add3A_61 = arith.addi %add3A_59, %add3A_60 : i32
        %add3A_62 = arith.constant 48 : i32
        %add3A_63 = arith.addi %add3A_59, %add3A_62 : i32
        %lt3A_64 = arith.constant 2500 : i32
        %lt3A_65 = arith.cmpi slt, %add3A_59, %lt3A_64 : i32
        %convert_element_type3A_66 = arith.extui %lt3A_65 : i1 to i32
        %cond3A_67 = arith.constant 0 : i32
        %cond3A_68 = arith.cmpi ne, %convert_element_type3A_66, %cond3A_67 : i32
        scf.if %cond3A_68 {
          %dma_wait3A = arith.constant 0 : i32
          %dma_wait3A_127 = arith.constant 0 : i32
          %dma_wait3A_128 = tpu.memref_slice %arg5[%dma_wait3A, %dma_wait3A_127] : memref<10000x128xf32, #tpu.memory_space<hbm>> -> memref<10000x128xf32, #tpu.memory_space<hbm>>
          tpu.wait_indirect_dma semaphore(%arg16 : memref<!tpu.dma_semaphore, #tpu.memory_space<semaphore_mem>>) src(%dma_wait3A_128 : memref<10000x128xf32, #tpu.memory_space<hbm>>) dst(%arg13 : memref<128x128xf32, #tpu.memory_space<vmem>>)
          "tpu.region"() ({
            %run_scoped3A = tpu.sem_alloc : memref<!tpu.dma_semaphore, #tpu.memory_space<semaphore_mem>>
            %dma_start3A_129 = arith.constant 0 : i32
            %dma_start3A_130 = arith.constant 0 : i32
            %dma_start3A_131 = tpu.memref_slice %arg22[%dma_start3A_129, %dma_start3A_130] : memref<10000x128xf32, #tpu.memory_space<vmem_shared>> -> memref<10000x128xf32, #tpu.memory_space<vmem_shared>>
            tpu.enqueue_indirect_dma source(%arg13 : memref<128x128xf32, #tpu.memory_space<vmem>>) target(%dma_start3A_131 : memref<10000x128xf32, #tpu.memory_space<vmem_shared>>) offsets(%arg10 : memref<128xi32, #tpu.memory_space<vmem>>) semaphore(%run_scoped3A : memref<!tpu.dma_semaphore, #tpu.memory_space<semaphore_mem>>) {add = true}
            %dma_wait3A_132 = arith.constant 0 : i32
            %dma_wait3A_133 = arith.constant 0 : i32
            %dma_wait3A_134 = tpu.memref_slice %arg22[%dma_wait3A_132, %dma_wait3A_133] : memref<10000x128xf32, #tpu.memory_space<vmem_shared>> -> memref<10000x128xf32, #tpu.memory_space<vmem_shared>>
            tpu.wait_indirect_dma semaphore(%run_scoped3A : memref<!tpu.dma_semaphore, #tpu.memory_space<semaphore_mem>>) src(%arg13 : memref<128x128xf32, #tpu.memory_space<vmem>>) dst(%dma_wait3A_134 : memref<10000x128xf32, #tpu.memory_space<vmem_shared>>)
            tpu.yield
          }) : () -> ()
        } else {
        }
        %lt3A_69 = arith.constant 2500 : i32
        %lt3A_70 = arith.cmpi slt, %add3A_63, %lt3A_69 : i32
        %convert_element_type3A_71 = arith.extui %lt3A_70 : i1 to i32
        %cond3A_72 = arith.constant 0 : i32
        %cond3A_73 = arith.cmpi ne, %convert_element_type3A_71, %cond3A_72 : i32
        scf.if %cond3A_73 {
          %mul3A_127 = arith.constant 128 : i32
          %mul3A_128 = arith.muli %add3A_63, %mul3A_127 : i32
          %dma_start3A_129 = tpu.memref_slice %arg2[%mul3A_128] : memref<320000xi32, #tpu.memory_space<hbm>> -> memref<128xi32, #tpu.memory_space<hbm>>
          %dma_start3A_130 = tpu.memref_slice %arg2[%mul3A_128] : memref<320000xi32, #tpu.memory_space<hbm>> -> memref<128xi32, #tpu.memory_space<hbm>>
          tpu.enqueue_dma source(%dma_start3A_130 : memref<128xi32, #tpu.memory_space<hbm>>) target(%arg7 : memref<128xi32, #tpu.memory_space<vmem>>) target_semaphore(%arg19 : memref<!tpu.dma_semaphore, #tpu.memory_space<semaphore_mem>>)
          %dma_start3A_131 = tpu.memref_slice %arg3[%mul3A_128] : memref<320000xi32, #tpu.memory_space<hbm>> -> memref<128xi32, #tpu.memory_space<hbm>>
          %dma_start3A_132 = tpu.memref_slice %arg3[%mul3A_128] : memref<320000xi32, #tpu.memory_space<hbm>> -> memref<128xi32, #tpu.memory_space<hbm>>
          tpu.enqueue_dma source(%dma_start3A_132 : memref<128xi32, #tpu.memory_space<hbm>>) target(%arg10 : memref<128xi32, #tpu.memory_space<vmem>>) target_semaphore(%arg19 : memref<!tpu.dma_semaphore, #tpu.memory_space<semaphore_mem>>)
        } else {
        }
        %lt3A_74 = arith.constant 2500 : i32
        %lt3A_75 = arith.cmpi slt, %add3A_61, %lt3A_74 : i32
        %convert_element_type3A_76 = arith.extui %lt3A_75 : i1 to i32
        %cond3A_77 = arith.constant 0 : i32
        %cond3A_78 = arith.cmpi ne, %convert_element_type3A_76, %cond3A_77 : i32
        scf.if %cond3A_78 {
          %mul3A_127 = arith.constant 128 : i32
          %mul3A_128 = arith.muli %add3A_61, %mul3A_127 : i32
          %dma_wait3A = tpu.memref_slice %arg2[%mul3A_128] : memref<320000xi32, #tpu.memory_space<hbm>> -> memref<128xi32, #tpu.memory_space<hbm>>
          %dma_wait3A_129 = tpu.memref_slice %arg2[%mul3A_128] : memref<320000xi32, #tpu.memory_space<hbm>> -> memref<128xi32, #tpu.memory_space<hbm>>
          tpu.wait_dma2 semaphore(%arg21 : memref<!tpu.dma_semaphore, #tpu.memory_space<semaphore_mem>>) src(%dma_wait3A_129 : memref<128xi32, #tpu.memory_space<hbm>>) dst(%arg9 : memref<128xi32, #tpu.memory_space<vmem>>)
          %dma_wait3A_130 = tpu.memref_slice %arg3[%mul3A_128] : memref<320000xi32, #tpu.memory_space<hbm>> -> memref<128xi32, #tpu.memory_space<hbm>>
          %dma_wait3A_131 = tpu.memref_slice %arg3[%mul3A_128] : memref<320000xi32, #tpu.memory_space<hbm>> -> memref<128xi32, #tpu.memory_space<hbm>>
          tpu.wait_dma2 semaphore(%arg21 : memref<!tpu.dma_semaphore, #tpu.memory_space<semaphore_mem>>) src(%dma_wait3A_131 : memref<128xi32, #tpu.memory_space<hbm>>) dst(%arg12 : memref<128xi32, #tpu.memory_space<vmem>>)
          %dma_start3A_132 = arith.constant 0 : i32
          %dma_start3A_133 = arith.constant 0 : i32
          %dma_start3A_134 = tpu.memref_slice %arg5[%dma_start3A_132, %dma_start3A_133] : memref<10000x128xf32, #tpu.memory_space<hbm>> -> memref<10000x128xf32, #tpu.memory_space<hbm>>
          tpu.enqueue_indirect_dma source(%dma_start3A_134 : memref<10000x128xf32, #tpu.memory_space<hbm>>) target(%arg15 : memref<128x128xf32, #tpu.memory_space<vmem>>) offsets(%arg9 : memref<128xi32, #tpu.memory_space<vmem>>) semaphore(%arg18 : memref<!tpu.dma_semaphore, #tpu.memory_space<semaphore_mem>>)
        } else {
        }
        %add3A_79 = arith.constant 1 : i32
        %add3A_80 = arith.addi %add3A_54, %add3A_79 : i32
        %mul3A_81 = arith.constant 16 : i32
        %mul3A_82 = arith.muli %add3A_80, %mul3A_81 : i32
        %add3A_83 = arith.addi %arg1, %mul3A_82 : i32
        %add3A_84 = arith.constant 32 : i32
        %add3A_85 = arith.addi %add3A_83, %add3A_84 : i32
        %add3A_86 = arith.constant 48 : i32
        %add3A_87 = arith.addi %add3A_83, %add3A_86 : i32
        %lt3A_88 = arith.constant 2500 : i32
        %lt3A_89 = arith.cmpi slt, %add3A_83, %lt3A_88 : i32
        %convert_element_type3A_90 = arith.extui %lt3A_89 : i1 to i32
        %cond3A_91 = arith.constant 0 : i32
        %cond3A_92 = arith.cmpi ne, %convert_element_type3A_90, %cond3A_91 : i32
        scf.if %cond3A_92 {
          %dma_wait3A = arith.constant 0 : i32
          %dma_wait3A_127 = arith.constant 0 : i32
          %dma_wait3A_128 = tpu.memref_slice %arg5[%dma_wait3A, %dma_wait3A_127] : memref<10000x128xf32, #tpu.memory_space<hbm>> -> memref<10000x128xf32, #tpu.memory_space<hbm>>
          tpu.wait_indirect_dma semaphore(%arg17 : memref<!tpu.dma_semaphore, #tpu.memory_space<semaphore_mem>>) src(%dma_wait3A_128 : memref<10000x128xf32, #tpu.memory_space<hbm>>) dst(%arg14 : memref<128x128xf32, #tpu.memory_space<vmem>>)
          "tpu.region"() ({
            %run_scoped3A = tpu.sem_alloc : memref<!tpu.dma_semaphore, #tpu.memory_space<semaphore_mem>>
            %dma_start3A_129 = arith.constant 0 : i32
            %dma_start3A_130 = arith.constant 0 : i32
            %dma_start3A_131 = tpu.memref_slice %arg22[%dma_start3A_129, %dma_start3A_130] : memref<10000x128xf32, #tpu.memory_space<vmem_shared>> -> memref<10000x128xf32, #tpu.memory_space<vmem_shared>>
            tpu.enqueue_indirect_dma source(%arg14 : memref<128x128xf32, #tpu.memory_space<vmem>>) target(%dma_start3A_131 : memref<10000x128xf32, #tpu.memory_space<vmem_shared>>) offsets(%arg11 : memref<128xi32, #tpu.memory_space<vmem>>) semaphore(%run_scoped3A : memref<!tpu.dma_semaphore, #tpu.memory_space<semaphore_mem>>) {add = true}
            %dma_wait3A_132 = arith.constant 0 : i32
            %dma_wait3A_133 = arith.constant 0 : i32
            %dma_wait3A_134 = tpu.memref_slice %arg22[%dma_wait3A_132, %dma_wait3A_133] : memref<10000x128xf32, #tpu.memory_space<vmem_shared>> -> memref<10000x128xf32, #tpu.memory_space<vmem_shared>>
            tpu.wait_indirect_dma semaphore(%run_scoped3A : memref<!tpu.dma_semaphore, #tpu.memory_space<semaphore_mem>>) src(%arg14 : memref<128x128xf32, #tpu.memory_space<vmem>>) dst(%dma_wait3A_134 : memref<10000x128xf32, #tpu.memory_space<vmem_shared>>)
            tpu.yield
          }) : () -> ()
        } else {
        }
        %lt3A_93 = arith.constant 2500 : i32
        %lt3A_94 = arith.cmpi slt, %add3A_87, %lt3A_93 : i32
        %convert_element_type3A_95 = arith.extui %lt3A_94 : i1 to i32
        %cond3A_96 = arith.constant 0 : i32
        %cond3A_97 = arith.cmpi ne, %convert_element_type3A_95, %cond3A_96 : i32
        scf.if %cond3A_97 {
          %mul3A_127 = arith.constant 128 : i32
          %mul3A_128 = arith.muli %add3A_87, %mul3A_127 : i32
          %dma_start3A_129 = tpu.memref_slice %arg2[%mul3A_128] : memref<320000xi32, #tpu.memory_space<hbm>> -> memref<128xi32, #tpu.memory_space<hbm>>
          %dma_start3A_130 = tpu.memref_slice %arg2[%mul3A_128] : memref<320000xi32, #tpu.memory_space<hbm>> -> memref<128xi32, #tpu.memory_space<hbm>>
          tpu.enqueue_dma source(%dma_start3A_130 : memref<128xi32, #tpu.memory_space<hbm>>) target(%arg8 : memref<128xi32, #tpu.memory_space<vmem>>) target_semaphore(%arg20 : memref<!tpu.dma_semaphore, #tpu.memory_space<semaphore_mem>>)
          %dma_start3A_131 = tpu.memref_slice %arg3[%mul3A_128] : memref<320000xi32, #tpu.memory_space<hbm>> -> memref<128xi32, #tpu.memory_space<hbm>>
          %dma_start3A_132 = tpu.memref_slice %arg3[%mul3A_128] : memref<320000xi32, #tpu.memory_space<hbm>> -> memref<128xi32, #tpu.memory_space<hbm>>
          tpu.enqueue_dma source(%dma_start3A_132 : memref<128xi32, #tpu.memory_space<hbm>>) target(%arg11 : memref<128xi32, #tpu.memory_space<vmem>>) target_semaphore(%arg20 : memref<!tpu.dma_semaphore, #tpu.memory_space<semaphore_mem>>)
        } else {
        }
        %lt3A_98 = arith.constant 2500 : i32
        %lt3A_99 = arith.cmpi slt, %add3A_85, %lt3A_98 : i32
        %convert_element_type3A_100 = arith.extui %lt3A_99 : i1 to i32
        %cond3A_101 = arith.constant 0 : i32
        %cond3A_102 = arith.cmpi ne, %convert_element_type3A_100, %cond3A_101 : i32
        scf.if %cond3A_102 {
          %mul3A_127 = arith.constant 128 : i32
          %mul3A_128 = arith.muli %add3A_85, %mul3A_127 : i32
          %dma_wait3A = tpu.memref_slice %arg2[%mul3A_128] : memref<320000xi32, #tpu.memory_space<hbm>> -> memref<128xi32, #tpu.memory_space<hbm>>
          %dma_wait3A_129 = tpu.memref_slice %arg2[%mul3A_128] : memref<320000xi32, #tpu.memory_space<hbm>> -> memref<128xi32, #tpu.memory_space<hbm>>
          tpu.wait_dma2 semaphore(%arg19 : memref<!tpu.dma_semaphore, #tpu.memory_space<semaphore_mem>>) src(%dma_wait3A_129 : memref<128xi32, #tpu.memory_space<hbm>>) dst(%arg7 : memref<128xi32, #tpu.memory_space<vmem>>)
          %dma_wait3A_130 = tpu.memref_slice %arg3[%mul3A_128] : memref<320000xi32, #tpu.memory_space<hbm>> -> memref<128xi32, #tpu.memory_space<hbm>>
          %dma_wait3A_131 = tpu.memref_slice %arg3[%mul3A_128] : memref<320000xi32, #tpu.memory_space<hbm>> -> memref<128xi32, #tpu.memory_space<hbm>>
          tpu.wait_dma2 semaphore(%arg19 : memref<!tpu.dma_semaphore, #tpu.memory_space<semaphore_mem>>) src(%dma_wait3A_131 : memref<128xi32, #tpu.memory_space<hbm>>) dst(%arg10 : memref<128xi32, #tpu.memory_space<vmem>>)
          %dma_start3A_132 = arith.constant 0 : i32
          %dma_start3A_133 = arith.constant 0 : i32
          %dma_start3A_134 = tpu.memref_slice %arg5[%dma_start3A_132, %dma_start3A_133] : memref<10000x128xf32, #tpu.memory_space<hbm>> -> memref<10000x128xf32, #tpu.memory_space<hbm>>
          tpu.enqueue_indirect_dma source(%dma_start3A_134 : memref<10000x128xf32, #tpu.memory_space<hbm>>) target(%arg13 : memref<128x128xf32, #tpu.memory_space<vmem>>) offsets(%arg7 : memref<128xi32, #tpu.memory_space<vmem>>) semaphore(%arg16 : memref<!tpu.dma_semaphore, #tpu.memory_space<semaphore_mem>>)
        } else {
        }
        %add3A_103 = arith.constant 2 : i32
        %add3A_104 = arith.addi %add3A_54, %add3A_103 : i32
        %mul3A_105 = arith.constant 16 : i32
        %mul3A_106 = arith.muli %add3A_104, %mul3A_105 : i32
        %add3A_107 = arith.addi %arg1, %mul3A_106 : i32
        %add3A_108 = arith.constant 32 : i32
        %add3A_109 = arith.addi %add3A_107, %add3A_108 : i32
        %add3A_110 = arith.constant 48 : i32
        %add3A_111 = arith.addi %add3A_107, %add3A_110 : i32
        %lt3A_112 = arith.constant 2500 : i32
        %lt3A_113 = arith.cmpi slt, %add3A_107, %lt3A_112 : i32
        %convert_element_type3A_114 = arith.extui %lt3A_113 : i1 to i32
        %cond3A_115 = arith.constant 0 : i32
        %cond3A_116 = arith.cmpi ne, %convert_element_type3A_114, %cond3A_115 : i32
        scf.if %cond3A_116 {
          %dma_wait3A = arith.constant 0 : i32
          %dma_wait3A_127 = arith.constant 0 : i32
          %dma_wait3A_128 = tpu.memref_slice %arg5[%dma_wait3A, %dma_wait3A_127] : memref<10000x128xf32, #tpu.memory_space<hbm>> -> memref<10000x128xf32, #tpu.memory_space<hbm>>
          tpu.wait_indirect_dma semaphore(%arg18 : memref<!tpu.dma_semaphore, #tpu.memory_space<semaphore_mem>>) src(%dma_wait3A_128 : memref<10000x128xf32, #tpu.memory_space<hbm>>) dst(%arg15 : memref<128x128xf32, #tpu.memory_space<vmem>>)
          "tpu.region"() ({
            %run_scoped3A = tpu.sem_alloc : memref<!tpu.dma_semaphore, #tpu.memory_space<semaphore_mem>>
            %dma_start3A_129 = arith.constant 0 : i32
            %dma_start3A_130 = arith.constant 0 : i32
            %dma_start3A_131 = tpu.memref_slice %arg22[%dma_start3A_129, %dma_start3A_130] : memref<10000x128xf32, #tpu.memory_space<vmem_shared>> -> memref<10000x128xf32, #tpu.memory_space<vmem_shared>>
            tpu.enqueue_indirect_dma source(%arg15 : memref<128x128xf32, #tpu.memory_space<vmem>>) target(%dma_start3A_131 : memref<10000x128xf32, #tpu.memory_space<vmem_shared>>) offsets(%arg12 : memref<128xi32, #tpu.memory_space<vmem>>) semaphore(%run_scoped3A : memref<!tpu.dma_semaphore, #tpu.memory_space<semaphore_mem>>) {add = true}
            %dma_wait3A_132 = arith.constant 0 : i32
            %dma_wait3A_133 = arith.constant 0 : i32
            %dma_wait3A_134 = tpu.memref_slice %arg22[%dma_wait3A_132, %dma_wait3A_133] : memref<10000x128xf32, #tpu.memory_space<vmem_shared>> -> memref<10000x128xf32, #tpu.memory_space<vmem_shared>>
            tpu.wait_indirect_dma semaphore(%run_scoped3A : memref<!tpu.dma_semaphore, #tpu.memory_space<semaphore_mem>>) src(%arg15 : memref<128x128xf32, #tpu.memory_space<vmem>>) dst(%dma_wait3A_134 : memref<10000x128xf32, #tpu.memory_space<vmem_shared>>)
            tpu.yield
          }) : () -> ()
        } else {
        }
        %lt3A_117 = arith.constant 2500 : i32
        %lt3A_118 = arith.cmpi slt, %add3A_111, %lt3A_117 : i32
        %convert_element_type3A_119 = arith.extui %lt3A_118 : i1 to i32
        %cond3A_120 = arith.constant 0 : i32
        %cond3A_121 = arith.cmpi ne, %convert_element_type3A_119, %cond3A_120 : i32
        scf.if %cond3A_121 {
          %mul3A_127 = arith.constant 128 : i32
          %mul3A_128 = arith.muli %add3A_111, %mul3A_127 : i32
          %dma_start3A_129 = tpu.memref_slice %arg2[%mul3A_128] : memref<320000xi32, #tpu.memory_space<hbm>> -> memref<128xi32, #tpu.memory_space<hbm>>
          %dma_start3A_130 = tpu.memref_slice %arg2[%mul3A_128] : memref<320000xi32, #tpu.memory_space<hbm>> -> memref<128xi32, #tpu.memory_space<hbm>>
          tpu.enqueue_dma source(%dma_start3A_130 : memref<128xi32, #tpu.memory_space<hbm>>) target(%arg9 : memref<128xi32, #tpu.memory_space<vmem>>) target_semaphore(%arg21 : memref<!tpu.dma_semaphore, #tpu.memory_space<semaphore_mem>>)
          %dma_start3A_131 = tpu.memref_slice %arg3[%mul3A_128] : memref<320000xi32, #tpu.memory_space<hbm>> -> memref<128xi32, #tpu.memory_space<hbm>>
          %dma_start3A_132 = tpu.memref_slice %arg3[%mul3A_128] : memref<320000xi32, #tpu.memory_space<hbm>> -> memref<128xi32, #tpu.memory_space<hbm>>
          tpu.enqueue_dma source(%dma_start3A_132 : memref<128xi32, #tpu.memory_space<hbm>>) target(%arg12 : memref<128xi32, #tpu.memory_space<vmem>>) target_semaphore(%arg21 : memref<!tpu.dma_semaphore, #tpu.memory_space<semaphore_mem>>)
        } else {
        }
        %lt3A_122 = arith.constant 2500 : i32
        %lt3A_123 = arith.cmpi slt, %add3A_109, %lt3A_122 : i32
        %convert_element_type3A_124 = arith.extui %lt3A_123 : i1 to i32
        %cond3A_125 = arith.constant 0 : i32
        %cond3A_126 = arith.cmpi ne, %convert_element_type3A_124, %cond3A_125 : i32
        scf.if %cond3A_126 {
          %mul3A_127 = arith.constant 128 : i32
          %mul3A_128 = arith.muli %add3A_109, %mul3A_127 : i32
          %dma_wait3A = tpu.memref_slice %arg2[%mul3A_128] : memref<320000xi32, #tpu.memory_space<hbm>> -> memref<128xi32, #tpu.memory_space<hbm>>
          %dma_wait3A_129 = tpu.memref_slice %arg2[%mul3A_128] : memref<320000xi32, #tpu.memory_space<hbm>> -> memref<128xi32, #tpu.memory_space<hbm>>
          tpu.wait_dma2 semaphore(%arg20 : memref<!tpu.dma_semaphore, #tpu.memory_space<semaphore_mem>>) src(%dma_wait3A_129 : memref<128xi32, #tpu.memory_space<hbm>>) dst(%arg8 : memref<128xi32, #tpu.memory_space<vmem>>)
          %dma_wait3A_130 = tpu.memref_slice %arg3[%mul3A_128] : memref<320000xi32, #tpu.memory_space<hbm>> -> memref<128xi32, #tpu.memory_space<hbm>>
          %dma_wait3A_131 = tpu.memref_slice %arg3[%mul3A_128] : memref<320000xi32, #tpu.memory_space<hbm>> -> memref<128xi32, #tpu.memory_space<hbm>>
          tpu.wait_dma2 semaphore(%arg20 : memref<!tpu.dma_semaphore, #tpu.memory_space<semaphore_mem>>) src(%dma_wait3A_131 : memref<128xi32, #tpu.memory_space<hbm>>) dst(%arg11 : memref<128xi32, #tpu.memory_space<vmem>>)
          %dma_start3A_132 = arith.constant 0 : i32
          %dma_start3A_133 = arith.constant 0 : i32
          %dma_start3A_134 = tpu.memref_slice %arg5[%dma_start3A_132, %dma_start3A_133] : memref<10000x128xf32, #tpu.memory_space<hbm>> -> memref<10000x128xf32, #tpu.memory_space<hbm>>
          tpu.enqueue_indirect_dma source(%dma_start3A_134 : memref<10000x128xf32, #tpu.memory_space<hbm>>) target(%arg14 : memref<128x128xf32, #tpu.memory_space<vmem>>) offsets(%arg8 : memref<128xi32, #tpu.memory_space<vmem>>) semaphore(%arg17 : memref<!tpu.dma_semaphore, #tpu.memory_space<semaphore_mem>>)
        } else {
        }
      }
      %scan3A_49 = arith.constant 53 : i32
    } else {
    }
    %barrier3A_16 = arith.constant 0 : index
    tpu.barrier barrier_id(%barrier3A_16)
    %mul3A = arith.constant 640 : i32
    %mul3A_17 = arith.muli %arg1, %mul3A : i32
    %lt3A = arith.constant 15 : i32
    %lt3A_18 = arith.cmpi slt, %arg1, %lt3A : i32
    %convert_element_type3A_19 = arith.extui %lt3A_18 : i1 to i32
    %cond3A_20 = arith.constant 0 : i32
    %cond3A_21 = arith.cmpi ne, %convert_element_type3A_19, %cond3A_20 : i32
    scf.if %cond3A_21 {
      "tpu.region"() ({
        %run_scoped3A = tpu.sem_alloc : memref<!tpu.dma_semaphore, #tpu.memory_space<semaphore_mem>>
        %dma_start3A = arith.constant 0 : i32
        %dma_start3A_27 = tpu.memref_slice %arg6[%arg0, %mul3A_17, %dma_start3A] : memref<2x10000x128xf32, #tpu.memory_space<hbm>> -> memref<1x640x128xf32, #tpu.memory_space<hbm>>
        %dma_start3A_28 = tpu.memref_squeeze %dma_start3A_27 : memref<1x640x128xf32, #tpu.memory_space<hbm>> -> memref<640x128xf32, #tpu.memory_space<hbm>>
        %dma_start3A_29 = arith.constant 0 : i32
        %dma_start3A_30 = tpu.memref_slice %arg22[%mul3A_17, %dma_start3A_29] : memref<10000x128xf32, #tpu.memory_space<vmem_shared>> -> memref<640x128xf32, #tpu.memory_space<vmem_shared>>
        tpu.enqueue_dma source(%dma_start3A_30 : memref<640x128xf32, #tpu.memory_space<vmem_shared>>) target(%dma_start3A_28 : memref<640x128xf32, #tpu.memory_space<hbm>>) target_semaphore(%run_scoped3A : memref<!tpu.dma_semaphore, #tpu.memory_space<semaphore_mem>>)
        %dma_wait3A = arith.constant 0 : i32
        %dma_wait3A_31 = tpu.memref_slice %arg6[%arg0, %mul3A_17, %dma_wait3A] : memref<2x10000x128xf32, #tpu.memory_space<hbm>> -> memref<1x640x128xf32, #tpu.memory_space<hbm>>
        %dma_wait3A_32 = tpu.memref_squeeze %dma_wait3A_31 : memref<1x640x128xf32, #tpu.memory_space<hbm>> -> memref<640x128xf32, #tpu.memory_space<hbm>>
        %dma_wait3A_33 = arith.constant 0 : i32
        %dma_wait3A_34 = tpu.memref_slice %arg22[%mul3A_17, %dma_wait3A_33] : memref<10000x128xf32, #tpu.memory_space<vmem_shared>> -> memref<640x128xf32, #tpu.memory_space<vmem_shared>>
        tpu.wait_dma2 semaphore(%run_scoped3A : memref<!tpu.dma_semaphore, #tpu.memory_space<semaphore_mem>>) src(%dma_wait3A_34 : memref<640x128xf32, #tpu.memory_space<vmem_shared>>) dst(%dma_wait3A_32 : memref<640x128xf32, #tpu.memory_space<hbm>>)
        tpu.yield
      }) : () -> ()
    } else {
    }
    %eq3A_22 = arith.constant 15 : i32
    %eq3A_23 = arith.cmpi eq, %arg1, %eq3A_22 : i32
    %convert_element_type3A_24 = arith.extui %eq3A_23 : i1 to i32
    %cond3A_25 = arith.constant 0 : i32
    %cond3A_26 = arith.cmpi ne, %convert_element_type3A_24, %cond3A_25 : i32
    scf.if %cond3A_26 {
      "tpu.region"() ({
        %run_scoped3A = tpu.sem_alloc : memref<!tpu.dma_semaphore, #tpu.memory_space<semaphore_mem>>
        %dma_start3A = arith.constant 0 : i32
        %dma_start3A_27 = tpu.memref_slice %arg6[%arg0, %mul3A_17, %dma_start3A] : memref<2x10000x128xf32, #tpu.memory_space<hbm>> -> memref<1x400x128xf32, #tpu.memory_space<hbm>>
        %dma_start3A_28 = tpu.memref_squeeze %dma_start3A_27 : memref<1x400x128xf32, #tpu.memory_space<hbm>> -> memref<400x128xf32, #tpu.memory_space<hbm>>
        %dma_start3A_29 = arith.constant 0 : i32
        %dma_start3A_30 = tpu.memref_slice %arg22[%mul3A_17, %dma_start3A_29] : memref<10000x128xf32, #tpu.memory_space<vmem_shared>> -> memref<400x128xf32, #tpu.memory_space<vmem_shared>>
        tpu.enqueue_dma source(%dma_start3A_30 : memref<400x128xf32, #tpu.memory_space<vmem_shared>>) target(%dma_start3A_28 : memref<400x128xf32, #tpu.memory_space<hbm>>) target_semaphore(%run_scoped3A : memref<!tpu.dma_semaphore, #tpu.memory_space<semaphore_mem>>)
        %dma_wait3A = arith.constant 0 : i32
        %dma_wait3A_31 = tpu.memref_slice %arg6[%arg0, %mul3A_17, %dma_wait3A] : memref<2x10000x128xf32, #tpu.memory_space<hbm>> -> memref<1x400x128xf32, #tpu.memory_space<hbm>>
        %dma_wait3A_32 = tpu.memref_squeeze %dma_wait3A_31 : memref<1x400x128xf32, #tpu.memory_space<hbm>> -> memref<400x128xf32, #tpu.memory_space<hbm>>
        %dma_wait3A_33 = arith.constant 0 : i32
        %dma_wait3A_34 = tpu.memref_slice %arg22[%mul3A_17, %dma_wait3A_33] : memref<10000x128xf32, #tpu.memory_space<vmem_shared>> -> memref<400x128xf32, #tpu.memory_space<vmem_shared>>
        tpu.wait_dma2 semaphore(%run_scoped3A : memref<!tpu.dma_semaphore, #tpu.memory_space<semaphore_mem>>) src(%dma_wait3A_34 : memref<400x128xf32, #tpu.memory_space<vmem_shared>>) dst(%dma_wait3A_32 : memref<400x128xf32, #tpu.memory_space<hbm>>)
        tpu.yield
      }) : () -> ()
    } else {
    }
    return
  }
}

#map = affine_map<(d0, d1) -> (0)>
#map1 = affine_map<(d0, d1) -> (0, 0)>
#map2 = affine_map<(d0, d1) -> (0, 0, 0)>
module attributes {stable_mosaic.version = 14 : i64} {
  func.func @_sc_agg_body(%arg0: i32, %arg1: i32, %arg2: memref<320000xi32, #tpu.memory_space<hbm>>, %arg3: memref<320000xi32, #tpu.memory_space<hbm>>, %arg4: memref<10000x128xf32, #tpu.memory_space<hbm>>, %arg5: memref<10000x128xf32, #tpu.memory_space<hbm>>, %arg6: memref<2x10000x128xf32, #tpu.memory_space<hbm>>, %arg7: memref<128xi32, #tpu.memory_space<vmem>>, %arg8: memref<128xi32, #tpu.memory_space<vmem>>, %arg9: memref<128xi32, #tpu.memory_space<vmem>>, %arg10: memref<128xi32, #tpu.memory_space<vmem>>, %arg11: memref<128xi32, #tpu.memory_space<vmem>>, %arg12: memref<128xi32, #tpu.memory_space<vmem>>, %arg13: memref<128x128xf32, #tpu.memory_space<vmem>>, %arg14: memref<128x128xf32, #tpu.memory_space<vmem>>, %arg15: memref<128x128xf32, #tpu.memory_space<vmem>>, %arg16: memref<!tpu.dma_semaphore, #tpu.memory_space<semaphore_mem>>, %arg17: memref<!tpu.dma_semaphore, #tpu.memory_space<semaphore_mem>>, %arg18: memref<!tpu.dma_semaphore, #tpu.memory_space<semaphore_mem>>, %arg19: memref<!tpu.dma_semaphore, #tpu.memory_space<semaphore_mem>>, %arg20: memref<!tpu.dma_semaphore, #tpu.memory_space<semaphore_mem>>, %arg21: memref<!tpu.dma_semaphore, #tpu.memory_space<semaphore_mem>>, %arg22: memref<10000x128xf32, #tpu.memory_space<vmem_shared>>) attributes {dimension_semantics = [#tpu.dimension_semantics<core_parallel>, #tpu.dimension_semantics<subcore_parallel>], iteration_bounds = array<i64: 2, 16>, scalar_prefetch = 0 : i64, scratch_operands = 16 : i64, tpu.core_type = #tpu.core_type<sc_vector_subcore>, window_params = [{transform_indices = #map}, {transform_indices = #map}, {transform_indices = #map1}, {transform_indices = #map1}, {transform_indices = #map2}]} {
    %scan3A = arith.constant 0 : i32
    %scan3A_0 = arith.constant 125 : i32
    %scan3A_1 = arith.addi %scan3A, %scan3A_0 : i32
    %scan3A_2 = arith.constant 1 : i32
    scf.for %scan3A_27 = %scan3A to %scan3A_1 step %scan3A_2  : i32 {
      %mul3A_28 = arith.constant 1 : i32
      %mul3A_29 = arith.muli %scan3A_27, %mul3A_28 : i32
      %add3A = arith.constant 0 : i32
      %add3A_30 = arith.addi %add3A, %mul3A_29 : i32
      %scan3A_31 = arith.constant 0 : i32
      %scan3A_32 = arith.constant 8 : i32
      %scan3A_33 = arith.addi %scan3A_31, %scan3A_32 : i32
      %scan3A_34 = arith.constant 1 : i32
      scf.for %scan3A_36 = %scan3A_31 to %scan3A_33 step %scan3A_34  : i32 {
        %mul3A_37 = arith.constant 1 : i32
        %mul3A_38 = arith.muli %scan3A_36, %mul3A_37 : i32
        %add3A_39 = arith.constant 0 : i32
        %add3A_40 = arith.addi %add3A_39, %mul3A_38 : i32
        %broadcast_in_dim3A = arith.constant 0.000000e+00 : f32
        %broadcast_in_dim3A_41 = vector.broadcast %broadcast_in_dim3A : f32 to vector<16xf32>
        %mul3A_42 = arith.constant 16 : i32
        %mul3A_43 = arith.muli %add3A_40, %mul3A_42 : i32
        %swap3A = arith.index_cast %add3A_30 : i32 to index
        %swap3A_44 = arith.index_cast %mul3A_43 : i32 to index
        %swap3A_45 = tpu.vector_load %arg13[%swap3A, %swap3A_44] {strides = array<i32>} : memref<128x128xf32, #tpu.memory_space<vmem>>, vector<1x16xf32>,
        %swap3A_46 = vector.shape_cast %swap3A_45 : vector<1x16xf32> to vector<16xf32>
        %swap3A_47 = vector.shape_cast %broadcast_in_dim3A_41 : vector<16xf32> to vector<1x16xf32>
        tpu.vector_store %arg13[%swap3A, %swap3A_44], %swap3A_47 {strides = array<i32>} : memref<128x128xf32, #tpu.memory_space<vmem>>, vector<1x16xf32>,
      }
      %scan3A_35 = arith.constant 8 : i32
    }
    %scan3A_3 = arith.constant 125 : i32
    %scan3A_4 = arith.constant 0 : i32
    %scan3A_5 = arith.constant 80 : i32
    %scan3A_6 = arith.addi %scan3A_4, %scan3A_5 : i32
    %scan3A_7 = arith.constant 1 : i32
    scf.for %scan3A_27 = %scan3A_4 to %scan3A_6 step %scan3A_7  : i32 {
      %mul3A_28 = arith.constant 1 : i32
      %mul3A_29 = arith.muli %scan3A_27, %mul3A_28 : i32
      %add3A = arith.constant 0 : i32
      %add3A_30 = arith.addi %add3A, %mul3A_29 : i32
      %rem3A = arith.constant 16 : i32
      %rem3A_31 = arith.remsi %add3A_30, %rem3A : i32
      %eq3A_32 = arith.cmpi eq, %rem3A_31, %arg1 : i32
      %convert_element_type3A_33 = arith.extui %eq3A_32 : i1 to i32
      %cond3A_34 = arith.constant 0 : i32
      %cond3A_35 = arith.cmpi ne, %convert_element_type3A_33, %cond3A_34 : i32
      scf.if %cond3A_35 {
        %mul3A_36 = arith.constant 125 : i32
        %mul3A_37 = arith.muli %add3A_30, %mul3A_36 : i32
        "tpu.region"() ({
          %run_scoped3A = tpu.sem_alloc : memref<!tpu.dma_semaphore, #tpu.memory_space<semaphore_mem>>
          %dma_start3A = arith.constant 0 : i32
          %dma_start3A_38 = arith.constant 0 : i32
          %dma_start3A_39 = tpu.memref_slice %arg13[%dma_start3A, %dma_start3A_38] : memref<128x128xf32, #tpu.memory_space<vmem>> -> memref<125x128xf32, #tpu.memory_space<vmem>>
          %dma_start3A_40 = arith.constant 0 : i32
          %dma_start3A_41 = tpu.memref_slice %arg22[%mul3A_37, %dma_start3A_40] : memref<10000x128xf32, #tpu.memory_space<vmem_shared>> -> memref<125x128xf32, #tpu.memory_space<vmem_shared>>
          %dma_start3A_42 = arith.constant 0 : i32
          %dma_start3A_43 = tpu.memref_slice %arg22[%mul3A_37, %dma_start3A_42] : memref<10000x128xf32, #tpu.memory_space<vmem_shared>> -> memref<125x128xf32, #tpu.memory_space<vmem_shared>>
          %dma_start3A_44 = arith.constant 0 : i32
          %dma_start3A_45 = arith.constant 0 : i32
          %dma_start3A_46 = tpu.memref_slice %arg13[%dma_start3A_44, %dma_start3A_45] : memref<128x128xf32, #tpu.memory_space<vmem>> -> memref<125x128xf32, #tpu.memory_space<vmem>>
          tpu.enqueue_dma source(%dma_start3A_46 : memref<125x128xf32, #tpu.memory_space<vmem>>) target(%dma_start3A_43 : memref<125x128xf32, #tpu.memory_space<vmem_shared>>) target_semaphore(%run_scoped3A : memref<!tpu.dma_semaphore, #tpu.memory_space<semaphore_mem>>)
          %dma_wait3A = arith.constant 0 : i32
          %dma_wait3A_47 = arith.constant 0 : i32
          %dma_wait3A_48 = tpu.memref_slice %arg13[%dma_wait3A, %dma_wait3A_47] : memref<128x128xf32, #tpu.memory_space<vmem>> -> memref<125x128xf32, #tpu.memory_space<vmem>>
          %dma_wait3A_49 = arith.constant 0 : i32
          %dma_wait3A_50 = tpu.memref_slice %arg22[%mul3A_37, %dma_wait3A_49] : memref<10000x128xf32, #tpu.memory_space<vmem_shared>> -> memref<125x128xf32, #tpu.memory_space<vmem_shared>>
          %dma_wait3A_51 = arith.constant 0 : i32
          %dma_wait3A_52 = tpu.memref_slice %arg22[%mul3A_37, %dma_wait3A_51] : memref<10000x128xf32, #tpu.memory_space<vmem_shared>> -> memref<125x128xf32, #tpu.memory_space<vmem_shared>>
          %dma_wait3A_53 = arith.constant 0 : i32
          %dma_wait3A_54 = arith.constant 0 : i32
          %dma_wait3A_55 = tpu.memref_slice %arg13[%dma_wait3A_53, %dma_wait3A_54] : memref<128x128xf32, #tpu.memory_space<vmem>> -> memref<125x128xf32, #tpu.memory_space<vmem>>
          tpu.wait_dma2 semaphore(%run_scoped3A : memref<!tpu.dma_semaphore, #tpu.memory_space<semaphore_mem>>) src(%dma_wait3A_55 : memref<125x128xf32, #tpu.memory_space<vmem>>) dst(%dma_wait3A_52 : memref<125x128xf32, #tpu.memory_space<vmem_shared>>)
          tpu.yield
        }) : () -> ()
      } else {
      }
    }
    %scan3A_8 = arith.constant 80 : i32
    %barrier3A = arith.constant 0 : index
    tpu.barrier barrier_id(%barrier3A)
    %eq3A = arith.constant 0 : i32
    %eq3A_9 = arith.cmpi eq, %arg0, %eq3A : i32
    %convert_element_type3A = arith.extui %eq3A_9 : i1 to i32
    %cond3A = arith.constant 0 : i32
    %cond3A_10 = arith.cmpi ne, %convert_element_type3A, %cond3A : i32
    scf.if %cond3A_10 {
      %mul3A_27 = arith.constant 128 : i32
      %mul3A_28 = arith.muli %arg1, %mul3A_27 : i32
      "tpu.region"() ({
        %run_scoped3A = tpu.sem_alloc : memref<!tpu.dma_semaphore, #tpu.memory_space<semaphore_mem>>
        %dma_start3A_50 = tpu.memref_slice %arg2[%mul3A_28] : memref<320000xi32, #tpu.memory_space<hbm>> -> memref<128xi32, #tpu.memory_space<hbm>>
        %dma_start3A_51 = tpu.memref_slice %arg2[%mul3A_28] : memref<320000xi32, #tpu.memory_space<hbm>> -> memref<128xi32, #tpu.memory_space<hbm>>
        tpu.enqueue_dma source(%dma_start3A_51 : memref<128xi32, #tpu.memory_space<hbm>>) target(%arg7 : memref<128xi32, #tpu.memory_space<vmem>>) target_semaphore(%run_scoped3A : memref<!tpu.dma_semaphore, #tpu.memory_space<semaphore_mem>>)
        %dma_wait3A = tpu.memref_slice %arg2[%mul3A_28] : memref<320000xi32, #tpu.memory_space<hbm>> -> memref<128xi32, #tpu.memory_space<hbm>>
        %dma_wait3A_52 = tpu.memref_slice %arg2[%mul3A_28] : memref<320000xi32, #tpu.memory_space<hbm>> -> memref<128xi32, #tpu.memory_space<hbm>>
        tpu.wait_dma2 semaphore(%run_scoped3A : memref<!tpu.dma_semaphore, #tpu.memory_space<semaphore_mem>>) src(%dma_wait3A_52 : memref<128xi32, #tpu.memory_space<hbm>>) dst(%arg7 : memref<128xi32, #tpu.memory_space<vmem>>)
        tpu.yield
      }) : () -> ()
      "tpu.region"() ({
        %run_scoped3A = tpu.sem_alloc : memref<!tpu.dma_semaphore, #tpu.memory_space<semaphore_mem>>
        %dma_start3A_50 = tpu.memref_slice %arg3[%mul3A_28] : memref<320000xi32, #tpu.memory_space<hbm>> -> memref<128xi32, #tpu.memory_space<hbm>>
        %dma_start3A_51 = tpu.memref_slice %arg3[%mul3A_28] : memref<320000xi32, #tpu.memory_space<hbm>> -> memref<128xi32, #tpu.memory_space<hbm>>
        tpu.enqueue_dma source(%dma_start3A_51 : memref<128xi32, #tpu.memory_space<hbm>>) target(%arg10 : memref<128xi32, #tpu.memory_space<vmem>>) target_semaphore(%run_scoped3A : memref<!tpu.dma_semaphore, #tpu.memory_space<semaphore_mem>>)
        %dma_wait3A = tpu.memref_slice %arg3[%mul3A_28] : memref<320000xi32, #tpu.memory_space<hbm>> -> memref<128xi32, #tpu.memory_space<hbm>>
        %dma_wait3A_52 = tpu.memref_slice %arg3[%mul3A_28] : memref<320000xi32, #tpu.memory_space<hbm>> -> memref<128xi32, #tpu.memory_space<hbm>>
        tpu.wait_dma2 semaphore(%run_scoped3A : memref<!tpu.dma_semaphore, #tpu.memory_space<semaphore_mem>>) src(%dma_wait3A_52 : memref<128xi32, #tpu.memory_space<hbm>>) dst(%arg10 : memref<128xi32, #tpu.memory_space<vmem>>)
        tpu.yield
      }) : () -> ()
      %dma_start3A = arith.constant 0 : i32
      %dma_start3A_29 = arith.constant 0 : i32
      %dma_start3A_30 = tpu.memref_slice %arg4[%dma_start3A, %dma_start3A_29] : memref<10000x128xf32, #tpu.memory_space<hbm>> -> memref<10000x128xf32, #tpu.memory_space<hbm>>
      tpu.enqueue_indirect_dma source(%dma_start3A_30 : memref<10000x128xf32, #tpu.memory_space<hbm>>) target(%arg13 : memref<128x128xf32, #tpu.memory_space<vmem>>) offsets(%arg7 : memref<128xi32, #tpu.memory_space<vmem>>) semaphore(%arg16 : memref<!tpu.dma_semaphore, #tpu.memory_space<semaphore_mem>>)
      %add3A = arith.constant 16 : i32
      %add3A_31 = arith.addi %arg1, %add3A : i32
      %mul3A_32 = arith.constant 128 : i32
      %mul3A_33 = arith.muli %add3A_31, %mul3A_32 : i32
      "tpu.region"() ({
        %run_scoped3A = tpu.sem_alloc : memref<!tpu.dma_semaphore, #tpu.memory_space<semaphore_mem>>
        %dma_start3A_50 = tpu.memref_slice %arg2[%mul3A_33] : memref<320000xi32, #tpu.memory_space<hbm>> -> memref<128xi32, #tpu.memory_space<hbm>>
        %dma_start3A_51 = tpu.memref_slice %arg2[%mul3A_33] : memref<320000xi32, #tpu.memory_space<hbm>> -> memref<128xi32, #tpu.memory_space<hbm>>
        tpu.enqueue_dma source(%dma_start3A_51 : memref<128xi32, #tpu.memory_space<hbm>>) target(%arg8 : memref<128xi32, #tpu.memory_space<vmem>>) target_semaphore(%run_scoped3A : memref<!tpu.dma_semaphore, #tpu.memory_space<semaphore_mem>>)
        %dma_wait3A = tpu.memref_slice %arg2[%mul3A_33] : memref<320000xi32, #tpu.memory_space<hbm>> -> memref<128xi32, #tpu.memory_space<hbm>>
        %dma_wait3A_52 = tpu.memref_slice %arg2[%mul3A_33] : memref<320000xi32, #tpu.memory_space<hbm>> -> memref<128xi32, #tpu.memory_space<hbm>>
        tpu.wait_dma2 semaphore(%run_scoped3A : memref<!tpu.dma_semaphore, #tpu.memory_space<semaphore_mem>>) src(%dma_wait3A_52 : memref<128xi32, #tpu.memory_space<hbm>>) dst(%arg8 : memref<128xi32, #tpu.memory_space<vmem>>)
        tpu.yield
      }) : () -> ()
      "tpu.region"() ({
        %run_scoped3A = tpu.sem_alloc : memref<!tpu.dma_semaphore, #tpu.memory_space<semaphore_mem>>
        %dma_start3A_50 = tpu.memref_slice %arg3[%mul3A_33] : memref<320000xi32, #tpu.memory_space<hbm>> -> memref<128xi32, #tpu.memory_space<hbm>>
        %dma_start3A_51 = tpu.memref_slice %arg3[%mul3A_33] : memref<320000xi32, #tpu.memory_space<hbm>> -> memref<128xi32, #tpu.memory_space<hbm>>
        tpu.enqueue_dma source(%dma_start3A_51 : memref<128xi32, #tpu.memory_space<hbm>>) target(%arg11 : memref<128xi32, #tpu.memory_space<vmem>>) target_semaphore(%run_scoped3A : memref<!tpu.dma_semaphore, #tpu.memory_space<semaphore_mem>>)
        %dma_wait3A = tpu.memref_slice %arg3[%mul3A_33] : memref<320000xi32, #tpu.memory_space<hbm>> -> memref<128xi32, #tpu.memory_space<hbm>>
        %dma_wait3A_52 = tpu.memref_slice %arg3[%mul3A_33] : memref<320000xi32, #tpu.memory_space<hbm>> -> memref<128xi32, #tpu.memory_space<hbm>>
        tpu.wait_dma2 semaphore(%run_scoped3A : memref<!tpu.dma_semaphore, #tpu.memory_space<semaphore_mem>>) src(%dma_wait3A_52 : memref<128xi32, #tpu.memory_space<hbm>>) dst(%arg11 : memref<128xi32, #tpu.memory_space<vmem>>)
        tpu.yield
      }) : () -> ()
      %dma_start3A_34 = arith.constant 0 : i32
      %dma_start3A_35 = arith.constant 0 : i32
      %dma_start3A_36 = tpu.memref_slice %arg4[%dma_start3A_34, %dma_start3A_35] : memref<10000x128xf32, #tpu.memory_space<hbm>> -> memref<10000x128xf32, #tpu.memory_space<hbm>>
      tpu.enqueue_indirect_dma source(%dma_start3A_36 : memref<10000x128xf32, #tpu.memory_space<hbm>>) target(%arg14 : memref<128x128xf32, #tpu.memory_space<vmem>>) offsets(%arg8 : memref<128xi32, #tpu.memory_space<vmem>>) semaphore(%arg17 : memref<!tpu.dma_semaphore, #tpu.memory_space<semaphore_mem>>)
      %add3A_37 = arith.constant 32 : i32
      %add3A_38 = arith.addi %arg1, %add3A_37 : i32
      %mul3A_39 = arith.constant 128 : i32
      %mul3A_40 = arith.muli %add3A_38, %mul3A_39 : i32
      %dma_start3A_41 = tpu.memref_slice %arg2[%mul3A_40] : memref<320000xi32, #tpu.memory_space<hbm>> -> memref<128xi32, #tpu.memory_space<hbm>>
      %dma_start3A_42 = tpu.memref_slice %arg2[%mul3A_40] : memref<320000xi32, #tpu.memory_space<hbm>> -> memref<128xi32, #tpu.memory_space<hbm>>
      tpu.enqueue_dma source(%dma_start3A_42 : memref<128xi32, #tpu.memory_space<hbm>>) target(%arg9 : memref<128xi32, #tpu.memory_space<vmem>>) target_semaphore(%arg21 : memref<!tpu.dma_semaphore, #tpu.memory_space<semaphore_mem>>)
      %dma_start3A_43 = tpu.memref_slice %arg3[%mul3A_40] : memref<320000xi32, #tpu.memory_space<hbm>> -> memref<128xi32, #tpu.memory_space<hbm>>
      %dma_start3A_44 = tpu.memref_slice %arg3[%mul3A_40] : memref<320000xi32, #tpu.memory_space<hbm>> -> memref<128xi32, #tpu.memory_space<hbm>>
      tpu.enqueue_dma source(%dma_start3A_44 : memref<128xi32, #tpu.memory_space<hbm>>) target(%arg12 : memref<128xi32, #tpu.memory_space<vmem>>) target_semaphore(%arg21 : memref<!tpu.dma_semaphore, #tpu.memory_space<semaphore_mem>>)
      %scan3A_45 = arith.constant 0 : i32
      %scan3A_46 = arith.constant 53 : i32
      %scan3A_47 = arith.addi %scan3A_45, %scan3A_46 : i32
      %scan3A_48 = arith.constant 1 : i32
      scf.for %scan3A_50 = %scan3A_45 to %scan3A_47 step %scan3A_48  : i32 {
        %mul3A_51 = arith.constant 3 : i32
        %mul3A_52 = arith.muli %scan3A_50, %mul3A_51 : i32
        %add3A_53 = arith.constant 0 : i32
        %add3A_54 = arith.addi %add3A_53, %mul3A_52 : i32
        %add3A_55 = arith.constant 0 : i32
        %add3A_56 = arith.addi %add3A_54, %add3A_55 : i32
        %mul3A_57 = arith.constant 16 : i32
        %mul3A_58 = arith.muli %add3A_56, %mul3A_57 : i32
        %add3A_59 = arith.addi %arg1, %mul3A_58 : i32
        %add3A_60 = arith.constant 32 : i32
        %add3A_61 = arith.addi %add3A_59, %add3A_60 : i32
        %add3A_62 = arith.constant 48 : i32
        %add3A_63 = arith.addi %add3A_59, %add3A_62 : i32
        %lt3A_64 = arith.constant 2500 : i32
        %lt3A_65 = arith.cmpi slt, %add3A_59, %lt3A_64 : i32
        %convert_element_type3A_66 = arith.extui %lt3A_65 : i1 to i32
        %cond3A_67 = arith.constant 0 : i32
        %cond3A_68 = arith.cmpi ne, %convert_element_type3A_66, %cond3A_67 : i32
        scf.if %cond3A_68 {
          %dma_wait3A = arith.constant 0 : i32
          %dma_wait3A_127 = arith.constant 0 : i32
          %dma_wait3A_128 = tpu.memref_slice %arg4[%dma_wait3A, %dma_wait3A_127] : memref<10000x128xf32, #tpu.memory_space<hbm>> -> memref<10000x128xf32, #tpu.memory_space<hbm>>
          tpu.wait_indirect_dma semaphore(%arg16 : memref<!tpu.dma_semaphore, #tpu.memory_space<semaphore_mem>>) src(%dma_wait3A_128 : memref<10000x128xf32, #tpu.memory_space<hbm>>) dst(%arg13 : memref<128x128xf32, #tpu.memory_space<vmem>>)
          "tpu.region"() ({
            %run_scoped3A = tpu.sem_alloc : memref<!tpu.dma_semaphore, #tpu.memory_space<semaphore_mem>>
            %dma_start3A_129 = arith.constant 0 : i32
            %dma_start3A_130 = arith.constant 0 : i32
            %dma_start3A_131 = tpu.memref_slice %arg22[%dma_start3A_129, %dma_start3A_130] : memref<10000x128xf32, #tpu.memory_space<vmem_shared>> -> memref<10000x128xf32, #tpu.memory_space<vmem_shared>>
            tpu.enqueue_indirect_dma source(%arg13 : memref<128x128xf32, #tpu.memory_space<vmem>>) target(%dma_start3A_131 : memref<10000x128xf32, #tpu.memory_space<vmem_shared>>) offsets(%arg10 : memref<128xi32, #tpu.memory_space<vmem>>) semaphore(%run_scoped3A : memref<!tpu.dma_semaphore, #tpu.memory_space<semaphore_mem>>) {add = true}
            %dma_wait3A_132 = arith.constant 0 : i32
            %dma_wait3A_133 = arith.constant 0 : i32
            %dma_wait3A_134 = tpu.memref_slice %arg22[%dma_wait3A_132, %dma_wait3A_133] : memref<10000x128xf32, #tpu.memory_space<vmem_shared>> -> memref<10000x128xf32, #tpu.memory_space<vmem_shared>>
            tpu.wait_indirect_dma semaphore(%run_scoped3A : memref<!tpu.dma_semaphore, #tpu.memory_space<semaphore_mem>>) src(%arg13 : memref<128x128xf32, #tpu.memory_space<vmem>>) dst(%dma_wait3A_134 : memref<10000x128xf32, #tpu.memory_space<vmem_shared>>)
            tpu.yield
          }) : () -> ()
        } else {
        }
        %lt3A_69 = arith.constant 2500 : i32
        %lt3A_70 = arith.cmpi slt, %add3A_63, %lt3A_69 : i32
        %convert_element_type3A_71 = arith.extui %lt3A_70 : i1 to i32
        %cond3A_72 = arith.constant 0 : i32
        %cond3A_73 = arith.cmpi ne, %convert_element_type3A_71, %cond3A_72 : i32
        scf.if %cond3A_73 {
          %mul3A_127 = arith.constant 128 : i32
          %mul3A_128 = arith.muli %add3A_63, %mul3A_127 : i32
          %dma_start3A_129 = tpu.memref_slice %arg2[%mul3A_128] : memref<320000xi32, #tpu.memory_space<hbm>> -> memref<128xi32, #tpu.memory_space<hbm>>
          %dma_start3A_130 = tpu.memref_slice %arg2[%mul3A_128] : memref<320000xi32, #tpu.memory_space<hbm>> -> memref<128xi32, #tpu.memory_space<hbm>>
          tpu.enqueue_dma source(%dma_start3A_130 : memref<128xi32, #tpu.memory_space<hbm>>) target(%arg7 : memref<128xi32, #tpu.memory_space<vmem>>) target_semaphore(%arg19 : memref<!tpu.dma_semaphore, #tpu.memory_space<semaphore_mem>>)
          %dma_start3A_131 = tpu.memref_slice %arg3[%mul3A_128] : memref<320000xi32, #tpu.memory_space<hbm>> -> memref<128xi32, #tpu.memory_space<hbm>>
          %dma_start3A_132 = tpu.memref_slice %arg3[%mul3A_128] : memref<320000xi32, #tpu.memory_space<hbm>> -> memref<128xi32, #tpu.memory_space<hbm>>
          tpu.enqueue_dma source(%dma_start3A_132 : memref<128xi32, #tpu.memory_space<hbm>>) target(%arg10 : memref<128xi32, #tpu.memory_space<vmem>>) target_semaphore(%arg19 : memref<!tpu.dma_semaphore, #tpu.memory_space<semaphore_mem>>)
        } else {
        }
        %lt3A_74 = arith.constant 2500 : i32
        %lt3A_75 = arith.cmpi slt, %add3A_61, %lt3A_74 : i32
        %convert_element_type3A_76 = arith.extui %lt3A_75 : i1 to i32
        %cond3A_77 = arith.constant 0 : i32
        %cond3A_78 = arith.cmpi ne, %convert_element_type3A_76, %cond3A_77 : i32
        scf.if %cond3A_78 {
          %mul3A_127 = arith.constant 128 : i32
          %mul3A_128 = arith.muli %add3A_61, %mul3A_127 : i32
          %dma_wait3A = tpu.memref_slice %arg2[%mul3A_128] : memref<320000xi32, #tpu.memory_space<hbm>> -> memref<128xi32, #tpu.memory_space<hbm>>
          %dma_wait3A_129 = tpu.memref_slice %arg2[%mul3A_128] : memref<320000xi32, #tpu.memory_space<hbm>> -> memref<128xi32, #tpu.memory_space<hbm>>
          tpu.wait_dma2 semaphore(%arg21 : memref<!tpu.dma_semaphore, #tpu.memory_space<semaphore_mem>>) src(%dma_wait3A_129 : memref<128xi32, #tpu.memory_space<hbm>>) dst(%arg9 : memref<128xi32, #tpu.memory_space<vmem>>)
          %dma_wait3A_130 = tpu.memref_slice %arg3[%mul3A_128] : memref<320000xi32, #tpu.memory_space<hbm>> -> memref<128xi32, #tpu.memory_space<hbm>>
          %dma_wait3A_131 = tpu.memref_slice %arg3[%mul3A_128] : memref<320000xi32, #tpu.memory_space<hbm>> -> memref<128xi32, #tpu.memory_space<hbm>>
          tpu.wait_dma2 semaphore(%arg21 : memref<!tpu.dma_semaphore, #tpu.memory_space<semaphore_mem>>) src(%dma_wait3A_131 : memref<128xi32, #tpu.memory_space<hbm>>) dst(%arg12 : memref<128xi32, #tpu.memory_space<vmem>>)
          %dma_start3A_132 = arith.constant 0 : i32
          %dma_start3A_133 = arith.constant 0 : i32
          %dma_start3A_134 = tpu.memref_slice %arg4[%dma_start3A_132, %dma_start3A_133] : memref<10000x128xf32, #tpu.memory_space<hbm>> -> memref<10000x128xf32, #tpu.memory_space<hbm>>
          tpu.enqueue_indirect_dma source(%dma_start3A_134 : memref<10000x128xf32, #tpu.memory_space<hbm>>) target(%arg15 : memref<128x128xf32, #tpu.memory_space<vmem>>) offsets(%arg9 : memref<128xi32, #tpu.memory_space<vmem>>) semaphore(%arg18 : memref<!tpu.dma_semaphore, #tpu.memory_space<semaphore_mem>>)
        } else {
        }
        %add3A_79 = arith.constant 1 : i32
        %add3A_80 = arith.addi %add3A_54, %add3A_79 : i32
        %mul3A_81 = arith.constant 16 : i32
        %mul3A_82 = arith.muli %add3A_80, %mul3A_81 : i32
        %add3A_83 = arith.addi %arg1, %mul3A_82 : i32
        %add3A_84 = arith.constant 32 : i32
        %add3A_85 = arith.addi %add3A_83, %add3A_84 : i32
        %add3A_86 = arith.constant 48 : i32
        %add3A_87 = arith.addi %add3A_83, %add3A_86 : i32
        %lt3A_88 = arith.constant 2500 : i32
        %lt3A_89 = arith.cmpi slt, %add3A_83, %lt3A_88 : i32
        %convert_element_type3A_90 = arith.extui %lt3A_89 : i1 to i32
        %cond3A_91 = arith.constant 0 : i32
        %cond3A_92 = arith.cmpi ne, %convert_element_type3A_90, %cond3A_91 : i32
        scf.if %cond3A_92 {
          %dma_wait3A = arith.constant 0 : i32
          %dma_wait3A_127 = arith.constant 0 : i32
          %dma_wait3A_128 = tpu.memref_slice %arg4[%dma_wait3A, %dma_wait3A_127] : memref<10000x128xf32, #tpu.memory_space<hbm>> -> memref<10000x128xf32, #tpu.memory_space<hbm>>
          tpu.wait_indirect_dma semaphore(%arg17 : memref<!tpu.dma_semaphore, #tpu.memory_space<semaphore_mem>>) src(%dma_wait3A_128 : memref<10000x128xf32, #tpu.memory_space<hbm>>) dst(%arg14 : memref<128x128xf32, #tpu.memory_space<vmem>>)
          "tpu.region"() ({
            %run_scoped3A = tpu.sem_alloc : memref<!tpu.dma_semaphore, #tpu.memory_space<semaphore_mem>>
            %dma_start3A_129 = arith.constant 0 : i32
            %dma_start3A_130 = arith.constant 0 : i32
            %dma_start3A_131 = tpu.memref_slice %arg22[%dma_start3A_129, %dma_start3A_130] : memref<10000x128xf32, #tpu.memory_space<vmem_shared>> -> memref<10000x128xf32, #tpu.memory_space<vmem_shared>>
            tpu.enqueue_indirect_dma source(%arg14 : memref<128x128xf32, #tpu.memory_space<vmem>>) target(%dma_start3A_131 : memref<10000x128xf32, #tpu.memory_space<vmem_shared>>) offsets(%arg11 : memref<128xi32, #tpu.memory_space<vmem>>) semaphore(%run_scoped3A : memref<!tpu.dma_semaphore, #tpu.memory_space<semaphore_mem>>) {add = true}
            %dma_wait3A_132 = arith.constant 0 : i32
            %dma_wait3A_133 = arith.constant 0 : i32
            %dma_wait3A_134 = tpu.memref_slice %arg22[%dma_wait3A_132, %dma_wait3A_133] : memref<10000x128xf32, #tpu.memory_space<vmem_shared>> -> memref<10000x128xf32, #tpu.memory_space<vmem_shared>>
            tpu.wait_indirect_dma semaphore(%run_scoped3A : memref<!tpu.dma_semaphore, #tpu.memory_space<semaphore_mem>>) src(%arg14 : memref<128x128xf32, #tpu.memory_space<vmem>>) dst(%dma_wait3A_134 : memref<10000x128xf32, #tpu.memory_space<vmem_shared>>)
            tpu.yield
          }) : () -> ()
        } else {
        }
        %lt3A_93 = arith.constant 2500 : i32
        %lt3A_94 = arith.cmpi slt, %add3A_87, %lt3A_93 : i32
        %convert_element_type3A_95 = arith.extui %lt3A_94 : i1 to i32
        %cond3A_96 = arith.constant 0 : i32
        %cond3A_97 = arith.cmpi ne, %convert_element_type3A_95, %cond3A_96 : i32
        scf.if %cond3A_97 {
          %mul3A_127 = arith.constant 128 : i32
          %mul3A_128 = arith.muli %add3A_87, %mul3A_127 : i32
          %dma_start3A_129 = tpu.memref_slice %arg2[%mul3A_128] : memref<320000xi32, #tpu.memory_space<hbm>> -> memref<128xi32, #tpu.memory_space<hbm>>
          %dma_start3A_130 = tpu.memref_slice %arg2[%mul3A_128] : memref<320000xi32, #tpu.memory_space<hbm>> -> memref<128xi32, #tpu.memory_space<hbm>>
          tpu.enqueue_dma source(%dma_start3A_130 : memref<128xi32, #tpu.memory_space<hbm>>) target(%arg8 : memref<128xi32, #tpu.memory_space<vmem>>) target_semaphore(%arg20 : memref<!tpu.dma_semaphore, #tpu.memory_space<semaphore_mem>>)
          %dma_start3A_131 = tpu.memref_slice %arg3[%mul3A_128] : memref<320000xi32, #tpu.memory_space<hbm>> -> memref<128xi32, #tpu.memory_space<hbm>>
          %dma_start3A_132 = tpu.memref_slice %arg3[%mul3A_128] : memref<320000xi32, #tpu.memory_space<hbm>> -> memref<128xi32, #tpu.memory_space<hbm>>
          tpu.enqueue_dma source(%dma_start3A_132 : memref<128xi32, #tpu.memory_space<hbm>>) target(%arg11 : memref<128xi32, #tpu.memory_space<vmem>>) target_semaphore(%arg20 : memref<!tpu.dma_semaphore, #tpu.memory_space<semaphore_mem>>)
        } else {
        }
        %lt3A_98 = arith.constant 2500 : i32
        %lt3A_99 = arith.cmpi slt, %add3A_85, %lt3A_98 : i32
        %convert_element_type3A_100 = arith.extui %lt3A_99 : i1 to i32
        %cond3A_101 = arith.constant 0 : i32
        %cond3A_102 = arith.cmpi ne, %convert_element_type3A_100, %cond3A_101 : i32
        scf.if %cond3A_102 {
          %mul3A_127 = arith.constant 128 : i32
          %mul3A_128 = arith.muli %add3A_85, %mul3A_127 : i32
          %dma_wait3A = tpu.memref_slice %arg2[%mul3A_128] : memref<320000xi32, #tpu.memory_space<hbm>> -> memref<128xi32, #tpu.memory_space<hbm>>
          %dma_wait3A_129 = tpu.memref_slice %arg2[%mul3A_128] : memref<320000xi32, #tpu.memory_space<hbm>> -> memref<128xi32, #tpu.memory_space<hbm>>
          tpu.wait_dma2 semaphore(%arg19 : memref<!tpu.dma_semaphore, #tpu.memory_space<semaphore_mem>>) src(%dma_wait3A_129 : memref<128xi32, #tpu.memory_space<hbm>>) dst(%arg7 : memref<128xi32, #tpu.memory_space<vmem>>)
          %dma_wait3A_130 = tpu.memref_slice %arg3[%mul3A_128] : memref<320000xi32, #tpu.memory_space<hbm>> -> memref<128xi32, #tpu.memory_space<hbm>>
          %dma_wait3A_131 = tpu.memref_slice %arg3[%mul3A_128] : memref<320000xi32, #tpu.memory_space<hbm>> -> memref<128xi32, #tpu.memory_space<hbm>>
          tpu.wait_dma2 semaphore(%arg19 : memref<!tpu.dma_semaphore, #tpu.memory_space<semaphore_mem>>) src(%dma_wait3A_131 : memref<128xi32, #tpu.memory_space<hbm>>) dst(%arg10 : memref<128xi32, #tpu.memory_space<vmem>>)
          %dma_start3A_132 = arith.constant 0 : i32
          %dma_start3A_133 = arith.constant 0 : i32
          %dma_start3A_134 = tpu.memref_slice %arg4[%dma_start3A_132, %dma_start3A_133] : memref<10000x128xf32, #tpu.memory_space<hbm>> -> memref<10000x128xf32, #tpu.memory_space<hbm>>
          tpu.enqueue_indirect_dma source(%dma_start3A_134 : memref<10000x128xf32, #tpu.memory_space<hbm>>) target(%arg13 : memref<128x128xf32, #tpu.memory_space<vmem>>) offsets(%arg7 : memref<128xi32, #tpu.memory_space<vmem>>) semaphore(%arg16 : memref<!tpu.dma_semaphore, #tpu.memory_space<semaphore_mem>>)
        } else {
        }
        %add3A_103 = arith.constant 2 : i32
        %add3A_104 = arith.addi %add3A_54, %add3A_103 : i32
        %mul3A_105 = arith.constant 16 : i32
        %mul3A_106 = arith.muli %add3A_104, %mul3A_105 : i32
        %add3A_107 = arith.addi %arg1, %mul3A_106 : i32
        %add3A_108 = arith.constant 32 : i32
        %add3A_109 = arith.addi %add3A_107, %add3A_108 : i32
        %add3A_110 = arith.constant 48 : i32
        %add3A_111 = arith.addi %add3A_107, %add3A_110 : i32
        %lt3A_112 = arith.constant 2500 : i32
        %lt3A_113 = arith.cmpi slt, %add3A_107, %lt3A_112 : i32
        %convert_element_type3A_114 = arith.extui %lt3A_113 : i1 to i32
        %cond3A_115 = arith.constant 0 : i32
        %cond3A_116 = arith.cmpi ne, %convert_element_type3A_114, %cond3A_115 : i32
        scf.if %cond3A_116 {
          %dma_wait3A = arith.constant 0 : i32
          %dma_wait3A_127 = arith.constant 0 : i32
          %dma_wait3A_128 = tpu.memref_slice %arg4[%dma_wait3A, %dma_wait3A_127] : memref<10000x128xf32, #tpu.memory_space<hbm>> -> memref<10000x128xf32, #tpu.memory_space<hbm>>
          tpu.wait_indirect_dma semaphore(%arg18 : memref<!tpu.dma_semaphore, #tpu.memory_space<semaphore_mem>>) src(%dma_wait3A_128 : memref<10000x128xf32, #tpu.memory_space<hbm>>) dst(%arg15 : memref<128x128xf32, #tpu.memory_space<vmem>>)
          "tpu.region"() ({
            %run_scoped3A = tpu.sem_alloc : memref<!tpu.dma_semaphore, #tpu.memory_space<semaphore_mem>>
            %dma_start3A_129 = arith.constant 0 : i32
            %dma_start3A_130 = arith.constant 0 : i32
            %dma_start3A_131 = tpu.memref_slice %arg22[%dma_start3A_129, %dma_start3A_130] : memref<10000x128xf32, #tpu.memory_space<vmem_shared>> -> memref<10000x128xf32, #tpu.memory_space<vmem_shared>>
            tpu.enqueue_indirect_dma source(%arg15 : memref<128x128xf32, #tpu.memory_space<vmem>>) target(%dma_start3A_131 : memref<10000x128xf32, #tpu.memory_space<vmem_shared>>) offsets(%arg12 : memref<128xi32, #tpu.memory_space<vmem>>) semaphore(%run_scoped3A : memref<!tpu.dma_semaphore, #tpu.memory_space<semaphore_mem>>) {add = true}
            %dma_wait3A_132 = arith.constant 0 : i32
            %dma_wait3A_133 = arith.constant 0 : i32
            %dma_wait3A_134 = tpu.memref_slice %arg22[%dma_wait3A_132, %dma_wait3A_133] : memref<10000x128xf32, #tpu.memory_space<vmem_shared>> -> memref<10000x128xf32, #tpu.memory_space<vmem_shared>>
            tpu.wait_indirect_dma semaphore(%run_scoped3A : memref<!tpu.dma_semaphore, #tpu.memory_space<semaphore_mem>>) src(%arg15 : memref<128x128xf32, #tpu.memory_space<vmem>>) dst(%dma_wait3A_134 : memref<10000x128xf32, #tpu.memory_space<vmem_shared>>)
            tpu.yield
          }) : () -> ()
        } else {
        }
        %lt3A_117 = arith.constant 2500 : i32
        %lt3A_118 = arith.cmpi slt, %add3A_111, %lt3A_117 : i32
        %convert_element_type3A_119 = arith.extui %lt3A_118 : i1 to i32
        %cond3A_120 = arith.constant 0 : i32
        %cond3A_121 = arith.cmpi ne, %convert_element_type3A_119, %cond3A_120 : i32
        scf.if %cond3A_121 {
          %mul3A_127 = arith.constant 128 : i32
          %mul3A_128 = arith.muli %add3A_111, %mul3A_127 : i32
          %dma_start3A_129 = tpu.memref_slice %arg2[%mul3A_128] : memref<320000xi32, #tpu.memory_space<hbm>> -> memref<128xi32, #tpu.memory_space<hbm>>
          %dma_start3A_130 = tpu.memref_slice %arg2[%mul3A_128] : memref<320000xi32, #tpu.memory_space<hbm>> -> memref<128xi32, #tpu.memory_space<hbm>>
          tpu.enqueue_dma source(%dma_start3A_130 : memref<128xi32, #tpu.memory_space<hbm>>) target(%arg9 : memref<128xi32, #tpu.memory_space<vmem>>) target_semaphore(%arg21 : memref<!tpu.dma_semaphore, #tpu.memory_space<semaphore_mem>>)
          %dma_start3A_131 = tpu.memref_slice %arg3[%mul3A_128] : memref<320000xi32, #tpu.memory_space<hbm>> -> memref<128xi32, #tpu.memory_space<hbm>>
          %dma_start3A_132 = tpu.memref_slice %arg3[%mul3A_128] : memref<320000xi32, #tpu.memory_space<hbm>> -> memref<128xi32, #tpu.memory_space<hbm>>
          tpu.enqueue_dma source(%dma_start3A_132 : memref<128xi32, #tpu.memory_space<hbm>>) target(%arg12 : memref<128xi32, #tpu.memory_space<vmem>>) target_semaphore(%arg21 : memref<!tpu.dma_semaphore, #tpu.memory_space<semaphore_mem>>)
        } else {
        }
        %lt3A_122 = arith.constant 2500 : i32
        %lt3A_123 = arith.cmpi slt, %add3A_109, %lt3A_122 : i32
        %convert_element_type3A_124 = arith.extui %lt3A_123 : i1 to i32
        %cond3A_125 = arith.constant 0 : i32
        %cond3A_126 = arith.cmpi ne, %convert_element_type3A_124, %cond3A_125 : i32
        scf.if %cond3A_126 {
          %mul3A_127 = arith.constant 128 : i32
          %mul3A_128 = arith.muli %add3A_109, %mul3A_127 : i32
          %dma_wait3A = tpu.memref_slice %arg2[%mul3A_128] : memref<320000xi32, #tpu.memory_space<hbm>> -> memref<128xi32, #tpu.memory_space<hbm>>
          %dma_wait3A_129 = tpu.memref_slice %arg2[%mul3A_128] : memref<320000xi32, #tpu.memory_space<hbm>> -> memref<128xi32, #tpu.memory_space<hbm>>
          tpu.wait_dma2 semaphore(%arg20 : memref<!tpu.dma_semaphore, #tpu.memory_space<semaphore_mem>>) src(%dma_wait3A_129 : memref<128xi32, #tpu.memory_space<hbm>>) dst(%arg8 : memref<128xi32, #tpu.memory_space<vmem>>)
          %dma_wait3A_130 = tpu.memref_slice %arg3[%mul3A_128] : memref<320000xi32, #tpu.memory_space<hbm>> -> memref<128xi32, #tpu.memory_space<hbm>>
          %dma_wait3A_131 = tpu.memref_slice %arg3[%mul3A_128] : memref<320000xi32, #tpu.memory_space<hbm>> -> memref<128xi32, #tpu.memory_space<hbm>>
          tpu.wait_dma2 semaphore(%arg20 : memref<!tpu.dma_semaphore, #tpu.memory_space<semaphore_mem>>) src(%dma_wait3A_131 : memref<128xi32, #tpu.memory_space<hbm>>) dst(%arg11 : memref<128xi32, #tpu.memory_space<vmem>>)
          %dma_start3A_132 = arith.constant 0 : i32
          %dma_start3A_133 = arith.constant 0 : i32
          %dma_start3A_134 = tpu.memref_slice %arg4[%dma_start3A_132, %dma_start3A_133] : memref<10000x128xf32, #tpu.memory_space<hbm>> -> memref<10000x128xf32, #tpu.memory_space<hbm>>
          tpu.enqueue_indirect_dma source(%dma_start3A_134 : memref<10000x128xf32, #tpu.memory_space<hbm>>) target(%arg14 : memref<128x128xf32, #tpu.memory_space<vmem>>) offsets(%arg8 : memref<128xi32, #tpu.memory_space<vmem>>) semaphore(%arg17 : memref<!tpu.dma_semaphore, #tpu.memory_space<semaphore_mem>>)
        } else {
        }
      }
      %scan3A_49 = arith.constant 53 : i32
    } else {
    }
    %eq3A_11 = arith.constant 1 : i32
    %eq3A_12 = arith.cmpi eq, %arg0, %eq3A_11 : i32
    %convert_element_type3A_13 = arith.extui %eq3A_12 : i1 to i32
    %cond3A_14 = arith.constant 0 : i32
    %cond3A_15 = arith.cmpi ne, %convert_element_type3A_13, %cond3A_14 : i32
    scf.if %cond3A_15 {
      %mul3A_27 = arith.constant 128 : i32
      %mul3A_28 = arith.muli %arg1, %mul3A_27 : i32
      "tpu.region"() ({
        %run_scoped3A = tpu.sem_alloc : memref<!tpu.dma_semaphore, #tpu.memory_space<semaphore_mem>>
        %dma_start3A_50 = tpu.memref_slice %arg2[%mul3A_28] : memref<320000xi32, #tpu.memory_space<hbm>> -> memref<128xi32, #tpu.memory_space<hbm>>
        %dma_start3A_51 = tpu.memref_slice %arg2[%mul3A_28] : memref<320000xi32, #tpu.memory_space<hbm>> -> memref<128xi32, #tpu.memory_space<hbm>>
        tpu.enqueue_dma source(%dma_start3A_51 : memref<128xi32, #tpu.memory_space<hbm>>) target(%arg7 : memref<128xi32, #tpu.memory_space<vmem>>) target_semaphore(%run_scoped3A : memref<!tpu.dma_semaphore, #tpu.memory_space<semaphore_mem>>)
        %dma_wait3A = tpu.memref_slice %arg2[%mul3A_28] : memref<320000xi32, #tpu.memory_space<hbm>> -> memref<128xi32, #tpu.memory_space<hbm>>
        %dma_wait3A_52 = tpu.memref_slice %arg2[%mul3A_28] : memref<320000xi32, #tpu.memory_space<hbm>> -> memref<128xi32, #tpu.memory_space<hbm>>
        tpu.wait_dma2 semaphore(%run_scoped3A : memref<!tpu.dma_semaphore, #tpu.memory_space<semaphore_mem>>) src(%dma_wait3A_52 : memref<128xi32, #tpu.memory_space<hbm>>) dst(%arg7 : memref<128xi32, #tpu.memory_space<vmem>>)
        tpu.yield
      }) : () -> ()
      "tpu.region"() ({
        %run_scoped3A = tpu.sem_alloc : memref<!tpu.dma_semaphore, #tpu.memory_space<semaphore_mem>>
        %dma_start3A_50 = tpu.memref_slice %arg3[%mul3A_28] : memref<320000xi32, #tpu.memory_space<hbm>> -> memref<128xi32, #tpu.memory_space<hbm>>
        %dma_start3A_51 = tpu.memref_slice %arg3[%mul3A_28] : memref<320000xi32, #tpu.memory_space<hbm>> -> memref<128xi32, #tpu.memory_space<hbm>>
        tpu.enqueue_dma source(%dma_start3A_51 : memref<128xi32, #tpu.memory_space<hbm>>) target(%arg10 : memref<128xi32, #tpu.memory_space<vmem>>) target_semaphore(%run_scoped3A : memref<!tpu.dma_semaphore, #tpu.memory_space<semaphore_mem>>)
        %dma_wait3A = tpu.memref_slice %arg3[%mul3A_28] : memref<320000xi32, #tpu.memory_space<hbm>> -> memref<128xi32, #tpu.memory_space<hbm>>
        %dma_wait3A_52 = tpu.memref_slice %arg3[%mul3A_28] : memref<320000xi32, #tpu.memory_space<hbm>> -> memref<128xi32, #tpu.memory_space<hbm>>
        tpu.wait_dma2 semaphore(%run_scoped3A : memref<!tpu.dma_semaphore, #tpu.memory_space<semaphore_mem>>) src(%dma_wait3A_52 : memref<128xi32, #tpu.memory_space<hbm>>) dst(%arg10 : memref<128xi32, #tpu.memory_space<vmem>>)
        tpu.yield
      }) : () -> ()
      %dma_start3A = arith.constant 0 : i32
      %dma_start3A_29 = arith.constant 0 : i32
      %dma_start3A_30 = tpu.memref_slice %arg5[%dma_start3A, %dma_start3A_29] : memref<10000x128xf32, #tpu.memory_space<hbm>> -> memref<10000x128xf32, #tpu.memory_space<hbm>>
      tpu.enqueue_indirect_dma source(%dma_start3A_30 : memref<10000x128xf32, #tpu.memory_space<hbm>>) target(%arg13 : memref<128x128xf32, #tpu.memory_space<vmem>>) offsets(%arg7 : memref<128xi32, #tpu.memory_space<vmem>>) semaphore(%arg16 : memref<!tpu.dma_semaphore, #tpu.memory_space<semaphore_mem>>)
      %add3A = arith.constant 16 : i32
      %add3A_31 = arith.addi %arg1, %add3A : i32
      %mul3A_32 = arith.constant 128 : i32
      %mul3A_33 = arith.muli %add3A_31, %mul3A_32 : i32
      "tpu.region"() ({
        %run_scoped3A = tpu.sem_alloc : memref<!tpu.dma_semaphore, #tpu.memory_space<semaphore_mem>>
        %dma_start3A_50 = tpu.memref_slice %arg2[%mul3A_33] : memref<320000xi32, #tpu.memory_space<hbm>> -> memref<128xi32, #tpu.memory_space<hbm>>
        %dma_start3A_51 = tpu.memref_slice %arg2[%mul3A_33] : memref<320000xi32, #tpu.memory_space<hbm>> -> memref<128xi32, #tpu.memory_space<hbm>>
        tpu.enqueue_dma source(%dma_start3A_51 : memref<128xi32, #tpu.memory_space<hbm>>) target(%arg8 : memref<128xi32, #tpu.memory_space<vmem>>) target_semaphore(%run_scoped3A : memref<!tpu.dma_semaphore, #tpu.memory_space<semaphore_mem>>)
        %dma_wait3A = tpu.memref_slice %arg2[%mul3A_33] : memref<320000xi32, #tpu.memory_space<hbm>> -> memref<128xi32, #tpu.memory_space<hbm>>
        %dma_wait3A_52 = tpu.memref_slice %arg2[%mul3A_33] : memref<320000xi32, #tpu.memory_space<hbm>> -> memref<128xi32, #tpu.memory_space<hbm>>
        tpu.wait_dma2 semaphore(%run_scoped3A : memref<!tpu.dma_semaphore, #tpu.memory_space<semaphore_mem>>) src(%dma_wait3A_52 : memref<128xi32, #tpu.memory_space<hbm>>) dst(%arg8 : memref<128xi32, #tpu.memory_space<vmem>>)
        tpu.yield
      }) : () -> ()
      "tpu.region"() ({
        %run_scoped3A = tpu.sem_alloc : memref<!tpu.dma_semaphore, #tpu.memory_space<semaphore_mem>>
        %dma_start3A_50 = tpu.memref_slice %arg3[%mul3A_33] : memref<320000xi32, #tpu.memory_space<hbm>> -> memref<128xi32, #tpu.memory_space<hbm>>
        %dma_start3A_51 = tpu.memref_slice %arg3[%mul3A_33] : memref<320000xi32, #tpu.memory_space<hbm>> -> memref<128xi32, #tpu.memory_space<hbm>>
        tpu.enqueue_dma source(%dma_start3A_51 : memref<128xi32, #tpu.memory_space<hbm>>) target(%arg11 : memref<128xi32, #tpu.memory_space<vmem>>) target_semaphore(%run_scoped3A : memref<!tpu.dma_semaphore, #tpu.memory_space<semaphore_mem>>)
        %dma_wait3A = tpu.memref_slice %arg3[%mul3A_33] : memref<320000xi32, #tpu.memory_space<hbm>> -> memref<128xi32, #tpu.memory_space<hbm>>
        %dma_wait3A_52 = tpu.memref_slice %arg3[%mul3A_33] : memref<320000xi32, #tpu.memory_space<hbm>> -> memref<128xi32, #tpu.memory_space<hbm>>
        tpu.wait_dma2 semaphore(%run_scoped3A : memref<!tpu.dma_semaphore, #tpu.memory_space<semaphore_mem>>) src(%dma_wait3A_52 : memref<128xi32, #tpu.memory_space<hbm>>) dst(%arg11 : memref<128xi32, #tpu.memory_space<vmem>>)
        tpu.yield
      }) : () -> ()
      %dma_start3A_34 = arith.constant 0 : i32
      %dma_start3A_35 = arith.constant 0 : i32
      %dma_start3A_36 = tpu.memref_slice %arg5[%dma_start3A_34, %dma_start3A_35] : memref<10000x128xf32, #tpu.memory_space<hbm>> -> memref<10000x128xf32, #tpu.memory_space<hbm>>
      tpu.enqueue_indirect_dma source(%dma_start3A_36 : memref<10000x128xf32, #tpu.memory_space<hbm>>) target(%arg14 : memref<128x128xf32, #tpu.memory_space<vmem>>) offsets(%arg8 : memref<128xi32, #tpu.memory_space<vmem>>) semaphore(%arg17 : memref<!tpu.dma_semaphore, #tpu.memory_space<semaphore_mem>>)
      %add3A_37 = arith.constant 32 : i32
      %add3A_38 = arith.addi %arg1, %add3A_37 : i32
      %mul3A_39 = arith.constant 128 : i32
      %mul3A_40 = arith.muli %add3A_38, %mul3A_39 : i32
      %dma_start3A_41 = tpu.memref_slice %arg2[%mul3A_40] : memref<320000xi32, #tpu.memory_space<hbm>> -> memref<128xi32, #tpu.memory_space<hbm>>
      %dma_start3A_42 = tpu.memref_slice %arg2[%mul3A_40] : memref<320000xi32, #tpu.memory_space<hbm>> -> memref<128xi32, #tpu.memory_space<hbm>>
      tpu.enqueue_dma source(%dma_start3A_42 : memref<128xi32, #tpu.memory_space<hbm>>) target(%arg9 : memref<128xi32, #tpu.memory_space<vmem>>) target_semaphore(%arg21 : memref<!tpu.dma_semaphore, #tpu.memory_space<semaphore_mem>>)
      %dma_start3A_43 = tpu.memref_slice %arg3[%mul3A_40] : memref<320000xi32, #tpu.memory_space<hbm>> -> memref<128xi32, #tpu.memory_space<hbm>>
      %dma_start3A_44 = tpu.memref_slice %arg3[%mul3A_40] : memref<320000xi32, #tpu.memory_space<hbm>> -> memref<128xi32, #tpu.memory_space<hbm>>
      tpu.enqueue_dma source(%dma_start3A_44 : memref<128xi32, #tpu.memory_space<hbm>>) target(%arg12 : memref<128xi32, #tpu.memory_space<vmem>>) target_semaphore(%arg21 : memref<!tpu.dma_semaphore, #tpu.memory_space<semaphore_mem>>)
      %scan3A_45 = arith.constant 0 : i32
      %scan3A_46 = arith.constant 53 : i32
      %scan3A_47 = arith.addi %scan3A_45, %scan3A_46 : i32
      %scan3A_48 = arith.constant 1 : i32
      scf.for %scan3A_50 = %scan3A_45 to %scan3A_47 step %scan3A_48  : i32 {
        %mul3A_51 = arith.constant 3 : i32
        %mul3A_52 = arith.muli %scan3A_50, %mul3A_51 : i32
        %add3A_53 = arith.constant 0 : i32
        %add3A_54 = arith.addi %add3A_53, %mul3A_52 : i32
        %add3A_55 = arith.constant 0 : i32
        %add3A_56 = arith.addi %add3A_54, %add3A_55 : i32
        %mul3A_57 = arith.constant 16 : i32
        %mul3A_58 = arith.muli %add3A_56, %mul3A_57 : i32
        %add3A_59 = arith.addi %arg1, %mul3A_58 : i32
        %add3A_60 = arith.constant 32 : i32
        %add3A_61 = arith.addi %add3A_59, %add3A_60 : i32
        %add3A_62 = arith.constant 48 : i32
        %add3A_63 = arith.addi %add3A_59, %add3A_62 : i32
        %lt3A_64 = arith.constant 2500 : i32
        %lt3A_65 = arith.cmpi slt, %add3A_59, %lt3A_64 : i32
        %convert_element_type3A_66 = arith.extui %lt3A_65 : i1 to i32
        %cond3A_67 = arith.constant 0 : i32
        %cond3A_68 = arith.cmpi ne, %convert_element_type3A_66, %cond3A_67 : i32
        scf.if %cond3A_68 {
          %dma_wait3A = arith.constant 0 : i32
          %dma_wait3A_127 = arith.constant 0 : i32
          %dma_wait3A_128 = tpu.memref_slice %arg5[%dma_wait3A, %dma_wait3A_127] : memref<10000x128xf32, #tpu.memory_space<hbm>> -> memref<10000x128xf32, #tpu.memory_space<hbm>>
          tpu.wait_indirect_dma semaphore(%arg16 : memref<!tpu.dma_semaphore, #tpu.memory_space<semaphore_mem>>) src(%dma_wait3A_128 : memref<10000x128xf32, #tpu.memory_space<hbm>>) dst(%arg13 : memref<128x128xf32, #tpu.memory_space<vmem>>)
          "tpu.region"() ({
            %run_scoped3A = tpu.sem_alloc : memref<!tpu.dma_semaphore, #tpu.memory_space<semaphore_mem>>
            %dma_start3A_129 = arith.constant 0 : i32
            %dma_start3A_130 = arith.constant 0 : i32
            %dma_start3A_131 = tpu.memref_slice %arg22[%dma_start3A_129, %dma_start3A_130] : memref<10000x128xf32, #tpu.memory_space<vmem_shared>> -> memref<10000x128xf32, #tpu.memory_space<vmem_shared>>
            tpu.enqueue_indirect_dma source(%arg13 : memref<128x128xf32, #tpu.memory_space<vmem>>) target(%dma_start3A_131 : memref<10000x128xf32, #tpu.memory_space<vmem_shared>>) offsets(%arg10 : memref<128xi32, #tpu.memory_space<vmem>>) semaphore(%run_scoped3A : memref<!tpu.dma_semaphore, #tpu.memory_space<semaphore_mem>>) {add = true}
            %dma_wait3A_132 = arith.constant 0 : i32
            %dma_wait3A_133 = arith.constant 0 : i32
            %dma_wait3A_134 = tpu.memref_slice %arg22[%dma_wait3A_132, %dma_wait3A_133] : memref<10000x128xf32, #tpu.memory_space<vmem_shared>> -> memref<10000x128xf32, #tpu.memory_space<vmem_shared>>
            tpu.wait_indirect_dma semaphore(%run_scoped3A : memref<!tpu.dma_semaphore, #tpu.memory_space<semaphore_mem>>) src(%arg13 : memref<128x128xf32, #tpu.memory_space<vmem>>) dst(%dma_wait3A_134 : memref<10000x128xf32, #tpu.memory_space<vmem_shared>>)
            tpu.yield
          }) : () -> ()
        } else {
        }
        %lt3A_69 = arith.constant 2500 : i32
        %lt3A_70 = arith.cmpi slt, %add3A_63, %lt3A_69 : i32
        %convert_element_type3A_71 = arith.extui %lt3A_70 : i1 to i32
        %cond3A_72 = arith.constant 0 : i32
        %cond3A_73 = arith.cmpi ne, %convert_element_type3A_71, %cond3A_72 : i32
        scf.if %cond3A_73 {
          %mul3A_127 = arith.constant 128 : i32
          %mul3A_128 = arith.muli %add3A_63, %mul3A_127 : i32
          %dma_start3A_129 = tpu.memref_slice %arg2[%mul3A_128] : memref<320000xi32, #tpu.memory_space<hbm>> -> memref<128xi32, #tpu.memory_space<hbm>>
          %dma_start3A_130 = tpu.memref_slice %arg2[%mul3A_128] : memref<320000xi32, #tpu.memory_space<hbm>> -> memref<128xi32, #tpu.memory_space<hbm>>
          tpu.enqueue_dma source(%dma_start3A_130 : memref<128xi32, #tpu.memory_space<hbm>>) target(%arg7 : memref<128xi32, #tpu.memory_space<vmem>>) target_semaphore(%arg19 : memref<!tpu.dma_semaphore, #tpu.memory_space<semaphore_mem>>)
          %dma_start3A_131 = tpu.memref_slice %arg3[%mul3A_128] : memref<320000xi32, #tpu.memory_space<hbm>> -> memref<128xi32, #tpu.memory_space<hbm>>
          %dma_start3A_132 = tpu.memref_slice %arg3[%mul3A_128] : memref<320000xi32, #tpu.memory_space<hbm>> -> memref<128xi32, #tpu.memory_space<hbm>>
          tpu.enqueue_dma source(%dma_start3A_132 : memref<128xi32, #tpu.memory_space<hbm>>) target(%arg10 : memref<128xi32, #tpu.memory_space<vmem>>) target_semaphore(%arg19 : memref<!tpu.dma_semaphore, #tpu.memory_space<semaphore_mem>>)
        } else {
        }
        %lt3A_74 = arith.constant 2500 : i32
        %lt3A_75 = arith.cmpi slt, %add3A_61, %lt3A_74 : i32
        %convert_element_type3A_76 = arith.extui %lt3A_75 : i1 to i32
        %cond3A_77 = arith.constant 0 : i32
        %cond3A_78 = arith.cmpi ne, %convert_element_type3A_76, %cond3A_77 : i32
        scf.if %cond3A_78 {
          %mul3A_127 = arith.constant 128 : i32
          %mul3A_128 = arith.muli %add3A_61, %mul3A_127 : i32
          %dma_wait3A = tpu.memref_slice %arg2[%mul3A_128] : memref<320000xi32, #tpu.memory_space<hbm>> -> memref<128xi32, #tpu.memory_space<hbm>>
          %dma_wait3A_129 = tpu.memref_slice %arg2[%mul3A_128] : memref<320000xi32, #tpu.memory_space<hbm>> -> memref<128xi32, #tpu.memory_space<hbm>>
          tpu.wait_dma2 semaphore(%arg21 : memref<!tpu.dma_semaphore, #tpu.memory_space<semaphore_mem>>) src(%dma_wait3A_129 : memref<128xi32, #tpu.memory_space<hbm>>) dst(%arg9 : memref<128xi32, #tpu.memory_space<vmem>>)
          %dma_wait3A_130 = tpu.memref_slice %arg3[%mul3A_128] : memref<320000xi32, #tpu.memory_space<hbm>> -> memref<128xi32, #tpu.memory_space<hbm>>
          %dma_wait3A_131 = tpu.memref_slice %arg3[%mul3A_128] : memref<320000xi32, #tpu.memory_space<hbm>> -> memref<128xi32, #tpu.memory_space<hbm>>
          tpu.wait_dma2 semaphore(%arg21 : memref<!tpu.dma_semaphore, #tpu.memory_space<semaphore_mem>>) src(%dma_wait3A_131 : memref<128xi32, #tpu.memory_space<hbm>>) dst(%arg12 : memref<128xi32, #tpu.memory_space<vmem>>)
          %dma_start3A_132 = arith.constant 0 : i32
          %dma_start3A_133 = arith.constant 0 : i32
          %dma_start3A_134 = tpu.memref_slice %arg5[%dma_start3A_132, %dma_start3A_133] : memref<10000x128xf32, #tpu.memory_space<hbm>> -> memref<10000x128xf32, #tpu.memory_space<hbm>>
          tpu.enqueue_indirect_dma source(%dma_start3A_134 : memref<10000x128xf32, #tpu.memory_space<hbm>>) target(%arg15 : memref<128x128xf32, #tpu.memory_space<vmem>>) offsets(%arg9 : memref<128xi32, #tpu.memory_space<vmem>>) semaphore(%arg18 : memref<!tpu.dma_semaphore, #tpu.memory_space<semaphore_mem>>)
        } else {
        }
        %add3A_79 = arith.constant 1 : i32
        %add3A_80 = arith.addi %add3A_54, %add3A_79 : i32
        %mul3A_81 = arith.constant 16 : i32
        %mul3A_82 = arith.muli %add3A_80, %mul3A_81 : i32
        %add3A_83 = arith.addi %arg1, %mul3A_82 : i32
        %add3A_84 = arith.constant 32 : i32
        %add3A_85 = arith.addi %add3A_83, %add3A_84 : i32
        %add3A_86 = arith.constant 48 : i32
        %add3A_87 = arith.addi %add3A_83, %add3A_86 : i32
        %lt3A_88 = arith.constant 2500 : i32
        %lt3A_89 = arith.cmpi slt, %add3A_83, %lt3A_88 : i32
        %convert_element_type3A_90 = arith.extui %lt3A_89 : i1 to i32
        %cond3A_91 = arith.constant 0 : i32
        %cond3A_92 = arith.cmpi ne, %convert_element_type3A_90, %cond3A_91 : i32
        scf.if %cond3A_92 {
          %dma_wait3A = arith.constant 0 : i32
          %dma_wait3A_127 = arith.constant 0 : i32
          %dma_wait3A_128 = tpu.memref_slice %arg5[%dma_wait3A, %dma_wait3A_127] : memref<10000x128xf32, #tpu.memory_space<hbm>> -> memref<10000x128xf32, #tpu.memory_space<hbm>>
          tpu.wait_indirect_dma semaphore(%arg17 : memref<!tpu.dma_semaphore, #tpu.memory_space<semaphore_mem>>) src(%dma_wait3A_128 : memref<10000x128xf32, #tpu.memory_space<hbm>>) dst(%arg14 : memref<128x128xf32, #tpu.memory_space<vmem>>)
          "tpu.region"() ({
            %run_scoped3A = tpu.sem_alloc : memref<!tpu.dma_semaphore, #tpu.memory_space<semaphore_mem>>
            %dma_start3A_129 = arith.constant 0 : i32
            %dma_start3A_130 = arith.constant 0 : i32
            %dma_start3A_131 = tpu.memref_slice %arg22[%dma_start3A_129, %dma_start3A_130] : memref<10000x128xf32, #tpu.memory_space<vmem_shared>> -> memref<10000x128xf32, #tpu.memory_space<vmem_shared>>
            tpu.enqueue_indirect_dma source(%arg14 : memref<128x128xf32, #tpu.memory_space<vmem>>) target(%dma_start3A_131 : memref<10000x128xf32, #tpu.memory_space<vmem_shared>>) offsets(%arg11 : memref<128xi32, #tpu.memory_space<vmem>>) semaphore(%run_scoped3A : memref<!tpu.dma_semaphore, #tpu.memory_space<semaphore_mem>>) {add = true}
            %dma_wait3A_132 = arith.constant 0 : i32
            %dma_wait3A_133 = arith.constant 0 : i32
            %dma_wait3A_134 = tpu.memref_slice %arg22[%dma_wait3A_132, %dma_wait3A_133] : memref<10000x128xf32, #tpu.memory_space<vmem_shared>> -> memref<10000x128xf32, #tpu.memory_space<vmem_shared>>
            tpu.wait_indirect_dma semaphore(%run_scoped3A : memref<!tpu.dma_semaphore, #tpu.memory_space<semaphore_mem>>) src(%arg14 : memref<128x128xf32, #tpu.memory_space<vmem>>) dst(%dma_wait3A_134 : memref<10000x128xf32, #tpu.memory_space<vmem_shared>>)
            tpu.yield
          }) : () -> ()
        } else {
        }
        %lt3A_93 = arith.constant 2500 : i32
        %lt3A_94 = arith.cmpi slt, %add3A_87, %lt3A_93 : i32
        %convert_element_type3A_95 = arith.extui %lt3A_94 : i1 to i32
        %cond3A_96 = arith.constant 0 : i32
        %cond3A_97 = arith.cmpi ne, %convert_element_type3A_95, %cond3A_96 : i32
        scf.if %cond3A_97 {
          %mul3A_127 = arith.constant 128 : i32
          %mul3A_128 = arith.muli %add3A_87, %mul3A_127 : i32
          %dma_start3A_129 = tpu.memref_slice %arg2[%mul3A_128] : memref<320000xi32, #tpu.memory_space<hbm>> -> memref<128xi32, #tpu.memory_space<hbm>>
          %dma_start3A_130 = tpu.memref_slice %arg2[%mul3A_128] : memref<320000xi32, #tpu.memory_space<hbm>> -> memref<128xi32, #tpu.memory_space<hbm>>
          tpu.enqueue_dma source(%dma_start3A_130 : memref<128xi32, #tpu.memory_space<hbm>>) target(%arg8 : memref<128xi32, #tpu.memory_space<vmem>>) target_semaphore(%arg20 : memref<!tpu.dma_semaphore, #tpu.memory_space<semaphore_mem>>)
          %dma_start3A_131 = tpu.memref_slice %arg3[%mul3A_128] : memref<320000xi32, #tpu.memory_space<hbm>> -> memref<128xi32, #tpu.memory_space<hbm>>
          %dma_start3A_132 = tpu.memref_slice %arg3[%mul3A_128] : memref<320000xi32, #tpu.memory_space<hbm>> -> memref<128xi32, #tpu.memory_space<hbm>>
          tpu.enqueue_dma source(%dma_start3A_132 : memref<128xi32, #tpu.memory_space<hbm>>) target(%arg11 : memref<128xi32, #tpu.memory_space<vmem>>) target_semaphore(%arg20 : memref<!tpu.dma_semaphore, #tpu.memory_space<semaphore_mem>>)
        } else {
        }
        %lt3A_98 = arith.constant 2500 : i32
        %lt3A_99 = arith.cmpi slt, %add3A_85, %lt3A_98 : i32
        %convert_element_type3A_100 = arith.extui %lt3A_99 : i1 to i32
        %cond3A_101 = arith.constant 0 : i32
        %cond3A_102 = arith.cmpi ne, %convert_element_type3A_100, %cond3A_101 : i32
        scf.if %cond3A_102 {
          %mul3A_127 = arith.constant 128 : i32
          %mul3A_128 = arith.muli %add3A_85, %mul3A_127 : i32
          %dma_wait3A = tpu.memref_slice %arg2[%mul3A_128] : memref<320000xi32, #tpu.memory_space<hbm>> -> memref<128xi32, #tpu.memory_space<hbm>>
          %dma_wait3A_129 = tpu.memref_slice %arg2[%mul3A_128] : memref<320000xi32, #tpu.memory_space<hbm>> -> memref<128xi32, #tpu.memory_space<hbm>>
          tpu.wait_dma2 semaphore(%arg19 : memref<!tpu.dma_semaphore, #tpu.memory_space<semaphore_mem>>) src(%dma_wait3A_129 : memref<128xi32, #tpu.memory_space<hbm>>) dst(%arg7 : memref<128xi32, #tpu.memory_space<vmem>>)
          %dma_wait3A_130 = tpu.memref_slice %arg3[%mul3A_128] : memref<320000xi32, #tpu.memory_space<hbm>> -> memref<128xi32, #tpu.memory_space<hbm>>
          %dma_wait3A_131 = tpu.memref_slice %arg3[%mul3A_128] : memref<320000xi32, #tpu.memory_space<hbm>> -> memref<128xi32, #tpu.memory_space<hbm>>
          tpu.wait_dma2 semaphore(%arg19 : memref<!tpu.dma_semaphore, #tpu.memory_space<semaphore_mem>>) src(%dma_wait3A_131 : memref<128xi32, #tpu.memory_space<hbm>>) dst(%arg10 : memref<128xi32, #tpu.memory_space<vmem>>)
          %dma_start3A_132 = arith.constant 0 : i32
          %dma_start3A_133 = arith.constant 0 : i32
          %dma_start3A_134 = tpu.memref_slice %arg5[%dma_start3A_132, %dma_start3A_133] : memref<10000x128xf32, #tpu.memory_space<hbm>> -> memref<10000x128xf32, #tpu.memory_space<hbm>>
          tpu.enqueue_indirect_dma source(%dma_start3A_134 : memref<10000x128xf32, #tpu.memory_space<hbm>>) target(%arg13 : memref<128x128xf32, #tpu.memory_space<vmem>>) offsets(%arg7 : memref<128xi32, #tpu.memory_space<vmem>>) semaphore(%arg16 : memref<!tpu.dma_semaphore, #tpu.memory_space<semaphore_mem>>)
        } else {
        }
        %add3A_103 = arith.constant 2 : i32
        %add3A_104 = arith.addi %add3A_54, %add3A_103 : i32
        %mul3A_105 = arith.constant 16 : i32
        %mul3A_106 = arith.muli %add3A_104, %mul3A_105 : i32
        %add3A_107 = arith.addi %arg1, %mul3A_106 : i32
        %add3A_108 = arith.constant 32 : i32
        %add3A_109 = arith.addi %add3A_107, %add3A_108 : i32
        %add3A_110 = arith.constant 48 : i32
        %add3A_111 = arith.addi %add3A_107, %add3A_110 : i32
        %lt3A_112 = arith.constant 2500 : i32
        %lt3A_113 = arith.cmpi slt, %add3A_107, %lt3A_112 : i32
        %convert_element_type3A_114 = arith.extui %lt3A_113 : i1 to i32
        %cond3A_115 = arith.constant 0 : i32
        %cond3A_116 = arith.cmpi ne, %convert_element_type3A_114, %cond3A_115 : i32
        scf.if %cond3A_116 {
          %dma_wait3A = arith.constant 0 : i32
          %dma_wait3A_127 = arith.constant 0 : i32
          %dma_wait3A_128 = tpu.memref_slice %arg5[%dma_wait3A, %dma_wait3A_127] : memref<10000x128xf32, #tpu.memory_space<hbm>> -> memref<10000x128xf32, #tpu.memory_space<hbm>>
          tpu.wait_indirect_dma semaphore(%arg18 : memref<!tpu.dma_semaphore, #tpu.memory_space<semaphore_mem>>) src(%dma_wait3A_128 : memref<10000x128xf32, #tpu.memory_space<hbm>>) dst(%arg15 : memref<128x128xf32, #tpu.memory_space<vmem>>)
          "tpu.region"() ({
            %run_scoped3A = tpu.sem_alloc : memref<!tpu.dma_semaphore, #tpu.memory_space<semaphore_mem>>
            %dma_start3A_129 = arith.constant 0 : i32
            %dma_start3A_130 = arith.constant 0 : i32
            %dma_start3A_131 = tpu.memref_slice %arg22[%dma_start3A_129, %dma_start3A_130] : memref<10000x128xf32, #tpu.memory_space<vmem_shared>> -> memref<10000x128xf32, #tpu.memory_space<vmem_shared>>
            tpu.enqueue_indirect_dma source(%arg15 : memref<128x128xf32, #tpu.memory_space<vmem>>) target(%dma_start3A_131 : memref<10000x128xf32, #tpu.memory_space<vmem_shared>>) offsets(%arg12 : memref<128xi32, #tpu.memory_space<vmem>>) semaphore(%run_scoped3A : memref<!tpu.dma_semaphore, #tpu.memory_space<semaphore_mem>>) {add = true}
            %dma_wait3A_132 = arith.constant 0 : i32
            %dma_wait3A_133 = arith.constant 0 : i32
            %dma_wait3A_134 = tpu.memref_slice %arg22[%dma_wait3A_132, %dma_wait3A_133] : memref<10000x128xf32, #tpu.memory_space<vmem_shared>> -> memref<10000x128xf32, #tpu.memory_space<vmem_shared>>
            tpu.wait_indirect_dma semaphore(%run_scoped3A : memref<!tpu.dma_semaphore, #tpu.memory_space<semaphore_mem>>) src(%arg15 : memref<128x128xf32, #tpu.memory_space<vmem>>) dst(%dma_wait3A_134 : memref<10000x128xf32, #tpu.memory_space<vmem_shared>>)
            tpu.yield
          }) : () -> ()
        } else {
        }
        %lt3A_117 = arith.constant 2500 : i32
        %lt3A_118 = arith.cmpi slt, %add3A_111, %lt3A_117 : i32
        %convert_element_type3A_119 = arith.extui %lt3A_118 : i1 to i32
        %cond3A_120 = arith.constant 0 : i32
        %cond3A_121 = arith.cmpi ne, %convert_element_type3A_119, %cond3A_120 : i32
        scf.if %cond3A_121 {
          %mul3A_127 = arith.constant 128 : i32
          %mul3A_128 = arith.muli %add3A_111, %mul3A_127 : i32
          %dma_start3A_129 = tpu.memref_slice %arg2[%mul3A_128] : memref<320000xi32, #tpu.memory_space<hbm>> -> memref<128xi32, #tpu.memory_space<hbm>>
          %dma_start3A_130 = tpu.memref_slice %arg2[%mul3A_128] : memref<320000xi32, #tpu.memory_space<hbm>> -> memref<128xi32, #tpu.memory_space<hbm>>
          tpu.enqueue_dma source(%dma_start3A_130 : memref<128xi32, #tpu.memory_space<hbm>>) target(%arg9 : memref<128xi32, #tpu.memory_space<vmem>>) target_semaphore(%arg21 : memref<!tpu.dma_semaphore, #tpu.memory_space<semaphore_mem>>)
          %dma_start3A_131 = tpu.memref_slice %arg3[%mul3A_128] : memref<320000xi32, #tpu.memory_space<hbm>> -> memref<128xi32, #tpu.memory_space<hbm>>
          %dma_start3A_132 = tpu.memref_slice %arg3[%mul3A_128] : memref<320000xi32, #tpu.memory_space<hbm>> -> memref<128xi32, #tpu.memory_space<hbm>>
          tpu.enqueue_dma source(%dma_start3A_132 : memref<128xi32, #tpu.memory_space<hbm>>) target(%arg12 : memref<128xi32, #tpu.memory_space<vmem>>) target_semaphore(%arg21 : memref<!tpu.dma_semaphore, #tpu.memory_space<semaphore_mem>>)
        } else {
        }
        %lt3A_122 = arith.constant 2500 : i32
        %lt3A_123 = arith.cmpi slt, %add3A_109, %lt3A_122 : i32
        %convert_element_type3A_124 = arith.extui %lt3A_123 : i1 to i32
        %cond3A_125 = arith.constant 0 : i32
        %cond3A_126 = arith.cmpi ne, %convert_element_type3A_124, %cond3A_125 : i32
        scf.if %cond3A_126 {
          %mul3A_127 = arith.constant 128 : i32
          %mul3A_128 = arith.muli %add3A_109, %mul3A_127 : i32
          %dma_wait3A = tpu.memref_slice %arg2[%mul3A_128] : memref<320000xi32, #tpu.memory_space<hbm>> -> memref<128xi32, #tpu.memory_space<hbm>>
          %dma_wait3A_129 = tpu.memref_slice %arg2[%mul3A_128] : memref<320000xi32, #tpu.memory_space<hbm>> -> memref<128xi32, #tpu.memory_space<hbm>>
          tpu.wait_dma2 semaphore(%arg20 : memref<!tpu.dma_semaphore, #tpu.memory_space<semaphore_mem>>) src(%dma_wait3A_129 : memref<128xi32, #tpu.memory_space<hbm>>) dst(%arg8 : memref<128xi32, #tpu.memory_space<vmem>>)
          %dma_wait3A_130 = tpu.memref_slice %arg3[%mul3A_128] : memref<320000xi32, #tpu.memory_space<hbm>> -> memref<128xi32, #tpu.memory_space<hbm>>
          %dma_wait3A_131 = tpu.memref_slice %arg3[%mul3A_128] : memref<320000xi32, #tpu.memory_space<hbm>> -> memref<128xi32, #tpu.memory_space<hbm>>
          tpu.wait_dma2 semaphore(%arg20 : memref<!tpu.dma_semaphore, #tpu.memory_space<semaphore_mem>>) src(%dma_wait3A_131 : memref<128xi32, #tpu.memory_space<hbm>>) dst(%arg11 : memref<128xi32, #tpu.memory_space<vmem>>)
          %dma_start3A_132 = arith.constant 0 : i32
          %dma_start3A_133 = arith.constant 0 : i32
          %dma_start3A_134 = tpu.memref_slice %arg5[%dma_start3A_132, %dma_start3A_133] : memref<10000x128xf32, #tpu.memory_space<hbm>> -> memref<10000x128xf32, #tpu.memory_space<hbm>>
          tpu.enqueue_indirect_dma source(%dma_start3A_134 : memref<10000x128xf32, #tpu.memory_space<hbm>>) target(%arg14 : memref<128x128xf32, #tpu.memory_space<vmem>>) offsets(%arg8 : memref<128xi32, #tpu.memory_space<vmem>>) semaphore(%arg17 : memref<!tpu.dma_semaphore, #tpu.memory_space<semaphore_mem>>)
        } else {
        }
      }
      %scan3A_49 = arith.constant 53 : i32
    } else {
    }
    %barrier3A_16 = arith.constant 0 : index
    tpu.barrier barrier_id(%barrier3A_16)
    %mul3A = arith.constant 640 : i32
    %mul3A_17 = arith.muli %arg1, %mul3A : i32
    %lt3A = arith.constant 15 : i32
    %lt3A_18 = arith.cmpi slt, %arg1, %lt3A : i32
    %convert_element_type3A_19 = arith.extui %lt3A_18 : i1 to i32
    %cond3A_20 = arith.constant 0 : i32
    %cond3A_21 = arith.cmpi ne, %convert_element_type3A_19, %cond3A_20 : i32
    scf.if %cond3A_21 {
      "tpu.region"() ({
        %run_scoped3A = tpu.sem_alloc : memref<!tpu.dma_semaphore, #tpu.memory_space<semaphore_mem>>
        %dma_start3A = arith.constant 0 : i32
        %dma_start3A_27 = tpu.memref_slice %arg6[%arg0, %mul3A_17, %dma_start3A] : memref<2x10000x128xf32, #tpu.memory_space<hbm>> -> memref<1x640x128xf32, #tpu.memory_space<hbm>>
        %dma_start3A_28 = tpu.memref_squeeze %dma_start3A_27 : memref<1x640x128xf32, #tpu.memory_space<hbm>> -> memref<640x128xf32, #tpu.memory_space<hbm>>
        %dma_start3A_29 = arith.constant 0 : i32
        %dma_start3A_30 = tpu.memref_slice %arg22[%mul3A_17, %dma_start3A_29] : memref<10000x128xf32, #tpu.memory_space<vmem_shared>> -> memref<640x128xf32, #tpu.memory_space<vmem_shared>>
        tpu.enqueue_dma source(%dma_start3A_30 : memref<640x128xf32, #tpu.memory_space<vmem_shared>>) target(%dma_start3A_28 : memref<640x128xf32, #tpu.memory_space<hbm>>) target_semaphore(%run_scoped3A : memref<!tpu.dma_semaphore, #tpu.memory_space<semaphore_mem>>)
        %dma_wait3A = arith.constant 0 : i32
        %dma_wait3A_31 = tpu.memref_slice %arg6[%arg0, %mul3A_17, %dma_wait3A] : memref<2x10000x128xf32, #tpu.memory_space<hbm>> -> memref<1x640x128xf32, #tpu.memory_space<hbm>>
        %dma_wait3A_32 = tpu.memref_squeeze %dma_wait3A_31 : memref<1x640x128xf32, #tpu.memory_space<hbm>> -> memref<640x128xf32, #tpu.memory_space<hbm>>
        %dma_wait3A_33 = arith.constant 0 : i32
        %dma_wait3A_34 = tpu.memref_slice %arg22[%mul3A_17, %dma_wait3A_33] : memref<10000x128xf32, #tpu.memory_space<vmem_shared>> -> memref<640x128xf32, #tpu.memory_space<vmem_shared>>
        tpu.wait_dma2 semaphore(%run_scoped3A : memref<!tpu.dma_semaphore, #tpu.memory_space<semaphore_mem>>) src(%dma_wait3A_34 : memref<640x128xf32, #tpu.memory_space<vmem_shared>>) dst(%dma_wait3A_32 : memref<640x128xf32, #tpu.memory_space<hbm>>)
        tpu.yield
      }) : () -> ()
    } else {
    }
    %eq3A_22 = arith.constant 15 : i32
    %eq3A_23 = arith.cmpi eq, %arg1, %eq3A_22 : i32
    %convert_element_type3A_24 = arith.extui %eq3A_23 : i1 to i32
    %cond3A_25 = arith.constant 0 : i32
    %cond3A_26 = arith.cmpi ne, %convert_element_type3A_24, %cond3A_25 : i32
    scf.if %cond3A_26 {
      "tpu.region"() ({
        %run_scoped3A = tpu.sem_alloc : memref<!tpu.dma_semaphore, #tpu.memory_space<semaphore_mem>>
        %dma_start3A = arith.constant 0 : i32
        %dma_start3A_27 = tpu.memref_slice %arg6[%arg0, %mul3A_17, %dma_start3A] : memref<2x10000x128xf32, #tpu.memory_space<hbm>> -> memref<1x400x128xf32, #tpu.memory_space<hbm>>
        %dma_start3A_28 = tpu.memref_squeeze %dma_start3A_27 : memref<1x400x128xf32, #tpu.memory_space<hbm>> -> memref<400x128xf32, #tpu.memory_space<hbm>>
        %dma_start3A_29 = arith.constant 0 : i32
        %dma_start3A_30 = tpu.memref_slice %arg22[%mul3A_17, %dma_start3A_29] : memref<10000x128xf32, #tpu.memory_space<vmem_shared>> -> memref<400x128xf32, #tpu.memory_space<vmem_shared>>
        tpu.enqueue_dma source(%dma_start3A_30 : memref<400x128xf32, #tpu.memory_space<vmem_shared>>) target(%dma_start3A_28 : memref<400x128xf32, #tpu.memory_space<hbm>>) target_semaphore(%run_scoped3A : memref<!tpu.dma_semaphore, #tpu.memory_space<semaphore_mem>>)
        %dma_wait3A = arith.constant 0 : i32
        %dma_wait3A_31 = tpu.memref_slice %arg6[%arg0, %mul3A_17, %dma_wait3A] : memref<2x10000x128xf32, #tpu.memory_space<hbm>> -> memref<1x400x128xf32, #tpu.memory_space<hbm>>
        %dma_wait3A_32 = tpu.memref_squeeze %dma_wait3A_31 : memref<1x400x128xf32, #tpu.memory_space<hbm>> -> memref<400x128xf32, #tpu.memory_space<hbm>>
        %dma_wait3A_33 = arith.constant 0 : i32
        %dma_wait3A_34 = tpu.memref_slice %arg22[%mul3A_17, %dma_wait3A_33] : memref<10000x128xf32, #tpu.memory_space<vmem_shared>> -> memref<400x128xf32, #tpu.memory_space<vmem_shared>>
        tpu.wait_dma2 semaphore(%run_scoped3A : memref<!tpu.dma_semaphore, #tpu.memory_space<semaphore_mem>>) src(%dma_wait3A_34 : memref<400x128xf32, #tpu.memory_space<vmem_shared>>) dst(%dma_wait3A_32 : memref<400x128xf32, #tpu.memory_space<hbm>>)
        tpu.yield
      }) : () -> ()
    } else {
    }
    return
  }
}

#map = affine_map<(d0, d1) -> (0)>
#map1 = affine_map<(d0, d1) -> (0, 0, 0)>
module attributes {stable_mosaic.version = 14 : i64} {
  func.func @_sc_deg_body(%arg0: i32, %arg1: i32, %arg2: memref<320000xi32, #tpu.memory_space<hbm>>, %arg3: memref<320000xi32, #tpu.memory_space<hbm>>, %arg4: memref<2x10000x128xf32, #tpu.memory_space<hbm>>, %arg5: memref<128xi32, #tpu.memory_space<vmem>>, %arg6: memref<128xi32, #tpu.memory_space<vmem>>, %arg7: memref<128xi32, #tpu.memory_space<vmem>>, %arg8: memref<128x128xf32, #tpu.memory_space<vmem>>, %arg9: memref<125x128xf32, #tpu.memory_space<vmem>>, %arg10: memref<!tpu.dma_semaphore, #tpu.memory_space<semaphore_mem>>, %arg11: memref<!tpu.dma_semaphore, #tpu.memory_space<semaphore_mem>>, %arg12: memref<!tpu.dma_semaphore, #tpu.memory_space<semaphore_mem>>, %arg13: memref<!tpu.dma_semaphore, #tpu.memory_space<semaphore_mem>>, %arg14: memref<!tpu.dma_semaphore, #tpu.memory_space<semaphore_mem>>, %arg15: memref<!tpu.dma_semaphore, #tpu.memory_space<semaphore_mem>>, %arg16: memref<10000x128xf32, #tpu.memory_space<vmem_shared>>) attributes {dimension_semantics = [#tpu.dimension_semantics<core_parallel>, #tpu.dimension_semantics<subcore_parallel>], iteration_bounds = array<i64: 2, 16>, scalar_prefetch = 0 : i64, scratch_operands = 12 : i64, tpu.core_type = #tpu.core_type<sc_vector_subcore>, window_params = [{transform_indices = #map}, {transform_indices = #map}, {transform_indices = #map1}]} {
    %scan3A = arith.constant 0 : i32
    %scan3A_0 = arith.constant 128 : i32
    %scan3A_1 = arith.addi %scan3A, %scan3A_0 : i32
    %scan3A_2 = arith.constant 1 : i32
    scf.for %scan3A_32 = %scan3A to %scan3A_1 step %scan3A_2  : i32 {
      %mul3A_33 = arith.constant 1 : i32
      %mul3A_34 = arith.muli %scan3A_32, %mul3A_33 : i32
      %add3A = arith.constant 0 : i32
      %add3A_35 = arith.addi %add3A, %mul3A_34 : i32
      %scan3A_36 = arith.constant 0 : i32
      %scan3A_37 = arith.constant 8 : i32
      %scan3A_38 = arith.addi %scan3A_36, %scan3A_37 : i32
      %scan3A_39 = arith.constant 1 : i32
      scf.for %scan3A_41 = %scan3A_36 to %scan3A_38 step %scan3A_39  : i32 {
        %mul3A_42 = arith.constant 1 : i32
        %mul3A_43 = arith.muli %scan3A_41, %mul3A_42 : i32
        %add3A_44 = arith.constant 0 : i32
        %add3A_45 = arith.addi %add3A_44, %mul3A_43 : i32
        %broadcast_in_dim3A = arith.constant 1.000000e+00 : f32
        %broadcast_in_dim3A_46 = vector.broadcast %broadcast_in_dim3A : f32 to vector<16xf32>
        %mul3A_47 = arith.constant 16 : i32
        %mul3A_48 = arith.muli %add3A_45, %mul3A_47 : i32
        %swap3A = arith.index_cast %add3A_35 : i32 to index
        %swap3A_49 = arith.index_cast %mul3A_48 : i32 to index
        %swap3A_50 = tpu.vector_load %arg8[%swap3A, %swap3A_49] {strides = array<i32>} : memref<128x128xf32, #tpu.memory_space<vmem>>, vector<1x16xf32>,
        %swap3A_51 = vector.shape_cast %swap3A_50 : vector<1x16xf32> to vector<16xf32>
        %swap3A_52 = vector.shape_cast %broadcast_in_dim3A_46 : vector<16xf32> to vector<1x16xf32>
        tpu.vector_store %arg8[%swap3A, %swap3A_49], %swap3A_52 {strides = array<i32>} : memref<128x128xf32, #tpu.memory_space<vmem>>, vector<1x16xf32>,
      }
      %scan3A_40 = arith.constant 8 : i32
    }
    %scan3A_3 = arith.constant 128 : i32
    %scan3A_4 = arith.constant 0 : i32
    %scan3A_5 = arith.constant 125 : i32
    %scan3A_6 = arith.addi %scan3A_4, %scan3A_5 : i32
    %scan3A_7 = arith.constant 1 : i32
    scf.for %scan3A_32 = %scan3A_4 to %scan3A_6 step %scan3A_7  : i32 {
      %mul3A_33 = arith.constant 1 : i32
      %mul3A_34 = arith.muli %scan3A_32, %mul3A_33 : i32
      %add3A = arith.constant 0 : i32
      %add3A_35 = arith.addi %add3A, %mul3A_34 : i32
      %scan3A_36 = arith.constant 0 : i32
      %scan3A_37 = arith.constant 8 : i32
      %scan3A_38 = arith.addi %scan3A_36, %scan3A_37 : i32
      %scan3A_39 = arith.constant 1 : i32
      scf.for %scan3A_41 = %scan3A_36 to %scan3A_38 step %scan3A_39  : i32 {
        %mul3A_42 = arith.constant 1 : i32
        %mul3A_43 = arith.muli %scan3A_41, %mul3A_42 : i32
        %add3A_44 = arith.constant 0 : i32
        %add3A_45 = arith.addi %add3A_44, %mul3A_43 : i32
        %broadcast_in_dim3A = arith.constant 0.000000e+00 : f32
        %broadcast_in_dim3A_46 = vector.broadcast %broadcast_in_dim3A : f32 to vector<16xf32>
        %mul3A_47 = arith.constant 16 : i32
        %mul3A_48 = arith.muli %add3A_45, %mul3A_47 : i32
        %swap3A = arith.index_cast %add3A_35 : i32 to index
        %swap3A_49 = arith.index_cast %mul3A_48 : i32 to index
        %swap3A_50 = tpu.vector_load %arg9[%swap3A, %swap3A_49] {strides = array<i32>} : memref<125x128xf32, #tpu.memory_space<vmem>>, vector<1x16xf32>,
        %swap3A_51 = vector.shape_cast %swap3A_50 : vector<1x16xf32> to vector<16xf32>
        %swap3A_52 = vector.shape_cast %broadcast_in_dim3A_46 : vector<16xf32> to vector<1x16xf32>
        tpu.vector_store %arg9[%swap3A, %swap3A_49], %swap3A_52 {strides = array<i32>} : memref<125x128xf32, #tpu.memory_space<vmem>>, vector<1x16xf32>,
      }
      %scan3A_40 = arith.constant 8 : i32
    }
    %scan3A_8 = arith.constant 125 : i32
    %scan3A_9 = arith.constant 0 : i32
    %scan3A_10 = arith.constant 80 : i32
    %scan3A_11 = arith.addi %scan3A_9, %scan3A_10 : i32
    %scan3A_12 = arith.constant 1 : i32
    scf.for %scan3A_32 = %scan3A_9 to %scan3A_11 step %scan3A_12  : i32 {
      %mul3A_33 = arith.constant 1 : i32
      %mul3A_34 = arith.muli %scan3A_32, %mul3A_33 : i32
      %add3A = arith.constant 0 : i32
      %add3A_35 = arith.addi %add3A, %mul3A_34 : i32
      %rem3A = arith.constant 16 : i32
      %rem3A_36 = arith.remsi %add3A_35, %rem3A : i32
      %eq3A_37 = arith.cmpi eq, %rem3A_36, %arg1 : i32
      %convert_element_type3A_38 = arith.extui %eq3A_37 : i1 to i32
      %cond3A_39 = arith.constant 0 : i32
      %cond3A_40 = arith.cmpi ne, %convert_element_type3A_38, %cond3A_39 : i32
      scf.if %cond3A_40 {
        %mul3A_41 = arith.constant 125 : i32
        %mul3A_42 = arith.muli %add3A_35, %mul3A_41 : i32
        "tpu.region"() ({
          %run_scoped3A = tpu.sem_alloc : memref<!tpu.dma_semaphore, #tpu.memory_space<semaphore_mem>>
          %dma_start3A = arith.constant 0 : i32
          %dma_start3A_43 = tpu.memref_slice %arg16[%mul3A_42, %dma_start3A] : memref<10000x128xf32, #tpu.memory_space<vmem_shared>> -> memref<125x128xf32, #tpu.memory_space<vmem_shared>>
          %dma_start3A_44 = arith.constant 0 : i32
          %dma_start3A_45 = tpu.memref_slice %arg16[%mul3A_42, %dma_start3A_44] : memref<10000x128xf32, #tpu.memory_space<vmem_shared>> -> memref<125x128xf32, #tpu.memory_space<vmem_shared>>
          tpu.enqueue_dma source(%arg9 : memref<125x128xf32, #tpu.memory_space<vmem>>) target(%dma_start3A_45 : memref<125x128xf32, #tpu.memory_space<vmem_shared>>) target_semaphore(%run_scoped3A : memref<!tpu.dma_semaphore, #tpu.memory_space<semaphore_mem>>)
          %dma_wait3A = arith.constant 0 : i32
          %dma_wait3A_46 = tpu.memref_slice %arg16[%mul3A_42, %dma_wait3A] : memref<10000x128xf32, #tpu.memory_space<vmem_shared>> -> memref<125x128xf32, #tpu.memory_space<vmem_shared>>
          %dma_wait3A_47 = arith.constant 0 : i32
          %dma_wait3A_48 = tpu.memref_slice %arg16[%mul3A_42, %dma_wait3A_47] : memref<10000x128xf32, #tpu.memory_space<vmem_shared>> -> memref<125x128xf32, #tpu.memory_space<vmem_shared>>
          tpu.wait_dma2 semaphore(%run_scoped3A : memref<!tpu.dma_semaphore, #tpu.memory_space<semaphore_mem>>) src(%arg9 : memref<125x128xf32, #tpu.memory_space<vmem>>) dst(%dma_wait3A_48 : memref<125x128xf32, #tpu.memory_space<vmem_shared>>)
          tpu.yield
        }) : () -> ()
      } else {
      }
    }
    %scan3A_13 = arith.constant 80 : i32
    %barrier3A = arith.constant 0 : index
    tpu.barrier barrier_id(%barrier3A)
    %eq3A = arith.constant 0 : i32
    %eq3A_14 = arith.cmpi eq, %arg0, %eq3A : i32
    %convert_element_type3A = arith.extui %eq3A_14 : i1 to i32
    %cond3A = arith.constant 0 : i32
    %cond3A_15 = arith.cmpi ne, %convert_element_type3A, %cond3A : i32
    scf.if %cond3A_15 {
      %mul3A_32 = arith.constant 128 : i32
      %mul3A_33 = arith.muli %arg1, %mul3A_32 : i32
      %dma_start3A = tpu.memref_slice %arg2[%mul3A_33] : memref<320000xi32, #tpu.memory_space<hbm>> -> memref<128xi32, #tpu.memory_space<hbm>>
      %dma_start3A_34 = tpu.memref_slice %arg2[%mul3A_33] : memref<320000xi32, #tpu.memory_space<hbm>> -> memref<128xi32, #tpu.memory_space<hbm>>
      tpu.enqueue_dma source(%dma_start3A_34 : memref<128xi32, #tpu.memory_space<hbm>>) target(%arg5 : memref<128xi32, #tpu.memory_space<vmem>>) target_semaphore(%arg10 : memref<!tpu.dma_semaphore, #tpu.memory_space<semaphore_mem>>)
      %add3A = arith.constant 16 : i32
      %add3A_35 = arith.addi %arg1, %add3A : i32
      %mul3A_36 = arith.constant 128 : i32
      %mul3A_37 = arith.muli %add3A_35, %mul3A_36 : i32
      %dma_start3A_38 = tpu.memref_slice %arg2[%mul3A_37] : memref<320000xi32, #tpu.memory_space<hbm>> -> memref<128xi32, #tpu.memory_space<hbm>>
      %dma_start3A_39 = tpu.memref_slice %arg2[%mul3A_37] : memref<320000xi32, #tpu.memory_space<hbm>> -> memref<128xi32, #tpu.memory_space<hbm>>
      tpu.enqueue_dma source(%dma_start3A_39 : memref<128xi32, #tpu.memory_space<hbm>>) target(%arg6 : memref<128xi32, #tpu.memory_space<vmem>>) target_semaphore(%arg11 : memref<!tpu.dma_semaphore, #tpu.memory_space<semaphore_mem>>)
      %add3A_40 = arith.constant 32 : i32
      %add3A_41 = arith.addi %arg1, %add3A_40 : i32
      %mul3A_42 = arith.constant 128 : i32
      %mul3A_43 = arith.muli %add3A_41, %mul3A_42 : i32
      %dma_start3A_44 = tpu.memref_slice %arg2[%mul3A_43] : memref<320000xi32, #tpu.memory_space<hbm>> -> memref<128xi32, #tpu.memory_space<hbm>>
      %dma_start3A_45 = tpu.memref_slice %arg2[%mul3A_43] : memref<320000xi32, #tpu.memory_space<hbm>> -> memref<128xi32, #tpu.memory_space<hbm>>
      tpu.enqueue_dma source(%dma_start3A_45 : memref<128xi32, #tpu.memory_space<hbm>>) target(%arg7 : memref<128xi32, #tpu.memory_space<vmem>>) target_semaphore(%arg12 : memref<!tpu.dma_semaphore, #tpu.memory_space<semaphore_mem>>)
      %scan3A_46 = arith.constant 0 : i32
      %scan3A_47 = arith.constant 54 : i32
      %scan3A_48 = arith.addi %scan3A_46, %scan3A_47 : i32
      %scan3A_49 = arith.constant 1 : i32
      scf.for %scan3A_51 = %scan3A_46 to %scan3A_48 step %scan3A_49  : i32 {
        %mul3A_52 = arith.constant 3 : i32
        %mul3A_53 = arith.muli %scan3A_51, %mul3A_52 : i32
        %add3A_54 = arith.constant 0 : i32
        %add3A_55 = arith.addi %add3A_54, %mul3A_53 : i32
        %add3A_56 = arith.constant 0 : i32
        %add3A_57 = arith.addi %add3A_55, %add3A_56 : i32
        %mul3A_58 = arith.constant 16 : i32
        %mul3A_59 = arith.muli %add3A_57, %mul3A_58 : i32
        %add3A_60 = arith.addi %arg1, %mul3A_59 : i32
        %add3A_61 = arith.constant 32 : i32
        %add3A_62 = arith.addi %add3A_60, %add3A_61 : i32
        %lt3A_63 = arith.constant 2500 : i32
        %lt3A_64 = arith.cmpi slt, %add3A_60, %lt3A_63 : i32
        %convert_element_type3A_65 = arith.extui %lt3A_64 : i1 to i32
        %cond3A_66 = arith.constant 0 : i32
        %cond3A_67 = arith.cmpi ne, %convert_element_type3A_65, %cond3A_66 : i32
        scf.if %cond3A_67 {
          %mul3A_134 = arith.constant 128 : i32
          %mul3A_135 = arith.muli %add3A_60, %mul3A_134 : i32
          %dma_wait3A = tpu.memref_slice %arg2[%mul3A_135] : memref<320000xi32, #tpu.memory_space<hbm>> -> memref<128xi32, #tpu.memory_space<hbm>>
          %dma_wait3A_136 = tpu.memref_slice %arg2[%mul3A_135] : memref<320000xi32, #tpu.memory_space<hbm>> -> memref<128xi32, #tpu.memory_space<hbm>>
          tpu.wait_dma2 semaphore(%arg10 : memref<!tpu.dma_semaphore, #tpu.memory_space<semaphore_mem>>) src(%dma_wait3A_136 : memref<128xi32, #tpu.memory_space<hbm>>) dst(%arg5 : memref<128xi32, #tpu.memory_space<vmem>>)
          %dma_start3A_137 = arith.constant 0 : i32
          %dma_start3A_138 = arith.constant 0 : i32
          %dma_start3A_139 = tpu.memref_slice %arg16[%dma_start3A_137, %dma_start3A_138] : memref<10000x128xf32, #tpu.memory_space<vmem_shared>> -> memref<10000x128xf32, #tpu.memory_space<vmem_shared>>
          tpu.enqueue_indirect_dma source(%arg8 : memref<128x128xf32, #tpu.memory_space<vmem>>) target(%dma_start3A_139 : memref<10000x128xf32, #tpu.memory_space<vmem_shared>>) offsets(%arg5 : memref<128xi32, #tpu.memory_space<vmem>>) semaphore(%arg13 : memref<!tpu.dma_semaphore, #tpu.memory_space<semaphore_mem>>) {add = true}
        } else {
        }
        %ge3A = arith.constant 1 : i32
        %ge3A_68 = arith.cmpi sge, %add3A_57, %ge3A : i32
        %sub3A = arith.constant 16 : i32
        %sub3A_69 = arith.subi %add3A_60, %sub3A : i32
        %lt3A_70 = arith.constant 2500 : i32
        %lt3A_71 = arith.cmpi slt, %sub3A_69, %lt3A_70 : i32
        %and3A = arith.andi %ge3A_68, %lt3A_71 : i1
        %convert_element_type3A_72 = arith.extui %and3A : i1 to i32
        %cond3A_73 = arith.constant 0 : i32
        %cond3A_74 = arith.cmpi ne, %convert_element_type3A_72, %cond3A_73 : i32
        scf.if %cond3A_74 {
          %dma_wait3A = arith.constant 0 : i32
          %dma_wait3A_134 = arith.constant 0 : i32
          %dma_wait3A_135 = tpu.memref_slice %arg16[%dma_wait3A, %dma_wait3A_134] : memref<10000x128xf32, #tpu.memory_space<vmem_shared>> -> memref<10000x128xf32, #tpu.memory_space<vmem_shared>>
          tpu.wait_indirect_dma semaphore(%arg15 : memref<!tpu.dma_semaphore, #tpu.memory_space<semaphore_mem>>) src(%arg8 : memref<128x128xf32, #tpu.memory_space<vmem>>) dst(%dma_wait3A_135 : memref<10000x128xf32, #tpu.memory_space<vmem_shared>>)
        } else {
        }
        %lt3A_75 = arith.constant 2500 : i32
        %lt3A_76 = arith.cmpi slt, %add3A_62, %lt3A_75 : i32
        %convert_element_type3A_77 = arith.extui %lt3A_76 : i1 to i32
        %cond3A_78 = arith.constant 0 : i32
        %cond3A_79 = arith.cmpi ne, %convert_element_type3A_77, %cond3A_78 : i32
        scf.if %cond3A_79 {
          %mul3A_134 = arith.constant 128 : i32
          %mul3A_135 = arith.muli %add3A_62, %mul3A_134 : i32
          %dma_start3A_136 = tpu.memref_slice %arg2[%mul3A_135] : memref<320000xi32, #tpu.memory_space<hbm>> -> memref<128xi32, #tpu.memory_space<hbm>>
          %dma_start3A_137 = tpu.memref_slice %arg2[%mul3A_135] : memref<320000xi32, #tpu.memory_space<hbm>> -> memref<128xi32, #tpu.memory_space<hbm>>
          tpu.enqueue_dma source(%dma_start3A_137 : memref<128xi32, #tpu.memory_space<hbm>>) target(%arg7 : memref<128xi32, #tpu.memory_space<vmem>>) target_semaphore(%arg12 : memref<!tpu.dma_semaphore, #tpu.memory_space<semaphore_mem>>)
        } else {
        }
        %add3A_80 = arith.constant 1 : i32
        %add3A_81 = arith.addi %add3A_55, %add3A_80 : i32
        %mul3A_82 = arith.constant 16 : i32
        %mul3A_83 = arith.muli %add3A_81, %mul3A_82 : i32
        %add3A_84 = arith.addi %arg1, %mul3A_83 : i32
        %add3A_85 = arith.constant 32 : i32
        %add3A_86 = arith.addi %add3A_84, %add3A_85 : i32
        %lt3A_87 = arith.constant 2500 : i32
        %lt3A_88 = arith.cmpi slt, %add3A_84, %lt3A_87 : i32
        %convert_element_type3A_89 = arith.extui %lt3A_88 : i1 to i32
        %cond3A_90 = arith.constant 0 : i32
        %cond3A_91 = arith.cmpi ne, %convert_element_type3A_89, %cond3A_90 : i32
        scf.if %cond3A_91 {
          %mul3A_134 = arith.constant 128 : i32
          %mul3A_135 = arith.muli %add3A_84, %mul3A_134 : i32
          %dma_wait3A = tpu.memref_slice %arg2[%mul3A_135] : memref<320000xi32, #tpu.memory_space<hbm>> -> memref<128xi32, #tpu.memory_space<hbm>>
          %dma_wait3A_136 = tpu.memref_slice %arg2[%mul3A_135] : memref<320000xi32, #tpu.memory_space<hbm>> -> memref<128xi32, #tpu.memory_space<hbm>>
          tpu.wait_dma2 semaphore(%arg11 : memref<!tpu.dma_semaphore, #tpu.memory_space<semaphore_mem>>) src(%dma_wait3A_136 : memref<128xi32, #tpu.memory_space<hbm>>) dst(%arg6 : memref<128xi32, #tpu.memory_space<vmem>>)
          %dma_start3A_137 = arith.constant 0 : i32
          %dma_start3A_138 = arith.constant 0 : i32
          %dma_start3A_139 = tpu.memref_slice %arg16[%dma_start3A_137, %dma_start3A_138] : memref<10000x128xf32, #tpu.memory_space<vmem_shared>> -> memref<10000x128xf32, #tpu.memory_space<vmem_shared>>
          tpu.enqueue_indirect_dma source(%arg8 : memref<128x128xf32, #tpu.memory_space<vmem>>) target(%dma_start3A_139 : memref<10000x128xf32, #tpu.memory_space<vmem_shared>>) offsets(%arg6 : memref<128xi32, #tpu.memory_space<vmem>>) semaphore(%arg14 : memref<!tpu.dma_semaphore, #tpu.memory_space<semaphore_mem>>) {add = true}
        } else {
        }
        %ge3A_92 = arith.constant 1 : i32
        %ge3A_93 = arith.cmpi sge, %add3A_81, %ge3A_92 : i32
        %sub3A_94 = arith.constant 16 : i32
        %sub3A_95 = arith.subi %add3A_84, %sub3A_94 : i32
        %lt3A_96 = arith.constant 2500 : i32
        %lt3A_97 = arith.cmpi slt, %sub3A_95, %lt3A_96 : i32
        %and3A_98 = arith.andi %ge3A_93, %lt3A_97 : i1
        %convert_element_type3A_99 = arith.extui %and3A_98 : i1 to i32
        %cond3A_100 = arith.constant 0 : i32
        %cond3A_101 = arith.cmpi ne, %convert_element_type3A_99, %cond3A_100 : i32
        scf.if %cond3A_101 {
          %dma_wait3A = arith.constant 0 : i32
          %dma_wait3A_134 = arith.constant 0 : i32
          %dma_wait3A_135 = tpu.memref_slice %arg16[%dma_wait3A, %dma_wait3A_134] : memref<10000x128xf32, #tpu.memory_space<vmem_shared>> -> memref<10000x128xf32, #tpu.memory_space<vmem_shared>>
          tpu.wait_indirect_dma semaphore(%arg13 : memref<!tpu.dma_semaphore, #tpu.memory_space<semaphore_mem>>) src(%arg8 : memref<128x128xf32, #tpu.memory_space<vmem>>) dst(%dma_wait3A_135 : memref<10000x128xf32, #tpu.memory_space<vmem_shared>>)
        } else {
        }
        %lt3A_102 = arith.constant 2500 : i32
        %lt3A_103 = arith.cmpi slt, %add3A_86, %lt3A_102 : i32
        %convert_element_type3A_104 = arith.extui %lt3A_103 : i1 to i32
        %cond3A_105 = arith.constant 0 : i32
        %cond3A_106 = arith.cmpi ne, %convert_element_type3A_104, %cond3A_105 : i32
        scf.if %cond3A_106 {
          %mul3A_134 = arith.constant 128 : i32
          %mul3A_135 = arith.muli %add3A_86, %mul3A_134 : i32
          %dma_start3A_136 = tpu.memref_slice %arg2[%mul3A_135] : memref<320000xi32, #tpu.memory_space<hbm>> -> memref<128xi32, #tpu.memory_space<hbm>>
          %dma_start3A_137 = tpu.memref_slice %arg2[%mul3A_135] : memref<320000xi32, #tpu.memory_space<hbm>> -> memref<128xi32, #tpu.memory_space<hbm>>
          tpu.enqueue_dma source(%dma_start3A_137 : memref<128xi32, #tpu.memory_space<hbm>>) target(%arg5 : memref<128xi32, #tpu.memory_space<vmem>>) target_semaphore(%arg10 : memref<!tpu.dma_semaphore, #tpu.memory_space<semaphore_mem>>)
        } else {
        }
        %add3A_107 = arith.constant 2 : i32
        %add3A_108 = arith.addi %add3A_55, %add3A_107 : i32
        %mul3A_109 = arith.constant 16 : i32
        %mul3A_110 = arith.muli %add3A_108, %mul3A_109 : i32
        %add3A_111 = arith.addi %arg1, %mul3A_110 : i32
        %add3A_112 = arith.constant 32 : i32
        %add3A_113 = arith.addi %add3A_111, %add3A_112 : i32
        %lt3A_114 = arith.constant 2500 : i32
        %lt3A_115 = arith.cmpi slt, %add3A_111, %lt3A_114 : i32
        %convert_element_type3A_116 = arith.extui %lt3A_115 : i1 to i32
        %cond3A_117 = arith.constant 0 : i32
        %cond3A_118 = arith.cmpi ne, %convert_element_type3A_116, %cond3A_117 : i32
        scf.if %cond3A_118 {
          %mul3A_134 = arith.constant 128 : i32
          %mul3A_135 = arith.muli %add3A_111, %mul3A_134 : i32
          %dma_wait3A = tpu.memref_slice %arg2[%mul3A_135] : memref<320000xi32, #tpu.memory_space<hbm>> -> memref<128xi32, #tpu.memory_space<hbm>>
          %dma_wait3A_136 = tpu.memref_slice %arg2[%mul3A_135] : memref<320000xi32, #tpu.memory_space<hbm>> -> memref<128xi32, #tpu.memory_space<hbm>>
          tpu.wait_dma2 semaphore(%arg12 : memref<!tpu.dma_semaphore, #tpu.memory_space<semaphore_mem>>) src(%dma_wait3A_136 : memref<128xi32, #tpu.memory_space<hbm>>) dst(%arg7 : memref<128xi32, #tpu.memory_space<vmem>>)
          %dma_start3A_137 = arith.constant 0 : i32
          %dma_start3A_138 = arith.constant 0 : i32
          %dma_start3A_139 = tpu.memref_slice %arg16[%dma_start3A_137, %dma_start3A_138] : memref<10000x128xf32, #tpu.memory_space<vmem_shared>> -> memref<10000x128xf32, #tpu.memory_space<vmem_shared>>
          tpu.enqueue_indirect_dma source(%arg8 : memref<128x128xf32, #tpu.memory_space<vmem>>) target(%dma_start3A_139 : memref<10000x128xf32, #tpu.memory_space<vmem_shared>>) offsets(%arg7 : memref<128xi32, #tpu.memory_space<vmem>>) semaphore(%arg15 : memref<!tpu.dma_semaphore, #tpu.memory_space<semaphore_mem>>) {add = true}
        } else {
        }
        %ge3A_119 = arith.constant 1 : i32
        %ge3A_120 = arith.cmpi sge, %add3A_108, %ge3A_119 : i32
        %sub3A_121 = arith.constant 16 : i32
        %sub3A_122 = arith.subi %add3A_111, %sub3A_121 : i32
        %lt3A_123 = arith.constant 2500 : i32
        %lt3A_124 = arith.cmpi slt, %sub3A_122, %lt3A_123 : i32
        %and3A_125 = arith.andi %ge3A_120, %lt3A_124 : i1
        %convert_element_type3A_126 = arith.extui %and3A_125 : i1 to i32
        %cond3A_127 = arith.constant 0 : i32
        %cond3A_128 = arith.cmpi ne, %convert_element_type3A_126, %cond3A_127 : i32
        scf.if %cond3A_128 {
          %dma_wait3A = arith.constant 0 : i32
          %dma_wait3A_134 = arith.constant 0 : i32
          %dma_wait3A_135 = tpu.memref_slice %arg16[%dma_wait3A, %dma_wait3A_134] : memref<10000x128xf32, #tpu.memory_space<vmem_shared>> -> memref<10000x128xf32, #tpu.memory_space<vmem_shared>>
          tpu.wait_indirect_dma semaphore(%arg14 : memref<!tpu.dma_semaphore, #tpu.memory_space<semaphore_mem>>) src(%arg8 : memref<128x128xf32, #tpu.memory_space<vmem>>) dst(%dma_wait3A_135 : memref<10000x128xf32, #tpu.memory_space<vmem_shared>>)
        } else {
        }
        %lt3A_129 = arith.constant 2500 : i32
        %lt3A_130 = arith.cmpi slt, %add3A_113, %lt3A_129 : i32
        %convert_element_type3A_131 = arith.extui %lt3A_130 : i1 to i32
        %cond3A_132 = arith.constant 0 : i32
        %cond3A_133 = arith.cmpi ne, %convert_element_type3A_131, %cond3A_132 : i32
        scf.if %cond3A_133 {
          %mul3A_134 = arith.constant 128 : i32
          %mul3A_135 = arith.muli %add3A_113, %mul3A_134 : i32
          %dma_start3A_136 = tpu.memref_slice %arg2[%mul3A_135] : memref<320000xi32, #tpu.memory_space<hbm>> -> memref<128xi32, #tpu.memory_space<hbm>>
          %dma_start3A_137 = tpu.memref_slice %arg2[%mul3A_135] : memref<320000xi32, #tpu.memory_space<hbm>> -> memref<128xi32, #tpu.memory_space<hbm>>
          tpu.enqueue_dma source(%dma_start3A_137 : memref<128xi32, #tpu.memory_space<hbm>>) target(%arg6 : memref<128xi32, #tpu.memory_space<vmem>>) target_semaphore(%arg11 : memref<!tpu.dma_semaphore, #tpu.memory_space<semaphore_mem>>)
        } else {
        }
      }
      %scan3A_50 = arith.constant 54 : i32
    } else {
    }
    %eq3A_16 = arith.constant 1 : i32
    %eq3A_17 = arith.cmpi eq, %arg0, %eq3A_16 : i32
    %convert_element_type3A_18 = arith.extui %eq3A_17 : i1 to i32
    %cond3A_19 = arith.constant 0 : i32
    %cond3A_20 = arith.cmpi ne, %convert_element_type3A_18, %cond3A_19 : i32
    scf.if %cond3A_20 {
      %mul3A_32 = arith.constant 128 : i32
      %mul3A_33 = arith.muli %arg1, %mul3A_32 : i32
      %dma_start3A = tpu.memref_slice %arg3[%mul3A_33] : memref<320000xi32, #tpu.memory_space<hbm>> -> memref<128xi32, #tpu.memory_space<hbm>>
      %dma_start3A_34 = tpu.memref_slice %arg3[%mul3A_33] : memref<320000xi32, #tpu.memory_space<hbm>> -> memref<128xi32, #tpu.memory_space<hbm>>
      tpu.enqueue_dma source(%dma_start3A_34 : memref<128xi32, #tpu.memory_space<hbm>>) target(%arg5 : memref<128xi32, #tpu.memory_space<vmem>>) target_semaphore(%arg10 : memref<!tpu.dma_semaphore, #tpu.memory_space<semaphore_mem>>)
      %add3A = arith.constant 16 : i32
      %add3A_35 = arith.addi %arg1, %add3A : i32
      %mul3A_36 = arith.constant 128 : i32
      %mul3A_37 = arith.muli %add3A_35, %mul3A_36 : i32
      %dma_start3A_38 = tpu.memref_slice %arg3[%mul3A_37] : memref<320000xi32, #tpu.memory_space<hbm>> -> memref<128xi32, #tpu.memory_space<hbm>>
      %dma_start3A_39 = tpu.memref_slice %arg3[%mul3A_37] : memref<320000xi32, #tpu.memory_space<hbm>> -> memref<128xi32, #tpu.memory_space<hbm>>
      tpu.enqueue_dma source(%dma_start3A_39 : memref<128xi32, #tpu.memory_space<hbm>>) target(%arg6 : memref<128xi32, #tpu.memory_space<vmem>>) target_semaphore(%arg11 : memref<!tpu.dma_semaphore, #tpu.memory_space<semaphore_mem>>)
      %add3A_40 = arith.constant 32 : i32
      %add3A_41 = arith.addi %arg1, %add3A_40 : i32
      %mul3A_42 = arith.constant 128 : i32
      %mul3A_43 = arith.muli %add3A_41, %mul3A_42 : i32
      %dma_start3A_44 = tpu.memref_slice %arg3[%mul3A_43] : memref<320000xi32, #tpu.memory_space<hbm>> -> memref<128xi32, #tpu.memory_space<hbm>>
      %dma_start3A_45 = tpu.memref_slice %arg3[%mul3A_43] : memref<320000xi32, #tpu.memory_space<hbm>> -> memref<128xi32, #tpu.memory_space<hbm>>
      tpu.enqueue_dma source(%dma_start3A_45 : memref<128xi32, #tpu.memory_space<hbm>>) target(%arg7 : memref<128xi32, #tpu.memory_space<vmem>>) target_semaphore(%arg12 : memref<!tpu.dma_semaphore, #tpu.memory_space<semaphore_mem>>)
      %scan3A_46 = arith.constant 0 : i32
      %scan3A_47 = arith.constant 54 : i32
      %scan3A_48 = arith.addi %scan3A_46, %scan3A_47 : i32
      %scan3A_49 = arith.constant 1 : i32
      scf.for %scan3A_51 = %scan3A_46 to %scan3A_48 step %scan3A_49  : i32 {
        %mul3A_52 = arith.constant 3 : i32
        %mul3A_53 = arith.muli %scan3A_51, %mul3A_52 : i32
        %add3A_54 = arith.constant 0 : i32
        %add3A_55 = arith.addi %add3A_54, %mul3A_53 : i32
        %add3A_56 = arith.constant 0 : i32
        %add3A_57 = arith.addi %add3A_55, %add3A_56 : i32
        %mul3A_58 = arith.constant 16 : i32
        %mul3A_59 = arith.muli %add3A_57, %mul3A_58 : i32
        %add3A_60 = arith.addi %arg1, %mul3A_59 : i32
        %add3A_61 = arith.constant 32 : i32
        %add3A_62 = arith.addi %add3A_60, %add3A_61 : i32
        %lt3A_63 = arith.constant 2500 : i32
        %lt3A_64 = arith.cmpi slt, %add3A_60, %lt3A_63 : i32
        %convert_element_type3A_65 = arith.extui %lt3A_64 : i1 to i32
        %cond3A_66 = arith.constant 0 : i32
        %cond3A_67 = arith.cmpi ne, %convert_element_type3A_65, %cond3A_66 : i32
        scf.if %cond3A_67 {
          %mul3A_134 = arith.constant 128 : i32
          %mul3A_135 = arith.muli %add3A_60, %mul3A_134 : i32
          %dma_wait3A = tpu.memref_slice %arg3[%mul3A_135] : memref<320000xi32, #tpu.memory_space<hbm>> -> memref<128xi32, #tpu.memory_space<hbm>>
          %dma_wait3A_136 = tpu.memref_slice %arg3[%mul3A_135] : memref<320000xi32, #tpu.memory_space<hbm>> -> memref<128xi32, #tpu.memory_space<hbm>>
          tpu.wait_dma2 semaphore(%arg10 : memref<!tpu.dma_semaphore, #tpu.memory_space<semaphore_mem>>) src(%dma_wait3A_136 : memref<128xi32, #tpu.memory_space<hbm>>) dst(%arg5 : memref<128xi32, #tpu.memory_space<vmem>>)
          %dma_start3A_137 = arith.constant 0 : i32
          %dma_start3A_138 = arith.constant 0 : i32
          %dma_start3A_139 = tpu.memref_slice %arg16[%dma_start3A_137, %dma_start3A_138] : memref<10000x128xf32, #tpu.memory_space<vmem_shared>> -> memref<10000x128xf32, #tpu.memory_space<vmem_shared>>
          tpu.enqueue_indirect_dma source(%arg8 : memref<128x128xf32, #tpu.memory_space<vmem>>) target(%dma_start3A_139 : memref<10000x128xf32, #tpu.memory_space<vmem_shared>>) offsets(%arg5 : memref<128xi32, #tpu.memory_space<vmem>>) semaphore(%arg13 : memref<!tpu.dma_semaphore, #tpu.memory_space<semaphore_mem>>) {add = true}
        } else {
        }
        %ge3A = arith.constant 1 : i32
        %ge3A_68 = arith.cmpi sge, %add3A_57, %ge3A : i32
        %sub3A = arith.constant 16 : i32
        %sub3A_69 = arith.subi %add3A_60, %sub3A : i32
        %lt3A_70 = arith.constant 2500 : i32
        %lt3A_71 = arith.cmpi slt, %sub3A_69, %lt3A_70 : i32
        %and3A = arith.andi %ge3A_68, %lt3A_71 : i1
        %convert_element_type3A_72 = arith.extui %and3A : i1 to i32
        %cond3A_73 = arith.constant 0 : i32
        %cond3A_74 = arith.cmpi ne, %convert_element_type3A_72, %cond3A_73 : i32
        scf.if %cond3A_74 {
          %dma_wait3A = arith.constant 0 : i32
          %dma_wait3A_134 = arith.constant 0 : i32
          %dma_wait3A_135 = tpu.memref_slice %arg16[%dma_wait3A, %dma_wait3A_134] : memref<10000x128xf32, #tpu.memory_space<vmem_shared>> -> memref<10000x128xf32, #tpu.memory_space<vmem_shared>>
          tpu.wait_indirect_dma semaphore(%arg15 : memref<!tpu.dma_semaphore, #tpu.memory_space<semaphore_mem>>) src(%arg8 : memref<128x128xf32, #tpu.memory_space<vmem>>) dst(%dma_wait3A_135 : memref<10000x128xf32, #tpu.memory_space<vmem_shared>>)
        } else {
        }
        %lt3A_75 = arith.constant 2500 : i32
        %lt3A_76 = arith.cmpi slt, %add3A_62, %lt3A_75 : i32
        %convert_element_type3A_77 = arith.extui %lt3A_76 : i1 to i32
        %cond3A_78 = arith.constant 0 : i32
        %cond3A_79 = arith.cmpi ne, %convert_element_type3A_77, %cond3A_78 : i32
        scf.if %cond3A_79 {
          %mul3A_134 = arith.constant 128 : i32
          %mul3A_135 = arith.muli %add3A_62, %mul3A_134 : i32
          %dma_start3A_136 = tpu.memref_slice %arg3[%mul3A_135] : memref<320000xi32, #tpu.memory_space<hbm>> -> memref<128xi32, #tpu.memory_space<hbm>>
          %dma_start3A_137 = tpu.memref_slice %arg3[%mul3A_135] : memref<320000xi32, #tpu.memory_space<hbm>> -> memref<128xi32, #tpu.memory_space<hbm>>
          tpu.enqueue_dma source(%dma_start3A_137 : memref<128xi32, #tpu.memory_space<hbm>>) target(%arg7 : memref<128xi32, #tpu.memory_space<vmem>>) target_semaphore(%arg12 : memref<!tpu.dma_semaphore, #tpu.memory_space<semaphore_mem>>)
        } else {
        }
        %add3A_80 = arith.constant 1 : i32
        %add3A_81 = arith.addi %add3A_55, %add3A_80 : i32
        %mul3A_82 = arith.constant 16 : i32
        %mul3A_83 = arith.muli %add3A_81, %mul3A_82 : i32
        %add3A_84 = arith.addi %arg1, %mul3A_83 : i32
        %add3A_85 = arith.constant 32 : i32
        %add3A_86 = arith.addi %add3A_84, %add3A_85 : i32
        %lt3A_87 = arith.constant 2500 : i32
        %lt3A_88 = arith.cmpi slt, %add3A_84, %lt3A_87 : i32
        %convert_element_type3A_89 = arith.extui %lt3A_88 : i1 to i32
        %cond3A_90 = arith.constant 0 : i32
        %cond3A_91 = arith.cmpi ne, %convert_element_type3A_89, %cond3A_90 : i32
        scf.if %cond3A_91 {
          %mul3A_134 = arith.constant 128 : i32
          %mul3A_135 = arith.muli %add3A_84, %mul3A_134 : i32
          %dma_wait3A = tpu.memref_slice %arg3[%mul3A_135] : memref<320000xi32, #tpu.memory_space<hbm>> -> memref<128xi32, #tpu.memory_space<hbm>>
          %dma_wait3A_136 = tpu.memref_slice %arg3[%mul3A_135] : memref<320000xi32, #tpu.memory_space<hbm>> -> memref<128xi32, #tpu.memory_space<hbm>>
          tpu.wait_dma2 semaphore(%arg11 : memref<!tpu.dma_semaphore, #tpu.memory_space<semaphore_mem>>) src(%dma_wait3A_136 : memref<128xi32, #tpu.memory_space<hbm>>) dst(%arg6 : memref<128xi32, #tpu.memory_space<vmem>>)
          %dma_start3A_137 = arith.constant 0 : i32
          %dma_start3A_138 = arith.constant 0 : i32
          %dma_start3A_139 = tpu.memref_slice %arg16[%dma_start3A_137, %dma_start3A_138] : memref<10000x128xf32, #tpu.memory_space<vmem_shared>> -> memref<10000x128xf32, #tpu.memory_space<vmem_shared>>
          tpu.enqueue_indirect_dma source(%arg8 : memref<128x128xf32, #tpu.memory_space<vmem>>) target(%dma_start3A_139 : memref<10000x128xf32, #tpu.memory_space<vmem_shared>>) offsets(%arg6 : memref<128xi32, #tpu.memory_space<vmem>>) semaphore(%arg14 : memref<!tpu.dma_semaphore, #tpu.memory_space<semaphore_mem>>) {add = true}
        } else {
        }
        %ge3A_92 = arith.constant 1 : i32
        %ge3A_93 = arith.cmpi sge, %add3A_81, %ge3A_92 : i32
        %sub3A_94 = arith.constant 16 : i32
        %sub3A_95 = arith.subi %add3A_84, %sub3A_94 : i32
        %lt3A_96 = arith.constant 2500 : i32
        %lt3A_97 = arith.cmpi slt, %sub3A_95, %lt3A_96 : i32
        %and3A_98 = arith.andi %ge3A_93, %lt3A_97 : i1
        %convert_element_type3A_99 = arith.extui %and3A_98 : i1 to i32
        %cond3A_100 = arith.constant 0 : i32
        %cond3A_101 = arith.cmpi ne, %convert_element_type3A_99, %cond3A_100 : i32
        scf.if %cond3A_101 {
          %dma_wait3A = arith.constant 0 : i32
          %dma_wait3A_134 = arith.constant 0 : i32
          %dma_wait3A_135 = tpu.memref_slice %arg16[%dma_wait3A, %dma_wait3A_134] : memref<10000x128xf32, #tpu.memory_space<vmem_shared>> -> memref<10000x128xf32, #tpu.memory_space<vmem_shared>>
          tpu.wait_indirect_dma semaphore(%arg13 : memref<!tpu.dma_semaphore, #tpu.memory_space<semaphore_mem>>) src(%arg8 : memref<128x128xf32, #tpu.memory_space<vmem>>) dst(%dma_wait3A_135 : memref<10000x128xf32, #tpu.memory_space<vmem_shared>>)
        } else {
        }
        %lt3A_102 = arith.constant 2500 : i32
        %lt3A_103 = arith.cmpi slt, %add3A_86, %lt3A_102 : i32
        %convert_element_type3A_104 = arith.extui %lt3A_103 : i1 to i32
        %cond3A_105 = arith.constant 0 : i32
        %cond3A_106 = arith.cmpi ne, %convert_element_type3A_104, %cond3A_105 : i32
        scf.if %cond3A_106 {
          %mul3A_134 = arith.constant 128 : i32
          %mul3A_135 = arith.muli %add3A_86, %mul3A_134 : i32
          %dma_start3A_136 = tpu.memref_slice %arg3[%mul3A_135] : memref<320000xi32, #tpu.memory_space<hbm>> -> memref<128xi32, #tpu.memory_space<hbm>>
          %dma_start3A_137 = tpu.memref_slice %arg3[%mul3A_135] : memref<320000xi32, #tpu.memory_space<hbm>> -> memref<128xi32, #tpu.memory_space<hbm>>
          tpu.enqueue_dma source(%dma_start3A_137 : memref<128xi32, #tpu.memory_space<hbm>>) target(%arg5 : memref<128xi32, #tpu.memory_space<vmem>>) target_semaphore(%arg10 : memref<!tpu.dma_semaphore, #tpu.memory_space<semaphore_mem>>)
        } else {
        }
        %add3A_107 = arith.constant 2 : i32
        %add3A_108 = arith.addi %add3A_55, %add3A_107 : i32
        %mul3A_109 = arith.constant 16 : i32
        %mul3A_110 = arith.muli %add3A_108, %mul3A_109 : i32
        %add3A_111 = arith.addi %arg1, %mul3A_110 : i32
        %add3A_112 = arith.constant 32 : i32
        %add3A_113 = arith.addi %add3A_111, %add3A_112 : i32
        %lt3A_114 = arith.constant 2500 : i32
        %lt3A_115 = arith.cmpi slt, %add3A_111, %lt3A_114 : i32
        %convert_element_type3A_116 = arith.extui %lt3A_115 : i1 to i32
        %cond3A_117 = arith.constant 0 : i32
        %cond3A_118 = arith.cmpi ne, %convert_element_type3A_116, %cond3A_117 : i32
        scf.if %cond3A_118 {
          %mul3A_134 = arith.constant 128 : i32
          %mul3A_135 = arith.muli %add3A_111, %mul3A_134 : i32
          %dma_wait3A = tpu.memref_slice %arg3[%mul3A_135] : memref<320000xi32, #tpu.memory_space<hbm>> -> memref<128xi32, #tpu.memory_space<hbm>>
          %dma_wait3A_136 = tpu.memref_slice %arg3[%mul3A_135] : memref<320000xi32, #tpu.memory_space<hbm>> -> memref<128xi32, #tpu.memory_space<hbm>>
          tpu.wait_dma2 semaphore(%arg12 : memref<!tpu.dma_semaphore, #tpu.memory_space<semaphore_mem>>) src(%dma_wait3A_136 : memref<128xi32, #tpu.memory_space<hbm>>) dst(%arg7 : memref<128xi32, #tpu.memory_space<vmem>>)
          %dma_start3A_137 = arith.constant 0 : i32
          %dma_start3A_138 = arith.constant 0 : i32
          %dma_start3A_139 = tpu.memref_slice %arg16[%dma_start3A_137, %dma_start3A_138] : memref<10000x128xf32, #tpu.memory_space<vmem_shared>> -> memref<10000x128xf32, #tpu.memory_space<vmem_shared>>
          tpu.enqueue_indirect_dma source(%arg8 : memref<128x128xf32, #tpu.memory_space<vmem>>) target(%dma_start3A_139 : memref<10000x128xf32, #tpu.memory_space<vmem_shared>>) offsets(%arg7 : memref<128xi32, #tpu.memory_space<vmem>>) semaphore(%arg15 : memref<!tpu.dma_semaphore, #tpu.memory_space<semaphore_mem>>) {add = true}
        } else {
        }
        %ge3A_119 = arith.constant 1 : i32
        %ge3A_120 = arith.cmpi sge, %add3A_108, %ge3A_119 : i32
        %sub3A_121 = arith.constant 16 : i32
        %sub3A_122 = arith.subi %add3A_111, %sub3A_121 : i32
        %lt3A_123 = arith.constant 2500 : i32
        %lt3A_124 = arith.cmpi slt, %sub3A_122, %lt3A_123 : i32
        %and3A_125 = arith.andi %ge3A_120, %lt3A_124 : i1
        %convert_element_type3A_126 = arith.extui %and3A_125 : i1 to i32
        %cond3A_127 = arith.constant 0 : i32
        %cond3A_128 = arith.cmpi ne, %convert_element_type3A_126, %cond3A_127 : i32
        scf.if %cond3A_128 {
          %dma_wait3A = arith.constant 0 : i32
          %dma_wait3A_134 = arith.constant 0 : i32
          %dma_wait3A_135 = tpu.memref_slice %arg16[%dma_wait3A, %dma_wait3A_134] : memref<10000x128xf32, #tpu.memory_space<vmem_shared>> -> memref<10000x128xf32, #tpu.memory_space<vmem_shared>>
          tpu.wait_indirect_dma semaphore(%arg14 : memref<!tpu.dma_semaphore, #tpu.memory_space<semaphore_mem>>) src(%arg8 : memref<128x128xf32, #tpu.memory_space<vmem>>) dst(%dma_wait3A_135 : memref<10000x128xf32, #tpu.memory_space<vmem_shared>>)
        } else {
        }
        %lt3A_129 = arith.constant 2500 : i32
        %lt3A_130 = arith.cmpi slt, %add3A_113, %lt3A_129 : i32
        %convert_element_type3A_131 = arith.extui %lt3A_130 : i1 to i32
        %cond3A_132 = arith.constant 0 : i32
        %cond3A_133 = arith.cmpi ne, %convert_element_type3A_131, %cond3A_132 : i32
        scf.if %cond3A_133 {
          %mul3A_134 = arith.constant 128 : i32
          %mul3A_135 = arith.muli %add3A_113, %mul3A_134 : i32
          %dma_start3A_136 = tpu.memref_slice %arg3[%mul3A_135] : memref<320000xi32, #tpu.memory_space<hbm>> -> memref<128xi32, #tpu.memory_space<hbm>>
          %dma_start3A_137 = tpu.memref_slice %arg3[%mul3A_135] : memref<320000xi32, #tpu.memory_space<hbm>> -> memref<128xi32, #tpu.memory_space<hbm>>
          tpu.enqueue_dma source(%dma_start3A_137 : memref<128xi32, #tpu.memory_space<hbm>>) target(%arg6 : memref<128xi32, #tpu.memory_space<vmem>>) target_semaphore(%arg11 : memref<!tpu.dma_semaphore, #tpu.memory_space<semaphore_mem>>)
        } else {
        }
      }
      %scan3A_50 = arith.constant 54 : i32
    } else {
    }
    %barrier3A_21 = arith.constant 0 : index
    tpu.barrier barrier_id(%barrier3A_21)
    %mul3A = arith.constant 640 : i32
    %mul3A_22 = arith.muli %arg1, %mul3A : i32
    %lt3A = arith.constant 15 : i32
    %lt3A_23 = arith.cmpi slt, %arg1, %lt3A : i32
    %convert_element_type3A_24 = arith.extui %lt3A_23 : i1 to i32
    %cond3A_25 = arith.constant 0 : i32
    %cond3A_26 = arith.cmpi ne, %convert_element_type3A_24, %cond3A_25 : i32
    scf.if %cond3A_26 {
      "tpu.region"() ({
        %run_scoped3A = tpu.sem_alloc : memref<!tpu.dma_semaphore, #tpu.memory_space<semaphore_mem>>
        %dma_start3A = arith.constant 0 : i32
        %dma_start3A_32 = tpu.memref_slice %arg4[%arg0, %mul3A_22, %dma_start3A] : memref<2x10000x128xf32, #tpu.memory_space<hbm>> -> memref<1x640x128xf32, #tpu.memory_space<hbm>>
        %dma_start3A_33 = tpu.memref_squeeze %dma_start3A_32 : memref<1x640x128xf32, #tpu.memory_space<hbm>> -> memref<640x128xf32, #tpu.memory_space<hbm>>
        %dma_start3A_34 = arith.constant 0 : i32
        %dma_start3A_35 = tpu.memref_slice %arg16[%mul3A_22, %dma_start3A_34] : memref<10000x128xf32, #tpu.memory_space<vmem_shared>> -> memref<640x128xf32, #tpu.memory_space<vmem_shared>>
        tpu.enqueue_dma source(%dma_start3A_35 : memref<640x128xf32, #tpu.memory_space<vmem_shared>>) target(%dma_start3A_33 : memref<640x128xf32, #tpu.memory_space<hbm>>) target_semaphore(%run_scoped3A : memref<!tpu.dma_semaphore, #tpu.memory_space<semaphore_mem>>)
        %dma_wait3A = arith.constant 0 : i32
        %dma_wait3A_36 = tpu.memref_slice %arg4[%arg0, %mul3A_22, %dma_wait3A] : memref<2x10000x128xf32, #tpu.memory_space<hbm>> -> memref<1x640x128xf32, #tpu.memory_space<hbm>>
        %dma_wait3A_37 = tpu.memref_squeeze %dma_wait3A_36 : memref<1x640x128xf32, #tpu.memory_space<hbm>> -> memref<640x128xf32, #tpu.memory_space<hbm>>
        %dma_wait3A_38 = arith.constant 0 : i32
        %dma_wait3A_39 = tpu.memref_slice %arg16[%mul3A_22, %dma_wait3A_38] : memref<10000x128xf32, #tpu.memory_space<vmem_shared>> -> memref<640x128xf32, #tpu.memory_space<vmem_shared>>
        tpu.wait_dma2 semaphore(%run_scoped3A : memref<!tpu.dma_semaphore, #tpu.memory_space<semaphore_mem>>) src(%dma_wait3A_39 : memref<640x128xf32, #tpu.memory_space<vmem_shared>>) dst(%dma_wait3A_37 : memref<640x128xf32, #tpu.memory_space<hbm>>)
        tpu.yield
      }) : () -> ()
    } else {
    }
    %eq3A_27 = arith.constant 15 : i32
    %eq3A_28 = arith.cmpi eq, %arg1, %eq3A_27 : i32
    %convert_element_type3A_29 = arith.extui %eq3A_28 : i1 to i32
    %cond3A_30 = arith.constant 0 : i32
    %cond3A_31 = arith.cmpi ne, %convert_element_type3A_29, %cond3A_30 : i32
    scf.if %cond3A_31 {
      "tpu.region"() ({
        %run_scoped3A = tpu.sem_alloc : memref<!tpu.dma_semaphore, #tpu.memory_space<semaphore_mem>>
        %dma_start3A = arith.constant 0 : i32
        %dma_start3A_32 = tpu.memref_slice %arg4[%arg0, %mul3A_22, %dma_start3A] : memref<2x10000x128xf32, #tpu.memory_space<hbm>> -> memref<1x400x128xf32, #tpu.memory_space<hbm>>
        %dma_start3A_33 = tpu.memref_squeeze %dma_start3A_32 : memref<1x400x128xf32, #tpu.memory_space<hbm>> -> memref<400x128xf32, #tpu.memory_space<hbm>>
        %dma_start3A_34 = arith.constant 0 : i32
        %dma_start3A_35 = tpu.memref_slice %arg16[%mul3A_22, %dma_start3A_34] : memref<10000x128xf32, #tpu.memory_space<vmem_shared>> -> memref<400x128xf32, #tpu.memory_space<vmem_shared>>
        tpu.enqueue_dma source(%dma_start3A_35 : memref<400x128xf32, #tpu.memory_space<vmem_shared>>) target(%dma_start3A_33 : memref<400x128xf32, #tpu.memory_space<hbm>>) target_semaphore(%run_scoped3A : memref<!tpu.dma_semaphore, #tpu.memory_space<semaphore_mem>>)
        %dma_wait3A = arith.constant 0 : i32
        %dma_wait3A_36 = tpu.memref_slice %arg4[%arg0, %mul3A_22, %dma_wait3A] : memref<2x10000x128xf32, #tpu.memory_space<hbm>> -> memref<1x400x128xf32, #tpu.memory_space<hbm>>
        %dma_wait3A_37 = tpu.memref_squeeze %dma_wait3A_36 : memref<1x400x128xf32, #tpu.memory_space<hbm>> -> memref<400x128xf32, #tpu.memory_space<hbm>>
        %dma_wait3A_38 = arith.constant 0 : i32
        %dma_wait3A_39 = tpu.memref_slice %arg16[%mul3A_22, %dma_wait3A_38] : memref<10000x128xf32, #tpu.memory_space<vmem_shared>> -> memref<400x128xf32, #tpu.memory_space<vmem_shared>>
        tpu.wait_dma2 semaphore(%run_scoped3A : memref<!tpu.dma_semaphore, #tpu.memory_space<semaphore_mem>>) src(%dma_wait3A_39 : memref<400x128xf32, #tpu.memory_space<vmem_shared>>) dst(%dma_wait3A_37 : memref<400x128xf32, #tpu.memory_space<hbm>>)
        tpu.yield
      }) : () -> ()
    } else {
    }
    return
  }
}

#map = affine_map<(d0, d1) -> (0)>
#map1 = affine_map<(d0, d1) -> (0, 0)>
#map2 = affine_map<(d0, d1) -> (0, 0, 0)>
module attributes {stable_mosaic.version = 14 : i64} {
  func.func @_sc_agg1_body(%arg0: i32, %arg1: i32, %arg2: memref<320000xi32, #tpu.memory_space<hbm>>, %arg3: memref<320000xi32, #tpu.memory_space<hbm>>, %arg4: memref<10000x128xf32, #tpu.memory_space<hbm>>, %arg5: memref<2x10000x128xf32, #tpu.memory_space<hbm>>, %arg6: memref<128xi32, #tpu.memory_space<vmem>>, %arg7: memref<128xi32, #tpu.memory_space<vmem>>, %arg8: memref<128xi32, #tpu.memory_space<vmem>>, %arg9: memref<128xi32, #tpu.memory_space<vmem>>, %arg10: memref<128xi32, #tpu.memory_space<vmem>>, %arg11: memref<128xi32, #tpu.memory_space<vmem>>, %arg12: memref<128x128xf32, #tpu.memory_space<vmem>>, %arg13: memref<128x128xf32, #tpu.memory_space<vmem>>, %arg14: memref<128x128xf32, #tpu.memory_space<vmem>>, %arg15: memref<!tpu.dma_semaphore, #tpu.memory_space<semaphore_mem>>, %arg16: memref<!tpu.dma_semaphore, #tpu.memory_space<semaphore_mem>>, %arg17: memref<!tpu.dma_semaphore, #tpu.memory_space<semaphore_mem>>, %arg18: memref<!tpu.dma_semaphore, #tpu.memory_space<semaphore_mem>>, %arg19: memref<!tpu.dma_semaphore, #tpu.memory_space<semaphore_mem>>, %arg20: memref<!tpu.dma_semaphore, #tpu.memory_space<semaphore_mem>>, %arg21: memref<10000x128xf32, #tpu.memory_space<vmem_shared>>) attributes {dimension_semantics = [#tpu.dimension_semantics<core_parallel>, #tpu.dimension_semantics<subcore_parallel>], iteration_bounds = array<i64: 2, 16>, scalar_prefetch = 0 : i64, scratch_operands = 16 : i64, tpu.core_type = #tpu.core_type<sc_vector_subcore>, window_params = [{transform_indices = #map}, {transform_indices = #map}, {transform_indices = #map1}, {transform_indices = #map2}]} {
    %scan3A = arith.constant 0 : i32
    %scan3A_0 = arith.constant 125 : i32
    %scan3A_1 = arith.addi %scan3A, %scan3A_0 : i32
    %scan3A_2 = arith.constant 1 : i32
    scf.for %scan3A_47 = %scan3A to %scan3A_1 step %scan3A_2  : i32 {
      %mul3A_48 = arith.constant 1 : i32
      %mul3A_49 = arith.muli %scan3A_47, %mul3A_48 : i32
      %add3A_50 = arith.constant 0 : i32
      %add3A_51 = arith.addi %add3A_50, %mul3A_49 : i32
      %scan3A_52 = arith.constant 0 : i32
      %scan3A_53 = arith.constant 8 : i32
      %scan3A_54 = arith.addi %scan3A_52, %scan3A_53 : i32
      %scan3A_55 = arith.constant 1 : i32
      scf.for %scan3A_57 = %scan3A_52 to %scan3A_54 step %scan3A_55  : i32 {
        %mul3A_58 = arith.constant 1 : i32
        %mul3A_59 = arith.muli %scan3A_57, %mul3A_58 : i32
        %add3A_60 = arith.constant 0 : i32
        %add3A_61 = arith.addi %add3A_60, %mul3A_59 : i32
        %broadcast_in_dim3A = arith.constant 0.000000e+00 : f32
        %broadcast_in_dim3A_62 = vector.broadcast %broadcast_in_dim3A : f32 to vector<16xf32>
        %mul3A_63 = arith.constant 16 : i32
        %mul3A_64 = arith.muli %add3A_61, %mul3A_63 : i32
        %swap3A = arith.index_cast %add3A_51 : i32 to index
        %swap3A_65 = arith.index_cast %mul3A_64 : i32 to index
        %swap3A_66 = tpu.vector_load %arg12[%swap3A, %swap3A_65] {strides = array<i32>} : memref<128x128xf32, #tpu.memory_space<vmem>>, vector<1x16xf32>,
        %swap3A_67 = vector.shape_cast %swap3A_66 : vector<1x16xf32> to vector<16xf32>
        %swap3A_68 = vector.shape_cast %broadcast_in_dim3A_62 : vector<16xf32> to vector<1x16xf32>
        tpu.vector_store %arg12[%swap3A, %swap3A_65], %swap3A_68 {strides = array<i32>} : memref<128x128xf32, #tpu.memory_space<vmem>>, vector<1x16xf32>,
      }
      %scan3A_56 = arith.constant 8 : i32
    }
    %scan3A_3 = arith.constant 125 : i32
    %scan3A_4 = arith.constant 0 : i32
    %scan3A_5 = arith.constant 80 : i32
    %scan3A_6 = arith.addi %scan3A_4, %scan3A_5 : i32
    %scan3A_7 = arith.constant 1 : i32
    scf.for %scan3A_47 = %scan3A_4 to %scan3A_6 step %scan3A_7  : i32 {
      %mul3A_48 = arith.constant 1 : i32
      %mul3A_49 = arith.muli %scan3A_47, %mul3A_48 : i32
      %add3A_50 = arith.constant 0 : i32
      %add3A_51 = arith.addi %add3A_50, %mul3A_49 : i32
      %rem3A = arith.constant 16 : i32
      %rem3A_52 = arith.remsi %add3A_51, %rem3A : i32
      %eq3A_53 = arith.cmpi eq, %rem3A_52, %arg1 : i32
      %convert_element_type3A_54 = arith.extui %eq3A_53 : i1 to i32
      %cond3A_55 = arith.constant 0 : i32
      %cond3A_56 = arith.cmpi ne, %convert_element_type3A_54, %cond3A_55 : i32
      scf.if %cond3A_56 {
        %mul3A_57 = arith.constant 125 : i32
        %mul3A_58 = arith.muli %add3A_51, %mul3A_57 : i32
        "tpu.region"() ({
          %run_scoped3A = tpu.sem_alloc : memref<!tpu.dma_semaphore, #tpu.memory_space<semaphore_mem>>
          %dma_start3A_59 = arith.constant 0 : i32
          %dma_start3A_60 = arith.constant 0 : i32
          %dma_start3A_61 = tpu.memref_slice %arg12[%dma_start3A_59, %dma_start3A_60] : memref<128x128xf32, #tpu.memory_space<vmem>> -> memref<125x128xf32, #tpu.memory_space<vmem>>
          %dma_start3A_62 = arith.constant 0 : i32
          %dma_start3A_63 = tpu.memref_slice %arg21[%mul3A_58, %dma_start3A_62] : memref<10000x128xf32, #tpu.memory_space<vmem_shared>> -> memref<125x128xf32, #tpu.memory_space<vmem_shared>>
          %dma_start3A_64 = arith.constant 0 : i32
          %dma_start3A_65 = tpu.memref_slice %arg21[%mul3A_58, %dma_start3A_64] : memref<10000x128xf32, #tpu.memory_space<vmem_shared>> -> memref<125x128xf32, #tpu.memory_space<vmem_shared>>
          %dma_start3A_66 = arith.constant 0 : i32
          %dma_start3A_67 = arith.constant 0 : i32
          %dma_start3A_68 = tpu.memref_slice %arg12[%dma_start3A_66, %dma_start3A_67] : memref<128x128xf32, #tpu.memory_space<vmem>> -> memref<125x128xf32, #tpu.memory_space<vmem>>
          tpu.enqueue_dma source(%dma_start3A_68 : memref<125x128xf32, #tpu.memory_space<vmem>>) target(%dma_start3A_65 : memref<125x128xf32, #tpu.memory_space<vmem_shared>>) target_semaphore(%run_scoped3A : memref<!tpu.dma_semaphore, #tpu.memory_space<semaphore_mem>>)
          %dma_wait3A = arith.constant 0 : i32
          %dma_wait3A_69 = arith.constant 0 : i32
          %dma_wait3A_70 = tpu.memref_slice %arg12[%dma_wait3A, %dma_wait3A_69] : memref<128x128xf32, #tpu.memory_space<vmem>> -> memref<125x128xf32, #tpu.memory_space<vmem>>
          %dma_wait3A_71 = arith.constant 0 : i32
          %dma_wait3A_72 = tpu.memref_slice %arg21[%mul3A_58, %dma_wait3A_71] : memref<10000x128xf32, #tpu.memory_space<vmem_shared>> -> memref<125x128xf32, #tpu.memory_space<vmem_shared>>
          %dma_wait3A_73 = arith.constant 0 : i32
          %dma_wait3A_74 = tpu.memref_slice %arg21[%mul3A_58, %dma_wait3A_73] : memref<10000x128xf32, #tpu.memory_space<vmem_shared>> -> memref<125x128xf32, #tpu.memory_space<vmem_shared>>
          %dma_wait3A_75 = arith.constant 0 : i32
          %dma_wait3A_76 = arith.constant 0 : i32
          %dma_wait3A_77 = tpu.memref_slice %arg12[%dma_wait3A_75, %dma_wait3A_76] : memref<128x128xf32, #tpu.memory_space<vmem>> -> memref<125x128xf32, #tpu.memory_space<vmem>>
          tpu.wait_dma2 semaphore(%run_scoped3A : memref<!tpu.dma_semaphore, #tpu.memory_space<semaphore_mem>>) src(%dma_wait3A_77 : memref<125x128xf32, #tpu.memory_space<vmem>>) dst(%dma_wait3A_74 : memref<125x128xf32, #tpu.memory_space<vmem_shared>>)
          tpu.yield
        }) : () -> ()
      } else {
      }
    }
    %scan3A_8 = arith.constant 80 : i32
    %barrier3A = arith.constant 0 : index
    tpu.barrier barrier_id(%barrier3A)
    %mul3A = arith.constant 1250 : i32
    %mul3A_9 = arith.muli %arg0, %mul3A : i32
    %add3A = arith.addi %mul3A_9, %arg1 : i32
    %add3A_10 = arith.constant 1 : i32
    %add3A_11 = arith.addi %arg0, %add3A_10 : i32
    %mul3A_12 = arith.constant 1250 : i32
    %mul3A_13 = arith.muli %add3A_11, %mul3A_12 : i32
    %mul3A_14 = arith.constant 128 : i32
    %mul3A_15 = arith.muli %add3A, %mul3A_14 : i32
    "tpu.region"() ({
      %run_scoped3A = tpu.sem_alloc : memref<!tpu.dma_semaphore, #tpu.memory_space<semaphore_mem>>
      %dma_start3A_47 = tpu.memref_slice %arg2[%mul3A_15] : memref<320000xi32, #tpu.memory_space<hbm>> -> memref<128xi32, #tpu.memory_space<hbm>>
      %dma_start3A_48 = tpu.memref_slice %arg2[%mul3A_15] : memref<320000xi32, #tpu.memory_space<hbm>> -> memref<128xi32, #tpu.memory_space<hbm>>
      tpu.enqueue_dma source(%dma_start3A_48 : memref<128xi32, #tpu.memory_space<hbm>>) target(%arg6 : memref<128xi32, #tpu.memory_space<vmem>>) target_semaphore(%run_scoped3A : memref<!tpu.dma_semaphore, #tpu.memory_space<semaphore_mem>>)
      %dma_wait3A = tpu.memref_slice %arg2[%mul3A_15] : memref<320000xi32, #tpu.memory_space<hbm>> -> memref<128xi32, #tpu.memory_space<hbm>>
      %dma_wait3A_49 = tpu.memref_slice %arg2[%mul3A_15] : memref<320000xi32, #tpu.memory_space<hbm>> -> memref<128xi32, #tpu.memory_space<hbm>>
      tpu.wait_dma2 semaphore(%run_scoped3A : memref<!tpu.dma_semaphore, #tpu.memory_space<semaphore_mem>>) src(%dma_wait3A_49 : memref<128xi32, #tpu.memory_space<hbm>>) dst(%arg6 : memref<128xi32, #tpu.memory_space<vmem>>)
      tpu.yield
    }) : () -> ()
    "tpu.region"() ({
      %run_scoped3A = tpu.sem_alloc : memref<!tpu.dma_semaphore, #tpu.memory_space<semaphore_mem>>
      %dma_start3A_47 = tpu.memref_slice %arg3[%mul3A_15] : memref<320000xi32, #tpu.memory_space<hbm>> -> memref<128xi32, #tpu.memory_space<hbm>>
      %dma_start3A_48 = tpu.memref_slice %arg3[%mul3A_15] : memref<320000xi32, #tpu.memory_space<hbm>> -> memref<128xi32, #tpu.memory_space<hbm>>
      tpu.enqueue_dma source(%dma_start3A_48 : memref<128xi32, #tpu.memory_space<hbm>>) target(%arg9 : memref<128xi32, #tpu.memory_space<vmem>>) target_semaphore(%run_scoped3A : memref<!tpu.dma_semaphore, #tpu.memory_space<semaphore_mem>>)
      %dma_wait3A = tpu.memref_slice %arg3[%mul3A_15] : memref<320000xi32, #tpu.memory_space<hbm>> -> memref<128xi32, #tpu.memory_space<hbm>>
      %dma_wait3A_49 = tpu.memref_slice %arg3[%mul3A_15] : memref<320000xi32, #tpu.memory_space<hbm>> -> memref<128xi32, #tpu.memory_space<hbm>>
      tpu.wait_dma2 semaphore(%run_scoped3A : memref<!tpu.dma_semaphore, #tpu.memory_space<semaphore_mem>>) src(%dma_wait3A_49 : memref<128xi32, #tpu.memory_space<hbm>>) dst(%arg9 : memref<128xi32, #tpu.memory_space<vmem>>)
      tpu.yield
    }) : () -> ()
    %dma_start3A = arith.constant 0 : i32
    %dma_start3A_16 = arith.constant 0 : i32
    %dma_start3A_17 = tpu.memref_slice %arg4[%dma_start3A, %dma_start3A_16] : memref<10000x128xf32, #tpu.memory_space<hbm>> -> memref<10000x128xf32, #tpu.memory_space<hbm>>
    tpu.enqueue_indirect_dma source(%dma_start3A_17 : memref<10000x128xf32, #tpu.memory_space<hbm>>) target(%arg12 : memref<128x128xf32, #tpu.memory_space<vmem>>) offsets(%arg6 : memref<128xi32, #tpu.memory_space<vmem>>) semaphore(%arg15 : memref<!tpu.dma_semaphore, #tpu.memory_space<semaphore_mem>>)
    %add3A_18 = arith.constant 16 : i32
    %add3A_19 = arith.addi %add3A, %add3A_18 : i32
    %mul3A_20 = arith.constant 128 : i32
    %mul3A_21 = arith.muli %add3A_19, %mul3A_20 : i32
    "tpu.region"() ({
      %run_scoped3A = tpu.sem_alloc : memref<!tpu.dma_semaphore, #tpu.memory_space<semaphore_mem>>
      %dma_start3A_47 = tpu.memref_slice %arg2[%mul3A_21] : memref<320000xi32, #tpu.memory_space<hbm>> -> memref<128xi32, #tpu.memory_space<hbm>>
      %dma_start3A_48 = tpu.memref_slice %arg2[%mul3A_21] : memref<320000xi32, #tpu.memory_space<hbm>> -> memref<128xi32, #tpu.memory_space<hbm>>
      tpu.enqueue_dma source(%dma_start3A_48 : memref<128xi32, #tpu.memory_space<hbm>>) target(%arg7 : memref<128xi32, #tpu.memory_space<vmem>>) target_semaphore(%run_scoped3A : memref<!tpu.dma_semaphore, #tpu.memory_space<semaphore_mem>>)
      %dma_wait3A = tpu.memref_slice %arg2[%mul3A_21] : memref<320000xi32, #tpu.memory_space<hbm>> -> memref<128xi32, #tpu.memory_space<hbm>>
      %dma_wait3A_49 = tpu.memref_slice %arg2[%mul3A_21] : memref<320000xi32, #tpu.memory_space<hbm>> -> memref<128xi32, #tpu.memory_space<hbm>>
      tpu.wait_dma2 semaphore(%run_scoped3A : memref<!tpu.dma_semaphore, #tpu.memory_space<semaphore_mem>>) src(%dma_wait3A_49 : memref<128xi32, #tpu.memory_space<hbm>>) dst(%arg7 : memref<128xi32, #tpu.memory_space<vmem>>)
      tpu.yield
    }) : () -> ()
    "tpu.region"() ({
      %run_scoped3A = tpu.sem_alloc : memref<!tpu.dma_semaphore, #tpu.memory_space<semaphore_mem>>
      %dma_start3A_47 = tpu.memref_slice %arg3[%mul3A_21] : memref<320000xi32, #tpu.memory_space<hbm>> -> memref<128xi32, #tpu.memory_space<hbm>>
      %dma_start3A_48 = tpu.memref_slice %arg3[%mul3A_21] : memref<320000xi32, #tpu.memory_space<hbm>> -> memref<128xi32, #tpu.memory_space<hbm>>
      tpu.enqueue_dma source(%dma_start3A_48 : memref<128xi32, #tpu.memory_space<hbm>>) target(%arg10 : memref<128xi32, #tpu.memory_space<vmem>>) target_semaphore(%run_scoped3A : memref<!tpu.dma_semaphore, #tpu.memory_space<semaphore_mem>>)
      %dma_wait3A = tpu.memref_slice %arg3[%mul3A_21] : memref<320000xi32, #tpu.memory_space<hbm>> -> memref<128xi32, #tpu.memory_space<hbm>>
      %dma_wait3A_49 = tpu.memref_slice %arg3[%mul3A_21] : memref<320000xi32, #tpu.memory_space<hbm>> -> memref<128xi32, #tpu.memory_space<hbm>>
      tpu.wait_dma2 semaphore(%run_scoped3A : memref<!tpu.dma_semaphore, #tpu.memory_space<semaphore_mem>>) src(%dma_wait3A_49 : memref<128xi32, #tpu.memory_space<hbm>>) dst(%arg10 : memref<128xi32, #tpu.memory_space<vmem>>)
      tpu.yield
    }) : () -> ()
    %dma_start3A_22 = arith.constant 0 : i32
    %dma_start3A_23 = arith.constant 0 : i32
    %dma_start3A_24 = tpu.memref_slice %arg4[%dma_start3A_22, %dma_start3A_23] : memref<10000x128xf32, #tpu.memory_space<hbm>> -> memref<10000x128xf32, #tpu.memory_space<hbm>>
    tpu.enqueue_indirect_dma source(%dma_start3A_24 : memref<10000x128xf32, #tpu.memory_space<hbm>>) target(%arg13 : memref<128x128xf32, #tpu.memory_space<vmem>>) offsets(%arg7 : memref<128xi32, #tpu.memory_space<vmem>>) semaphore(%arg16 : memref<!tpu.dma_semaphore, #tpu.memory_space<semaphore_mem>>)
    %add3A_25 = arith.constant 32 : i32
    %add3A_26 = arith.addi %add3A, %add3A_25 : i32
    %mul3A_27 = arith.constant 128 : i32
    %mul3A_28 = arith.muli %add3A_26, %mul3A_27 : i32
    %dma_start3A_29 = tpu.memref_slice %arg2[%mul3A_28] : memref<320000xi32, #tpu.memory_space<hbm>> -> memref<128xi32, #tpu.memory_space<hbm>>
    %dma_start3A_30 = tpu.memref_slice %arg2[%mul3A_28] : memref<320000xi32, #tpu.memory_space<hbm>> -> memref<128xi32, #tpu.memory_space<hbm>>
    tpu.enqueue_dma source(%dma_start3A_30 : memref<128xi32, #tpu.memory_space<hbm>>) target(%arg8 : memref<128xi32, #tpu.memory_space<vmem>>) target_semaphore(%arg20 : memref<!tpu.dma_semaphore, #tpu.memory_space<semaphore_mem>>)
    %dma_start3A_31 = tpu.memref_slice %arg3[%mul3A_28] : memref<320000xi32, #tpu.memory_space<hbm>> -> memref<128xi32, #tpu.memory_space<hbm>>
    %dma_start3A_32 = tpu.memref_slice %arg3[%mul3A_28] : memref<320000xi32, #tpu.memory_space<hbm>> -> memref<128xi32, #tpu.memory_space<hbm>>
    tpu.enqueue_dma source(%dma_start3A_32 : memref<128xi32, #tpu.memory_space<hbm>>) target(%arg11 : memref<128xi32, #tpu.memory_space<vmem>>) target_semaphore(%arg20 : memref<!tpu.dma_semaphore, #tpu.memory_space<semaphore_mem>>)
    %scan3A_33 = arith.constant 0 : i32
    %scan3A_34 = arith.constant 27 : i32
    %scan3A_35 = arith.addi %scan3A_33, %scan3A_34 : i32
    %scan3A_36 = arith.constant 1 : i32
    scf.for %scan3A_47 = %scan3A_33 to %scan3A_35 step %scan3A_36  : i32 {
      %mul3A_48 = arith.constant 3 : i32
      %mul3A_49 = arith.muli %scan3A_47, %mul3A_48 : i32
      %add3A_50 = arith.constant 0 : i32
      %add3A_51 = arith.addi %add3A_50, %mul3A_49 : i32
      %add3A_52 = arith.constant 0 : i32
      %add3A_53 = arith.addi %add3A_51, %add3A_52 : i32
      %mul3A_54 = arith.constant 16 : i32
      %mul3A_55 = arith.muli %add3A_53, %mul3A_54 : i32
      %add3A_56 = arith.addi %add3A, %mul3A_55 : i32
      %add3A_57 = arith.constant 32 : i32
      %add3A_58 = arith.addi %add3A_56, %add3A_57 : i32
      %add3A_59 = arith.constant 48 : i32
      %add3A_60 = arith.addi %add3A_56, %add3A_59 : i32
      %lt3A_61 = arith.cmpi slt, %add3A_56, %mul3A_13 : i32
      %convert_element_type3A_62 = arith.extui %lt3A_61 : i1 to i32
      %cond3A_63 = arith.constant 0 : i32
      %cond3A_64 = arith.cmpi ne, %convert_element_type3A_62, %cond3A_63 : i32
      scf.if %cond3A_64 {
        %dma_wait3A = arith.constant 0 : i32
        %dma_wait3A_115 = arith.constant 0 : i32
        %dma_wait3A_116 = tpu.memref_slice %arg4[%dma_wait3A, %dma_wait3A_115] : memref<10000x128xf32, #tpu.memory_space<hbm>> -> memref<10000x128xf32, #tpu.memory_space<hbm>>
        tpu.wait_indirect_dma semaphore(%arg15 : memref<!tpu.dma_semaphore, #tpu.memory_space<semaphore_mem>>) src(%dma_wait3A_116 : memref<10000x128xf32, #tpu.memory_space<hbm>>) dst(%arg12 : memref<128x128xf32, #tpu.memory_space<vmem>>)
        "tpu.region"() ({
          %run_scoped3A = tpu.sem_alloc : memref<!tpu.dma_semaphore, #tpu.memory_space<semaphore_mem>>
          %dma_start3A_117 = arith.constant 0 : i32
          %dma_start3A_118 = arith.constant 0 : i32
          %dma_start3A_119 = tpu.memref_slice %arg21[%dma_start3A_117, %dma_start3A_118] : memref<10000x128xf32, #tpu.memory_space<vmem_shared>> -> memref<10000x128xf32, #tpu.memory_space<vmem_shared>>
          tpu.enqueue_indirect_dma source(%arg12 : memref<128x128xf32, #tpu.memory_space<vmem>>) target(%dma_start3A_119 : memref<10000x128xf32, #tpu.memory_space<vmem_shared>>) offsets(%arg9 : memref<128xi32, #tpu.memory_space<vmem>>) semaphore(%run_scoped3A : memref<!tpu.dma_semaphore, #tpu.memory_space<semaphore_mem>>) {add = true}
          %dma_wait3A_120 = arith.constant 0 : i32
          %dma_wait3A_121 = arith.constant 0 : i32
          %dma_wait3A_122 = tpu.memref_slice %arg21[%dma_wait3A_120, %dma_wait3A_121] : memref<10000x128xf32, #tpu.memory_space<vmem_shared>> -> memref<10000x128xf32, #tpu.memory_space<vmem_shared>>
          tpu.wait_indirect_dma semaphore(%run_scoped3A : memref<!tpu.dma_semaphore, #tpu.memory_space<semaphore_mem>>) src(%arg12 : memref<128x128xf32, #tpu.memory_space<vmem>>) dst(%dma_wait3A_122 : memref<10000x128xf32, #tpu.memory_space<vmem_shared>>)
          tpu.yield
        }) : () -> ()
      } else {
      }
      %lt3A_65 = arith.cmpi slt, %add3A_60, %mul3A_13 : i32
      %convert_element_type3A_66 = arith.extui %lt3A_65 : i1 to i32
      %cond3A_67 = arith.constant 0 : i32
      %cond3A_68 = arith.cmpi ne, %convert_element_type3A_66, %cond3A_67 : i32
      scf.if %cond3A_68 {
        %mul3A_115 = arith.constant 128 : i32
        %mul3A_116 = arith.muli %add3A_60, %mul3A_115 : i32
        %dma_start3A_117 = tpu.memref_slice %arg2[%mul3A_116] : memref<320000xi32, #tpu.memory_space<hbm>> -> memref<128xi32, #tpu.memory_space<hbm>>
        %dma_start3A_118 = tpu.memref_slice %arg2[%mul3A_116] : memref<320000xi32, #tpu.memory_space<hbm>> -> memref<128xi32, #tpu.memory_space<hbm>>
        tpu.enqueue_dma source(%dma_start3A_118 : memref<128xi32, #tpu.memory_space<hbm>>) target(%arg6 : memref<128xi32, #tpu.memory_space<vmem>>) target_semaphore(%arg18 : memref<!tpu.dma_semaphore, #tpu.memory_space<semaphore_mem>>)
        %dma_start3A_119 = tpu.memref_slice %arg3[%mul3A_116] : memref<320000xi32, #tpu.memory_space<hbm>> -> memref<128xi32, #tpu.memory_space<hbm>>
        %dma_start3A_120 = tpu.memref_slice %arg3[%mul3A_116] : memref<320000xi32, #tpu.memory_space<hbm>> -> memref<128xi32, #tpu.memory_space<hbm>>
        tpu.enqueue_dma source(%dma_start3A_120 : memref<128xi32, #tpu.memory_space<hbm>>) target(%arg9 : memref<128xi32, #tpu.memory_space<vmem>>) target_semaphore(%arg18 : memref<!tpu.dma_semaphore, #tpu.memory_space<semaphore_mem>>)
      } else {
      }
      %lt3A_69 = arith.cmpi slt, %add3A_58, %mul3A_13 : i32
      %convert_element_type3A_70 = arith.extui %lt3A_69 : i1 to i32
      %cond3A_71 = arith.constant 0 : i32
      %cond3A_72 = arith.cmpi ne, %convert_element_type3A_70, %cond3A_71 : i32
      scf.if %cond3A_72 {
        %mul3A_115 = arith.constant 128 : i32
        %mul3A_116 = arith.muli %add3A_58, %mul3A_115 : i32
        %dma_wait3A = tpu.memref_slice %arg2[%mul3A_116] : memref<320000xi32, #tpu.memory_space<hbm>> -> memref<128xi32, #tpu.memory_space<hbm>>
        %dma_wait3A_117 = tpu.memref_slice %arg2[%mul3A_116] : memref<320000xi32, #tpu.memory_space<hbm>> -> memref<128xi32, #tpu.memory_space<hbm>>
        tpu.wait_dma2 semaphore(%arg20 : memref<!tpu.dma_semaphore, #tpu.memory_space<semaphore_mem>>) src(%dma_wait3A_117 : memref<128xi32, #tpu.memory_space<hbm>>) dst(%arg8 : memref<128xi32, #tpu.memory_space<vmem>>)
        %dma_wait3A_118 = tpu.memref_slice %arg3[%mul3A_116] : memref<320000xi32, #tpu.memory_space<hbm>> -> memref<128xi32, #tpu.memory_space<hbm>>
        %dma_wait3A_119 = tpu.memref_slice %arg3[%mul3A_116] : memref<320000xi32, #tpu.memory_space<hbm>> -> memref<128xi32, #tpu.memory_space<hbm>>
        tpu.wait_dma2 semaphore(%arg20 : memref<!tpu.dma_semaphore, #tpu.memory_space<semaphore_mem>>) src(%dma_wait3A_119 : memref<128xi32, #tpu.memory_space<hbm>>) dst(%arg11 : memref<128xi32, #tpu.memory_space<vmem>>)
        %dma_start3A_120 = arith.constant 0 : i32
        %dma_start3A_121 = arith.constant 0 : i32
        %dma_start3A_122 = tpu.memref_slice %arg4[%dma_start3A_120, %dma_start3A_121] : memref<10000x128xf32, #tpu.memory_space<hbm>> -> memref<10000x128xf32, #tpu.memory_space<hbm>>
        tpu.enqueue_indirect_dma source(%dma_start3A_122 : memref<10000x128xf32, #tpu.memory_space<hbm>>) target(%arg14 : memref<128x128xf32, #tpu.memory_space<vmem>>) offsets(%arg8 : memref<128xi32, #tpu.memory_space<vmem>>) semaphore(%arg17 : memref<!tpu.dma_semaphore, #tpu.memory_space<semaphore_mem>>)
      } else {
      }
      %add3A_73 = arith.constant 1 : i32
      %add3A_74 = arith.addi %add3A_51, %add3A_73 : i32
      %mul3A_75 = arith.constant 16 : i32
      %mul3A_76 = arith.muli %add3A_74, %mul3A_75 : i32
      %add3A_77 = arith.addi %add3A, %mul3A_76 : i32
      %add3A_78 = arith.constant 32 : i32
      %add3A_79 = arith.addi %add3A_77, %add3A_78 : i32
      %add3A_80 = arith.constant 48 : i32
      %add3A_81 = arith.addi %add3A_77, %add3A_80 : i32
      %lt3A_82 = arith.cmpi slt, %add3A_77, %mul3A_13 : i32
      %convert_element_type3A_83 = arith.extui %lt3A_82 : i1 to i32
      %cond3A_84 = arith.constant 0 : i32
      %cond3A_85 = arith.cmpi ne, %convert_element_type3A_83, %cond3A_84 : i32
      scf.if %cond3A_85 {
        %dma_wait3A = arith.constant 0 : i32
        %dma_wait3A_115 = arith.constant 0 : i32
        %dma_wait3A_116 = tpu.memref_slice %arg4[%dma_wait3A, %dma_wait3A_115] : memref<10000x128xf32, #tpu.memory_space<hbm>> -> memref<10000x128xf32, #tpu.memory_space<hbm>>
        tpu.wait_indirect_dma semaphore(%arg16 : memref<!tpu.dma_semaphore, #tpu.memory_space<semaphore_mem>>) src(%dma_wait3A_116 : memref<10000x128xf32, #tpu.memory_space<hbm>>) dst(%arg13 : memref<128x128xf32, #tpu.memory_space<vmem>>)
        "tpu.region"() ({
          %run_scoped3A = tpu.sem_alloc : memref<!tpu.dma_semaphore, #tpu.memory_space<semaphore_mem>>
          %dma_start3A_117 = arith.constant 0 : i32
          %dma_start3A_118 = arith.constant 0 : i32
          %dma_start3A_119 = tpu.memref_slice %arg21[%dma_start3A_117, %dma_start3A_118] : memref<10000x128xf32, #tpu.memory_space<vmem_shared>> -> memref<10000x128xf32, #tpu.memory_space<vmem_shared>>
          tpu.enqueue_indirect_dma source(%arg13 : memref<128x128xf32, #tpu.memory_space<vmem>>) target(%dma_start3A_119 : memref<10000x128xf32, #tpu.memory_space<vmem_shared>>) offsets(%arg10 : memref<128xi32, #tpu.memory_space<vmem>>) semaphore(%run_scoped3A : memref<!tpu.dma_semaphore, #tpu.memory_space<semaphore_mem>>) {add = true}
          %dma_wait3A_120 = arith.constant 0 : i32
          %dma_wait3A_121 = arith.constant 0 : i32
          %dma_wait3A_122 = tpu.memref_slice %arg21[%dma_wait3A_120, %dma_wait3A_121] : memref<10000x128xf32, #tpu.memory_space<vmem_shared>> -> memref<10000x128xf32, #tpu.memory_space<vmem_shared>>
          tpu.wait_indirect_dma semaphore(%run_scoped3A : memref<!tpu.dma_semaphore, #tpu.memory_space<semaphore_mem>>) src(%arg13 : memref<128x128xf32, #tpu.memory_space<vmem>>) dst(%dma_wait3A_122 : memref<10000x128xf32, #tpu.memory_space<vmem_shared>>)
          tpu.yield
        }) : () -> ()
      } else {
      }
      %lt3A_86 = arith.cmpi slt, %add3A_81, %mul3A_13 : i32
      %convert_element_type3A_87 = arith.extui %lt3A_86 : i1 to i32
      %cond3A_88 = arith.constant 0 : i32
      %cond3A_89 = arith.cmpi ne, %convert_element_type3A_87, %cond3A_88 : i32
      scf.if %cond3A_89 {
        %mul3A_115 = arith.constant 128 : i32
        %mul3A_116 = arith.muli %add3A_81, %mul3A_115 : i32
        %dma_start3A_117 = tpu.memref_slice %arg2[%mul3A_116] : memref<320000xi32, #tpu.memory_space<hbm>> -> memref<128xi32, #tpu.memory_space<hbm>>
        %dma_start3A_118 = tpu.memref_slice %arg2[%mul3A_116] : memref<320000xi32, #tpu.memory_space<hbm>> -> memref<128xi32, #tpu.memory_space<hbm>>
        tpu.enqueue_dma source(%dma_start3A_118 : memref<128xi32, #tpu.memory_space<hbm>>) target(%arg7 : memref<128xi32, #tpu.memory_space<vmem>>) target_semaphore(%arg19 : memref<!tpu.dma_semaphore, #tpu.memory_space<semaphore_mem>>)
        %dma_start3A_119 = tpu.memref_slice %arg3[%mul3A_116] : memref<320000xi32, #tpu.memory_space<hbm>> -> memref<128xi32, #tpu.memory_space<hbm>>
        %dma_start3A_120 = tpu.memref_slice %arg3[%mul3A_116] : memref<320000xi32, #tpu.memory_space<hbm>> -> memref<128xi32, #tpu.memory_space<hbm>>
        tpu.enqueue_dma source(%dma_start3A_120 : memref<128xi32, #tpu.memory_space<hbm>>) target(%arg10 : memref<128xi32, #tpu.memory_space<vmem>>) target_semaphore(%arg19 : memref<!tpu.dma_semaphore, #tpu.memory_space<semaphore_mem>>)
      } else {
      }
      %lt3A_90 = arith.cmpi slt, %add3A_79, %mul3A_13 : i32
      %convert_element_type3A_91 = arith.extui %lt3A_90 : i1 to i32
      %cond3A_92 = arith.constant 0 : i32
      %cond3A_93 = arith.cmpi ne, %convert_element_type3A_91, %cond3A_92 : i32
      scf.if %cond3A_93 {
        %mul3A_115 = arith.constant 128 : i32
        %mul3A_116 = arith.muli %add3A_79, %mul3A_115 : i32
        %dma_wait3A = tpu.memref_slice %arg2[%mul3A_116] : memref<320000xi32, #tpu.memory_space<hbm>> -> memref<128xi32, #tpu.memory_space<hbm>>
        %dma_wait3A_117 = tpu.memref_slice %arg2[%mul3A_116] : memref<320000xi32, #tpu.memory_space<hbm>> -> memref<128xi32, #tpu.memory_space<hbm>>
        tpu.wait_dma2 semaphore(%arg18 : memref<!tpu.dma_semaphore, #tpu.memory_space<semaphore_mem>>) src(%dma_wait3A_117 : memref<128xi32, #tpu.memory_space<hbm>>) dst(%arg6 : memref<128xi32, #tpu.memory_space<vmem>>)
        %dma_wait3A_118 = tpu.memref_slice %arg3[%mul3A_116] : memref<320000xi32, #tpu.memory_space<hbm>> -> memref<128xi32, #tpu.memory_space<hbm>>
        %dma_wait3A_119 = tpu.memref_slice %arg3[%mul3A_116] : memref<320000xi32, #tpu.memory_space<hbm>> -> memref<128xi32, #tpu.memory_space<hbm>>
        tpu.wait_dma2 semaphore(%arg18 : memref<!tpu.dma_semaphore, #tpu.memory_space<semaphore_mem>>) src(%dma_wait3A_119 : memref<128xi32, #tpu.memory_space<hbm>>) dst(%arg9 : memref<128xi32, #tpu.memory_space<vmem>>)
        %dma_start3A_120 = arith.constant 0 : i32
        %dma_start3A_121 = arith.constant 0 : i32
        %dma_start3A_122 = tpu.memref_slice %arg4[%dma_start3A_120, %dma_start3A_121] : memref<10000x128xf32, #tpu.memory_space<hbm>> -> memref<10000x128xf32, #tpu.memory_space<hbm>>
        tpu.enqueue_indirect_dma source(%dma_start3A_122 : memref<10000x128xf32, #tpu.memory_space<hbm>>) target(%arg12 : memref<128x128xf32, #tpu.memory_space<vmem>>) offsets(%arg6 : memref<128xi32, #tpu.memory_space<vmem>>) semaphore(%arg15 : memref<!tpu.dma_semaphore, #tpu.memory_space<semaphore_mem>>)
      } else {
      }
      %add3A_94 = arith.constant 2 : i32
      %add3A_95 = arith.addi %add3A_51, %add3A_94 : i32
      %mul3A_96 = arith.constant 16 : i32
      %mul3A_97 = arith.muli %add3A_95, %mul3A_96 : i32
      %add3A_98 = arith.addi %add3A, %mul3A_97 : i32
      %add3A_99 = arith.constant 32 : i32
      %add3A_100 = arith.addi %add3A_98, %add3A_99 : i32
      %add3A_101 = arith.constant 48 : i32
      %add3A_102 = arith.addi %add3A_98, %add3A_101 : i32
      %lt3A_103 = arith.cmpi slt, %add3A_98, %mul3A_13 : i32
      %convert_element_type3A_104 = arith.extui %lt3A_103 : i1 to i32
      %cond3A_105 = arith.constant 0 : i32
      %cond3A_106 = arith.cmpi ne, %convert_element_type3A_104, %cond3A_105 : i32
      scf.if %cond3A_106 {
        %dma_wait3A = arith.constant 0 : i32
        %dma_wait3A_115 = arith.constant 0 : i32
        %dma_wait3A_116 = tpu.memref_slice %arg4[%dma_wait3A, %dma_wait3A_115] : memref<10000x128xf32, #tpu.memory_space<hbm>> -> memref<10000x128xf32, #tpu.memory_space<hbm>>
        tpu.wait_indirect_dma semaphore(%arg17 : memref<!tpu.dma_semaphore, #tpu.memory_space<semaphore_mem>>) src(%dma_wait3A_116 : memref<10000x128xf32, #tpu.memory_space<hbm>>) dst(%arg14 : memref<128x128xf32, #tpu.memory_space<vmem>>)
        "tpu.region"() ({
          %run_scoped3A = tpu.sem_alloc : memref<!tpu.dma_semaphore, #tpu.memory_space<semaphore_mem>>
          %dma_start3A_117 = arith.constant 0 : i32
          %dma_start3A_118 = arith.constant 0 : i32
          %dma_start3A_119 = tpu.memref_slice %arg21[%dma_start3A_117, %dma_start3A_118] : memref<10000x128xf32, #tpu.memory_space<vmem_shared>> -> memref<10000x128xf32, #tpu.memory_space<vmem_shared>>
          tpu.enqueue_indirect_dma source(%arg14 : memref<128x128xf32, #tpu.memory_space<vmem>>) target(%dma_start3A_119 : memref<10000x128xf32, #tpu.memory_space<vmem_shared>>) offsets(%arg11 : memref<128xi32, #tpu.memory_space<vmem>>) semaphore(%run_scoped3A : memref<!tpu.dma_semaphore, #tpu.memory_space<semaphore_mem>>) {add = true}
          %dma_wait3A_120 = arith.constant 0 : i32
          %dma_wait3A_121 = arith.constant 0 : i32
          %dma_wait3A_122 = tpu.memref_slice %arg21[%dma_wait3A_120, %dma_wait3A_121] : memref<10000x128xf32, #tpu.memory_space<vmem_shared>> -> memref<10000x128xf32, #tpu.memory_space<vmem_shared>>
          tpu.wait_indirect_dma semaphore(%run_scoped3A : memref<!tpu.dma_semaphore, #tpu.memory_space<semaphore_mem>>) src(%arg14 : memref<128x128xf32, #tpu.memory_space<vmem>>) dst(%dma_wait3A_122 : memref<10000x128xf32, #tpu.memory_space<vmem_shared>>)
          tpu.yield
        }) : () -> ()
      } else {
      }
      %lt3A_107 = arith.cmpi slt, %add3A_102, %mul3A_13 : i32
      %convert_element_type3A_108 = arith.extui %lt3A_107 : i1 to i32
      %cond3A_109 = arith.constant 0 : i32
      %cond3A_110 = arith.cmpi ne, %convert_element_type3A_108, %cond3A_109 : i32
      scf.if %cond3A_110 {
        %mul3A_115 = arith.constant 128 : i32
        %mul3A_116 = arith.muli %add3A_102, %mul3A_115 : i32
        %dma_start3A_117 = tpu.memref_slice %arg2[%mul3A_116] : memref<320000xi32, #tpu.memory_space<hbm>> -> memref<128xi32, #tpu.memory_space<hbm>>
        %dma_start3A_118 = tpu.memref_slice %arg2[%mul3A_116] : memref<320000xi32, #tpu.memory_space<hbm>> -> memref<128xi32, #tpu.memory_space<hbm>>
        tpu.enqueue_dma source(%dma_start3A_118 : memref<128xi32, #tpu.memory_space<hbm>>) target(%arg8 : memref<128xi32, #tpu.memory_space<vmem>>) target_semaphore(%arg20 : memref<!tpu.dma_semaphore, #tpu.memory_space<semaphore_mem>>)
        %dma_start3A_119 = tpu.memref_slice %arg3[%mul3A_116] : memref<320000xi32, #tpu.memory_space<hbm>> -> memref<128xi32, #tpu.memory_space<hbm>>
        %dma_start3A_120 = tpu.memref_slice %arg3[%mul3A_116] : memref<320000xi32, #tpu.memory_space<hbm>> -> memref<128xi32, #tpu.memory_space<hbm>>
        tpu.enqueue_dma source(%dma_start3A_120 : memref<128xi32, #tpu.memory_space<hbm>>) target(%arg11 : memref<128xi32, #tpu.memory_space<vmem>>) target_semaphore(%arg20 : memref<!tpu.dma_semaphore, #tpu.memory_space<semaphore_mem>>)
      } else {
      }
      %lt3A_111 = arith.cmpi slt, %add3A_100, %mul3A_13 : i32
      %convert_element_type3A_112 = arith.extui %lt3A_111 : i1 to i32
      %cond3A_113 = arith.constant 0 : i32
      %cond3A_114 = arith.cmpi ne, %convert_element_type3A_112, %cond3A_113 : i32
      scf.if %cond3A_114 {
        %mul3A_115 = arith.constant 128 : i32
        %mul3A_116 = arith.muli %add3A_100, %mul3A_115 : i32
        %dma_wait3A = tpu.memref_slice %arg2[%mul3A_116] : memref<320000xi32, #tpu.memory_space<hbm>> -> memref<128xi32, #tpu.memory_space<hbm>>
        %dma_wait3A_117 = tpu.memref_slice %arg2[%mul3A_116] : memref<320000xi32, #tpu.memory_space<hbm>> -> memref<128xi32, #tpu.memory_space<hbm>>
        tpu.wait_dma2 semaphore(%arg19 : memref<!tpu.dma_semaphore, #tpu.memory_space<semaphore_mem>>) src(%dma_wait3A_117 : memref<128xi32, #tpu.memory_space<hbm>>) dst(%arg7 : memref<128xi32, #tpu.memory_space<vmem>>)
        %dma_wait3A_118 = tpu.memref_slice %arg3[%mul3A_116] : memref<320000xi32, #tpu.memory_space<hbm>> -> memref<128xi32, #tpu.memory_space<hbm>>
        %dma_wait3A_119 = tpu.memref_slice %arg3[%mul3A_116] : memref<320000xi32, #tpu.memory_space<hbm>> -> memref<128xi32, #tpu.memory_space<hbm>>
        tpu.wait_dma2 semaphore(%arg19 : memref<!tpu.dma_semaphore, #tpu.memory_space<semaphore_mem>>) src(%dma_wait3A_119 : memref<128xi32, #tpu.memory_space<hbm>>) dst(%arg10 : memref<128xi32, #tpu.memory_space<vmem>>)
        %dma_start3A_120 = arith.constant 0 : i32
        %dma_start3A_121 = arith.constant 0 : i32
        %dma_start3A_122 = tpu.memref_slice %arg4[%dma_start3A_120, %dma_start3A_121] : memref<10000x128xf32, #tpu.memory_space<hbm>> -> memref<10000x128xf32, #tpu.memory_space<hbm>>
        tpu.enqueue_indirect_dma source(%dma_start3A_122 : memref<10000x128xf32, #tpu.memory_space<hbm>>) target(%arg13 : memref<128x128xf32, #tpu.memory_space<vmem>>) offsets(%arg7 : memref<128xi32, #tpu.memory_space<vmem>>) semaphore(%arg16 : memref<!tpu.dma_semaphore, #tpu.memory_space<semaphore_mem>>)
      } else {
      }
    }
    %scan3A_37 = arith.constant 27 : i32
    %barrier3A_38 = arith.constant 0 : index
    tpu.barrier barrier_id(%barrier3A_38)
    %mul3A_39 = arith.constant 640 : i32
    %mul3A_40 = arith.muli %arg1, %mul3A_39 : i32
    %lt3A = arith.constant 15 : i32
    %lt3A_41 = arith.cmpi slt, %arg1, %lt3A : i32
    %convert_element_type3A = arith.extui %lt3A_41 : i1 to i32
    %cond3A = arith.constant 0 : i32
    %cond3A_42 = arith.cmpi ne, %convert_element_type3A, %cond3A : i32
    scf.if %cond3A_42 {
      "tpu.region"() ({
        %run_scoped3A = tpu.sem_alloc : memref<!tpu.dma_semaphore, #tpu.memory_space<semaphore_mem>>
        %dma_start3A_47 = arith.constant 0 : i32
        %dma_start3A_48 = tpu.memref_slice %arg5[%arg0, %mul3A_40, %dma_start3A_47] : memref<2x10000x128xf32, #tpu.memory_space<hbm>> -> memref<1x640x128xf32, #tpu.memory_space<hbm>>
        %dma_start3A_49 = tpu.memref_squeeze %dma_start3A_48 : memref<1x640x128xf32, #tpu.memory_space<hbm>> -> memref<640x128xf32, #tpu.memory_space<hbm>>
        %dma_start3A_50 = arith.constant 0 : i32
        %dma_start3A_51 = tpu.memref_slice %arg21[%mul3A_40, %dma_start3A_50] : memref<10000x128xf32, #tpu.memory_space<vmem_shared>> -> memref<640x128xf32, #tpu.memory_space<vmem_shared>>
        tpu.enqueue_dma source(%dma_start3A_51 : memref<640x128xf32, #tpu.memory_space<vmem_shared>>) target(%dma_start3A_49 : memref<640x128xf32, #tpu.memory_space<hbm>>) target_semaphore(%run_scoped3A : memref<!tpu.dma_semaphore, #tpu.memory_space<semaphore_mem>>)
        %dma_wait3A = arith.constant 0 : i32
        %dma_wait3A_52 = tpu.memref_slice %arg5[%arg0, %mul3A_40, %dma_wait3A] : memref<2x10000x128xf32, #tpu.memory_space<hbm>> -> memref<1x640x128xf32, #tpu.memory_space<hbm>>
        %dma_wait3A_53 = tpu.memref_squeeze %dma_wait3A_52 : memref<1x640x128xf32, #tpu.memory_space<hbm>> -> memref<640x128xf32, #tpu.memory_space<hbm>>
        %dma_wait3A_54 = arith.constant 0 : i32
        %dma_wait3A_55 = tpu.memref_slice %arg21[%mul3A_40, %dma_wait3A_54] : memref<10000x128xf32, #tpu.memory_space<vmem_shared>> -> memref<640x128xf32, #tpu.memory_space<vmem_shared>>
        tpu.wait_dma2 semaphore(%run_scoped3A : memref<!tpu.dma_semaphore, #tpu.memory_space<semaphore_mem>>) src(%dma_wait3A_55 : memref<640x128xf32, #tpu.memory_space<vmem_shared>>) dst(%dma_wait3A_53 : memref<640x128xf32, #tpu.memory_space<hbm>>)
        tpu.yield
      }) : () -> ()
    } else {
    }
    %eq3A = arith.constant 15 : i32
    %eq3A_43 = arith.cmpi eq, %arg1, %eq3A : i32
    %convert_element_type3A_44 = arith.extui %eq3A_43 : i1 to i32
    %cond3A_45 = arith.constant 0 : i32
    %cond3A_46 = arith.cmpi ne, %convert_element_type3A_44, %cond3A_45 : i32
    scf.if %cond3A_46 {
      "tpu.region"() ({
        %run_scoped3A = tpu.sem_alloc : memref<!tpu.dma_semaphore, #tpu.memory_space<semaphore_mem>>
        %dma_start3A_47 = arith.constant 0 : i32
        %dma_start3A_48 = tpu.memref_slice %arg5[%arg0, %mul3A_40, %dma_start3A_47] : memref<2x10000x128xf32, #tpu.memory_space<hbm>> -> memref<1x400x128xf32, #tpu.memory_space<hbm>>
        %dma_start3A_49 = tpu.memref_squeeze %dma_start3A_48 : memref<1x400x128xf32, #tpu.memory_space<hbm>> -> memref<400x128xf32, #tpu.memory_space<hbm>>
        %dma_start3A_50 = arith.constant 0 : i32
        %dma_start3A_51 = tpu.memref_slice %arg21[%mul3A_40, %dma_start3A_50] : memref<10000x128xf32, #tpu.memory_space<vmem_shared>> -> memref<400x128xf32, #tpu.memory_space<vmem_shared>>
        tpu.enqueue_dma source(%dma_start3A_51 : memref<400x128xf32, #tpu.memory_space<vmem_shared>>) target(%dma_start3A_49 : memref<400x128xf32, #tpu.memory_space<hbm>>) target_semaphore(%run_scoped3A : memref<!tpu.dma_semaphore, #tpu.memory_space<semaphore_mem>>)
        %dma_wait3A = arith.constant 0 : i32
        %dma_wait3A_52 = tpu.memref_slice %arg5[%arg0, %mul3A_40, %dma_wait3A] : memref<2x10000x128xf32, #tpu.memory_space<hbm>> -> memref<1x400x128xf32, #tpu.memory_space<hbm>>
        %dma_wait3A_53 = tpu.memref_squeeze %dma_wait3A_52 : memref<1x400x128xf32, #tpu.memory_space<hbm>> -> memref<400x128xf32, #tpu.memory_space<hbm>>
        %dma_wait3A_54 = arith.constant 0 : i32
        %dma_wait3A_55 = tpu.memref_slice %arg21[%mul3A_40, %dma_wait3A_54] : memref<10000x128xf32, #tpu.memory_space<vmem_shared>> -> memref<400x128xf32, #tpu.memory_space<vmem_shared>>
        tpu.wait_dma2 semaphore(%run_scoped3A : memref<!tpu.dma_semaphore, #tpu.memory_space<semaphore_mem>>) src(%dma_wait3A_55 : memref<400x128xf32, #tpu.memory_space<vmem_shared>>) dst(%dma_wait3A_53 : memref<400x128xf32, #tpu.memory_space<hbm>>)
        tpu.yield
      }) : () -> ()
    } else {
    }
    return
  }
}

module attributes {stable_mosaic.version = 14 : i64} {
  func.func @_tc_l1_body(%arg0: i32, %arg1: memref<2x2000x128xf32, #tpu.memory_space<vmem>>, %arg2: memref<128x256xf32, #tpu.memory_space<vmem>>, %arg3: memref<1x256xf32, #tpu.memory_space<vmem>>, %arg4: memref<2000x1xf32, #tpu.memory_space<vmem>>, %arg5: memref<2000x1xf32, #tpu.memory_space<vmem>>, %arg6: memref<256x256xf32, #tpu.memory_space<vmem>>, %arg7: memref<2000x128xf32, #tpu.memory_space<vmem>>, %arg8: memref<2000x128xf32, #tpu.memory_space<vmem>>, %arg9: memref<1x256xf32, #tpu.memory_space<vmem>>) attributes {dimension_semantics = [#tpu.dimension_semantics<arbitrary>], iteration_bounds = array<i64: 5>, scalar_prefetch = 0 : i64, scratch_operands = 0 : i64, tpu.core_type = #tpu.core_type<tc>, window_params = [{transform_indices = @transform_0, window_bounds = array<i64: 2, 2000, 128>}, {pipeline_mode = #tpu.pipeline_mode<synchronous>, transform_indices = @transform_1, window_bounds = array<i64: 128, 256>}, {pipeline_mode = #tpu.pipeline_mode<synchronous>, transform_indices = @transform_2, window_bounds = array<i64: 1, 256>}, {transform_indices = @transform_3, window_bounds = array<i64: 2000, 1>}, {transform_indices = @transform_4, window_bounds = array<i64: 2000, 1>}, {pipeline_mode = #tpu.pipeline_mode<synchronous>, transform_indices = @transform_5, window_bounds = array<i64: 256, 256>}, {transform_indices = @transform_6, window_bounds = array<i64: 2000, 128>}, {transform_indices = @transform_7, window_bounds = array<i64: 2000, 128>}, {pipeline_mode = #tpu.pipeline_mode<synchronous>, transform_indices = @transform_8, window_bounds = array<i64: 1, 256>}]} {
    %get3A = arith.constant 0 : index
    %get3A_0 = arith.constant 0 : index
    %get3A_1 = arith.constant 0 : index
    %get3A_2 = vector.load %arg1[%get3A, %get3A_0, %get3A_1] : memref<2x2000x128xf32, #tpu.memory_space<vmem>>, vector<1x2000x128xf32>
    %get3A_3 = vector.shape_cast %get3A_2 : vector<1x2000x128xf32> to vector<2000x128xf32>
    %get3A_4 = arith.constant 1 : index
    %get3A_5 = arith.constant 0 : index
    %get3A_6 = arith.constant 0 : index
    %get3A_7 = vector.load %arg1[%get3A_4, %get3A_5, %get3A_6] : memref<2x2000x128xf32, #tpu.memory_space<vmem>>, vector<1x2000x128xf32>
    %get3A_8 = vector.shape_cast %get3A_7 : vector<1x2000x128xf32> to vector<2000x128xf32>
    %add3A = arith.addf %get3A_3, %get3A_8 : vector<2000x128xf32>
    %get3A_9 = arith.constant 0 : index
    %get3A_10 = arith.constant 0 : index
    %get3A_11 = vector.load %arg2[%get3A_9, %get3A_10] : memref<128x256xf32, #tpu.memory_space<vmem>>, vector<128x256xf32>
    %dot_general3A = arith.constant dense<0.000000e+00> : vector<2000x256xf32>
    %dot_general3A_12 = tpu.matmul %add3A, %get3A_11, %dot_general3A {dimension_numbers = #tpu.dot_dimension_numbers<[1], [0], [0], [1], [0, 0, 1, 1], [], []>, precision = #tpu.contract_precision<fp32>, transpose_lhs_hint = false} : vector<2000x128xf32>, vector<128x256xf32>, vector<2000x256xf32> -> vector<2000x256xf32>
    %get3A_13 = arith.constant 0 : index
    %get3A_14 = arith.constant 0 : index
    %get3A_15 = vector.load %arg4[%get3A_13, %get3A_14] : memref<2000x1xf32, #tpu.memory_space<vmem>>, vector<2000x1xf32>
    %mul3A = vector.broadcast %get3A_15 : vector<2000x1xf32> to vector<2000x256xf32>
    %mul3A_16 = arith.mulf %dot_general3A_12, %mul3A : vector<2000x256xf32>
    %get3A_17 = arith.constant 0 : index
    %get3A_18 = arith.constant 0 : index
    %get3A_19 = vector.load %arg3[%get3A_17, %get3A_18] : memref<1x256xf32, #tpu.memory_space<vmem>>, vector<1x256xf32>
    %add3A_20 = vector.broadcast %get3A_19 : vector<1x256xf32> to vector<2000x256xf32>
    %add3A_21 = arith.addf %mul3A_16, %add3A_20 : vector<2000x256xf32>
    %max3A = arith.constant 0.000000e+00 : f32
    %max3A_22 = vector.broadcast %max3A : f32 to vector<2000x256xf32>
    %max3A_23 = arith.maximumf %add3A_21, %max3A_22 : vector<2000x256xf32>
    %eq3A = arith.constant 0 : i32
    %eq3A_24 = arith.cmpi eq, %arg0, %eq3A : i32
    %convert_element_type3A = arith.extui %eq3A_24 : i1 to i32
    %cond3A = arith.constant 0 : i32
    %cond3A_25 = arith.cmpi ne, %convert_element_type3A, %cond3A : i32
    scf.if %cond3A_25 {
      %broadcast_in_dim3A_53 = arith.constant 0.000000e+00 : f32
      %broadcast_in_dim3A_54 = vector.broadcast %broadcast_in_dim3A_53 : f32 to vector<1x256xf32>
      %swap3A_55 = arith.constant 0 : index
      %swap3A_56 = arith.constant 0 : index
      %swap3A_57 = vector.load %arg9[%swap3A_55, %swap3A_56] : memref<1x256xf32, #tpu.memory_space<vmem>>, vector<1x256xf32>
      tpu.vector_store %arg9[%swap3A_55, %swap3A_56], %broadcast_in_dim3A_54 {strides = array<i32>} : memref<1x256xf32, #tpu.memory_space<vmem>>, vector<1x256xf32>,
    } else {
    }
    %get3A_26 = arith.constant 0 : index
    %get3A_27 = arith.constant 0 : index
    %get3A_28 = vector.load %arg9[%get3A_26, %get3A_27] : memref<1x256xf32, #tpu.memory_space<vmem>>, vector<1x256xf32>
    %reduce_sum3A = arith.constant dense<0.000000e+00> : vector<256xf32>
    %reduce_sum3A_29 = vector.multi_reduction <add>, %max3A_23, %reduce_sum3A [0] : vector<2000x256xf32> to vector<256xf32>
    %broadcast_in_dim3A = vector.shape_cast %reduce_sum3A_29 : vector<256xf32> to vector<1x256xf32>
    %mul3A_30 = arith.constant 9.99999974E-5 : f32
    %mul3A_31 = vector.broadcast %mul3A_30 : f32 to vector<1x256xf32>
    %mul3A_32 = arith.mulf %broadcast_in_dim3A, %mul3A_31 : vector<1x256xf32>
    %add3A_33 = arith.addf %get3A_28, %mul3A_32 : vector<1x256xf32>
    %swap3A = arith.constant 0 : index
    %swap3A_34 = arith.constant 0 : index
    %swap3A_35 = vector.load %arg9[%swap3A, %swap3A_34] : memref<1x256xf32, #tpu.memory_space<vmem>>, vector<1x256xf32>
    tpu.vector_store %arg9[%swap3A, %swap3A_34], %add3A_33 {strides = array<i32>} : memref<1x256xf32, #tpu.memory_space<vmem>>, vector<1x256xf32>,
    %get3A_36 = arith.constant 0 : index
    %get3A_37 = arith.constant 0 : index
    %get3A_38 = vector.load %arg6[%get3A_36, %get3A_37] : memref<256x256xf32, #tpu.memory_space<vmem>>, vector<256x256xf32>
    %dot_general3A_39 = arith.constant dense<0.000000e+00> : vector<2000x256xf32>
    %dot_general3A_40 = tpu.matmul %max3A_23, %get3A_38, %dot_general3A_39 {dimension_numbers = #tpu.dot_dimension_numbers<[1], [0], [0], [1], [0, 0, 1, 1], [], []>, precision = #tpu.contract_precision<fp32>, transpose_lhs_hint = false} : vector<2000x256xf32>, vector<256x256xf32>, vector<2000x256xf32> -> vector<2000x256xf32>
    %get3A_41 = arith.constant 0 : index
    %get3A_42 = arith.constant 0 : index
    %get3A_43 = vector.load %arg5[%get3A_41, %get3A_42] : memref<2000x1xf32, #tpu.memory_space<vmem>>, vector<2000x1xf32>
    %mul3A_44 = vector.broadcast %get3A_43 : vector<2000x1xf32> to vector<2000x256xf32>
    %mul3A_45 = arith.mulf %dot_general3A_40, %mul3A_44 : vector<2000x256xf32>
    %slice3A = vector.extract_strided_slice %mul3A_45 {offsets = [0, 0], sizes = [2000, 128], strides = [1, 1]} : vector<2000x256xf32> to vector<2000x128xf32>
    %swap3A_46 = arith.constant 0 : index
    %swap3A_47 = arith.constant 0 : index
    %swap3A_48 = vector.load %arg7[%swap3A_46, %swap3A_47] : memref<2000x128xf32, #tpu.memory_space<vmem>>, vector<2000x128xf32>
    tpu.vector_store %arg7[%swap3A_46, %swap3A_47], %slice3A {strides = array<i32>} : memref<2000x128xf32, #tpu.memory_space<vmem>>, vector<2000x128xf32>,
    %slice3A_49 = vector.extract_strided_slice %mul3A_45 {offsets = [0, 128], sizes = [2000, 128], strides = [1, 1]} : vector<2000x256xf32> to vector<2000x128xf32>
    %swap3A_50 = arith.constant 0 : index
    %swap3A_51 = arith.constant 0 : index
    %swap3A_52 = vector.load %arg8[%swap3A_50, %swap3A_51] : memref<2000x128xf32, #tpu.memory_space<vmem>>, vector<2000x128xf32>
    tpu.vector_store %arg8[%swap3A_50, %swap3A_51], %slice3A_49 {strides = array<i32>} : memref<2000x128xf32, #tpu.memory_space<vmem>>, vector<2000x128xf32>,
    return
  }
  func.func @transform_0(%arg0: i32) -> (i32, i32, i32) {
    %c0_i32 = arith.constant 0 : i32
    %c0_i32_0 = arith.constant 0 : i32
    %c0_i32_1 = arith.constant 0 : i32
    return %c0_i32, %arg0, %c0_i32_0 : i32, i32, i32
  }
  func.func @transform_1(%arg0: i32) -> (i32, i32) {
    %c0_i32 = arith.constant 0 : i32
    %c0_i32_0 = arith.constant 0 : i32
    %c0_i32_1 = arith.constant 0 : i32
    return %c0_i32, %c0_i32_0 : i32, i32
  }
  func.func @transform_2(%arg0: i32) -> (i32, i32) {
    %c0_i32 = arith.constant 0 : i32
    %c0_i32_0 = arith.constant 0 : i32
    %c0_i32_1 = arith.constant 0 : i32
    return %c0_i32, %c0_i32_0 : i32, i32
  }
  func.func @transform_3(%arg0: i32) -> (i32, i32) {
    %c0_i32 = arith.constant 0 : i32
    %c0_i32_0 = arith.constant 0 : i32
    return %arg0, %c0_i32 : i32, i32
  }
  func.func @transform_4(%arg0: i32) -> (i32, i32) {
    %c0_i32 = arith.constant 0 : i32
    %c0_i32_0 = arith.constant 0 : i32
    return %arg0, %c0_i32 : i32, i32
  }
  func.func @transform_5(%arg0: i32) -> (i32, i32) {
    %c0_i32 = arith.constant 0 : i32
    %c0_i32_0 = arith.constant 0 : i32
    %c0_i32_1 = arith.constant 0 : i32
    return %c0_i32, %c0_i32_0 : i32, i32
  }
  func.func @transform_6(%arg0: i32) -> (i32, i32) {
    %c0_i32 = arith.constant 0 : i32
    %c0_i32_0 = arith.constant 0 : i32
    return %arg0, %c0_i32 : i32, i32
  }
  func.func @transform_7(%arg0: i32) -> (i32, i32) {
    %c0_i32 = arith.constant 0 : i32
    %c0_i32_0 = arith.constant 0 : i32
    return %arg0, %c0_i32 : i32, i32
  }
  func.func @transform_8(%arg0: i32) -> (i32, i32) {
    %c0_i32 = arith.constant 0 : i32
    %c0_i32_0 = arith.constant 0 : i32
    %c0_i32_1 = arith.constant 0 : i32
    return %c0_i32, %c0_i32_0 : i32, i32
  }
}

module attributes {stable_mosaic.version = 14 : i64} {
  func.func @_tc_prep_body(%arg0: i32, %arg1: memref<2000x128xf32, #tpu.memory_space<vmem>>, %arg2: memref<2000x1xf32, #tpu.memory_space<vmem>>, %arg3: memref<2000x1xf32, #tpu.memory_space<vmem>>, %arg4: memref<2000x128xf32, #tpu.memory_space<vmem>>, %arg5: memref<2000x1xf32, #tpu.memory_space<vmem>>, %arg6: memref<2000x1xf32, #tpu.memory_space<vmem>>) attributes {dimension_semantics = [#tpu.dimension_semantics<arbitrary>], iteration_bounds = array<i64: 5>, scalar_prefetch = 0 : i64, scratch_operands = 0 : i64, tpu.core_type = #tpu.core_type<tc>, window_params = [{transform_indices = @transform_0, window_bounds = array<i64: 2000, 128>}, {transform_indices = @transform_1, window_bounds = array<i64: 2000, 1>}, {transform_indices = @transform_2, window_bounds = array<i64: 2000, 1>}, {transform_indices = @transform_3, window_bounds = array<i64: 2000, 128>}, {transform_indices = @transform_4, window_bounds = array<i64: 2000, 1>}, {transform_indices = @transform_5, window_bounds = array<i64: 2000, 1>}]} {
    %get3A = arith.constant 0 : index
    %get3A_0 = arith.constant 0 : index
    %get3A_1 = vector.load %arg2[%get3A, %get3A_0] : memref<2000x1xf32, #tpu.memory_space<vmem>>, vector<2000x1xf32>
    %max3A = arith.constant 1.000000e+00 : f32
    %max3A_2 = vector.broadcast %max3A : f32 to vector<2000x1xf32>
    %max3A_3 = arith.maximumf %get3A_1, %max3A_2 : vector<2000x1xf32>
    %rsqrt3A = math.rsqrt %max3A_3 : vector<2000x1xf32>
    %get3A_4 = arith.constant 0 : index
    %get3A_5 = arith.constant 0 : index
    %get3A_6 = vector.load %arg3[%get3A_4, %get3A_5] : memref<2000x1xf32, #tpu.memory_space<vmem>>, vector<2000x1xf32>
    %max3A_7 = arith.constant 1.000000e+00 : f32
    %max3A_8 = vector.broadcast %max3A_7 : f32 to vector<2000x1xf32>
    %max3A_9 = arith.maximumf %get3A_6, %max3A_8 : vector<2000x1xf32>
    %rsqrt3A_10 = math.rsqrt %max3A_9 : vector<2000x1xf32>
    %swap3A = arith.constant 0 : index
    %swap3A_11 = arith.constant 0 : index
    %swap3A_12 = vector.load %arg5[%swap3A, %swap3A_11] : memref<2000x1xf32, #tpu.memory_space<vmem>>, vector<2000x1xf32>
    tpu.vector_store %arg5[%swap3A, %swap3A_11], %rsqrt3A {strides = array<i32>} : memref<2000x1xf32, #tpu.memory_space<vmem>>, vector<2000x1xf32>,
    %swap3A_13 = arith.constant 0 : index
    %swap3A_14 = arith.constant 0 : index
    %swap3A_15 = vector.load %arg6[%swap3A_13, %swap3A_14] : memref<2000x1xf32, #tpu.memory_space<vmem>>, vector<2000x1xf32>
    tpu.vector_store %arg6[%swap3A_13, %swap3A_14], %rsqrt3A_10 {strides = array<i32>} : memref<2000x1xf32, #tpu.memory_space<vmem>>, vector<2000x1xf32>,
    %get3A_16 = arith.constant 0 : index
    %get3A_17 = arith.constant 0 : index
    %get3A_18 = vector.load %arg1[%get3A_16, %get3A_17] : memref<2000x128xf32, #tpu.memory_space<vmem>>, vector<2000x128xf32>
    %mul3A = vector.broadcast %rsqrt3A : vector<2000x1xf32> to vector<2000x128xf32>
    %mul3A_19 = arith.mulf %get3A_18, %mul3A : vector<2000x128xf32>
    %swap3A_20 = arith.constant 0 : index
    %swap3A_21 = arith.constant 0 : index
    %swap3A_22 = vector.load %arg4[%swap3A_20, %swap3A_21] : memref<2000x128xf32, #tpu.memory_space<vmem>>, vector<2000x128xf32>
    tpu.vector_store %arg4[%swap3A_20, %swap3A_21], %mul3A_19 {strides = array<i32>} : memref<2000x128xf32, #tpu.memory_space<vmem>>, vector<2000x128xf32>,
    return
  }
  func.func @transform_0(%arg0: i32) -> (i32, i32) {
    %c0_i32 = arith.constant 0 : i32
    %c0_i32_0 = arith.constant 0 : i32
    return %arg0, %c0_i32 : i32, i32
  }
  func.func @transform_1(%arg0: i32) -> (i32, i32) {
    %c0_i32 = arith.constant 0 : i32
    %c0_i32_0 = arith.constant 0 : i32
    return %arg0, %c0_i32 : i32, i32
  }
  func.func @transform_2(%arg0: i32) -> (i32, i32) {
    %c0_i32 = arith.constant 0 : i32
    %c0_i32_0 = arith.constant 0 : i32
    return %arg0, %c0_i32 : i32, i32
  }
  func.func @transform_3(%arg0: i32) -> (i32, i32) {
    %c0_i32 = arith.constant 0 : i32
    %c0_i32_0 = arith.constant 0 : i32
    return %arg0, %c0_i32 : i32, i32
  }
  func.func @transform_4(%arg0: i32) -> (i32, i32) {
    %c0_i32 = arith.constant 0 : i32
    %c0_i32_0 = arith.constant 0 : i32
    return %arg0, %c0_i32 : i32, i32
  }
  func.func @transform_5(%arg0: i32) -> (i32, i32) {
    %c0_i32 = arith.constant 0 : i32
    %c0_i32_0 = arith.constant 0 : i32
    return %arg0, %c0_i32 : i32, i32
  }
}

module attributes {stable_mosaic.version = 14 : i64} {
  func.func @_tc_mid_body(%arg0: i32, %arg1: memref<2x2000x128xf32, #tpu.memory_space<vmem>>, %arg2: memref<2000x1xf32, #tpu.memory_space<vmem>>, %arg3: memref<1x256xf32, #tpu.memory_space<vmem>>, %arg4: memref<256x256xf32, #tpu.memory_space<vmem>>, %arg5: memref<2000x1xf32, #tpu.memory_space<vmem>>, %arg6: memref<2000x128xf32, #tpu.memory_space<vmem>>, %arg7: memref<2000x128xf32, #tpu.memory_space<vmem>>, %arg8: memref<1x256xf32, #tpu.memory_space<vmem>>) attributes {dimension_semantics = [#tpu.dimension_semantics<arbitrary>], iteration_bounds = array<i64: 5>, scalar_prefetch = 0 : i64, scratch_operands = 0 : i64, tpu.core_type = #tpu.core_type<tc>, window_params = [{transform_indices = @transform_0, window_bounds = array<i64: 2, 2000, 128>}, {transform_indices = @transform_1, window_bounds = array<i64: 2000, 1>}, {pipeline_mode = #tpu.pipeline_mode<synchronous>, transform_indices = @transform_2, window_bounds = array<i64: 1, 256>}, {pipeline_mode = #tpu.pipeline_mode<synchronous>, transform_indices = @transform_3, window_bounds = array<i64: 256, 256>}, {transform_indices = @transform_4, window_bounds = array<i64: 2000, 1>}, {transform_indices = @transform_5, window_bounds = array<i64: 2000, 128>}, {transform_indices = @transform_6, window_bounds = array<i64: 2000, 128>}, {pipeline_mode = #tpu.pipeline_mode<synchronous>, transform_indices = @transform_7, window_bounds = array<i64: 1, 256>}]} {
    %get3A = arith.constant 0 : index
    %get3A_0 = arith.constant 0 : index
    %get3A_1 = vector.load %arg2[%get3A, %get3A_0] : memref<2000x1xf32, #tpu.memory_space<vmem>>, vector<2000x1xf32>
    %get3A_2 = arith.constant 0 : index
    %get3A_3 = arith.constant 0 : index
    %get3A_4 = arith.constant 0 : index
    %get3A_5 = vector.load %arg1[%get3A_2, %get3A_3, %get3A_4] : memref<2x2000x128xf32, #tpu.memory_space<vmem>>, vector<1x2000x128xf32>
    %get3A_6 = vector.shape_cast %get3A_5 : vector<1x2000x128xf32> to vector<2000x128xf32>
    %mul3A = vector.broadcast %get3A_1 : vector<2000x1xf32> to vector<2000x128xf32>
    %mul3A_7 = arith.mulf %get3A_6, %mul3A : vector<2000x128xf32>
    %get3A_8 = arith.constant 0 : index
    %get3A_9 = arith.constant 0 : index
    %get3A_10 = vector.load %arg3[%get3A_8, %get3A_9] : memref<1x256xf32, #tpu.memory_space<vmem>>, vector<1x128xf32>
    %add3A = vector.broadcast %get3A_10 : vector<1x128xf32> to vector<2000x128xf32>
    %add3A_11 = arith.addf %mul3A_7, %add3A : vector<2000x128xf32>
    %max3A = arith.constant 0.000000e+00 : f32
    %max3A_12 = vector.broadcast %max3A : f32 to vector<2000x128xf32>
    %max3A_13 = arith.maximumf %add3A_11, %max3A_12 : vector<2000x128xf32>
    %get3A_14 = arith.constant 1 : index
    %get3A_15 = arith.constant 0 : index
    %get3A_16 = arith.constant 0 : index
    %get3A_17 = vector.load %arg1[%get3A_14, %get3A_15, %get3A_16] : memref<2x2000x128xf32, #tpu.memory_space<vmem>>, vector<1x2000x128xf32>
    %get3A_18 = vector.shape_cast %get3A_17 : vector<1x2000x128xf32> to vector<2000x128xf32>
    %mul3A_19 = vector.broadcast %get3A_1 : vector<2000x1xf32> to vector<2000x128xf32>
    %mul3A_20 = arith.mulf %get3A_18, %mul3A_19 : vector<2000x128xf32>
    %get3A_21 = arith.constant 0 : index
    %get3A_22 = arith.constant 128 : index
    %get3A_23 = vector.load %arg3[%get3A_21, %get3A_22] : memref<1x256xf32, #tpu.memory_space<vmem>>, vector<1x128xf32>
    %add3A_24 = vector.broadcast %get3A_23 : vector<1x128xf32> to vector<2000x128xf32>
    %add3A_25 = arith.addf %mul3A_20, %add3A_24 : vector<2000x128xf32>
    %max3A_26 = arith.constant 0.000000e+00 : f32
    %max3A_27 = vector.broadcast %max3A_26 : f32 to vector<2000x128xf32>
    %max3A_28 = arith.maximumf %add3A_25, %max3A_27 : vector<2000x128xf32>
    %reduce_sum3A = arith.constant dense<0.000000e+00> : vector<128xf32>
    %reduce_sum3A_29 = vector.multi_reduction <add>, %max3A_13, %reduce_sum3A [0] : vector<2000x128xf32> to vector<128xf32>
    %broadcast_in_dim3A = vector.shape_cast %reduce_sum3A_29 : vector<128xf32> to vector<1x128xf32>
    %mul3A_30 = arith.constant 9.99999974E-5 : f32
    %mul3A_31 = vector.broadcast %mul3A_30 : f32 to vector<1x128xf32>
    %mul3A_32 = arith.mulf %broadcast_in_dim3A, %mul3A_31 : vector<1x128xf32>
    %reduce_sum3A_33 = arith.constant dense<0.000000e+00> : vector<128xf32>
    %reduce_sum3A_34 = vector.multi_reduction <add>, %max3A_28, %reduce_sum3A_33 [0] : vector<2000x128xf32> to vector<128xf32>
    %broadcast_in_dim3A_35 = vector.shape_cast %reduce_sum3A_34 : vector<128xf32> to vector<1x128xf32>
    %mul3A_36 = arith.constant 9.99999974E-5 : f32
    %mul3A_37 = vector.broadcast %mul3A_36 : f32 to vector<1x128xf32>
    %mul3A_38 = arith.mulf %broadcast_in_dim3A_35, %mul3A_37 : vector<1x128xf32>
    %eq3A = arith.constant 0 : i32
    %eq3A_39 = arith.cmpi eq, %arg0, %eq3A : i32
    %convert_element_type3A = arith.extui %eq3A_39 : i1 to i32
    %cond3A = arith.constant 0 : i32
    %cond3A_40 = arith.cmpi ne, %convert_element_type3A, %cond3A : i32
    scf.if %cond3A_40 {
      %broadcast_in_dim3A_76 = arith.constant 0.000000e+00 : f32
      %broadcast_in_dim3A_77 = vector.broadcast %broadcast_in_dim3A_76 : f32 to vector<1x256xf32>
      %swap3A_78 = arith.constant 0 : index
      %swap3A_79 = arith.constant 0 : index
      %swap3A_80 = vector.load %arg8[%swap3A_78, %swap3A_79] : memref<1x256xf32, #tpu.memory_space<vmem>>, vector<1x256xf32>
      tpu.vector_store %arg8[%swap3A_78, %swap3A_79], %broadcast_in_dim3A_77 {strides = array<i32>} : memref<1x256xf32, #tpu.memory_space<vmem>>, vector<1x256xf32>,
    } else {
    }
    %get3A_41 = arith.constant 0 : index
    %get3A_42 = arith.constant 0 : index
    %get3A_43 = vector.load %arg8[%get3A_41, %get3A_42] : memref<1x256xf32, #tpu.memory_space<vmem>>, vector<1x128xf32>
    %add3A_44 = arith.addf %get3A_43, %mul3A_32 : vector<1x128xf32>
    %swap3A = arith.constant 0 : index
    %swap3A_45 = arith.constant 0 : index
    %swap3A_46 = vector.load %arg8[%swap3A, %swap3A_45] : memref<1x256xf32, #tpu.memory_space<vmem>>, vector<1x128xf32>
    tpu.vector_store %arg8[%swap3A, %swap3A_45], %add3A_44 {strides = array<i32>} : memref<1x256xf32, #tpu.memory_space<vmem>>, vector<1x128xf32>,
    %get3A_47 = arith.constant 0 : index
    %get3A_48 = arith.constant 128 : index
    %get3A_49 = vector.load %arg8[%get3A_47, %get3A_48] : memref<1x256xf32, #tpu.memory_space<vmem>>, vector<1x128xf32>
    %add3A_50 = arith.addf %get3A_49, %mul3A_38 : vector<1x128xf32>
    %swap3A_51 = arith.constant 0 : index
    %swap3A_52 = arith.constant 128 : index
    %swap3A_53 = vector.load %arg8[%swap3A_51, %swap3A_52] : memref<1x256xf32, #tpu.memory_space<vmem>>, vector<1x128xf32>
    tpu.vector_store %arg8[%swap3A_51, %swap3A_52], %add3A_50 {strides = array<i32>} : memref<1x256xf32, #tpu.memory_space<vmem>>, vector<1x128xf32>,
    %get3A_54 = arith.constant 0 : index
    %get3A_55 = arith.constant 0 : index
    %get3A_56 = vector.load %arg4[%get3A_54, %get3A_55] : memref<256x256xf32, #tpu.memory_space<vmem>>, vector<128x256xf32>
    %dot_general3A = arith.constant dense<0.000000e+00> : vector<2000x256xf32>
    %dot_general3A_57 = tpu.matmul %max3A_13, %get3A_56, %dot_general3A {dimension_numbers = #tpu.dot_dimension_numbers<[1], [0], [0], [1], [0, 0, 1, 1], [], []>, precision = #tpu.contract_precision<fp32>, transpose_lhs_hint = false} : vector<2000x128xf32>, vector<128x256xf32>, vector<2000x256xf32> -> vector<2000x256xf32>
    %get3A_58 = arith.constant 128 : index
    %get3A_59 = arith.constant 0 : index
    %get3A_60 = vector.load %arg4[%get3A_58, %get3A_59] : memref<256x256xf32, #tpu.memory_space<vmem>>, vector<128x256xf32>
    %dot_general3A_61 = arith.constant dense<0.000000e+00> : vector<2000x256xf32>
    %dot_general3A_62 = tpu.matmul %max3A_28, %get3A_60, %dot_general3A_61 {dimension_numbers = #tpu.dot_dimension_numbers<[1], [0], [0], [1], [0, 0, 1, 1], [], []>, precision = #tpu.contract_precision<fp32>, transpose_lhs_hint = false} : vector<2000x128xf32>, vector<128x256xf32>, vector<2000x256xf32> -> vector<2000x256xf32>
    %add3A_63 = arith.addf %dot_general3A_57, %dot_general3A_62 : vector<2000x256xf32>
    %get3A_64 = arith.constant 0 : index
    %get3A_65 = arith.constant 0 : index
    %get3A_66 = vector.load %arg5[%get3A_64, %get3A_65] : memref<2000x1xf32, #tpu.memory_space<vmem>>, vector<2000x1xf32>
    %mul3A_67 = vector.broadcast %get3A_66 : vector<2000x1xf32> to vector<2000x256xf32>
    %mul3A_68 = arith.mulf %add3A_63, %mul3A_67 : vector<2000x256xf32>
    %slice3A = vector.extract_strided_slice %mul3A_68 {offsets = [0, 0], sizes = [2000, 128], strides = [1, 1]} : vector<2000x256xf32> to vector<2000x128xf32>
    %swap3A_69 = arith.constant 0 : index
    %swap3A_70 = arith.constant 0 : index
    %swap3A_71 = vector.load %arg6[%swap3A_69, %swap3A_70] : memref<2000x128xf32, #tpu.memory_space<vmem>>, vector<2000x128xf32>
    tpu.vector_store %arg6[%swap3A_69, %swap3A_70], %slice3A {strides = array<i32>} : memref<2000x128xf32, #tpu.memory_space<vmem>>, vector<2000x128xf32>,
    %slice3A_72 = vector.extract_strided_slice %mul3A_68 {offsets = [0, 128], sizes = [2000, 128], strides = [1, 1]} : vector<2000x256xf32> to vector<2000x128xf32>
    %swap3A_73 = arith.constant 0 : index
    %swap3A_74 = arith.constant 0 : index
    %swap3A_75 = vector.load %arg7[%swap3A_73, %swap3A_74] : memref<2000x128xf32, #tpu.memory_space<vmem>>, vector<2000x128xf32>
    tpu.vector_store %arg7[%swap3A_73, %swap3A_74], %slice3A_72 {strides = array<i32>} : memref<2000x128xf32, #tpu.memory_space<vmem>>, vector<2000x128xf32>,
    return
  }
  func.func @transform_0(%arg0: i32) -> (i32, i32, i32) {
    %c0_i32 = arith.constant 0 : i32
    %c0_i32_0 = arith.constant 0 : i32
    %c0_i32_1 = arith.constant 0 : i32
    return %c0_i32, %arg0, %c0_i32_0 : i32, i32, i32
  }
  func.func @transform_1(%arg0: i32) -> (i32, i32) {
    %c0_i32 = arith.constant 0 : i32
    %c0_i32_0 = arith.constant 0 : i32
    return %arg0, %c0_i32 : i32, i32
  }
  func.func @transform_2(%arg0: i32) -> (i32, i32) {
    %c0_i32 = arith.constant 0 : i32
    %c0_i32_0 = arith.constant 0 : i32
    %c0_i32_1 = arith.constant 0 : i32
    return %c0_i32, %c0_i32_0 : i32, i32
  }
  func.func @transform_3(%arg0: i32) -> (i32, i32) {
    %c0_i32 = arith.constant 0 : i32
    %c0_i32_0 = arith.constant 0 : i32
    %c0_i32_1 = arith.constant 0 : i32
    return %c0_i32, %c0_i32_0 : i32, i32
  }
  func.func @transform_4(%arg0: i32) -> (i32, i32) {
    %c0_i32 = arith.constant 0 : i32
    %c0_i32_0 = arith.constant 0 : i32
    return %arg0, %c0_i32 : i32, i32
  }
  func.func @transform_5(%arg0: i32) -> (i32, i32) {
    %c0_i32 = arith.constant 0 : i32
    %c0_i32_0 = arith.constant 0 : i32
    return %arg0, %c0_i32 : i32, i32
  }
  func.func @transform_6(%arg0: i32) -> (i32, i32) {
    %c0_i32 = arith.constant 0 : i32
    %c0_i32_0 = arith.constant 0 : i32
    return %arg0, %c0_i32 : i32, i32
  }
  func.func @transform_7(%arg0: i32) -> (i32, i32) {
    %c0_i32 = arith.constant 0 : i32
    %c0_i32_0 = arith.constant 0 : i32
    %c0_i32_1 = arith.constant 0 : i32
    return %c0_i32, %c0_i32_0 : i32, i32
  }
}

module attributes {stable_mosaic.version = 14 : i64} {
  func.func @_tc_pool_body(%arg0: i32, %arg1: memref<2x2000x128xf32, #tpu.memory_space<vmem>>, %arg2: memref<2000x1xf32, #tpu.memory_space<vmem>>, %arg3: memref<1x256xf32, #tpu.memory_space<vmem>>, %arg4: memref<1x256xf32, #tpu.memory_space<vmem>>) attributes {dimension_semantics = [#tpu.dimension_semantics<arbitrary>], iteration_bounds = array<i64: 5>, scalar_prefetch = 0 : i64, scratch_operands = 0 : i64, tpu.core_type = #tpu.core_type<tc>, window_params = [{transform_indices = @transform_0, window_bounds = array<i64: 2, 2000, 128>}, {transform_indices = @transform_1, window_bounds = array<i64: 2000, 1>}, {pipeline_mode = #tpu.pipeline_mode<synchronous>, transform_indices = @transform_2, window_bounds = array<i64: 1, 256>}, {pipeline_mode = #tpu.pipeline_mode<synchronous>, transform_indices = @transform_3, window_bounds = array<i64: 1, 256>}]} {
    %get3A = arith.constant 0 : index
    %get3A_0 = arith.constant 0 : index
    %get3A_1 = vector.load %arg2[%get3A, %get3A_0] : memref<2000x1xf32, #tpu.memory_space<vmem>>, vector<2000x1xf32>
    %get3A_2 = arith.constant 0 : index
    %get3A_3 = arith.constant 0 : index
    %get3A_4 = arith.constant 0 : index
    %get3A_5 = vector.load %arg1[%get3A_2, %get3A_3, %get3A_4] : memref<2x2000x128xf32, #tpu.memory_space<vmem>>, vector<1x2000x128xf32>
    %get3A_6 = vector.shape_cast %get3A_5 : vector<1x2000x128xf32> to vector<2000x128xf32>
    %mul3A = vector.broadcast %get3A_1 : vector<2000x1xf32> to vector<2000x128xf32>
    %mul3A_7 = arith.mulf %get3A_6, %mul3A : vector<2000x128xf32>
    %get3A_8 = arith.constant 0 : index
    %get3A_9 = arith.constant 0 : index
    %get3A_10 = vector.load %arg3[%get3A_8, %get3A_9] : memref<1x256xf32, #tpu.memory_space<vmem>>, vector<1x128xf32>
    %add3A = vector.broadcast %get3A_10 : vector<1x128xf32> to vector<2000x128xf32>
    %add3A_11 = arith.addf %mul3A_7, %add3A : vector<2000x128xf32>
    %max3A = arith.constant 0.000000e+00 : f32
    %max3A_12 = vector.broadcast %max3A : f32 to vector<2000x128xf32>
    %max3A_13 = arith.maximumf %add3A_11, %max3A_12 : vector<2000x128xf32>
    %get3A_14 = arith.constant 1 : index
    %get3A_15 = arith.constant 0 : index
    %get3A_16 = arith.constant 0 : index
    %get3A_17 = vector.load %arg1[%get3A_14, %get3A_15, %get3A_16] : memref<2x2000x128xf32, #tpu.memory_space<vmem>>, vector<1x2000x128xf32>
    %get3A_18 = vector.shape_cast %get3A_17 : vector<1x2000x128xf32> to vector<2000x128xf32>
    %mul3A_19 = vector.broadcast %get3A_1 : vector<2000x1xf32> to vector<2000x128xf32>
    %mul3A_20 = arith.mulf %get3A_18, %mul3A_19 : vector<2000x128xf32>
    %get3A_21 = arith.constant 0 : index
    %get3A_22 = arith.constant 128 : index
    %get3A_23 = vector.load %arg3[%get3A_21, %get3A_22] : memref<1x256xf32, #tpu.memory_space<vmem>>, vector<1x128xf32>
    %add3A_24 = vector.broadcast %get3A_23 : vector<1x128xf32> to vector<2000x128xf32>
    %add3A_25 = arith.addf %mul3A_20, %add3A_24 : vector<2000x128xf32>
    %max3A_26 = arith.constant 0.000000e+00 : f32
    %max3A_27 = vector.broadcast %max3A_26 : f32 to vector<2000x128xf32>
    %max3A_28 = arith.maximumf %add3A_25, %max3A_27 : vector<2000x128xf32>
    %eq3A = arith.constant 0 : i32
    %eq3A_29 = arith.cmpi eq, %arg0, %eq3A : i32
    %convert_element_type3A = arith.extui %eq3A_29 : i1 to i32
    %cond3A = arith.constant 0 : i32
    %cond3A_30 = arith.cmpi ne, %convert_element_type3A, %cond3A : i32
    scf.if %cond3A_30 {
      %broadcast_in_dim3A_54 = arith.constant 0.000000e+00 : f32
      %broadcast_in_dim3A_55 = vector.broadcast %broadcast_in_dim3A_54 : f32 to vector<1x256xf32>
      %swap3A_56 = arith.constant 0 : index
      %swap3A_57 = arith.constant 0 : index
      %swap3A_58 = vector.load %arg4[%swap3A_56, %swap3A_57] : memref<1x256xf32, #tpu.memory_space<vmem>>, vector<1x256xf32>
      tpu.vector_store %arg4[%swap3A_56, %swap3A_57], %broadcast_in_dim3A_55 {strides = array<i32>} : memref<1x256xf32, #tpu.memory_space<vmem>>, vector<1x256xf32>,
    } else {
    }
    %get3A_31 = arith.constant 0 : index
    %get3A_32 = arith.constant 0 : index
    %get3A_33 = vector.load %arg4[%get3A_31, %get3A_32] : memref<1x256xf32, #tpu.memory_space<vmem>>, vector<1x128xf32>
    %reduce_sum3A = arith.constant dense<0.000000e+00> : vector<128xf32>
    %reduce_sum3A_34 = vector.multi_reduction <add>, %max3A_13, %reduce_sum3A [0] : vector<2000x128xf32> to vector<128xf32>
    %broadcast_in_dim3A = vector.shape_cast %reduce_sum3A_34 : vector<128xf32> to vector<1x128xf32>
    %mul3A_35 = arith.constant 9.99999974E-5 : f32
    %mul3A_36 = vector.broadcast %mul3A_35 : f32 to vector<1x128xf32>
    %mul3A_37 = arith.mulf %broadcast_in_dim3A, %mul3A_36 : vector<1x128xf32>
    %add3A_38 = arith.addf %get3A_33, %mul3A_37 : vector<1x128xf32>
    %swap3A = arith.constant 0 : index
    %swap3A_39 = arith.constant 0 : index
    %swap3A_40 = vector.load %arg4[%swap3A, %swap3A_39] : memref<1x256xf32, #tpu.memory_space<vmem>>, vector<1x128xf32>
    tpu.vector_store %arg4[%swap3A, %swap3A_39], %add3A_38 {strides = array<i32>} : memref<1x256xf32, #tpu.memory_space<vmem>>, vector<1x128xf32>,
    %get3A_41 = arith.constant 0 : index
    %get3A_42 = arith.constant 128 : index
    %get3A_43 = vector.load %arg4[%get3A_41, %get3A_42] : memref<1x256xf32, #tpu.memory_space<vmem>>, vector<1x128xf32>
    %reduce_sum3A_44 = arith.constant dense<0.000000e+00> : vector<128xf32>
    %reduce_sum3A_45 = vector.multi_reduction <add>, %max3A_28, %reduce_sum3A_44 [0] : vector<2000x128xf32> to vector<128xf32>
    %broadcast_in_dim3A_46 = vector.shape_cast %reduce_sum3A_45 : vector<128xf32> to vector<1x128xf32>
    %mul3A_47 = arith.constant 9.99999974E-5 : f32
    %mul3A_48 = vector.broadcast %mul3A_47 : f32 to vector<1x128xf32>
    %mul3A_49 = arith.mulf %broadcast_in_dim3A_46, %mul3A_48 : vector<1x128xf32>
    %add3A_50 = arith.addf %get3A_43, %mul3A_49 : vector<1x128xf32>
    %swap3A_51 = arith.constant 0 : index
    %swap3A_52 = arith.constant 128 : index
    %swap3A_53 = vector.load %arg4[%swap3A_51, %swap3A_52] : memref<1x256xf32, #tpu.memory_space<vmem>>, vector<1x128xf32>
    tpu.vector_store %arg4[%swap3A_51, %swap3A_52], %add3A_50 {strides = array<i32>} : memref<1x256xf32, #tpu.memory_space<vmem>>, vector<1x128xf32>,
    return
  }
  func.func @transform_0(%arg0: i32) -> (i32, i32, i32) {
    %c0_i32 = arith.constant 0 : i32
    %c0_i32_0 = arith.constant 0 : i32
    %c0_i32_1 = arith.constant 0 : i32
    return %c0_i32, %arg0, %c0_i32_0 : i32, i32, i32
  }
  func.func @transform_1(%arg0: i32) -> (i32, i32) {
    %c0_i32 = arith.constant 0 : i32
    %c0_i32_0 = arith.constant 0 : i32
    return %arg0, %c0_i32 : i32, i32
  }
  func.func @transform_2(%arg0: i32) -> (i32, i32) {
    %c0_i32 = arith.constant 0 : i32
    %c0_i32_0 = arith.constant 0 : i32
    %c0_i32_1 = arith.constant 0 : i32
    return %c0_i32, %c0_i32_0 : i32, i32
  }
  func.func @transform_3(%arg0: i32) -> (i32, i32) {
    %c0_i32 = arith.constant 0 : i32
    %c0_i32_0 = arith.constant 0 : i32
    %c0_i32_1 = arith.constant 0 : i32
    return %c0_i32, %c0_i32_0 : i32, i32
  }
}

module attributes {stable_mosaic.version = 14 : i64} {
  func.func @_tc_head_body(%arg0: memref<1x256xf32, #tpu.memory_space<vmem>>, %arg1: memref<1x256xf32, #tpu.memory_space<vmem>>, %arg2: memref<1x256xf32, #tpu.memory_space<vmem>>, %arg3: memref<768x128xf32, #tpu.memory_space<vmem>>, %arg4: memref<1x128xf32, #tpu.memory_space<vmem>>, %arg5: memref<128x2xf32, #tpu.memory_space<vmem>>, %arg6: memref<1x2xf32, #tpu.memory_space<vmem>>, %arg7: memref<1x2xf32, #tpu.memory_space<vmem>>) attributes {dimension_semantics = [], scalar_prefetch = 0 : i64, scratch_operands = 0 : i64, tpu.core_type = #tpu.core_type<tc>} {
    %get3A = arith.constant 0 : index
    %get3A_0 = arith.constant 0 : index
    %get3A_1 = vector.load %arg0[%get3A, %get3A_0] : memref<1x256xf32, #tpu.memory_space<vmem>>, vector<1x256xf32>
    %get3A_2 = arith.constant 0 : index
    %get3A_3 = arith.constant 0 : index
    %get3A_4 = vector.load %arg3[%get3A_2, %get3A_3] : memref<768x128xf32, #tpu.memory_space<vmem>>, vector<256x128xf32>
    %dot_general3A = arith.constant dense<0.000000e+00> : vector<1x128xf32>
    %dot_general3A_5 = tpu.matmul %get3A_1, %get3A_4, %dot_general3A {dimension_numbers = #tpu.dot_dimension_numbers<[1], [0], [0], [1], [0, 0, 1, 1], [], []>, precision = #tpu.contract_precision<fp32>, transpose_lhs_hint = false} : vector<1x256xf32>, vector<256x128xf32>, vector<1x128xf32> -> vector<1x128xf32>
    %get3A_6 = arith.constant 0 : index
    %get3A_7 = arith.constant 0 : index
    %get3A_8 = vector.load %arg1[%get3A_6, %get3A_7] : memref<1x256xf32, #tpu.memory_space<vmem>>, vector<1x256xf32>
    %get3A_9 = arith.constant 256 : index
    %get3A_10 = arith.constant 0 : index
    %get3A_11 = vector.load %arg3[%get3A_9, %get3A_10] : memref<768x128xf32, #tpu.memory_space<vmem>>, vector<256x128xf32>
    %dot_general3A_12 = arith.constant dense<0.000000e+00> : vector<1x128xf32>
    %dot_general3A_13 = tpu.matmul %get3A_8, %get3A_11, %dot_general3A_12 {dimension_numbers = #tpu.dot_dimension_numbers<[1], [0], [0], [1], [0, 0, 1, 1], [], []>, precision = #tpu.contract_precision<fp32>, transpose_lhs_hint = false} : vector<1x256xf32>, vector<256x128xf32>, vector<1x128xf32> -> vector<1x128xf32>
    %add3A = arith.addf %dot_general3A_5, %dot_general3A_13 : vector<1x128xf32>
    %get3A_14 = arith.constant 0 : index
    %get3A_15 = arith.constant 0 : index
    %get3A_16 = vector.load %arg2[%get3A_14, %get3A_15] : memref<1x256xf32, #tpu.memory_space<vmem>>, vector<1x256xf32>
    %get3A_17 = arith.constant 512 : index
    %get3A_18 = arith.constant 0 : index
    %get3A_19 = vector.load %arg3[%get3A_17, %get3A_18] : memref<768x128xf32, #tpu.memory_space<vmem>>, vector<256x128xf32>
    %dot_general3A_20 = arith.constant dense<0.000000e+00> : vector<1x128xf32>
    %dot_general3A_21 = tpu.matmul %get3A_16, %get3A_19, %dot_general3A_20 {dimension_numbers = #tpu.dot_dimension_numbers<[1], [0], [0], [1], [0, 0, 1, 1], [], []>, precision = #tpu.contract_precision<fp32>, transpose_lhs_hint = false} : vector<1x256xf32>, vector<256x128xf32>, vector<1x128xf32> -> vector<1x128xf32>
    %add3A_22 = arith.addf %add3A, %dot_general3A_21 : vector<1x128xf32>
    %get3A_23 = arith.constant 0 : index
    %get3A_24 = arith.constant 0 : index
    %get3A_25 = vector.load %arg4[%get3A_23, %get3A_24] : memref<1x128xf32, #tpu.memory_space<vmem>>, vector<1x128xf32>
    %add3A_26 = arith.addf %add3A_22, %get3A_25 : vector<1x128xf32>
    %max3A = arith.constant 0.000000e+00 : f32
    %max3A_27 = vector.broadcast %max3A : f32 to vector<1x128xf32>
    %max3A_28 = arith.maximumf %add3A_26, %max3A_27 : vector<1x128xf32>
    %get3A_29 = arith.constant 0 : index
    %get3A_30 = arith.constant 0 : index
    %get3A_31 = vector.load %arg5[%get3A_29, %get3A_30] : memref<128x2xf32, #tpu.memory_space<vmem>>, vector<128x2xf32>
    %dot_general3A_32 = arith.constant dense<0.000000e+00> : vector<1x2xf32>
    %dot_general3A_33 = tpu.matmul %max3A_28, %get3A_31, %dot_general3A_32 {dimension_numbers = #tpu.dot_dimension_numbers<[1], [0], [0], [1], [0, 0, 1, 1], [], []>, precision = #tpu.contract_precision<fp32>, transpose_lhs_hint = false} : vector<1x128xf32>, vector<128x2xf32>, vector<1x2xf32> -> vector<1x2xf32>
    %get3A_34 = arith.constant 0 : index
    %get3A_35 = arith.constant 0 : index
    %get3A_36 = vector.load %arg6[%get3A_34, %get3A_35] : memref<1x2xf32, #tpu.memory_space<vmem>>, vector<1x2xf32>
    %add3A_37 = arith.addf %dot_general3A_33, %get3A_36 : vector<1x2xf32>
    %logistic3A = arith.negf %add3A_37 : vector<1x2xf32>
    %logistic3A_38 = math.exp %logistic3A : vector<1x2xf32>
    %logistic3A_39 = arith.constant 1.000000e+00 : f32
    %logistic3A_40 = vector.broadcast %logistic3A_39 : f32 to vector<1x2xf32>
    %logistic3A_41 = arith.addf %logistic3A_40, %logistic3A_38 : vector<1x2xf32>
    %logistic3A_42 = arith.divf %logistic3A_40, %logistic3A_41 : vector<1x2xf32>
    %swap3A = arith.constant 0 : index
    %swap3A_43 = arith.constant 0 : index
    %swap3A_44 = vector.load %arg7[%swap3A, %swap3A_43] : memref<1x2xf32, #tpu.memory_space<vmem>>, vector<1x2xf32>
    tpu.vector_store %arg7[%swap3A, %swap3A_43], %logistic3A_42 {strides = array<i32>} : memref<1x2xf32, #tpu.memory_space<vmem>>, vector<1x2xf32>,
    return
  }
}

</mosaic_0001>

<sc_bundles>
// kernel: kernel.11.cloned.1.call-start
scs
__scs_entry_jumppad:
0x0: {  	(pc) =	sbr.rel $0x88, $3  }
0x1: {  	(tag) =	ssettag $0x0;
	lr =	simm.s32 $0x1  }
0x2: {  	[smem:$0x3F95] =	sst lr;
	_ =	strace $0xD0000000  }
0x3: {  	_ = 	snop  }
0x4: {  	_ = 	snop  }
0x5: {  	_ = 	snop  }
0x6: {  	_ = 	snop  }
0x7: {  	_ = 	snop  }
__scs_overlays_trampoline_lowered:
0x8: {  	[smem:$0x3FA4] =	sst s0  }
0x9: {  	[smem:$0x3FA5] =	sst s1  }
0xa: {  	[smem:$0x3FA6] =	sst s2  }
0xb: {  	[smem:$0x3FA7] =	sst s3  }
0xc: {  	[smem:$0x3FA8] =	sst s4  }
0xd: {  	[smem:$0x3FA9] =	sst s5  }
0xe: {  	[smem:$0x3FAA] =	sst s6  }
0xf: {  	[smem:$0x3FAB] =	sst s7  }
0x10: {  	[smem:$0x3FAC] =	sst s8  }
0x11: {  	[smem:$0x3FAD] =	sst s9;
	s0 =	simm.s32 @!p0 $0x0  }
0x12: {  	s1 =	sld [smem:$0x3F93];
	s0 =	simm.s32 @p0 $0x1  }
0x13: {  	[smem:$0x3FAE] =	sst s0;
	s0 =	simm.s32 @!p1 $0x0  }
0x14: {  	s2 =	sld [smem:$0x3F92];
	s0 =	simm.s32 @p1 $0x1  }
0x15: {  	[smem:$0x3FAF] =	sst s0;
	s0 =	simm.s32 @!p2 $0x0  }
0x16: {  	s3 =	sld [smem:$0x3FDB];
	s0 =	simm.s32 @p2 $0x1  }
0x17: {  	s4 =	simm.s32 $0x1BF5;
	[smem:$0x3FB1] =	sst s0  }
0x18: {  	s0 =	sld [smem:$0x3F94];
	_ =	swait.ge [sflag:s4], $0x0  }
0x19: {  	s7 =	sld [smem:$0x3F95]  }
0x1a: {  	s8 =	sadd.s32 $0xFFFFE003, lr  }
0x1b: {  	s9 =	sadd.s32 $0xFFFFFEF7, lr;
	s5 =	simm.s32 $0xFFFFFFFF;
	p2 =	slt.u32 s8, $0xFFFFF086  }
0x1c: {  	p1 =	slt.u32 s9, $0xF7A;
	s5 =	simm.s32 @!p2 $0x0  }
0x1d: {  	s5 =	simm.s32 @p1 $0x1;
	p0 =	seq.s32 s7, s2  }
0x1e: {  	s7 =	smul.u32 @!p0 $0xF7A, s2;
	p2 =	seq.s32 @!p0 s5, $0x0  }
0x1f: {  	s9 =	smul.u32 $0xF7A, s1;
	s8 =	simm.s32 @!p0 $0x1BF5;
	p2 =	por !p2, p0  }
0x20: {  	[sflag:s8] =	ssyncset.s32 @!p0 $0xFFFFF086;
	s6 =	sadd.s32 @!p0 s3, s7;
	s7 =	simm.s32 @!p0 $0x108  }
0x21: {  	s3 =	sadd.s32 s3, s9;
	s6 =	sadd.s32 @!p0 $0x88, s6;
	s7 =	simm.s32 @p2 $0x1082  }
0x22: {  	[simem:s7], [sflag:s8] =	dma.local @!p0 [hbm:s6], $0xF7A  }
0x23: {  	s9 =	sor.u32 $0xD0000000, s2;
	s6 =	simm.s32 $0x108;
	_ =	swait.ge @!p0 [sflag:s8], $0x0  }
0x24: {  	s3 =	sadd.s32 $0x88, s3;
	s6 =	simm.s32 @!p1 $0x1082;
	[sflag:s4] =	ssyncset.s32 $0xFFFFF086  }
0x25: {  	[simem:s6], [sflag:s4] =	dma.local [hbm:s3], $0xF7A  }
0x26: {  	[smem:$0x3F95] =	sst s1;
	(tag) =	ssettag s2;
	_ =	strace s9  }
0x27: {  	s1 =	sld [smem:$0x3FA5]  }
0x28: {  	s2 =	sld [smem:$0x3FA6]  }
0x29: {  	s4 =	sld [smem:$0x3FA8]  }
0x2a: {  	p0 =	seq.s32 s5, $0x0;
	s5 =	sld [smem:$0x3FA9]  }
0x2b: {  	s6 =	sld [smem:$0x3FAA]  }
0x2c: {  	s7 =	sld [smem:$0x3FAB]  }
0x2d: {  	s3 =	simm.s32 $0x108;
	s8 =	sld [smem:$0x3FAC]  }
0x2e: {  	s3 =	simm.s32 @!p0 $0x1082;
	s9 =	sld [smem:$0x3FAD]  }
0x2f: {  	lr =	sadd.s32 s0, s3;
	s0 =	sld [smem:$0x3FA4]  }
0x30: {  	s3 =	sld [smem:$0x3FA7]  }
0x31: {  	[smem:$0x3FB0] =	sst s10  }
0x32: {  	s10 =	sld [smem:$0x3FAE];
	_ =	sdelay $0x3  }
0x33: {  	p0 =	seq.s32 s10, $0x1;
	s10 =	sld [smem:$0x3FB0];
	_ =	sdelay $0x3  }
0x34: {  	[smem:$0x3FB0] =	sst s10  }
0x35: {  	s10 =	sld [smem:$0x3FAF];
	_ =	sdelay $0x3  }
0x36: {  	p1 =	seq.s32 s10, $0x1;
	s10 =	sld [smem:$0x3FB0];
	_ =	sdelay $0x3  }
0x37: {  	[smem:$0x3FB0] =	sst s10  }
0x38: {  	s10 =	sld [smem:$0x3FB1]  }
0x39: {  	_ = 	snop;
	(pc) =	sbr.ind lr, $3  }
0x3a: {  	_ = 	snop  }
0x3b: {  	_ = 	snop  }
0x3c: {  	p2 =	seq.s32 s10, $0x1;
	s10 =	sld [smem:$0x3FB0]  }
0x3d: {  	_ =	shalt  }
0x3e: {  	_ =	shalt  }
0x3f: {  	_ =	shalt  }
0x40: {  	_ =	shalt  }
0x41: {  	_ =	shalt  }
0x42: {  	_ =	shalt  }
0x43: {  	_ =	shalt  }
0x44: {  	_ =	shalt  }
0x45: {  	_ =	shalt  }
0x46: {  	_ =	shalt  }
0x47: {  	_ =	shalt  }
0x48: {  	_ =	shalt  }
0x49: {  	_ =	shalt  }
0x4a: {  	_ =	shalt  }
0x4b: {  	_ =	shalt  }
0x4c: {  	_ =	shalt  }
0x4d: {  	_ =	shalt  }
0x4e: {  	_ =	shalt  }
0x4f: {  	_ =	shalt  }
0x50: {  	_ =	shalt  }
0x51: {  	_ =	shalt  }
0x52: {  	_ =	shalt  }
0x53: {  	_ =	shalt  }
0x54: {  	_ =	shalt  }
0x55: {  	_ =	shalt  }
0x56: {  	_ =	shalt  }
0x57: {  	_ =	shalt  }
0x58: {  	_ =	shalt  }
0x59: {  	_ =	shalt  }
0x5a: {  	_ =	shalt  }
0x5b: {  	_ =	shalt  }
0x5c: {  	_ =	shalt  }
0x5d: {  	_ =	shalt  }
0x5e: {  	_ =	shalt  }
0x5f: {  	_ =	shalt  }
0x60: {  	_ =	shalt  }
0x61: {  	_ =	shalt  }
0x62: {  	_ =	shalt  }
0x63: {  	_ =	shalt  }
0x64: {  	_ =	shalt  }
0x65: {  	_ =	shalt  }
0x66: {  	_ =	shalt  }
0x67: {  	_ =	shalt  }
0x68: {  	_ =	shalt  }
0x69: {  	_ =	shalt  }
0x6a: {  	_ =	shalt  }
0x6b: {  	_ =	shalt  }
0x6c: {  	_ =	shalt  }
0x6d: {  	_ =	shalt  }
0x6e: {  	_ =	shalt  }
0x6f: {  	_ =	shalt  }
0x70: {  	_ =	shalt  }
0x71: {  	_ =	shalt  }
0x72: {  	_ =	shalt  }
0x73: {  	_ =	shalt  }
0x74: {  	_ =	shalt  }
0x75: {  	_ =	shalt  }
0x76: {  	_ =	shalt  }
0x77: {  	_ =	shalt  }
0x78: {  	_ =	shalt  }
0x79: {  	_ =	shalt  }
0x7a: {  	_ =	shalt  }
0x7b: {  	_ =	shalt  }
0x7c: {  	_ =	shalt  }
0x7d: {  	_ =	shalt  }
0x7e: {  	_ =	shalt  }
0x7f: {  	_ =	shalt  }
0x80: {  	_ =	shalt  }
0x81: {  	_ =	shalt  }
0x82: {  	_ =	shalt  }
0x83: {  	_ =	shalt  }
0x84: {  	_ =	shalt  }
0x85: {  	_ =	shalt  }
0x86: {  	_ =	shalt  }
0x87: {  	_ =	shalt  }
.Lfunc_end0:
.L_simem_size_0:
called_computation_lowered:
.L_overlay_start_0:
0x88: {  	s2 =	sld [smem:$0x3FD9]  }
0x89: {  	s3 =	sld [smem:$0x3FFE];
	_ =	sdelay $0x1  }
0x8a: {  	s1 =	srdreg.scid  }
0x8b: {  	s0 =	sand.u32 $0x1, s1  }
0x8c: {  	s16 =	sshll.u32 s0, $0xA;
	s2 =	sadd.s32 s3, s2  }
0x8d: {  	s2 =	sadd.s32 s2, s16  }
0x8e: {  	[smem:$0x3FBC] =	sst s2  }
0x8f: {  	_ = 	snop  }
0x90: {  	(tm) =	ssettm $0x1  }
0x91: {  	s17 =	sld [smem:$0x3FFB];
	_ =	sdelay $0x3  }
0x92: {  	_ =	strace s17  }
0x93: {  	s2 =	sld [smem:$0x3FFC];
	_ =	sdelay $0x3  }
0x94: {  	_ =	strace s2  }
0x95: {  	s2 =	sld [smem:$0x3FFD];
	_ =	sdelay $0x3  }
0x96: {  	_ =	strace s2  }
0x97: {  	_ =	strace $0x8FFFFFFF  }
0x98: {  	s18 =	sld [smem:$0x3FDB];
	_ =	sdelay $0x1  }
0x99: {  	s19 =	simm.s32 $_scs_section_size  }
0x9a: {  	s4 =	simm.s32 $_size__tile_overlayer_lowered;
	s5 =	simm.s32 $_tile_overlayer_lowered  }
0x9b: {  	s22 =	simm.s32 $0x1BFF;
	s21 =	sshll.u32 s5, $0x1;
	s2 =	sadd.s32 s19, s18  }
0x9c: {  	s6 =	simm.s32 $0x0;
	s20 =	sshll.u32 s4, $0x1;
	s4 =	sadd.s32 s21, s2  }
0x9d: {  	[timem:s6], [sflag:s22] =	dma.local [hbm:s4], s20  }
0x9e: {  	_ =	swait.ge [sflag:s22], s20  }
0x9f: {  	s3 =	ssub.s32 $0x0, s20;
	[sflag:s22] =	ssyncset.done $0x0  }
0xa0: {  	[sflag:s22] =	ssyncadd.s32 s3;
	_ =	sdelay $0x1  }
0xa1: {  	s23 =	simm.s32 $0x1B8B  }
0xa2: {  	_ =	swait.ge [sflag:s23], $0x1  }
0xa3: {  	[sflag:s23] =	ssyncset.done $0x0  }
0xa4: {  	s25 =	simm.s32 $0x1B8E;
	s24 =	sld [smem:$0x3FFE];
	[sflag:s23] =	ssyncadd.s32 $0xFFFFFFFF  }
0xa5: {  	s26 =	simm.s32 $execute0_lowered;
	[smem:$0x3FD2] =	sst s25  }
0xa6: {  	s4 =	sshll.u32 s26, $0x1;
	_ =	strace $0x80000046;
	[dreg:$0x1] =	wrdreg $0xFFFFFFFF  }
0xa7: {  	s28 =	simm.s32 $_size_execute0_lowered;
	s2 =	sadd.s32 s2, s4;
	[dreg:$0x0] =	wrdreg $0x0  }
0xa8: {  	s4 =	sshll.u32 s28, $0x1;
	[dreg:$0x2] =	wrdreg s2  }
0xa9: {  	[dreg:$0x3] =	wrdreg s4  }
0xaa: {  	[dreg:$0x4] =	wrdreg $0xC0  }
0xab: {  	_ =	task [dreg:s6], $0x5FFFF  }
0xac: {  	[dreg:$0x1] =	wrdreg $0xFFFFFFFF  }
0xad: {  	[dreg:$0x0] =	wrdreg $0x60  }
0xae: {  	[dreg:$0x2] =	wrdreg s24  }
0xaf: {  	[dreg:$0x3] =	wrdreg $0x81800  }
0xb0: {  	[dreg:$0x4] =	wrdreg $0x9  }
0xb1: {  	_ =	task.clear_ibuf [dreg:s6], $0x5FFFF;
	_ =	strace $0x90000046  }
0xb2: {  	s29 =	simm.s32 $0x9;
	_ =	strace $0x80000048  }
0xb3: {  	_ =	swait.ge [sflag:s29], $0x1  }
0xb4: {  	[sflag:s29] =	ssyncadd.s32 $0xFFFFFFFF  }
0xb5: {  	_ =	strace $0x90000048  }
0xb6: {  	_ =	sfence  }
0xb7: {  	s30 =	sld [smem:$0x0];
	_ =	sdelay $0x2  }
0xb8: {  	s31 =	sshll.u32 s1, $0xD;
	s1 =	sshrl.u32 s1, $0x2  }
0xb9: {  	s3 =	sand.u32 $0x4000, s31;
	s1 =	sadd.s32 s1, s30  }
0xba: {  	s0 =	sor.u32 s3, s0;
	s1 =	sshll.u32 s1, $0x11  }
0xbb: {  	s0 =	sor.u32 s1, s0  }
0xbc: {  	s0 =	sadd.s32 $0x8F2B, s0  }
0xbd: {  	[sflag:s0] =	ssyncadd.remote.s32 $0x1  }
0xbe: {  	_ =	sfence.sel $0xFFFF  }
0xbf: {  	[dreg:$0x0] =	wrdreg $0xFFFFFFFF;
	(pc) =	sbr.abs _section_cstart, $3  }
0xc0: {  	[dreg:$0x1] =	wrdreg $0xFFFFFFFF  }
0xc1: {  	_ =	task.clear_ibuf [dreg:s6], $0x2FFFF;
	_ =	strace $0x9FFFFFFF  }
0xc2: {  	(tm) =	ssettm $0x7FFFFFFF  }
0xc3: {  	_ =	shalt  }
tec
execute0_lowered:
.L_overlay_start_1:
0x0: {  	(tag) =	ssettag $0x1  }
0x1: {  	s0 =	rddreg [dreg:$0x0]  }
0x2: {  	s1 =	rddreg [dreg:$0x1]  }
0x3: {  	s3 =	simm.s32 $0x0;
	s4 =	srdreg.scid;
	s2 =	stileid.u32  }
0x4: {  	s18 =	simm.s32 $0x80;
	s19 =	simm.s32 $0x100;
	s20 =	simm.s32 $0x1  }
0x5: {  	s21 =	simm.s32 $0x180;
	s22 =	simm.s32 $0x2;
	s23 =	simm.s32 $0x4  }
0x6: {  	s28 =	simm.s32 $0x5;
	s29 =	simm.s32 $0x6;
	[smem:$0x7FF] =	sst s3  }
0x7: {  	s5 =	sand.u32 $0x1, s4;
	s12 =	sshll.u32 s2, $0x4;
	s11 =	smul.u32 $0x14000, s2  }
0x8: {  	s10 =	sadd.s32 $0x17400, s0;
	s14 =	sadd.s32 $0xD800, s0;
	s15 =	smul.u32 $0x50000, s2  }
0x9: {  	s17 =	sor.u32 $0x50, s2;
	p1 =	seq.s32 s2, $0xF;
	_ =	strace $0x80000047  }
0xa: {  	s4 =	ssub.s32 $0x2, s5;
	s8 =	sadd.s32 s12, s0;
	p0 =	seq.s32 s5, $0x1  }
0xb: {  	s5 =	smul.u32 $0x138800, s5;
	s0 =	sadd.s32 $0x3A00, s0;
	s30 =	sor.u32 $0x100, s12  }
0xc: {  	s16 =	sor.u32 $0x200, s12;
	s6 =	sshrl.u32 s4, $0x1;
	s26 =	sadd.s32 $0xD700, s8  }
0xd: {  	s7 =	sadd.s32 $0x3800, s8;
	s9 =	sadd.s32 s12, s0;
	s15 =	sshrl.u32 s15, $0x2  }
0xe: {  	s31 =	sadd.s32 s30, s14;
	s13 =	ssub.s32 s4, s6;
	s4 =	sadd.s32 $0xD600, s8  }
0xf: {  	[dreg:$0x3] =	wrdreg s26;
	s6 =	sadd.s32 s12, s14;
	s8 =	sadd.s32 $0x3900, s8  }
0x10: {  	s11 =	sadd.s32 s11, s5;
	s5 =	sshrl.u32 s5, $0x3;
	s25 =	sadd.s32 s15, s1  }
.Ltmp0:
0x11: {  	[dreg:$0x5] =	wrdreg s31;
	s14 =	sadd.s32 s16, s14;
	(pc) =	sbr.rel .LBB2_1-.Ltmp0, $4  }
0x12: {  	s15 =	sadd.s32 s30, s0;
	s16 =	sadd.s32 s16, s0;
	s26 =	simm.s32 $0x3  }
0x13: {  	[dreg:$0x4] =	wrdreg s8;
	s11 =	sshrl.u32 s11, $0x3;
	s5 =	sadd.s32 s10, s5  }
0x14: {  	s10 =	sadd.s32 s10, s11;
	s11 =	sadd.s32 $0x25800, s5;
	s5 =	sadd.s32 $0x12C000, s1  }
0x15: {  	v0 =	vimm.f32 $1.000000000e+00;
	v1 =	vimm.f32 $0.0e+00;
	s12 =	smax.u32 s13, $0x1;
	s25 =	sshrl.u32 @!p1 s25, $0x3;
	s24 =	sshrl.u32 @p1 s5, $0x3  }
.LBB2_26:
0x16: {  	_ =	swait.ge [sflag:s26], $0x80  }
0x17: {  	[sflag:s26] =	ssyncset.done $0x0  }
0x18: {  	[sflag:s26] =	ssyncadd.s32 $0xFFFFFF80  }
0x19: {  	[spmem:s1] =	stream.indirect.scatter.add.f32 [tilespmem:s21], [sflag:$0x6], $0x80, s19, s18, $0xb8;
	[tilespmem:$0x1BA00] =	vst v63  }
.LBB2_27:
0x1a: {  	_ =	swait.ge [sflag:s28], $0x4000;
	p2 =	sgt.u32 s31, $0x9A3  }
0x1b: {  	[sflag:s28] =	ssyncset.done $0x0;
	s0 =	sadd.s32 @!p2 s30, s4;
	s5 =	simm.s32 @!p2 $0x0  }
0x1c: {  	s8 =	simm.s32 @!p2 $0x80;
	[sflag:s28] =	ssyncadd.s32 $0xFFFFC000;
	s0 =	sadd.s32 @!p2 $0x700, s0  }
0x1d: {  	[tilespmem:s8], [sflag:$0x2] =	stream.linear.gather @!p2 [hbm4b:s0+s5], $0x80, $0x38;
	[tilespmem:$0x1BA00] =	vst v63  }
.LBB2_28:
0x1e: {  	[bflag:$0x0] =	sbarrier.arrive $0xFFFF;
	s0 =	simm.s32 @p1 $0x1FC7  }
0x1f: {  	[hbm:s11], [sflag:s0] =	dma.local @p1 [spmem:s24], $0x1900  }
0x20: {  	s0 =	simm.s32 @p1 $0x7  }
0x21: {  	_ =	swait.ge @p1 [sflag:s0], $0x1900  }
0x22: {  	s5 =	sshll.u32 @!p1 s2, $0x6;
	s3 =	sadd.s32 $0x1, s3;
	[sflag:s0] =	ssyncset.done @p1 $0x0  }
0x23: {  	p2 =	sne.s32 s3, s12;
	[sflag:s0] =	ssyncadd.s32 @p1 $0xFFFFE700;
	s0 =	sor.u32 @!p1 $0x1C07, s5  }
0x24: {  	[hbm:s10], [sflag:s0] =	dma.local @!p1 [spmem:s25], $0x2800  }
.Ltmp1:
0x25: {  	_ = 	snop;
	(pc) =	sbr.rel @!p2 .LBB2_29-.Ltmp1, $4  }
0x26: {  	s0 =	simm.s32 @!p1 $0x7  }
0x27: {  	_ =	swait.ge @!p1 [sflag:s0], $0x2800  }
0x28: {  	[sflag:s0] =	ssyncset.done @!p1 $0x0  }
0x29: {  	[sflag:s0] =	ssyncadd.s32 @!p1 $0xFFFFD800  }
.LBB2_1:
0x2a: {  	s30 =	simm.s32 $0x0;
	s0 =	simm.s32 $0x200  }
.LBB2_2:
0x2b: {  	p2 =	sne.s32 s0, $0xFE00;
	[tilespmem:s30+$0x1F0] =	vst v0  }
0x2c: {  	[tilespmem:s30+$0x180] =	vst v0  }
0x2d: {  	[tilespmem:s30+$0x190] =	vst v0  }
.Ltmp2:
0x2e: {  	[tilespmem:s30+$0x1A0] =	vst v0;
	(pc) =	sbr.rel @p2 .LBB2_2-.Ltmp2, $4  }
0x2f: {  	[tilespmem:s30+$0x1B0] =	vst v0  }
0x30: {  	[tilespmem:s30+$0x1C0] =	vst v0  }
0x31: {  	[tilespmem:s30+$0x1D0] =	vst v0  }
0x32: {  	[tilespmem:s30+$0x1E0] =	vst v0;
	s30 =	sshra.s32 s0, $0x2;
	s0 =	sadd.s32 $0x200, s0  }
0x33: {  	[tilespmem:s30+$0x1F0] =	vst v0  }
0x34: {  	[tilespmem:s30+$0x180] =	vst v0  }
0x35: {  	[tilespmem:s30+$0x190] =	vst v0  }
0x36: {  	[tilespmem:s30+$0x1A0] =	vst v0  }
0x37: {  	[tilespmem:s30+$0x1B0] =	vst v0  }
0x38: {  	[tilespmem:s30+$0x1C0] =	vst v0  }
0x39: {  	[tilespmem:s30+$0x1D0] =	vst v0  }
0x3a: {  	[tilespmem:s30+$0x1E0] =	vst v0;
	s30 =	simm.s32 $0x70;
	s0 =	simm.s32 $0x3C0  }
.LBB2_4:
0x3b: {  	p2 =	sne.s32 s0, $0xF9C0;
	[tilespmem:s30+$0x4180] =	vst v1  }
0x3c: {  	[tilespmem:s30+$0x4110] =	vst v1  }
0x3d: {  	[tilespmem:s30+$0x4120] =	vst v1  }
.Ltmp3:
0x3e: {  	[tilespmem:s30+$0x4130] =	vst v1;
	(pc) =	sbr.rel @p2 .LBB2_4-.Ltmp3, $4  }
0x3f: {  	[tilespmem:s30+$0x4140] =	vst v1  }
0x40: {  	[tilespmem:s30+$0x4150] =	vst v1  }
0x41: {  	[tilespmem:s30+$0x4160] =	vst v1  }
0x42: {  	[tilespmem:s30+$0x4170] =	vst v1;
	s30 =	sshra.s32 s0, $0x2;
	s0 =	sadd.s32 $0x200, s0  }
0x43: {  	[tilespmem:s30+$0x4180] =	vst v1  }
0x44: {  	[tilespmem:s30+$0x4110] =	vst v1  }
0x45: {  	[tilespmem:s30+$0x4120] =	vst v1  }
0x46: {  	[tilespmem:s30+$0x4130] =	vst v1  }
0x47: {  	[tilespmem:s30+$0x4140] =	vst v1;
	s0 =	simm.s32 $0x0  }
0x48: {  	[tilespmem:s30+$0x4150] =	vst v1;
	s0 =	sand.u32 $0xF, s0  }
0x49: {  	[tilespmem:s30+$0x4160] =	vst v1;
	p2 =	sne.s32 s0, s2  }
0x4a: {  	[tilespmem:s30+$0x4170] =	vst v1;
	s0 =	simm.s32 @!p2 $0x4180;
	s5 =	simm.s32 @!p2 $0x7  }
0x4b: {  	[spmem:s1] =	stream.linear.scatter @!p2 [tilespmem:s0], [sflag:$0x7], $0x3E80, $0x38;
	[tilespmem:$0x1BA00] =	vst v63  }
0x4c: {  	s31 =	simm.s32 $0x1;
	_ =	swait.ge @!p2 [sflag:s5], $0x3E80  }
0x4d: {  	s30 =	sadd.s32 $0x3E80, s1;
	s0 =	simm.s32 $0x2;
	[sflag:s5] =	ssyncset.done @!p2 $0x0  }
.LBB2_6:
0x4e: {  	s8 =	sand.u32 $0xF, s31;
	s31 =	smov.u32 s0;
	s0 =	sadd.s32 $0x1, s0  }
0x4f: {  	[sflag:s5] =	ssyncadd.s32 @!p2 $0xFFFFC180;
	p3 =	sne.s32 s0, $0x50  }
.Ltmp4:
0x50: {  	p2 =	sne.s32 s8, s2;
	(pc) =	sbr.rel @p3 .LBB2_6-.Ltmp4, $4  }
0x51: {  	s8 =	simm.s32 @!p2 $0x4180;
	s5 =	simm.s32 @!p2 $0x7  }
0x52: {  	[spmem:s30] =	stream.linear.scatter @!p2 [tilespmem:s8], [sflag:$0x7], $0x3E80, $0x38;
	[tilespmem:$0x1BA00] =	vst v63  }
0x53: {  	_ =	swait.ge @!p2 [sflag:s5], $0x3E80  }
0x54: {  	s30 =	sadd.s32 $0x3E80, s30;
	[sflag:s5] =	ssyncset.done @!p2 $0x0  }
0x55: {  	s0 =	sand.u32 $0xF, s31  }
0x56: {  	p3 =	sne.s32 s0, s2  }
0x57: {  	[sflag:s5] =	ssyncadd.s32 @!p2 $0xFFFFC180;
	s0 =	simm.s32 @!p3 $0x4180;
	s5 =	simm.s32 @!p3 $0x7  }
0x58: {  	[spmem:s30] =	stream.linear.scatter @!p3 [tilespmem:s0], [sflag:$0x7], $0x3E80, $0x38;
	[tilespmem:$0x1BA00] =	vst v63  }
.Ltmp5:
0x59: {  	_ =	swait.ge @!p3 [sflag:s5], $0x3E80;
	(pc) =	sbr.rel @!p0 .LBB2_8-.Ltmp5, $4  }
0x5a: {  	[sflag:s5] =	ssyncset.done @!p3 $0x0  }
0x5b: {  	[sflag:s5] =	ssyncadd.s32 @!p3 $0xFFFFC180  }
0x5c: {  	[bflag:$0x0] =	sbarrier.arrive $0xFFFF  }
0x5d: {  	s30 =	simm.s32 $0x0  }
0x5e: {  	[tilespmem:s30], [sflag:$0x1] =	stream.linear.gather [hbm4b:s7+s30], $0x80, $0x38;
	[tilespmem:$0x1BA00] =	vst v63  }
0x5f: {  	s0 =	rddreg [dreg:$0x4]  }
0x60: {  	[tilespmem:s18], [sflag:$0x2] =	stream.linear.gather [hbm4b:s0+s30], $0x80, $0x38;
	[tilespmem:$0x1BA00] =	vst v63  }
0x61: {  	_ = 	snop  }
0x62: {  	[tilespmem:s19], [sflag:$0x3] =	stream.linear.gather [hbm4b:s9+s30], $0x80, $0x38;
	[tilespmem:$0x1BA00] =	vst v63  }
0x63: {  	_ =	swait.ge [sflag:s20], $0x80  }
0x64: {  	[sflag:s20] =	ssyncset.done $0x0  }
0x65: {  	[sflag:s20] =	ssyncadd.s32 $0xFFFFFF80  }
0x66: {  	[spmem:s1] =	stream.indirect.scatter.add.f32 [tilespmem:s21], [sflag:$0x4], $0x80, s30, s18, $0xb8;
	[tilespmem:$0x1BA00] =	vst v63  }
0x67: {  	_ = 	snop  }
0x68: {  	[tilespmem:s19], [sflag:$0x3] =	stream.linear.gather [hbm4b:s9+s30], $0x80, $0x38;
	[tilespmem:$0x1BA00] =	vst v63  }
0x69: {  	_ =	swait.ge [sflag:s22], $0x80  }
0x6a: {  	[sflag:s22] =	ssyncset.done $0x0  }
0x6b: {  	[sflag:s22] =	ssyncadd.s32 $0xFFFFFF80  }
0x6c: {  	[spmem:s1] =	stream.indirect.scatter.add.f32 [tilespmem:s21], [sflag:$0x5], $0x80, s18, s18, $0xb8;
	[tilespmem:$0x1BA00] =	vst v63  }
0x6d: {  	_ =	swait.ge [sflag:s23], $0x4000  }
0x6e: {  	[sflag:s23] =	ssyncset.done $0x0  }
0x6f: {  	[sflag:s23] =	ssyncadd.s32 $0xFFFFC000  }
0x70: {  	[tilespmem:s30], [sflag:$0x1] =	stream.linear.gather [hbm4b:s15+s30], $0x80, $0x38;
	[tilespmem:$0x1BA00] =	vst v63  }
0x71: {  	_ =	swait.ge [sflag:s26], $0x80  }
0x72: {  	[sflag:s26] =	ssyncset.done $0x0  }
0x73: {  	[sflag:s26] =	ssyncadd.s32 $0xFFFFFF80  }
0x74: {  	[spmem:s1] =	stream.indirect.scatter.add.f32 [tilespmem:s21], [sflag:$0x6], $0x80, s19, s18, $0xb8;
	[tilespmem:$0x1BA00] =	vst v63  }
.Ltmp6:
0x75: {  	_ = 	snop;
	(pc) =	sbr.rel .LBB2_17-.Ltmp6, $4  }
0x76: {  	_ =	swait.ge [sflag:s28], $0x4000  }
0x77: {  	[sflag:s28] =	ssyncset.done $0x0  }
0x78: {  	s31 =	smov.u32 s17;
	[sflag:s28] =	ssyncadd.s32 $0xFFFFC000  }
0x79: {  	[tilespmem:s18], [sflag:$0x2] =	stream.linear.gather [hbm4b:s16+s30], $0x80, $0x38;
	[tilespmem:$0x1BA00] =	vst v63  }
.LBB2_18:
0x7a: {  	_ =	swait.ge [sflag:s26], $0x80  }
0x7b: {  	[sflag:s26] =	ssyncset.done $0x0  }
0x7c: {  	[sflag:s26] =	ssyncadd.s32 $0xFFFFFF80  }
0x7d: {  	[spmem:s1] =	stream.indirect.scatter.add.f32 [tilespmem:s21], [sflag:$0x6], $0x80, s19, s18, $0xb8;
	[tilespmem:$0x1BA00] =	vst v63  }
.LBB2_20:
0x7e: {  	_ =	swait.ge [sflag:s28], $0x4000;
	p2 =	sgt.u32 s31, $0x9A3  }
0x7f: {  	[sflag:s28] =	ssyncset.done $0x0;
	s0 =	sadd.s32 @!p2 s30, s7;
	s5 =	simm.s32 @!p2 $0x0  }
0x80: {  	s8 =	simm.s32 @!p2 $0x80;
	[sflag:s28] =	ssyncadd.s32 $0xFFFFC000;
	s0 =	sadd.s32 @!p2 $0x700, s0  }
0x81: {  	[tilespmem:s8], [sflag:$0x2] =	stream.linear.gather @!p2 [hbm4b:s0+s5], $0x80, $0x38;
	[tilespmem:$0x1BA00] =	vst v63  }
.LBB2_21:
0x82: {  	s30 =	sadd.s32 $0x300, s30  }
0x83: {  	p2 =	sne.s32 s30, $0x9C00  }
.Ltmp7:
0x84: {  	_ = 	snop;
	(pc) =	sbr.rel @!p2 .LBB2_22-.Ltmp7, $2  }
0x85: {  	_ =	sdelay $0x2  }
0x86: {  	s31 =	sadd.s32 $0x30, s31  }
.LBB2_17:
0x87: {  	s0 =	sadd.s32 $0xFFFFFFE0, s31  }
0x88: {  	p2 =	sgt.u32 s0, $0x9C3  }
0x89: {  	s5 =	simm.s32 @!p2 $0x1  }
0x8a: {  	_ =	swait.ge @!p2 [sflag:s5], $0x80  }
0x8b: {  	p3 =	sgt.u32 s0, $0x9A3;
	s8 =	simm.s32 @!p2 $0x0;
	[sflag:s5] =	ssyncset.done @!p2 $0x0  }
0x8c: {  	s13 =	simm.s32 @!p2 $0x180;
	[sflag:s5] =	ssyncadd.s32 @!p2 $0xFFFFFF80;
	s5 =	simm.s32 @!p2 $0x80  }
0x8d: {  	[spmem:s1] =	stream.indirect.scatter.add.f32 @!p2 [tilespmem:s13], [sflag:$0x4], $0x80, s8, s5, $0xb8;
	[tilespmem:$0x1BA00] =	vst v63  }
0x8e: {  	s0 =	sadd.s32 @!p3 s30, s7;
	_ =	swait.ge [sflag:s29], $0x4000  }
0x8f: {  	s0 =	sadd.s32 @!p3 $0x500, s0;
	s5 =	simm.s32 @!p3 $0x0;
	[sflag:s29] =	ssyncset.done $0x0  }
0x90: {  	s8 =	simm.s32 @!p3 $0x100;
	s13 =	sadd.s32 $0xFFFFFFF0, s31;
	[sflag:s29] =	ssyncadd.s32 $0xFFFFC000  }
0x91: {  	[tilespmem:s8], [sflag:$0x3] =	stream.linear.gather @!p3 [hbm4b:s0+s5], $0x80, $0x38;
	[tilespmem:$0x1BA00] =	vst v63  }
0x92: {  	p3 =	sgt.u32 s13, $0x9C3  }
0x93: {  	s5 =	simm.s32 @!p3 $0x2  }
0x94: {  	_ =	swait.ge @!p3 [sflag:s5], $0x80  }
0x95: {  	[sflag:s5] =	ssyncset.done @!p3 $0x0  }
0x96: {  	s8 =	simm.s32 @!p3 $0x180;
	[sflag:s5] =	ssyncadd.s32 @!p3 $0xFFFFFF80;
	s5 =	simm.s32 @!p3 $0x80  }
0x97: {  	[spmem:s1] =	stream.indirect.scatter.add.f32 @!p3 [tilespmem:s8], [sflag:$0x5], $0x80, s5, s5, $0xb8;
	[tilespmem:$0x1BA00] =	vst v63  }
0x98: {  	s5 =	simm.s32 @!p2 $0x4  }
0x99: {  	_ =	swait.ge @!p2 [sflag:s5], $0x4000  }
0x9a: {  	[sflag:s5] =	ssyncset.done @!p2 $0x0  }
0x9b: {  	[sflag:s5] =	ssyncadd.s32 @!p2 $0xFFFFC000;
	p2 =	sgt.u32 s31, $0x9C3  }
.Ltmp8:
0x9c: {  	_ = 	snop;
	(pc) =	sbr.rel @!p2 .LBB2_18-.Ltmp8, $4  }
0x9d: {  	p3 =	sgt.u32 s13, $0x9A3  }
0x9e: {  	s0 =	sadd.s32 @!p3 s30, s7  }
0x9f: {  	s0 =	sadd.s32 @!p3 $0x600, s0;
	s5 =	simm.s32 @!p3 $0x0  }
0xa0: {  	[tilespmem:s5], [sflag:$0x1] =	stream.linear.gather @!p3 [hbm4b:s0+s5], $0x80, $0x38;
	[tilespmem:$0x1BA00] =	vst v63  }
0xa1: {  	p2 =	sgt.u32 s31, $0x9D3  }
.Ltmp9:
0xa2: {  	_ = 	snop;
	(pc) =	sbr.rel @p2 .LBB2_21-.Ltmp9, $4  }
.Ltmp10:
0xa3: {  	_ = 	snop;
	(pc) =	sbr.rel @!p2 .LBB2_20-.Ltmp10, $4  }
0xa4: {  	_ = 	snop  }
0xa5: {  	_ = 	snop  }
0xa6: {  	_ = 	snop  }
0xa7: {  	_ = 	snop  }
.LBB2_8:
0xa8: {  	[tilespmem:s30], [sflag:$0x1] =	stream.linear.gather [hbm4b:s4+s30], $0x80, $0x38;
	[tilespmem:$0x1BA00] =	vst v63  }
0xa9: {  	s0 =	rddreg [dreg:$0x3]  }
0xaa: {  	[tilespmem:s18], [sflag:$0x2] =	stream.linear.gather [hbm4b:s0+s30], $0x80, $0x38;
	[tilespmem:$0x1BA00] =	vst v63  }
0xab: {  	_ = 	snop  }
0xac: {  	[tilespmem:s19], [sflag:$0x3] =	stream.linear.gather [hbm4b:s6+s30], $0x80, $0x38;
	[tilespmem:$0x1BA00] =	vst v63  }
0xad: {  	_ =	swait.ge [sflag:s20], $0x80  }
0xae: {  	[sflag:s20] =	ssyncset.done $0x0  }
0xaf: {  	[sflag:s20] =	ssyncadd.s32 $0xFFFFFF80  }
0xb0: {  	[spmem:s1] =	stream.indirect.scatter.add.f32 [tilespmem:s21], [sflag:$0x4], $0x80, s30, s18, $0xb8;
	[tilespmem:$0x1BA00] =	vst v63  }
0xb1: {  	_ = 	snop  }
0xb2: {  	[tilespmem:s19], [sflag:$0x3] =	stream.linear.gather [hbm4b:s6+s30], $0x80, $0x38;
	[tilespmem:$0x1BA00] =	vst v63  }
0xb3: {  	_ =	swait.ge [sflag:s22], $0x80  }
0xb4: {  	[sflag:s22] =	ssyncset.done $0x0  }
0xb5: {  	[sflag:s22] =	ssyncadd.s32 $0xFFFFFF80  }
0xb6: {  	[spmem:s1] =	stream.indirect.scatter.add.f32 [tilespmem:s21], [sflag:$0x5], $0x80, s18, s18, $0xb8;
	[tilespmem:$0x1BA00] =	vst v63  }
0xb7: {  	_ =	swait.ge [sflag:s23], $0x4000  }
0xb8: {  	[sflag:s23] =	ssyncset.done $0x0  }
0xb9: {  	s13 =	rddreg [dreg:$0x5];
	[sflag:s23] =	ssyncadd.s32 $0xFFFFC000  }
0xba: {  	[tilespmem:s30], [sflag:$0x1] =	stream.linear.gather [hbm4b:s13+s30], $0x80, $0x38;
	[tilespmem:$0x1BA00] =	vst v63  }
0xbb: {  	_ =	swait.ge [sflag:s26], $0x80  }
0xbc: {  	[sflag:s26] =	ssyncset.done $0x0  }
0xbd: {  	[sflag:s26] =	ssyncadd.s32 $0xFFFFFF80  }
0xbe: {  	[spmem:s1] =	stream.indirect.scatter.add.f32 [tilespmem:s21], [sflag:$0x6], $0x80, s19, s18, $0xb8;
	[tilespmem:$0x1BA00] =	vst v63  }
.Ltmp11:
0xbf: {  	_ = 	snop;
	(pc) =	sbr.rel .LBB2_9-.Ltmp11, $4  }
0xc0: {  	_ =	swait.ge [sflag:s28], $0x4000  }
0xc1: {  	[sflag:s28] =	ssyncset.done $0x0  }
0xc2: {  	s31 =	smov.u32 s17;
	[sflag:s28] =	ssyncadd.s32 $0xFFFFC000  }
0xc3: {  	[tilespmem:s18], [sflag:$0x2] =	stream.linear.gather [hbm4b:s14+s30], $0x80, $0x38;
	[tilespmem:$0x1BA00] =	vst v63  }
.LBB2_10:
0xc4: {  	_ =	swait.ge [sflag:s26], $0x80  }
0xc5: {  	[sflag:s26] =	ssyncset.done $0x0  }
0xc6: {  	[sflag:s26] =	ssyncadd.s32 $0xFFFFFF80  }
0xc7: {  	[spmem:s1] =	stream.indirect.scatter.add.f32 [tilespmem:s21], [sflag:$0x6], $0x80, s19, s18, $0xb8;
	[tilespmem:$0x1BA00] =	vst v63  }
.LBB2_12:
0xc8: {  	_ =	swait.ge [sflag:s28], $0x4000;
	p2 =	sgt.u32 s31, $0x9A3  }
0xc9: {  	[sflag:s28] =	ssyncset.done $0x0;
	s0 =	sadd.s32 @!p2 s30, s4;
	s5 =	simm.s32 @!p2 $0x0  }
0xca: {  	s8 =	simm.s32 @!p2 $0x80;
	[sflag:s28] =	ssyncadd.s32 $0xFFFFC000;
	s0 =	sadd.s32 @!p2 $0x700, s0  }
0xcb: {  	[tilespmem:s8], [sflag:$0x2] =	stream.linear.gather @!p2 [hbm4b:s0+s5], $0x80, $0x38;
	[tilespmem:$0x1BA00] =	vst v63  }
.LBB2_13:
0xcc: {  	s30 =	sadd.s32 $0x300, s30  }
0xcd: {  	p2 =	seq.s32 s30, $0x9C00  }
.Ltmp12:
0xce: {  	_ = 	snop;
	(pc) =	sbr.rel @p2 .LBB2_14-.Ltmp12, $2  }
0xcf: {  	_ =	sdelay $0x2  }
0xd0: {  	s31 =	sadd.s32 $0x30, s31  }
.LBB2_9:
0xd1: {  	s0 =	sadd.s32 $0xFFFFFFE0, s31  }
0xd2: {  	p2 =	sgt.u32 s0, $0x9C3  }
0xd3: {  	s5 =	simm.s32 @!p2 $0x1  }
0xd4: {  	_ =	swait.ge @!p2 [sflag:s5], $0x80  }
0xd5: {  	p3 =	sgt.u32 s0, $0x9A3;
	s8 =	simm.s32 @!p2 $0x0;
	[sflag:s5] =	ssyncset.done @!p2 $0x0  }
0xd6: {  	s13 =	simm.s32 @!p2 $0x180;
	[sflag:s5] =	ssyncadd.s32 @!p2 $0xFFFFFF80;
	s5 =	simm.s32 @!p2 $0x80  }
0xd7: {  	[spmem:s1] =	stream.indirect.scatter.add.f32 @!p2 [tilespmem:s13], [sflag:$0x4], $0x80, s8, s5, $0xb8;
	[tilespmem:$0x1BA00] =	vst v63  }
0xd8: {  	s0 =	sadd.s32 @!p3 s30, s4;
	_ =	swait.ge [sflag:s29], $0x4000  }
0xd9: {  	s0 =	sadd.s32 @!p3 $0x500, s0;
	s5 =	simm.s32 @!p3 $0x0;
	[sflag:s29] =	ssyncset.done $0x0  }
0xda: {  	s8 =	simm.s32 @!p3 $0x100;
	s13 =	sadd.s32 $0xFFFFFFF0, s31;
	[sflag:s29] =	ssyncadd.s32 $0xFFFFC000  }
0xdb: {  	[tilespmem:s8], [sflag:$0x3] =	stream.linear.gather @!p3 [hbm4b:s0+s5], $0x80, $0x38;
	[tilespmem:$0x1BA00] =	vst v63  }
0xdc: {  	p3 =	sgt.u32 s13, $0x9C3  }
0xdd: {  	s5 =	simm.s32 @!p3 $0x2  }
0xde: {  	_ =	swait.ge @!p3 [sflag:s5], $0x80  }
0xdf: {  	[sflag:s5] =	ssyncset.done @!p3 $0x0  }
0xe0: {  	s8 =	simm.s32 @!p3 $0x180;
	[sflag:s5] =	ssyncadd.s32 @!p3 $0xFFFFFF80;
	s5 =	simm.s32 @!p3 $0x80  }
0xe1: {  	[spmem:s1] =	stream.indirect.scatter.add.f32 @!p3 [tilespmem:s8], [sflag:$0x5], $0x80, s5, s5, $0xb8;
	[tilespmem:$0x1BA00] =	vst v63  }
0xe2: {  	s5 =	simm.s32 @!p2 $0x4  }
0xe3: {  	_ =	swait.ge @!p2 [sflag:s5], $0x4000  }
0xe4: {  	[sflag:s5] =	ssyncset.done @!p2 $0x0  }
0xe5: {  	[sflag:s5] =	ssyncadd.s32 @!p2 $0xFFFFC000;
	p2 =	sgt.u32 s31, $0x9C3  }
.Ltmp13:
0xe6: {  	_ = 	snop;
	(pc) =	sbr.rel @!p2 .LBB2_10-.Ltmp13, $4  }
0xe7: {  	p3 =	sgt.u32 s13, $0x9A3  }
0xe8: {  	s0 =	sadd.s32 @!p3 s30, s4  }
0xe9: {  	s0 =	sadd.s32 @!p3 $0x600, s0;
	s5 =	simm.s32 @!p3 $0x0  }
0xea: {  	[tilespmem:s5], [sflag:$0x1] =	stream.linear.gather @!p3 [hbm4b:s0+s5], $0x80, $0x38;
	[tilespmem:$0x1BA00] =	vst v63  }
0xeb: {  	p2 =	sgt.u32 s31, $0x9D3  }
.Ltmp14:
0xec: {  	_ = 	snop;
	(pc) =	sbr.rel @p2 .LBB2_13-.Ltmp14, $4  }
.Ltmp15:
0xed: {  	_ = 	snop;
	(pc) =	sbr.rel @!p2 .LBB2_12-.Ltmp15, $4  }
0xee: {  	_ = 	snop  }
0xef: {  	_ = 	snop  }
0xf0: {  	_ = 	snop  }
0xf1: {  	_ = 	snop  }
.LBB2_22:
0xf2: {  	s0 =	sadd.s32 $0xFFFFFFF0, s31  }
0xf3: {  	p2 =	sgt.u32 s0, $0x9C3  }
0xf4: {  	s5 =	simm.s32 @!p2 $0x2  }
0xf5: {  	_ =	swait.ge @!p2 [sflag:s5], $0x80  }
0xf6: {  	[sflag:s5] =	ssyncset.done @!p2 $0x0  }
0xf7: {  	s8 =	simm.s32 @!p2 $0x180;
	[sflag:s5] =	ssyncadd.s32 @!p2 $0xFFFFFF80;
	s5 =	simm.s32 @!p2 $0x80  }
0xf8: {  	[spmem:s1] =	stream.indirect.scatter.add.f32 @!p2 [tilespmem:s8], [sflag:$0x5], $0x80, s5, s5, $0xb8;
	[tilespmem:$0x1BA00] =	vst v63  }
0xf9: {  	p2 =	sgt.u32 s0, $0x9A3  }
0xfa: {  	s0 =	sadd.s32 @!p2 s30, s7  }
0xfb: {  	s5 =	simm.s32 @!p2 $0x0;
	s0 =	sadd.s32 @!p2 $0x600, s0  }
0xfc: {  	[tilespmem:s5], [sflag:$0x1] =	stream.linear.gather @!p2 [hbm4b:s0+s5], $0x80, $0x38;
	[tilespmem:$0x1BA00] =	vst v63  }
0xfd: {  	p2 =	slt.u32 s31, $0x9C4  }
.Ltmp16:
0xfe: {  	_ = 	snop;
	(pc) =	sbr.rel @!p2 .LBB2_23-.Ltmp16, $1  }
0xff: {  	_ =	sdelay $0x3  }
.Ltmp17:
0x100: {  	(pc) =	sbr.rel .LBB2_25-.Ltmp17, $4  }
0x101: {  	_ =	swait.ge [sflag:s26], $0x80  }
0x102: {  	[sflag:s26] =	ssyncset.done $0x0  }
0x103: {  	[sflag:s26] =	ssyncadd.s32 $0xFFFFFF80  }
0x104: {  	[spmem:s1] =	stream.indirect.scatter.add.f32 [tilespmem:s21], [sflag:$0x6], $0x80, s19, s18, $0xb8;
	[tilespmem:$0x1BA00] =	vst v63  }
.LBB2_14:
0x105: {  	s0 =	sadd.s32 $0xFFFFFFF0, s31  }
0x106: {  	p2 =	sgt.u32 s0, $0x9C3  }
0x107: {  	s5 =	simm.s32 @!p2 $0x2  }
0x108: {  	_ =	swait.ge @!p2 [sflag:s5], $0x80  }
0x109: {  	[sflag:s5] =	ssyncset.done @!p2 $0x0  }
0x10a: {  	s8 =	simm.s32 @!p2 $0x180;
	[sflag:s5] =	ssyncadd.s32 @!p2 $0xFFFFFF80;
	s5 =	simm.s32 @!p2 $0x80  }
0x10b: {  	[spmem:s1] =	stream.indirect.scatter.add.f32 @!p2 [tilespmem:s8], [sflag:$0x5], $0x80, s5, s5, $0xb8;
	[tilespmem:$0x1BA00] =	vst v63  }
0x10c: {  	p2 =	sgt.u32 s0, $0x9A3  }
0x10d: {  	s0 =	sadd.s32 @!p2 s30, s4  }
0x10e: {  	s5 =	simm.s32 @!p2 $0x0;
	s0 =	sadd.s32 @!p2 $0x600, s0  }
0x10f: {  	[tilespmem:s5], [sflag:$0x1] =	stream.linear.gather @!p2 [hbm4b:s0+s5], $0x80, $0x38;
	[tilespmem:$0x1BA00] =	vst v63  }
0x110: {  	p2 =	slt.u32 s31, $0x9C4  }
.Ltmp18:
0x111: {  	_ = 	snop;
	(pc) =	sbr.rel @p2 .LBB2_26-.Ltmp18, $1  }
0x112: {  	_ =	sdelay $0x3  }
0x113: {  	p2 =	slt.u32 s31, $0x9D4  }
.Ltmp19:
0x114: {  	_ = 	snop;
	(pc) =	sbr.rel @p2 .LBB2_27-.Ltmp19, $4  }
.Ltmp20:
0x115: {  	_ = 	snop;
	(pc) =	sbr.rel @!p2 .LBB2_28-.Ltmp20, $4  }
0x116: {  	_ = 	snop  }
0x117: {  	_ = 	snop  }
0x118: {  	_ = 	snop  }
0x119: {  	_ = 	snop  }
.LBB2_23:
0x11a: {  	p2 =	slt.u32 s31, $0x9D4  }
.Ltmp21:
0x11b: {  	_ = 	snop;
	(pc) =	sbr.rel @!p2 .LBB2_28-.Ltmp21, $1  }
0x11c: {  	_ =	sdelay $0x3  }
.LBB2_25:
.Ltmp22:
0x11d: {  	(pc) =	sbr.rel .LBB2_28-.Ltmp22, $4  }
0x11e: {  	_ =	swait.ge [sflag:s28], $0x4000;
	p2 =	sgt.u32 s31, $0x9A3  }
0x11f: {  	[sflag:s28] =	ssyncset.done $0x0;
	s0 =	sadd.s32 @!p2 s30, s7;
	s5 =	simm.s32 @!p2 $0x0  }
0x120: {  	s8 =	simm.s32 @!p2 $0x80;
	[sflag:s28] =	ssyncadd.s32 $0xFFFFC000;
	s0 =	sadd.s32 @!p2 $0x700, s0  }
0x121: {  	[tilespmem:s8], [sflag:$0x2] =	stream.linear.gather @!p2 [hbm4b:s0+s5], $0x80, $0x38;
	[tilespmem:$0x1BA00] =	vst v63  }
.LBB2_29:
0x122: {  	_ =	sfence.sel $0x180000  }
0x123: {  	[bflag:$0x0] =	sbarrier.arrive $0xFFFF  }
0x124: {  	_ =	strace $0x90000047  }
0x125: {  	[bflag:$0x2] =	sbarrier.arrive $0xFFFF  }
0x126: {  	p0 =	sne.s32 s2, $0x0;
	s0 =	rddreg [dreg:$0x2]  }
0x127: {  	s0 =	sadd.s32 @!p0 $0x100000, s0  }
0x128: {  	[sflag:s0] =	ssyncadd.tile.s32 @!p0 $0x1;
	_ =	shalt  }
.Lfunc_end2:
_tile_overlayer_lowered:
.L_overlay_start_2:
0x129: {  	(tag) =	ssettag $0x2  }
0x12a: {  	s0 =	rddreg [dreg:$0x0];
	s2 =	stileid.u32  }
0x12b: {  	s1 =	rddreg [dreg:$0x1];
	p0 =	sne.s32 s2, $0x0  }
0x12c: {  	s3 =	rddreg [dreg:$0x2];
	[bflag:$0x3] =	sbarrier.arrive $0xFFFF;
	s2 =	simm.s32 @!p0 $0x1C07  }
0x12d: {  	[timem:s3], [sflag:s2] =	dma.local @!p0 [hbm:s0], s1  }
0x12e: {  	s0 =	simm.s32 @!p0 $0x7  }
0x12f: {  	_ =	swait.ge @!p0 [sflag:s0], s1  }
0x130: {  	s1 =	ssub.s32 @!p0 $0x0, s1;
	[sflag:s0] =	ssyncset.done @!p0 $0x0  }
0x131: {  	[sflag:s0] =	ssyncadd.s32 @!p0 s1  }
0x132: {  	[bflag:$0x3] =	sbarrier.arrive $0xFFFF  }
0x133: {  	_ =	shalt  }

// kernel: kernel.14.cloned.1.call-start
scs
__scs_entry_jumppad:
0x0: {  	(pc) =	sbr.rel $0x88, $3  }
0x1: {  	(tag) =	ssettag $0x0;
	lr =	simm.s32 $0x1  }
0x2: {  	[smem:$0x3F95] =	sst lr;
	_ =	strace $0xD0000000  }
0x3: {  	_ = 	snop  }
0x4: {  	_ = 	snop  }
0x5: {  	_ = 	snop  }
0x6: {  	_ = 	snop  }
0x7: {  	_ = 	snop  }
__scs_overlays_trampoline_lowered:
0x8: {  	[smem:$0x3FA4] =	sst s0  }
0x9: {  	[smem:$0x3FA5] =	sst s1  }
0xa: {  	[smem:$0x3FA6] =	sst s2  }
0xb: {  	[smem:$0x3FA7] =	sst s3  }
0xc: {  	[smem:$0x3FA8] =	sst s4  }
0xd: {  	[smem:$0x3FA9] =	sst s5  }
0xe: {  	[smem:$0x3FAA] =	sst s6  }
0xf: {  	[smem:$0x3FAB] =	sst s7  }
0x10: {  	[smem:$0x3FAC] =	sst s8  }
0x11: {  	[smem:$0x3FAD] =	sst s9;
	s0 =	simm.s32 @!p0 $0x0  }
0x12: {  	s1 =	sld [smem:$0x3F93];
	s0 =	simm.s32 @p0 $0x1  }
0x13: {  	[smem:$0x3FAE] =	sst s0;
	s0 =	simm.s32 @!p1 $0x0  }
0x14: {  	s2 =	sld [smem:$0x3F92];
	s0 =	simm.s32 @p1 $0x1  }
0x15: {  	[smem:$0x3FAF] =	sst s0;
	s0 =	simm.s32 @!p2 $0x0  }
0x16: {  	s3 =	sld [smem:$0x3FDB];
	s0 =	simm.s32 @p2 $0x1  }
0x17: {  	s4 =	simm.s32 $0x1BF5;
	[smem:$0x3FB1] =	sst s0  }
0x18: {  	s0 =	sld [smem:$0x3F94];
	_ =	swait.ge [sflag:s4], $0x0  }
0x19: {  	s7 =	sld [smem:$0x3F95]  }
0x1a: {  	s8 =	sadd.s32 $0xFFFFE003, lr  }
0x1b: {  	s9 =	sadd.s32 $0xFFFFFEF7, lr;
	s5 =	simm.s32 $0xFFFFFFFF;
	p2 =	slt.u32 s8, $0xFFFFF086  }
0x1c: {  	p1 =	slt.u32 s9, $0xF7A;
	s5 =	simm.s32 @!p2 $0x0  }
0x1d: {  	s5 =	simm.s32 @p1 $0x1;
	p0 =	seq.s32 s7, s2  }
0x1e: {  	s7 =	smul.u32 @!p0 $0xF7A, s2;
	p2 =	seq.s32 @!p0 s5, $0x0  }
0x1f: {  	s9 =	smul.u32 $0xF7A, s1;
	s8 =	simm.s32 @!p0 $0x1BF5;
	p2 =	por !p2, p0  }
0x20: {  	[sflag:s8] =	ssyncset.s32 @!p0 $0xFFFFF086;
	s6 =	sadd.s32 @!p0 s3, s7;
	s7 =	simm.s32 @!p0 $0x108  }
0x21: {  	s3 =	sadd.s32 s3, s9;
	s6 =	sadd.s32 @!p0 $0x88, s6;
	s7 =	simm.s32 @p2 $0x1082  }
0x22: {  	[simem:s7], [sflag:s8] =	dma.local @!p0 [hbm:s6], $0xF7A  }
0x23: {  	s9 =	sor.u32 $0xD0000000, s2;
	s6 =	simm.s32 $0x108;
	_ =	swait.ge @!p0 [sflag:s8], $0x0  }
0x24: {  	s3 =	sadd.s32 $0x88, s3;
	s6 =	simm.s32 @!p1 $0x1082;
	[sflag:s4] =	ssyncset.s32 $0xFFFFF086  }
0x25: {  	[simem:s6], [sflag:s4] =	dma.local [hbm:s3], $0xF7A  }
0x26: {  	[smem:$0x3F95] =	sst s1;
	(tag) =	ssettag s2;
	_ =	strace s9  }
0x27: {  	s1 =	sld [smem:$0x3FA5]  }
0x28: {  	s2 =	sld [smem:$0x3FA6]  }
0x29: {  	s4 =	sld [smem:$0x3FA8]  }
0x2a: {  	p0 =	seq.s32 s5, $0x0;
	s5 =	sld [smem:$0x3FA9]  }
0x2b: {  	s6 =	sld [smem:$0x3FAA]  }
0x2c: {  	s7 =	sld [smem:$0x3FAB]  }
0x2d: {  	s3 =	simm.s32 $0x108;
	s8 =	sld [smem:$0x3FAC]  }
0x2e: {  	s3 =	simm.s32 @!p0 $0x1082;
	s9 =	sld [smem:$0x3FAD]  }
0x2f: {  	lr =	sadd.s32 s0, s3;
	s0 =	sld [smem:$0x3FA4]  }
0x30: {  	s3 =	sld [smem:$0x3FA7]  }
0x31: {  	[smem:$0x3FB0] =	sst s10  }
0x32: {  	s10 =	sld [smem:$0x3FAE];
	_ =	sdelay $0x3  }
0x33: {  	p0 =	seq.s32 s10, $0x1;
	s10 =	sld [smem:$0x3FB0];
	_ =	sdelay $0x3  }
0x34: {  	[smem:$0x3FB0] =	sst s10  }
0x35: {  	s10 =	sld [smem:$0x3FAF];
	_ =	sdelay $0x3  }
0x36: {  	p1 =	seq.s32 s10, $0x1;
	s10 =	sld [smem:$0x3FB0];
	_ =	sdelay $0x3  }
0x37: {  	[smem:$0x3FB0] =	sst s10  }
0x38: {  	s10 =	sld [smem:$0x3FB1]  }
0x39: {  	_ = 	snop;
	(pc) =	sbr.ind lr, $3  }
0x3a: {  	_ = 	snop  }
0x3b: {  	_ = 	snop  }
0x3c: {  	p2 =	seq.s32 s10, $0x1;
	s10 =	sld [smem:$0x3FB0]  }
0x3d: {  	_ =	shalt  }
0x3e: {  	_ =	shalt  }
0x3f: {  	_ =	shalt  }
0x40: {  	_ =	shalt  }
0x41: {  	_ =	shalt  }
0x42: {  	_ =	shalt  }
0x43: {  	_ =	shalt  }
0x44: {  	_ =	shalt  }
0x45: {  	_ =	shalt  }
0x46: {  	_ =	shalt  }
0x47: {  	_ =	shalt  }
0x48: {  	_ =	shalt  }
0x49: {  	_ =	shalt  }
0x4a: {  	_ =	shalt  }
0x4b: {  	_ =	shalt  }
0x4c: {  	_ =	shalt  }
0x4d: {  	_ =	shalt  }
0x4e: {  	_ =	shalt  }
0x4f: {  	_ =	shalt  }
0x50: {  	_ =	shalt  }
0x51: {  	_ =	shalt  }
0x52: {  	_ =	shalt  }
0x53: {  	_ =	shalt  }
0x54: {  	_ =	shalt  }
0x55: {  	_ =	shalt  }
0x56: {  	_ =	shalt  }
0x57: {  	_ =	shalt  }
0x58: {  	_ =	shalt  }
0x59: {  	_ =	shalt  }
0x5a: {  	_ =	shalt  }
0x5b: {  	_ =	shalt  }
0x5c: {  	_ =	shalt  }
0x5d: {  	_ =	shalt  }
0x5e: {  	_ =	shalt  }
0x5f: {  	_ =	shalt  }
0x60: {  	_ =	shalt  }
0x61: {  	_ =	shalt  }
0x62: {  	_ =	shalt  }
0x63: {  	_ =	shalt  }
0x64: {  	_ =	shalt  }
0x65: {  	_ =	shalt  }
0x66: {  	_ =	shalt  }
0x67: {  	_ =	shalt  }
0x68: {  	_ =	shalt  }
0x69: {  	_ =	shalt  }
0x6a: {  	_ =	shalt  }
0x6b: {  	_ =	shalt  }
0x6c: {  	_ =	shalt  }
0x6d: {  	_ =	shalt  }
0x6e: {  	_ =	shalt  }
0x6f: {  	_ =	shalt  }
0x70: {  	_ =	shalt  }
0x71: {  	_ =	shalt  }
0x72: {  	_ =	shalt  }
0x73: {  	_ =	shalt  }
0x74: {  	_ =	shalt  }
0x75: {  	_ =	shalt  }
0x76: {  	_ =	shalt  }
0x77: {  	_ =	shalt  }
0x78: {  	_ =	shalt  }
0x79: {  	_ =	shalt  }
0x7a: {  	_ =	shalt  }
0x7b: {  	_ =	shalt  }
0x7c: {  	_ =	shalt  }
0x7d: {  	_ =	shalt  }
0x7e: {  	_ =	shalt  }
0x7f: {  	_ =	shalt  }
0x80: {  	_ =	shalt  }
0x81: {  	_ =	shalt  }
0x82: {  	_ =	shalt  }
0x83: {  	_ =	shalt  }
0x84: {  	_ =	shalt  }
0x85: {  	_ =	shalt  }
0x86: {  	_ =	shalt  }
0x87: {  	_ =	shalt  }
.Lfunc_end0:
.L_simem_size_0:
called_computation.1_lowered:
.L_overlay_start_0:
0x88: {  	s2 =	sld [smem:$0x3FD9]  }
0x89: {  	s3 =	sld [smem:$0x3FFE];
	_ =	sdelay $0x1  }
0x8a: {  	s1 =	srdreg.scid  }
0x8b: {  	s0 =	sand.u32 $0x1, s1  }
0x8c: {  	s16 =	sshll.u32 s0, $0xA;
	s2 =	sadd.s32 s3, s2  }
0x8d: {  	s2 =	sadd.s32 s2, s16  }
0x8e: {  	[smem:$0x3FBC] =	sst s2  }
0x8f: {  	_ = 	snop  }
0x90: {  	(tm) =	ssettm $0x1  }
0x91: {  	s17 =	sld [smem:$0x3FFB];
	_ =	sdelay $0x3  }
0x92: {  	_ =	strace s17  }
0x93: {  	s2 =	sld [smem:$0x3FFC];
	_ =	sdelay $0x3  }
0x94: {  	_ =	strace s2  }
0x95: {  	s2 =	sld [smem:$0x3FFD];
	_ =	sdelay $0x3  }
0x96: {  	_ =	strace s2  }
0x97: {  	_ =	strace $0x8FFFFFFF  }
0x98: {  	s18 =	sld [smem:$0x3FDB];
	_ =	sdelay $0x1  }
0x99: {  	s19 =	simm.s32 $_scs_section_size  }
0x9a: {  	s4 =	simm.s32 $_size__tile_overlayer_lowered;
	s5 =	simm.s32 $_tile_overlayer_lowered  }
0x9b: {  	s22 =	simm.s32 $0x1BFF;
	s21 =	sshll.u32 s5, $0x1;
	s2 =	sadd.s32 s19, s18  }
0x9c: {  	s6 =	simm.s32 $0x0;
	s20 =	sshll.u32 s4, $0x1;
	s4 =	sadd.s32 s21, s2  }
0x9d: {  	[timem:s6], [sflag:s22] =	dma.local [hbm:s4], s20  }
0x9e: {  	_ =	swait.ge [sflag:s22], s20  }
0x9f: {  	s3 =	ssub.s32 $0x0, s20;
	[sflag:s22] =	ssyncset.done $0x0  }
0xa0: {  	[sflag:s22] =	ssyncadd.s32 s3;
	_ =	sdelay $0x1  }
0xa1: {  	s23 =	simm.s32 $0x1B8B  }
0xa2: {  	_ =	swait.ge [sflag:s23], $0x1  }
0xa3: {  	[sflag:s23] =	ssyncset.done $0x0  }
0xa4: {  	s25 =	simm.s32 $0x1B8E;
	s24 =	sld [smem:$0x3FFE];
	[sflag:s23] =	ssyncadd.s32 $0xFFFFFFFF  }
0xa5: {  	s26 =	simm.s32 $execute0_lowered;
	[smem:$0x3FD2] =	sst s25  }
0xa6: {  	s4 =	sshll.u32 s26, $0x1;
	_ =	strace $0x80000049;
	[dreg:$0x1] =	wrdreg $0xFFFFFFFF  }
0xa7: {  	s28 =	simm.s32 $_size_execute0_lowered;
	s2 =	sadd.s32 s2, s4;
	[dreg:$0x0] =	wrdreg $0x0  }
0xa8: {  	s4 =	sshll.u32 s28, $0x1;
	[dreg:$0x2] =	wrdreg s2  }
0xa9: {  	[dreg:$0x3] =	wrdreg s4  }
0xaa: {  	[dreg:$0x4] =	wrdreg $0xC0  }
0xab: {  	_ =	task [dreg:s6], $0x5FFFF  }
0xac: {  	[dreg:$0x1] =	wrdreg $0xFFFFFFFF  }
0xad: {  	[dreg:$0x0] =	wrdreg $0x60  }
0xae: {  	[dreg:$0x2] =	wrdreg s24  }
0xaf: {  	[dreg:$0x3] =	wrdreg $0xC3000  }
0xb0: {  	[dreg:$0x4] =	wrdreg $0x9  }
0xb1: {  	_ =	task.clear_ibuf [dreg:s6], $0x5FFFF;
	_ =	strace $0x90000049  }
0xb2: {  	s29 =	simm.s32 $0x9;
	_ =	strace $0x8000004B  }
0xb3: {  	_ =	swait.ge [sflag:s29], $0x1  }
0xb4: {  	[sflag:s29] =	ssyncadd.s32 $0xFFFFFFFF  }
0xb5: {  	_ =	strace $0x9000004B  }
0xb6: {  	_ =	sfence  }
0xb7: {  	s30 =	sld [smem:$0x0];
	_ =	sdelay $0x2  }
0xb8: {  	s31 =	sshll.u32 s1, $0xD;
	s1 =	sshrl.u32 s1, $0x2  }
0xb9: {  	s3 =	sand.u32 $0x4000, s31;
	s1 =	sadd.s32 s1, s30  }
0xba: {  	s0 =	sor.u32 s3, s0;
	s1 =	sshll.u32 s1, $0x11  }
0xbb: {  	s0 =	sor.u32 s1, s0  }
0xbc: {  	s0 =	sadd.s32 $0x8F2B, s0  }
0xbd: {  	[sflag:s0] =	ssyncadd.remote.s32 $0x1  }
0xbe: {  	_ =	sfence.sel $0xFFFF  }
0xbf: {  	[dreg:$0x0] =	wrdreg $0xFFFFFFFF;
	(pc) =	sbr.abs _section_cstart, $3  }
0xc0: {  	[dreg:$0x1] =	wrdreg $0xFFFFFFFF  }
0xc1: {  	_ =	task.clear_ibuf [dreg:s6], $0x2FFFF;
	_ =	strace $0x9FFFFFFF  }
0xc2: {  	(tm) =	ssettm $0x7FFFFFFF  }
0xc3: {  	_ =	shalt  }
tec
execute0_lowered:
.L_overlay_start_1:
0x0: {  	(tag) =	ssettag $0x1  }
0x1: {  	s0 =	rddreg [dreg:$0x0]  }
0x2: {  	s1 =	rddreg [dreg:$0x1];
	s2 =	simm.s32 $0x0;
	s3 =	srdreg.scid  }
0x3: {  	[smem:$0x7FF] =	sst s2;
	s8 =	sand.u32 $0x1, s3  }
0x4: {  	s15 =	sadd.s32 $0xD600, s0;
	s16 =	sadd.s32 $0x3800, s0;
	s13 =	smul.u32 $0x4E2, s8  }
0x5: {  	s3 =	stileid.u32;
	s4 =	sadd.s32 $0x17400, s0;
	s19 =	smul.u32 $0x138800, s8  }
0x6: {  	s0 =	sadd.s32 $0x3E600, s0;
	s6 =	ssub.s32 $0x2, s8;
	s12 =	smul.u32 $0x14000, s3  }
0x7: {  	_ =	strace $0x8000004A;
	s21 =	smul.u32 $0x50000, s3;
	s7 =	sshrl.u32 s6, $0x1  }
0x8: {  	p0 =	seq.s32 s3, $0xF;
	s5 =	sadd.s32 s3, s13;
	s17 =	ssub.s32 s6, s7  }
0x9: {  	s6 =	sadd.s32 $0x4E2, s13;
	s20 =	sadd.s32 s12, s19;
	s13 =	sadd.s32 $0x4C2, s13  }
0xa: {  	s22 =	sshrl.u32 s21, $0x2;
	s19 =	sshrl.u32 s19, $0x3;
	s18 =	sshll.u32 s5, $0x4  }
0xb: {  	s20 =	sshrl.u32 s20, $0x3;
	s25 =	sadd.s32 s22, s1;
	s7 =	sadd.s32 s15, s18  }
0xc: {  	s8 =	sadd.s32 s16, s18;
	s10 =	sadd.s32 $0x100, s18;
	s14 =	sadd.s32 $0x200, s18  }
0xd: {  	s23 =	sadd.s32 $0x500, s18;
	s18 =	sadd.s32 $0x400, s18;
	s25 =	sshrl.u32 @!p0 s25, $0x3  }
0xe: {  	s9 =	sadd.s32 s15, s10;
	s10 =	sadd.s32 s16, s10;
	s11 =	sadd.s32 s15, s14  }
0xf: {  	s12 =	sadd.s32 s16, s14;
	s14 =	sadd.s32 s0, s20;
	s24 =	sadd.s32 s23, s15  }
0x10: {  	s26 =	sadd.s32 s23, s16;
	s0 =	sadd.s32 s0, s19;
	[dreg:$0x7] =	wrdreg s24  }
0x11: {  	s28 =	sadd.s32 s18, s15;
	s29 =	sadd.s32 s18, s16;
	[dreg:$0x8] =	wrdreg s26  }
0x12: {  	s18 =	sadd.s32 $0x12C000, s1;
	s30 =	sadd.s32 $0x300, s7;
	[dreg:$0x5] =	wrdreg s28  }
0x13: {  	s16 =	smax.u32 s17, $0x1;
	s31 =	sadd.s32 $0x300, s8;
	[dreg:$0x6] =	wrdreg s29  }
0x14: {  	s17 =	simm.s32 $0x7;
	s19 =	simm.s32 $0x80;
	[dreg:$0x3] =	wrdreg s30  }
0x15: {  	v0 =	vimm.f32 $0.0e+00;
	s15 =	sadd.s32 $0x25800, s0;
	[dreg:$0x4] =	wrdreg s31;
	s24 =	sshrl.u32 @p0 s18, $0x3  }
.LBB2_1:
0x16: {  	s0 =	simm.s32 $0x70;
	s18 =	simm.s32 $0x3C0  }
.LBB2_2:
0x17: {  	p1 =	sne.s32 s18, $0xF9C0;
	[tilespmem:s0+$0x300] =	vst v0  }
0x18: {  	[tilespmem:s0+$0x290] =	vst v0  }
0x19: {  	[tilespmem:s0+$0x2A0] =	vst v0  }
.Ltmp0:
0x1a: {  	[tilespmem:s0+$0x2B0] =	vst v0;
	(pc) =	sbr.rel @p1 .LBB2_2-.Ltmp0, $4  }
0x1b: {  	[tilespmem:s0+$0x2C0] =	vst v0  }
0x1c: {  	[tilespmem:s0+$0x2D0] =	vst v0  }
0x1d: {  	[tilespmem:s0+$0x2E0] =	vst v0  }
0x1e: {  	[tilespmem:s0+$0x2F0] =	vst v0;
	s0 =	sshra.s32 s18, $0x2;
	s18 =	sadd.s32 $0x200, s18  }
0x1f: {  	[tilespmem:s0+$0x300] =	vst v0  }
0x20: {  	[tilespmem:s0+$0x290] =	vst v0  }
0x21: {  	[tilespmem:s0+$0x2A0] =	vst v0  }
0x22: {  	[tilespmem:s0+$0x2B0] =	vst v0  }
0x23: {  	[tilespmem:s0+$0x2C0] =	vst v0;
	s18 =	simm.s32 $0x0  }
0x24: {  	[tilespmem:s0+$0x2D0] =	vst v0;
	s18 =	sand.u32 $0xF, s18  }
0x25: {  	[tilespmem:s0+$0x2E0] =	vst v0;
	p1 =	sne.s32 s18, s3  }
0x26: {  	[tilespmem:s0+$0x2F0] =	vst v0;
	s0 =	simm.s32 @!p1 $0x300;
	s29 =	simm.s32 @!p1 $0x7  }
0x27: {  	[spmem:s1] =	stream.linear.scatter @!p1 [tilespmem:s0], [sflag:$0x7], $0x3E80, $0x38;
	[tilespmem:$0x1FB80] =	vst v63  }
0x28: {  	s28 =	simm.s32 $0x2;
	_ =	swait.ge @!p1 [sflag:s29], $0x3E80  }
0x29: {  	s18 =	simm.s32 $0x1;
	s0 =	sadd.s32 $0x3E80, s1;
	[sflag:s29] =	ssyncset.done @!p1 $0x0  }
.LBB2_4:
0x2a: {  	s30 =	sand.u32 $0xF, s18;
	s18 =	smov.u32 s28;
	s28 =	sadd.s32 $0x1, s28  }
0x2b: {  	[sflag:s29] =	ssyncadd.s32 @!p1 $0xFFFFC180;
	p2 =	sne.s32 s28, $0x50  }
.Ltmp1:
0x2c: {  	p1 =	sne.s32 s30, s3;
	(pc) =	sbr.rel @p2 .LBB2_4-.Ltmp1, $4  }
0x2d: {  	s30 =	simm.s32 @!p1 $0x300;
	s29 =	simm.s32 @!p1 $0x7  }
0x2e: {  	[spmem:s0] =	stream.linear.scatter @!p1 [tilespmem:s30], [sflag:$0x7], $0x3E80, $0x38;
	[tilespmem:$0x1FB80] =	vst v63  }
0x2f: {  	_ =	swait.ge @!p1 [sflag:s29], $0x3E80  }
0x30: {  	s0 =	sadd.s32 $0x3E80, s0;
	[sflag:s29] =	ssyncset.done @!p1 $0x0  }
0x31: {  	s18 =	sand.u32 $0xF, s18  }
0x32: {  	p2 =	sne.s32 s18, s3  }
0x33: {  	[sflag:s29] =	ssyncadd.s32 @!p1 $0xFFFFC180;
	s18 =	simm.s32 @!p2 $0x300;
	s28 =	simm.s32 @!p2 $0x7  }
0x34: {  	[spmem:s0] =	stream.linear.scatter @!p2 [tilespmem:s18], [sflag:$0x7], $0x3E80, $0x38;
	[tilespmem:$0x1FB80] =	vst v63  }
0x35: {  	_ =	swait.ge @!p2 [sflag:s28], $0x3E80  }
0x36: {  	[sflag:s28] =	ssyncset.done @!p2 $0x0  }
0x37: {  	[sflag:s28] =	ssyncadd.s32 @!p2 $0xFFFFC180  }
0x38: {  	s0 =	simm.s32 $0x0;
	[bflag:$0x0] =	sbarrier.arrive $0xFFFF  }
0x39: {  	[tilespmem:s0], [sflag:$0x7] =	stream.linear.gather [hbm4b:s7+s0], $0x80, $0x38;
	[tilespmem:$0x1FB80] =	vst v63  }
0x3a: {  	_ =	swait.ge [sflag:s17], $0x80  }
0x3b: {  	[sflag:s17] =	ssyncset.done $0x0  }
0x3c: {  	s31 =	simm.s32 $0x180;
	[sflag:s17] =	ssyncadd.s32 $0xFFFFFF80  }
0x3d: {  	[tilespmem:s31], [sflag:$0x7] =	stream.linear.gather [hbm4b:s8+s0], $0x80, $0x38;
	[tilespmem:$0x1FB80] =	vst v63  }
0x3e: {  	_ =	swait.ge [sflag:s17], $0x80  }
0x3f: {  	[sflag:s17] =	ssyncset.done $0x0  }
0x40: {  	s20 =	simm.s32 $0x300;
	[sflag:s17] =	ssyncadd.s32 $0xFFFFFF80  }
0x41: {  	[tilespmem:s20], [sflag:$0x1] =	stream.indirect.gather [hbm4b:s4+s19], $0x80, s0, s19, $0xb8;
	[tilespmem:$0x1FB80] =	vst v63  }
0x42: {  	_ = 	snop  }
0x43: {  	[tilespmem:s19], [sflag:$0x7] =	stream.linear.gather [hbm4b:s9+s0], $0x80, $0x38;
	[tilespmem:$0x1FB80] =	vst v63  }
0x44: {  	_ =	swait.ge [sflag:s17], $0x80  }
0x45: {  	[sflag:s17] =	ssyncset.done $0x0  }
0x46: {  	s21 =	simm.s32 $0x200;
	[sflag:s17] =	ssyncadd.s32 $0xFFFFFF80  }
0x47: {  	[tilespmem:s21], [sflag:$0x7] =	stream.linear.gather [hbm4b:s10+s0], $0x80, $0x38;
	[tilespmem:$0x1FB80] =	vst v63  }
0x48: {  	_ =	swait.ge [sflag:s17], $0x80  }
0x49: {  	[sflag:s17] =	ssyncset.done $0x0  }
0x4a: {  	s22 =	simm.s32 $0x4300;
	s31 =	sadd.s32 $0x0, s5;
	[sflag:s17] =	ssyncadd.s32 $0xFFFFFF80  }
0x4b: {  	[tilespmem:s22], [sflag:$0x2] =	stream.indirect.gather [hbm4b:s4+s19], $0x80, s19, s19, $0xb8;
	[tilespmem:$0x1FB80] =	vst v63  }
0x4c: {  	s23 =	simm.s32 $0x100;
	p1 =	sge.u32 s31, s6  }
0x4d: {  	[tilespmem:s23], [sflag:$0x6] =	stream.linear.gather [hbm4b:s11+s0], $0x80, $0x38;
	[tilespmem:$0x1FB80] =	vst v63  }
0x4e: {  	s26 =	simm.s32 $0x280;
	s18 =	simm.s32 @!p1 $0x1  }
0x4f: {  	[tilespmem:s26], [sflag:$0x6] =	stream.linear.gather [hbm4b:s12+s0], $0x80, $0x38;
	[tilespmem:$0x1FB80] =	vst v63  }
0x50: {  	_ =	swait.ge @!p1 [sflag:s18], $0x4000  }
0x51: {  	s28 =	simm.s32 @!p1 $0x300;
	s29 =	simm.s32 @!p1 $0x7;
	[sflag:s18] =	ssyncset.done @!p1 $0x0  }
0x52: {  	s30 =	simm.s32 @!p1 $0x80;
	[sflag:s18] =	ssyncadd.s32 @!p1 $0xFFFFC000;
	s18 =	simm.s32 @!p1 $0x180  }
0x53: {  	[spmem:s1] =	stream.indirect.scatter.add.f32 @!p1 [tilespmem:s28], [sflag:$0x7], $0x80, s18, s30, $0xb8;
	[tilespmem:$0x1FB80] =	vst v63  }
0x54: {  	_ =	swait.ge @!p1 [sflag:s29], $0x4000  }
0x55: {  	s28 =	sadd.s32 $0x30, s31;
	s18 =	rddreg [dreg:$0x3]  }
0x56: {  	p2 =	sge.u32 s28, s6;
	[sflag:s29] =	ssyncset.done @!p1 $0x0;
	s28 =	rddreg [dreg:$0x4]  }
0x57: {  	s30 =	simm.s32 @!p2 $0x0;
	[sflag:s29] =	ssyncadd.s32 @!p1 $0xFFFFC000;
	s18 =	sadd.s32 @!p2 $0x0, s18  }
0x58: {  	[tilespmem:s30], [sflag:$0x4] =	stream.linear.gather @!p2 [hbm4b:s18+s30], $0x80, $0x38;
	[tilespmem:$0x1FB80] =	vst v63  }
0x59: {  	p1 =	sge.u32 s31, s13;
	s18 =	sadd.s32 @!p2 $0x0, s28;
	s28 =	simm.s32 @!p2 $0x180  }
0x5a: {  	[tilespmem:s28], [sflag:$0x4] =	stream.linear.gather @!p2 [hbm4b:s18+s30], $0x80, $0x38;
	[tilespmem:$0x1FB80] =	vst v63  }
0x5b: {  	s18 =	simm.s32 @!p1 $0x6  }
0x5c: {  	_ =	swait.ge @!p1 [sflag:s18], $0x80  }
0x5d: {  	[sflag:s18] =	ssyncset.done @!p1 $0x0  }
0x5e: {  	[sflag:s18] =	ssyncadd.s32 @!p1 $0xFFFFFF80  }
0x5f: {  	s29 =	sadd.s32 $0x10, s31;
	_ =	swait.ge @!p1 [sflag:s18], $0x80  }
0x60: {  	s28 =	simm.s32 @!p1 $0x8300;
	s30 =	simm.s32 @!p1 $0x80;
	[sflag:s18] =	ssyncset.done @!p1 $0x0  }
0x61: {  	p2 =	sge.u32 s29, s6;
	[sflag:s18] =	ssyncadd.s32 @!p1 $0xFFFFFF80;
	s18 =	simm.s32 @!p1 $0x100  }
0x62: {  	[tilespmem:s28], [sflag:$0x3] =	stream.indirect.gather @!p1 [hbm4b:s4+s30], $0x80, s18, s30, $0xb8;
	[tilespmem:$0x1FB80] =	vst v63  }
0x63: {  	s18 =	simm.s32 @!p2 $0x2  }
0x64: {  	_ =	swait.ge @!p2 [sflag:s18], $0x4000  }
0x65: {  	s28 =	simm.s32 @!p2 $0x4300;
	[sflag:s18] =	ssyncset.done @!p2 $0x0  }
0x66: {  	s30 =	simm.s32 @!p2 $0x80;
	[sflag:s18] =	ssyncadd.s32 @!p2 $0xFFFFC000;
	s18 =	simm.s32 @!p2 $0x200  }
0x67: {  	[spmem:s1] =	stream.indirect.scatter.add.f32 @!p2 [tilespmem:s28], [sflag:$0x7], $0x80, s18, s30, $0xb8;
	[tilespmem:$0x1FB80] =	vst v63  }
0x68: {  	s18 =	simm.s32 @!p2 $0x7  }
0x69: {  	s28 =	sadd.s32 $0x40, s31;
	_ =	swait.ge @!p2 [sflag:s18], $0x4000  }
0x6a: {  	p1 =	sge.u32 s29, s13;
	p3 =	sge.u32 s28, s6;
	s28 =	rddreg [dreg:$0x5]  }
0x6b: {  	s30 =	simm.s32 @!p3 $0x0;
	[sflag:s18] =	ssyncset.done @!p2 $0x0;
	s29 =	rddreg [dreg:$0x6]  }
0x6c: {  	[sflag:s18] =	ssyncadd.s32 @!p2 $0xFFFFC000;
	s18 =	simm.s32 @!p3 $0x80;
	s28 =	sadd.s32 @!p3 $0x0, s28  }
0x6d: {  	[tilespmem:s18], [sflag:$0x5] =	stream.linear.gather @!p3 [hbm4b:s28+s30], $0x80, $0x38;
	[tilespmem:$0x1FB80] =	vst v63  }
0x6e: {  	s18 =	simm.s32 @!p3 $0x200;
	s28 =	sadd.s32 @!p3 $0x0, s29;
	s29 =	simm.s32 @!p1 $0x4  }
0x6f: {  	[tilespmem:s18], [sflag:$0x5] =	stream.linear.gather @!p3 [hbm4b:s28+s30], $0x80, $0x38;
	[tilespmem:$0x1FB80] =	vst v63  }
0x70: {  	_ =	swait.ge @!p1 [sflag:s29], $0x80  }
0x71: {  	[sflag:s29] =	ssyncset.done @!p1 $0x0  }
0x72: {  	[sflag:s29] =	ssyncadd.s32 @!p1 $0xFFFFFF80  }
0x73: {  	s18 =	simm.s32 @!p1 $0x300;
	_ =	swait.ge @!p1 [sflag:s29], $0x80  }
0x74: {  	s28 =	sadd.s32 $0x20, s31;
	s30 =	simm.s32 @!p1 $0x80;
	[sflag:s29] =	ssyncset.done @!p1 $0x0  }
0x75: {  	p2 =	sge.u32 s28, s6;
	[sflag:s29] =	ssyncadd.s32 @!p1 $0xFFFFFF80;
	s29 =	simm.s32 @!p1 $0x0  }
0x76: {  	[tilespmem:s18], [sflag:$0x1] =	stream.indirect.gather @!p1 [hbm4b:s4+s30], $0x80, s29, s30, $0xb8;
	[tilespmem:$0x1FB80] =	vst v63  }
0x77: {  	s18 =	simm.s32 @!p2 $0x3  }
0x78: {  	_ =	swait.ge @!p2 [sflag:s18], $0x4000  }
0x79: {  	s29 =	simm.s32 @!p2 $0x80;
	[sflag:s18] =	ssyncset.done @!p2 $0x0  }
0x7a: {  	s30 =	simm.s32 @!p2 $0x280;
	[sflag:s18] =	ssyncadd.s32 @!p2 $0xFFFFC000;
	s18 =	simm.s32 @!p2 $0x8300  }
0x7b: {  	[spmem:s1] =	stream.indirect.scatter.add.f32 @!p2 [tilespmem:s18], [sflag:$0x7], $0x80, s30, s29, $0xb8;
	[tilespmem:$0x1FB80] =	vst v63  }
0x7c: {  	s18 =	simm.s32 @!p2 $0x7  }
0x7d: {  	s0 =	sadd.s32 $0x50, s31;
	_ =	swait.ge @!p2 [sflag:s18], $0x4000  }
0x7e: {  	p1 =	sge.u32 s0, s6;
	s29 =	rddreg [dreg:$0x7];
	[sflag:s18] =	ssyncset.done @!p2 $0x0  }
0x7f: {  	s30 =	simm.s32 @!p1 $0x100;
	s0 =	rddreg [dreg:$0x8];
	[sflag:s18] =	ssyncadd.s32 @!p2 $0xFFFFC000  }
0x80: {  	s18 =	simm.s32 @!p1 $0x0;
	s29 =	sadd.s32 @!p1 $0x0, s29;
	s0 =	sadd.s32 @!p1 $0x0, s0  }
0x81: {  	[tilespmem:s30], [sflag:$0x6] =	stream.linear.gather @!p1 [hbm4b:s29+s18], $0x80, $0x38;
	[tilespmem:$0x1FB80] =	vst v63  }
0x82: {  	p2 =	sge.u32 s28, s13;
	s28 =	simm.s32 $0x300;
	s29 =	simm.s32 @!p1 $0x280  }
0x83: {  	[tilespmem:s29], [sflag:$0x6] =	stream.linear.gather @!p1 [hbm4b:s0+s18], $0x80, $0x38;
	[tilespmem:$0x1FB80] =	vst v63  }
0x84: {  	s30 =	simm.s32 $0x60;
	s29 =	sadd.s32 $0x30, s5;
	s18 =	simm.s32 @!p2 $0x5  }
.LBB2_6:
0x85: {  	_ =	swait.ge @!p2 [sflag:s18], $0x80  }
0x86: {  	[sflag:s18] =	ssyncset.done @!p2 $0x0  }
0x87: {  	[sflag:s18] =	ssyncadd.s32 @!p2 $0xFFFFFF80  }
0x88: {  	_ =	swait.ge @!p2 [sflag:s18], $0x80  }
0x89: {  	p3 =	sge.u32 s29, s6;
	s22 =	simm.s32 @!p2 $0x80;
	[sflag:s18] =	ssyncset.done @!p2 $0x0  }
0x8a: {  	s23 =	simm.s32 @!p2 $0x4300;
	s21 =	simm.s32 @!p3 $0x1;
	[sflag:s18] =	ssyncadd.s32 @!p2 $0xFFFFFF80  }
0x8b: {  	[tilespmem:s23], [sflag:$0x2] =	stream.indirect.gather @!p2 [hbm4b:s4+s22], $0x80, s22, s22, $0xb8;
	[tilespmem:$0x1FB80] =	vst v63  }
0x8c: {  	s20 =	sadd.s32 $0x30, s29;
	_ =	swait.ge @!p3 [sflag:s21], $0x4000  }
0x8d: {  	s26 =	simm.s32 @!p3 $0x180;
	s18 =	simm.s32 @!p3 $0x300;
	[sflag:s21] =	ssyncset.done @!p3 $0x0  }
0x8e: {  	s22 =	simm.s32 @!p3 $0x7;
	s23 =	simm.s32 @!p3 $0x80;
	[sflag:s21] =	ssyncadd.s32 @!p3 $0xFFFFC000  }
0x8f: {  	[spmem:s1] =	stream.indirect.scatter.add.f32 @!p3 [tilespmem:s18], [sflag:$0x7], $0x80, s26, s23, $0xb8;
	[tilespmem:$0x1FB80] =	vst v63  }
0x90: {  	p2 =	sge.u32 s20, s6;
	_ =	swait.ge @!p3 [sflag:s22], $0x4000  }
0x91: {  	s18 =	simm.s32 @!p2 $0x0;
	[sflag:s22] =	ssyncset.done @!p3 $0x0;
	s20 =	rddreg [dreg:$0x3]  }
0x92: {  	s21 =	rddreg [dreg:$0x4];
	[sflag:s22] =	ssyncadd.s32 @!p3 $0xFFFFC000;
	s20 =	sadd.s32 @!p2 s28, s20  }
0x93: {  	[tilespmem:s18], [sflag:$0x4] =	stream.linear.gather @!p2 [hbm4b:s20+s18], $0x80, $0x38;
	[tilespmem:$0x1FB80] =	vst v63  }
0x94: {  	p3 =	sge.u32 s29, s13;
	s20 =	sadd.s32 @!p2 s28, s21;
	s21 =	simm.s32 @!p2 $0x180  }
0x95: {  	[tilespmem:s21], [sflag:$0x4] =	stream.linear.gather @!p2 [hbm4b:s20+s18], $0x80, $0x38;
	[tilespmem:$0x1FB80] =	vst v63  }
0x96: {  	s18 =	simm.s32 @!p3 $0x6  }
0x97: {  	_ =	swait.ge @!p3 [sflag:s18], $0x80  }
0x98: {  	[sflag:s18] =	ssyncset.done @!p3 $0x0  }
0x99: {  	[sflag:s18] =	ssyncadd.s32 @!p3 $0xFFFFFF80  }
0x9a: {  	s22 =	simm.s32 @!p3 $0x80;
	s21 =	sadd.s32 $0x10, s29;
	_ =	swait.ge @!p3 [sflag:s18], $0x80  }
0x9b: {  	s23 =	simm.s32 @!p3 $0x100;
	p2 =	sge.u32 s21, s6;
	[sflag:s18] =	ssyncset.done @!p3 $0x0  }
0x9c: {  	s20 =	simm.s32 @!p3 $0x8300;
	s26 =	simm.s32 @!p2 $0x2;
	[sflag:s18] =	ssyncadd.s32 @!p3 $0xFFFFFF80  }
0x9d: {  	[tilespmem:s20], [sflag:$0x3] =	stream.indirect.gather @!p3 [hbm4b:s4+s22], $0x80, s23, s22, $0xb8;
	[tilespmem:$0x1FB80] =	vst v63  }
0x9e: {  	s18 =	simm.s32 @!p2 $0x4300;
	s20 =	simm.s32 @!p2 $0x80;
	_ =	swait.ge @!p2 [sflag:s26], $0x4000  }
0x9f: {  	s22 =	simm.s32 @!p2 $0x200;
	s23 =	sadd.s32 $0x40, s29;
	[sflag:s26] =	ssyncset.done @!p2 $0x0  }
0xa0: {  	p4 =	sge.u32 s23, s6;
	[sflag:s26] =	ssyncadd.s32 @!p2 $0xFFFFC000;
	s26 =	simm.s32 @!p2 $0x7  }
0xa1: {  	[spmem:s1] =	stream.indirect.scatter.add.f32 @!p2 [tilespmem:s18], [sflag:$0x7], $0x80, s22, s20, $0xb8;
	[tilespmem:$0x1FB80] =	vst v63  }
0xa2: {  	p3 =	sge.u32 s21, s13;
	s21 =	simm.s32 @!p4 $0x80;
	_ =	swait.ge @!p2 [sflag:s26], $0x4000  }
0xa3: {  	s20 =	simm.s32 @!p4 $0x0;
	s18 =	rddreg [dreg:$0x5];
	[sflag:s26] =	ssyncset.done @!p2 $0x0  }
0xa4: {  	s23 =	rddreg [dreg:$0x6];
	[sflag:s26] =	ssyncadd.s32 @!p2 $0xFFFFC000;
	s18 =	sadd.s32 @!p4 s28, s18  }
0xa5: {  	[tilespmem:s21], [sflag:$0x5] =	stream.linear.gather @!p4 [hbm4b:s18+s20], $0x80, $0x38;
	[tilespmem:$0x1FB80] =	vst v63  }
0xa6: {  	s22 =	simm.s32 @!p4 $0x200;
	s18 =	sadd.s32 @!p4 s28, s23;
	s21 =	simm.s32 @!p3 $0x4  }
0xa7: {  	[tilespmem:s22], [sflag:$0x5] =	stream.linear.gather @!p4 [hbm4b:s18+s20], $0x80, $0x38;
	[tilespmem:$0x1FB80] =	vst v63  }
0xa8: {  	_ =	swait.ge @!p3 [sflag:s21], $0x80  }
0xa9: {  	[sflag:s21] =	ssyncset.done @!p3 $0x0  }
0xaa: {  	s31 =	smov.u32 s30;
	[sflag:s21] =	ssyncadd.s32 @!p3 $0xFFFFFF80  }
0xab: {  	s23 =	simm.s32 @!p3 $0x0;
	s20 =	sadd.s32 $0x20, s29;
	_ =	swait.ge @!p3 [sflag:s21], $0x80  }
0xac: {  	s18 =	simm.s32 @!p3 $0x300;
	p2 =	sge.u32 s20, s6;
	[sflag:s21] =	ssyncset.done @!p3 $0x0  }
0xad: {  	s22 =	simm.s32 @!p3 $0x80;
	s26 =	simm.s32 @!p2 $0x3;
	[sflag:s21] =	ssyncadd.s32 @!p3 $0xFFFFFF80  }
0xae: {  	[tilespmem:s18], [sflag:$0x1] =	stream.indirect.gather @!p3 [hbm4b:s4+s22], $0x80, s23, s22, $0xb8;
	[tilespmem:$0x1FB80] =	vst v63  }
0xaf: {  	s0 =	smov.u32 s28;
	s30 =	sadd.s32 $0x30, s30;
	_ =	swait.ge @!p2 [sflag:s26], $0x4000  }
0xb0: {  	s21 =	simm.s32 @!p2 $0x280;
	s18 =	simm.s32 @!p2 $0x80;
	[sflag:s26] =	ssyncset.done @!p2 $0x0  }
0xb1: {  	s22 =	simm.s32 @!p2 $0x7;
	s23 =	simm.s32 @!p2 $0x8300;
	[sflag:s26] =	ssyncadd.s32 @!p2 $0xFFFFC000  }
0xb2: {  	[spmem:s1] =	stream.indirect.scatter.add.f32 @!p2 [tilespmem:s23], [sflag:$0x7], $0x80, s21, s18, $0xb8;
	[tilespmem:$0x1FB80] =	vst v63  }
0xb3: {  	p1 =	sne.s32 s30, $0x510;
	s28 =	sadd.s32 $0x300, s28;
	_ =	swait.ge @!p2 [sflag:s22], $0x4000  }
0xb4: {  	s26 =	sadd.s32 $0x50, s29;
	s29 =	sadd.s32 s31, s5;
	s21 =	rddreg [dreg:$0x7]  }
0xb5: {  	p3 =	sge.u32 s26, s6;
	[sflag:s22] =	ssyncset.done @!p2 $0x0;
	s18 =	rddreg [dreg:$0x8]  }
.Ltmp2:
0xb6: {  	[sflag:s22] =	ssyncadd.s32 @!p2 $0xFFFFC000;
	s22 =	simm.s32 @!p3 $0x0;
	(pc) =	sbr.rel @p1 .LBB2_6-.Ltmp2, $4  }
0xb7: {  	p2 =	sge.u32 s20, s13;
	s20 =	sadd.s32 @!p3 s0, s21;
	s21 =	simm.s32 @!p3 $0x100  }
0xb8: {  	[tilespmem:s21], [sflag:$0x6] =	stream.linear.gather @!p3 [hbm4b:s20+s22], $0x80, $0x38;
	[tilespmem:$0x1FB80] =	vst v63  }
0xb9: {  	s23 =	simm.s32 @!p3 $0x280;
	s0 =	sadd.s32 @!p3 s0, s18;
	s18 =	simm.s32 @!p2 $0x5  }
0xba: {  	[tilespmem:s23], [sflag:$0x6] =	stream.linear.gather @!p3 [hbm4b:s0+s22], $0x80, $0x38;
	[tilespmem:$0x1FB80] =	vst v63  }
0xbb: {  	_ =	swait.ge @!p2 [sflag:s18], $0x80  }
0xbc: {  	[sflag:s18] =	ssyncset.done @!p2 $0x0  }
0xbd: {  	[sflag:s18] =	ssyncadd.s32 @!p2 $0xFFFFFF80  }
0xbe: {  	_ =	swait.ge @!p2 [sflag:s18], $0x80  }
0xbf: {  	p1 =	sge.u32 s29, s6;
	s20 =	simm.s32 @!p2 $0x80;
	[sflag:s18] =	ssyncset.done @!p2 $0x0  }
0xc0: {  	s21 =	simm.s32 @!p2 $0x4300;
	s0 =	simm.s32 @!p1 $0x1;
	[sflag:s18] =	ssyncadd.s32 @!p2 $0xFFFFFF80  }
0xc1: {  	[tilespmem:s21], [sflag:$0x2] =	stream.indirect.gather @!p2 [hbm4b:s4+s20], $0x80, s20, s20, $0xb8;
	[tilespmem:$0x1FB80] =	vst v63  }
0xc2: {  	s30 =	sadd.s32 $0x30, s29;
	_ =	swait.ge @!p1 [sflag:s0], $0x4000  }
0xc3: {  	s22 =	simm.s32 @!p1 $0x180;
	s18 =	simm.s32 @!p1 $0x300;
	[sflag:s0] =	ssyncset.done @!p1 $0x0  }
0xc4: {  	s20 =	simm.s32 @!p1 $0x7;
	s21 =	simm.s32 @!p1 $0x80;
	[sflag:s0] =	ssyncadd.s32 @!p1 $0xFFFFC000  }
0xc5: {  	[spmem:s1] =	stream.indirect.scatter.add.f32 @!p1 [tilespmem:s18], [sflag:$0x7], $0x80, s22, s21, $0xb8;
	[tilespmem:$0x1FB80] =	vst v63  }
0xc6: {  	p3 =	sge.u32 s30, s6;
	_ =	swait.ge @!p1 [sflag:s20], $0x4000  }
0xc7: {  	s21 =	simm.s32 @!p3 $0x0;
	s0 =	rddreg [dreg:$0x3];
	[sflag:s20] =	ssyncset.done @!p1 $0x0  }
0xc8: {  	s18 =	rddreg [dreg:$0x4];
	[sflag:s20] =	ssyncadd.s32 @!p1 $0xFFFFC000;
	s0 =	sadd.s32 @!p3 s28, s0  }
0xc9: {  	[tilespmem:s21], [sflag:$0x4] =	stream.linear.gather @!p3 [hbm4b:s0+s21], $0x80, $0x38;
	[tilespmem:$0x1FB80] =	vst v63  }
0xca: {  	p2 =	sge.u32 s29, s13;
	s0 =	sadd.s32 @!p3 s28, s18;
	s18 =	simm.s32 @!p3 $0x180  }
0xcb: {  	[tilespmem:s18], [sflag:$0x4] =	stream.linear.gather @!p3 [hbm4b:s0+s21], $0x80, $0x38;
	[tilespmem:$0x1FB80] =	vst v63  }
0xcc: {  	s0 =	simm.s32 @!p2 $0x6  }
0xcd: {  	_ =	swait.ge @!p2 [sflag:s0], $0x80  }
0xce: {  	[sflag:s0] =	ssyncset.done @!p2 $0x0  }
0xcf: {  	s31 =	sadd.s32 $0x10, s29;
	[sflag:s0] =	ssyncadd.s32 @!p2 $0xFFFFFF80  }
0xd0: {  	s26 =	sadd.s32 $0x40, s29;
	p1 =	sge.u32 s31, s6;
	_ =	swait.ge @!p2 [sflag:s0], $0x80  }
0xd1: {  	s22 =	simm.s32 @!p2 $0x100;
	s23 =	simm.s32 @!p1 $0x2;
	[sflag:s0] =	ssyncset.done @!p2 $0x0  }
0xd2: {  	s18 =	simm.s32 @!p2 $0x8300;
	s21 =	simm.s32 @!p2 $0x80;
	[sflag:s0] =	ssyncadd.s32 @!p2 $0xFFFFFF80  }
0xd3: {  	[tilespmem:s18], [sflag:$0x3] =	stream.indirect.gather @!p2 [hbm4b:s4+s21], $0x80, s22, s21, $0xb8;
	[tilespmem:$0x1FB80] =	vst v63  }
0xd4: {  	p3 =	sge.u32 s26, s6;
	_ =	swait.ge @!p1 [sflag:s23], $0x4000  }
0xd5: {  	s0 =	simm.s32 @!p1 $0x4300;
	s18 =	simm.s32 @!p1 $0x80;
	[sflag:s23] =	ssyncset.done @!p1 $0x0  }
0xd6: {  	s21 =	simm.s32 @!p1 $0x200;
	s22 =	simm.s32 @!p1 $0x7;
	[sflag:s23] =	ssyncadd.s32 @!p1 $0xFFFFC000  }
0xd7: {  	[spmem:s1] =	stream.indirect.scatter.add.f32 @!p1 [tilespmem:s0], [sflag:$0x7], $0x80, s21, s18, $0xb8;
	[tilespmem:$0x1FB80] =	vst v63  }
0xd8: {  	p2 =	sge.u32 s31, s13;
	s18 =	simm.s32 @!p3 $0x0;
	_ =	swait.ge @!p1 [sflag:s22], $0x4000  }
0xd9: {  	s21 =	simm.s32 @!p3 $0x80;
	s0 =	rddreg [dreg:$0x5];
	[sflag:s22] =	ssyncset.done @!p1 $0x0  }
0xda: {  	s20 =	rddreg [dreg:$0x6];
	[sflag:s22] =	ssyncadd.s32 @!p1 $0xFFFFC000;
	s0 =	sadd.s32 @!p3 s28, s0  }
0xdb: {  	[tilespmem:s21], [sflag:$0x5] =	stream.linear.gather @!p3 [hbm4b:s0+s18], $0x80, $0x38;
	[tilespmem:$0x1FB80] =	vst v63  }
0xdc: {  	s20 =	sadd.s32 @!p3 s28, s20;
	s0 =	simm.s32 @!p3 $0x200;
	s21 =	simm.s32 @!p2 $0x4  }
0xdd: {  	[tilespmem:s0], [sflag:$0x5] =	stream.linear.gather @!p3 [hbm4b:s20+s18], $0x80, $0x38;
	[tilespmem:$0x1FB80] =	vst v63  }
0xde: {  	_ =	swait.ge @!p2 [sflag:s21], $0x80  }
0xdf: {  	[sflag:s21] =	ssyncset.done @!p2 $0x0  }
0xe0: {  	s30 =	sadd.s32 $0x20, s29;
	[sflag:s21] =	ssyncadd.s32 @!p2 $0xFFFFFF80  }
0xe1: {  	p1 =	sge.u32 s30, s6;
	_ =	swait.ge @!p2 [sflag:s21], $0x80  }
0xe2: {  	s22 =	simm.s32 @!p2 $0x0;
	s23 =	simm.s32 @!p1 $0x3;
	[sflag:s21] =	ssyncset.done @!p2 $0x0  }
0xe3: {  	s0 =	simm.s32 @!p2 $0x300;
	s20 =	simm.s32 @!p2 $0x80;
	[sflag:s21] =	ssyncadd.s32 @!p2 $0xFFFFFF80  }
0xe4: {  	[tilespmem:s0], [sflag:$0x1] =	stream.indirect.gather @!p2 [hbm4b:s4+s20], $0x80, s22, s20, $0xb8;
	[tilespmem:$0x1FB80] =	vst v63  }
0xe5: {  	_ =	swait.ge @!p1 [sflag:s23], $0x4000  }
0xe6: {  	s21 =	simm.s32 @!p1 $0x7;
	s0 =	simm.s32 @!p1 $0x80;
	[sflag:s23] =	ssyncset.done @!p1 $0x0  }
0xe7: {  	s20 =	simm.s32 @!p1 $0x280;
	s22 =	simm.s32 @!p1 $0x8300;
	[sflag:s23] =	ssyncadd.s32 @!p1 $0xFFFFC000  }
0xe8: {  	[spmem:s1] =	stream.indirect.scatter.add.f32 @!p1 [tilespmem:s22], [sflag:$0x7], $0x80, s20, s0, $0xb8;
	[tilespmem:$0x1FB80] =	vst v63  }
0xe9: {  	s31 =	sadd.s32 $0x50, s29;
	_ =	swait.ge @!p1 [sflag:s21], $0x4000  }
0xea: {  	p2 =	sge.u32 s31, s6;
	s20 =	rddreg [dreg:$0x7];
	[sflag:s21] =	ssyncset.done @!p1 $0x0  }
0xeb: {  	s0 =	simm.s32 @!p2 $0x0;
	[sflag:s21] =	ssyncadd.s32 @!p1 $0xFFFFC000;
	s21 =	rddreg [dreg:$0x8]  }
0xec: {  	p1 =	sge.u32 s30, s13;
	s18 =	sadd.s32 @!p2 s28, s20;
	s20 =	simm.s32 @!p2 $0x100  }
0xed: {  	[tilespmem:s20], [sflag:$0x6] =	stream.linear.gather @!p2 [hbm4b:s18+s0], $0x80, $0x38;
	[tilespmem:$0x1FB80] =	vst v63  }
0xee: {  	s18 =	simm.s32 @!p2 $0x280;
	s20 =	sadd.s32 @!p2 s28, s21;
	s21 =	simm.s32 @!p1 $0x5  }
0xef: {  	[tilespmem:s18], [sflag:$0x6] =	stream.linear.gather @!p2 [hbm4b:s20+s0], $0x80, $0x38;
	[tilespmem:$0x1FB80] =	vst v63  }
0xf0: {  	_ =	swait.ge @!p1 [sflag:s21], $0x80  }
0xf1: {  	[sflag:s21] =	ssyncset.done @!p1 $0x0  }
0xf2: {  	[sflag:s21] =	ssyncadd.s32 @!p1 $0xFFFFFF80  }
0xf3: {  	_ =	swait.ge @!p1 [sflag:s21], $0x80  }
0xf4: {  	[sflag:s21] =	ssyncset.done @!p1 $0x0  }
0xf5: {  	s0 =	simm.s32 @!p1 $0x80;
	s18 =	simm.s32 @!p1 $0x4300;
	[sflag:s21] =	ssyncadd.s32 @!p1 $0xFFFFFF80  }
0xf6: {  	[tilespmem:s18], [sflag:$0x2] =	stream.indirect.gather @!p1 [hbm4b:s4+s0], $0x80, s0, s0, $0xb8;
	[tilespmem:$0x1FB80] =	vst v63  }
0xf7: {  	s0 =	simm.s32 @p0 $0x1FC7;
	[bflag:$0x0] =	sbarrier.arrive $0xFFFF  }
0xf8: {  	[hbm:s15], [sflag:s0] =	dma.local @p0 [spmem:s24], $0x1900  }
0xf9: {  	s0 =	simm.s32 @p0 $0x7  }
0xfa: {  	_ =	swait.ge @p0 [sflag:s0], $0x1900  }
0xfb: {  	s2 =	sadd.s32 $0x1, s2;
	s18 =	sshll.u32 @!p0 s3, $0x6;
	[sflag:s0] =	ssyncset.done @p0 $0x0  }
0xfc: {  	p1 =	sne.s32 s2, s16;
	[sflag:s0] =	ssyncadd.s32 @p0 $0xFFFFE700;
	s0 =	sor.u32 @!p0 $0x1C07, s18  }
0xfd: {  	[hbm:s14], [sflag:s0] =	dma.local @!p0 [spmem:s25], $0x2800  }
.Ltmp3:
0xfe: {  	_ = 	snop;
	(pc) =	sbr.rel @p1 .LBB2_1-.Ltmp3, $4  }
0xff: {  	s0 =	simm.s32 @!p0 $0x7  }
0x100: {  	_ =	swait.ge @!p0 [sflag:s0], $0x2800  }
0x101: {  	[sflag:s0] =	ssyncset.done @!p0 $0x0  }
0x102: {  	[sflag:s0] =	ssyncadd.s32 @!p0 $0xFFFFD800  }
0x103: {  	_ =	sfence.sel $0x180000  }
0x104: {  	[bflag:$0x0] =	sbarrier.arrive $0xFFFF  }
0x105: {  	_ =	strace $0x9000004A  }
0x106: {  	[bflag:$0x2] =	sbarrier.arrive $0xFFFF  }
0x107: {  	p0 =	sne.s32 s3, $0x0;
	s0 =	rddreg [dreg:$0x2]  }
0x108: {  	s0 =	sadd.s32 @!p0 $0x100000, s0  }
0x109: {  	[sflag:s0] =	ssyncadd.tile.s32 @!p0 $0x1;
	_ =	shalt  }
.Lfunc_end2:
_tile_overlayer_lowered:
.L_overlay_start_2:
0x10a: {  	(tag) =	ssettag $0x2  }
0x10b: {  	s0 =	rddreg [dreg:$0x0];
	s2 =	stileid.u32  }
0x10c: {  	s1 =	rddreg [dreg:$0x1];
	p0 =	sne.s32 s2, $0x0  }
0x10d: {  	s3 =	rddreg [dreg:$0x2];
	[bflag:$0x3] =	sbarrier.arrive $0xFFFF;
	s2 =	simm.s32 @!p0 $0x1C07  }
0x10e: {  	[timem:s3], [sflag:s2] =	dma.local @!p0 [hbm:s0], s1  }
0x10f: {  	s0 =	simm.s32 @!p0 $0x7  }
0x110: {  	_ =	swait.ge @!p0 [sflag:s0], s1  }
0x111: {  	s1 =	ssub.s32 @!p0 $0x0, s1;
	[sflag:s0] =	ssyncset.done @!p0 $0x0  }
0x112: {  	[sflag:s0] =	ssyncadd.s32 @!p0 s1  }
0x113: {  	[bflag:$0x3] =	sbarrier.arrive $0xFFFF  }
0x114: {  	_ =	shalt  }

// kernel: kernel.17.cloned.1.call-start
scs
__scs_entry_jumppad:
0x0: {  	(pc) =	sbr.rel $0x88, $3  }
0x1: {  	(tag) =	ssettag $0x0;
	lr =	simm.s32 $0x1  }
0x2: {  	[smem:$0x3F95] =	sst lr;
	_ =	strace $0xD0000000  }
0x3: {  	_ = 	snop  }
0x4: {  	_ = 	snop  }
0x5: {  	_ = 	snop  }
0x6: {  	_ = 	snop  }
0x7: {  	_ = 	snop  }
__scs_overlays_trampoline_lowered:
0x8: {  	[smem:$0x3FA4] =	sst s0  }
0x9: {  	[smem:$0x3FA5] =	sst s1  }
0xa: {  	[smem:$0x3FA6] =	sst s2  }
0xb: {  	[smem:$0x3FA7] =	sst s3  }
0xc: {  	[smem:$0x3FA8] =	sst s4  }
0xd: {  	[smem:$0x3FA9] =	sst s5  }
0xe: {  	[smem:$0x3FAA] =	sst s6  }
0xf: {  	[smem:$0x3FAB] =	sst s7  }
0x10: {  	[smem:$0x3FAC] =	sst s8  }
0x11: {  	[smem:$0x3FAD] =	sst s9;
	s0 =	simm.s32 @!p0 $0x0  }
0x12: {  	s1 =	sld [smem:$0x3F93];
	s0 =	simm.s32 @p0 $0x1  }
0x13: {  	[smem:$0x3FAE] =	sst s0;
	s0 =	simm.s32 @!p1 $0x0  }
0x14: {  	s2 =	sld [smem:$0x3F92];
	s0 =	simm.s32 @p1 $0x1  }
0x15: {  	[smem:$0x3FAF] =	sst s0;
	s0 =	simm.s32 @!p2 $0x0  }
0x16: {  	s3 =	sld [smem:$0x3FDB];
	s0 =	simm.s32 @p2 $0x1  }
0x17: {  	s4 =	simm.s32 $0x1BF5;
	[smem:$0x3FB1] =	sst s0  }
0x18: {  	s0 =	sld [smem:$0x3F94];
	_ =	swait.ge [sflag:s4], $0x0  }
0x19: {  	s7 =	sld [smem:$0x3F95]  }
0x1a: {  	s8 =	sadd.s32 $0xFFFFE003, lr  }
0x1b: {  	s9 =	sadd.s32 $0xFFFFFEF7, lr;
	s5 =	simm.s32 $0xFFFFFFFF;
	p2 =	slt.u32 s8, $0xFFFFF086  }
0x1c: {  	p1 =	slt.u32 s9, $0xF7A;
	s5 =	simm.s32 @!p2 $0x0  }
0x1d: {  	s5 =	simm.s32 @p1 $0x1;
	p0 =	seq.s32 s7, s2  }
0x1e: {  	s7 =	smul.u32 @!p0 $0xF7A, s2;
	p2 =	seq.s32 @!p0 s5, $0x0  }
0x1f: {  	s9 =	smul.u32 $0xF7A, s1;
	s8 =	simm.s32 @!p0 $0x1BF5;
	p2 =	por !p2, p0  }
0x20: {  	[sflag:s8] =	ssyncset.s32 @!p0 $0xFFFFF086;
	s6 =	sadd.s32 @!p0 s3, s7;
	s7 =	simm.s32 @!p0 $0x108  }
0x21: {  	s3 =	sadd.s32 s3, s9;
	s6 =	sadd.s32 @!p0 $0x88, s6;
	s7 =	simm.s32 @p2 $0x1082  }
0x22: {  	[simem:s7], [sflag:s8] =	dma.local @!p0 [hbm:s6], $0xF7A  }
0x23: {  	s9 =	sor.u32 $0xD0000000, s2;
	s6 =	simm.s32 $0x108;
	_ =	swait.ge @!p0 [sflag:s8], $0x0  }
0x24: {  	s3 =	sadd.s32 $0x88, s3;
	s6 =	simm.s32 @!p1 $0x1082;
	[sflag:s4] =	ssyncset.s32 $0xFFFFF086  }
0x25: {  	[simem:s6], [sflag:s4] =	dma.local [hbm:s3], $0xF7A  }
0x26: {  	[smem:$0x3F95] =	sst s1;
	(tag) =	ssettag s2;
	_ =	strace s9  }
0x27: {  	s1 =	sld [smem:$0x3FA5]  }
0x28: {  	s2 =	sld [smem:$0x3FA6]  }
0x29: {  	s4 =	sld [smem:$0x3FA8]  }
0x2a: {  	p0 =	seq.s32 s5, $0x0;
	s5 =	sld [smem:$0x3FA9]  }
0x2b: {  	s6 =	sld [smem:$0x3FAA]  }
0x2c: {  	s7 =	sld [smem:$0x3FAB]  }
0x2d: {  	s3 =	simm.s32 $0x108;
	s8 =	sld [smem:$0x3FAC]  }
0x2e: {  	s3 =	simm.s32 @!p0 $0x1082;
	s9 =	sld [smem:$0x3FAD]  }
0x2f: {  	lr =	sadd.s32 s0, s3;
	s0 =	sld [smem:$0x3FA4]  }
0x30: {  	s3 =	sld [smem:$0x3FA7]  }
0x31: {  	[smem:$0x3FB0] =	sst s10  }
0x32: {  	s10 =	sld [smem:$0x3FAE];
	_ =	sdelay $0x3  }
0x33: {  	p0 =	seq.s32 s10, $0x1;
	s10 =	sld [smem:$0x3FB0];
	_ =	sdelay $0x3  }
0x34: {  	[smem:$0x3FB0] =	sst s10  }
0x35: {  	s10 =	sld [smem:$0x3FAF];
	_ =	sdelay $0x3  }
0x36: {  	p1 =	seq.s32 s10, $0x1;
	s10 =	sld [smem:$0x3FB0];
	_ =	sdelay $0x3  }
0x37: {  	[smem:$0x3FB0] =	sst s10  }
0x38: {  	s10 =	sld [smem:$0x3FB1]  }
0x39: {  	_ = 	snop;
	(pc) =	sbr.ind lr, $3  }
0x3a: {  	_ = 	snop  }
0x3b: {  	_ = 	snop  }
0x3c: {  	p2 =	seq.s32 s10, $0x1;
	s10 =	sld [smem:$0x3FB0]  }
0x3d: {  	_ =	shalt  }
0x3e: {  	_ =	shalt  }
0x3f: {  	_ =	shalt  }
0x40: {  	_ =	shalt  }
0x41: {  	_ =	shalt  }
0x42: {  	_ =	shalt  }
0x43: {  	_ =	shalt  }
0x44: {  	_ =	shalt  }
0x45: {  	_ =	shalt  }
0x46: {  	_ =	shalt  }
0x47: {  	_ =	shalt  }
0x48: {  	_ =	shalt  }
0x49: {  	_ =	shalt  }
0x4a: {  	_ =	shalt  }
0x4b: {  	_ =	shalt  }
0x4c: {  	_ =	shalt  }
0x4d: {  	_ =	shalt  }
0x4e: {  	_ =	shalt  }
0x4f: {  	_ =	shalt  }
0x50: {  	_ =	shalt  }
0x51: {  	_ =	shalt  }
0x52: {  	_ =	shalt  }
0x53: {  	_ =	shalt  }
0x54: {  	_ =	shalt  }
0x55: {  	_ =	shalt  }
0x56: {  	_ =	shalt  }
0x57: {  	_ =	shalt  }
0x58: {  	_ =	shalt  }
0x59: {  	_ =	shalt  }
0x5a: {  	_ =	shalt  }
0x5b: {  	_ =	shalt  }
0x5c: {  	_ =	shalt  }
0x5d: {  	_ =	shalt  }
0x5e: {  	_ =	shalt  }
0x5f: {  	_ =	shalt  }
0x60: {  	_ =	shalt  }
0x61: {  	_ =	shalt  }
0x62: {  	_ =	shalt  }
0x63: {  	_ =	shalt  }
0x64: {  	_ =	shalt  }
0x65: {  	_ =	shalt  }
0x66: {  	_ =	shalt  }
0x67: {  	_ =	shalt  }
0x68: {  	_ =	shalt  }
0x69: {  	_ =	shalt  }
0x6a: {  	_ =	shalt  }
0x6b: {  	_ =	shalt  }
0x6c: {  	_ =	shalt  }
0x6d: {  	_ =	shalt  }
0x6e: {  	_ =	shalt  }
0x6f: {  	_ =	shalt  }
0x70: {  	_ =	shalt  }
0x71: {  	_ =	shalt  }
0x72: {  	_ =	shalt  }
0x73: {  	_ =	shalt  }
0x74: {  	_ =	shalt  }
0x75: {  	_ =	shalt  }
0x76: {  	_ =	shalt  }
0x77: {  	_ =	shalt  }
0x78: {  	_ =	shalt  }
0x79: {  	_ =	shalt  }
0x7a: {  	_ =	shalt  }
0x7b: {  	_ =	shalt  }
0x7c: {  	_ =	shalt  }
0x7d: {  	_ =	shalt  }
0x7e: {  	_ =	shalt  }
0x7f: {  	_ =	shalt  }
0x80: {  	_ =	shalt  }
0x81: {  	_ =	shalt  }
0x82: {  	_ =	shalt  }
0x83: {  	_ =	shalt  }
0x84: {  	_ =	shalt  }
0x85: {  	_ =	shalt  }
0x86: {  	_ =	shalt  }
0x87: {  	_ =	shalt  }
.Lfunc_end0:
.L_simem_size_0:
called_computation.2_lowered:
.L_overlay_start_0:
0x88: {  	s2 =	sld [smem:$0x3FD9]  }
0x89: {  	s3 =	sld [smem:$0x3FFE];
	_ =	sdelay $0x1  }
0x8a: {  	s1 =	srdreg.scid  }
0x8b: {  	s0 =	sand.u32 $0x1, s1  }
0x8c: {  	s16 =	sshll.u32 s0, $0xA;
	s2 =	sadd.s32 s3, s2  }
0x8d: {  	s2 =	sadd.s32 s2, s16  }
0x8e: {  	[smem:$0x3FBC] =	sst s2  }
0x8f: {  	_ = 	snop  }
0x90: {  	(tm) =	ssettm $0x1  }
0x91: {  	s17 =	sld [smem:$0x3FFB];
	_ =	sdelay $0x3  }
0x92: {  	_ =	strace s17  }
0x93: {  	s2 =	sld [smem:$0x3FFC];
	_ =	sdelay $0x3  }
0x94: {  	_ =	strace s2  }
0x95: {  	s2 =	sld [smem:$0x3FFD];
	_ =	sdelay $0x3  }
0x96: {  	_ =	strace s2  }
0x97: {  	_ =	strace $0x8FFFFFFF  }
0x98: {  	s18 =	sld [smem:$0x3FDB];
	_ =	sdelay $0x1  }
0x99: {  	s19 =	simm.s32 $_scs_section_size  }
0x9a: {  	s4 =	simm.s32 $_size__tile_overlayer_lowered;
	s5 =	simm.s32 $_tile_overlayer_lowered  }
0x9b: {  	s22 =	simm.s32 $0x1BFF;
	s21 =	sshll.u32 s5, $0x1;
	s2 =	sadd.s32 s19, s18  }
0x9c: {  	s6 =	simm.s32 $0x0;
	s20 =	sshll.u32 s4, $0x1;
	s4 =	sadd.s32 s21, s2  }
0x9d: {  	[timem:s6], [sflag:s22] =	dma.local [hbm:s4], s20  }
0x9e: {  	_ =	swait.ge [sflag:s22], s20  }
0x9f: {  	s3 =	ssub.s32 $0x0, s20;
	[sflag:s22] =	ssyncset.done $0x0  }
0xa0: {  	[sflag:s22] =	ssyncadd.s32 s3;
	_ =	sdelay $0x1  }
0xa1: {  	s23 =	simm.s32 $0x1B8B  }
0xa2: {  	_ =	swait.ge [sflag:s23], $0x1  }
0xa3: {  	[sflag:s23] =	ssyncset.done $0x0  }
0xa4: {  	s25 =	simm.s32 $0x1B8E;
	s24 =	sld [smem:$0x3FFE];
	[sflag:s23] =	ssyncadd.s32 $0xFFFFFFFF  }
0xa5: {  	s26 =	simm.s32 $execute0_lowered;
	[smem:$0x3FD2] =	sst s25  }
0xa6: {  	s4 =	sshll.u32 s26, $0x1;
	_ =	strace $0x8000004C;
	[dreg:$0x1] =	wrdreg $0xFFFFFFFF  }
0xa7: {  	s28 =	simm.s32 $_size_execute0_lowered;
	s2 =	sadd.s32 s2, s4;
	[dreg:$0x0] =	wrdreg $0x0  }
0xa8: {  	s4 =	sshll.u32 s28, $0x1;
	[dreg:$0x2] =	wrdreg s2  }
0xa9: {  	[dreg:$0x3] =	wrdreg s4  }
0xaa: {  	[dreg:$0x4] =	wrdreg $0xC0  }
0xab: {  	_ =	task [dreg:s6], $0x5FFFF  }
0xac: {  	[dreg:$0x1] =	wrdreg $0xFFFFFFFF  }
0xad: {  	[dreg:$0x0] =	wrdreg $0x60  }
0xae: {  	[dreg:$0x2] =	wrdreg s24  }
0xaf: {  	[dreg:$0x3] =	wrdreg $0xC3000  }
0xb0: {  	[dreg:$0x4] =	wrdreg $0x9  }
0xb1: {  	_ =	task.clear_ibuf [dreg:s6], $0x5FFFF;
	_ =	strace $0x9000004C  }
0xb2: {  	s29 =	simm.s32 $0x9;
	_ =	strace $0x8000004E  }
0xb3: {  	_ =	swait.ge [sflag:s29], $0x1  }
0xb4: {  	[sflag:s29] =	ssyncadd.s32 $0xFFFFFFFF  }
0xb5: {  	_ =	strace $0x9000004E  }
0xb6: {  	_ =	sfence  }
0xb7: {  	s30 =	sld [smem:$0x0];
	_ =	sdelay $0x2  }
0xb8: {  	s31 =	sshll.u32 s1, $0xD;
	s1 =	sshrl.u32 s1, $0x2  }
0xb9: {  	s3 =	sand.u32 $0x4000, s31;
	s1 =	sadd.s32 s1, s30  }
0xba: {  	s0 =	sor.u32 s3, s0;
	s1 =	sshll.u32 s1, $0x11  }
0xbb: {  	s0 =	sor.u32 s1, s0  }
0xbc: {  	s0 =	sadd.s32 $0x8F2B, s0  }
0xbd: {  	[sflag:s0] =	ssyncadd.remote.s32 $0x1  }
0xbe: {  	_ =	sfence.sel $0xFFFF  }
0xbf: {  	[dreg:$0x0] =	wrdreg $0xFFFFFFFF;
	(pc) =	sbr.abs _section_cstart, $3  }
0xc0: {  	[dreg:$0x1] =	wrdreg $0xFFFFFFFF  }
0xc1: {  	_ =	task.clear_ibuf [dreg:s6], $0x2FFFF;
	_ =	strace $0x9FFFFFFF  }
0xc2: {  	(tm) =	ssettm $0x7FFFFFFF  }
0xc3: {  	_ =	shalt  }
tec
execute0_lowered:
.L_overlay_start_1:
0x0: {  	(tag) =	ssettag $0x1  }
0x1: {  	s0 =	rddreg [dreg:$0x0]  }
0x2: {  	s1 =	rddreg [dreg:$0x1];
	s2 =	simm.s32 $0x0;
	s3 =	srdreg.scid  }
0x3: {  	s16 =	simm.s32 $0x7;
	s17 =	simm.s32 $0x180;
	s18 =	simm.s32 $0x80  }
0x4: {  	s19 =	simm.s32 $0x300;
	s20 =	simm.s32 $0x200;
	s21 =	simm.s32 $0x4300  }
0x5: {  	s28 =	simm.s32 $0x6;
	s29 =	simm.s32 $0x8300;
	s30 =	simm.s32 $0x2  }
0x6: {  	s31 =	simm.s32 $0x4;
	[smem:$0x7FF] =	sst s2;
	s8 =	sadd.s32 $0xD600, s0  }
0x7: {  	s7 =	sand.u32 $0x1, s3;
	s9 =	sadd.s32 $0x3800, s0;
	s4 =	sadd.s32 $0x17400, s0  }
0x8: {  	s5 =	sadd.s32 $0x3E600, s0;
	s3 =	stileid.u32;
	s0 =	sadd.s32 $0x65800, s0  }
0x9: {  	_ =	strace $0x8000004D;
	s6 =	ssub.s32 $0x2, s7;
	s12 =	smul.u32 $0x138800, s7  }
0xa: {  	s11 =	sshll.u32 s3, $0x4;
	p0 =	seq.s32 s7, $0x1;
	s14 =	smul.u32 $0x14000, s3  }
0xb: {  	s23 =	smul.u32 $0x50000, s3;
	p1 =	seq.s32 s3, $0xF;
	s10 =	sshrl.u32 s6, $0x1  }
0xc: {  	s7 =	sadd.s32 s9, s11;
	s13 =	sor.u32 $0x100, s11;
	s10 =	ssub.s32 s6, s10  }
0xd: {  	s6 =	sadd.s32 s8, s11;
	s15 =	sadd.s32 s8, s13;
	s13 =	sadd.s32 s9, s13  }
0xe: {  	s11 =	sor.u32 $0x200, s11;
	s22 =	sadd.s32 s14, s12;
	[dreg:$0x3] =	wrdreg s15  }
0xf: {  	s24 =	sshrl.u32 s12, $0x3;
	[dreg:$0x4] =	wrdreg s13;
	s8 =	sadd.s32 s8, s11  }
0x10: {  	s25 =	sshrl.u32 s23, $0x2;
	s9 =	sadd.s32 s9, s11;
	[dreg:$0x5] =	wrdreg s8  }
0x11: {  	s23 =	simm.s32 $0x280;
	s26 =	smax.u32 s10, $0x1;
	[dreg:$0x6] =	wrdreg s9  }
0x12: {  	s11 =	sor.u32 $0x20, s3;
	s8 =	sshrl.u32 s22, $0x3;
	[dreg:$0x9] =	wrdreg s26  }
.Ltmp0:
0x13: {  	s22 =	simm.s32 $0x100;
	s26 =	simm.s32 $0x1;
	(pc) =	sbr.rel .LBB2_1-.Ltmp0, $4  }
0x14: {  	s9 =	simm.s32 $0x0;
	s8 =	sadd.s32 s0, s8;
	s0 =	sadd.s32 s0, s24  }
0x15: {  	[dreg:$0x7] =	wrdreg s8;
	s8 =	sadd.s32 s25, s1;
	s0 =	sadd.s32 $0x25800, s0  }
0x16: {  	[dreg:$0x8] =	wrdreg s0;
	s0 =	sadd.s32 $0x12C000, s1;
	s25 =	sshrl.u32 @!p1 s8, $0x3  }
0x17: {  	v0 =	vimm.f32 $0.0e+00;
	s8 =	simm.s32 $0x5;
	s24 =	sshrl.u32 @p1 s0, $0x3;
	s0 =	simm.s32 $0x3  }
.LBB2_40:
0x18: {  	[bflag:$0x0] =	sbarrier.arrive $0xFFFF  }
0x19: {  	s10 =	simm.s32 @p1 $0x1FC7;
	s12 =	rddreg [dreg:$0x8]  }
0x1a: {  	[hbm:s12], [sflag:s10] =	dma.local @p1 [spmem:s24], $0x1900  }
0x1b: {  	s10 =	simm.s32 @p1 $0x7  }
0x1c: {  	_ =	swait.ge @p1 [sflag:s10], $0x1900  }
0x1d: {  	s12 =	sshll.u32 @!p1 s3, $0x6;
	[sflag:s10] =	ssyncset.done @p1 $0x0  }
0x1e: {  	[sflag:s10] =	ssyncadd.s32 @p1 $0xFFFFE700;
	s10 =	sor.u32 @!p1 $0x1C07, s12;
	s12 =	rddreg [dreg:$0x7]  }
0x1f: {  	[hbm:s12], [sflag:s10] =	dma.local @!p1 [spmem:s25], $0x2800  }
0x20: {  	s10 =	simm.s32 @!p1 $0x7  }
0x21: {  	_ =	swait.ge @!p1 [sflag:s10], $0x2800  }
0x22: {  	s9 =	sadd.s32 $0x1, s9;
	s15 =	rddreg [dreg:$0x9]  }
0x23: {  	p2 =	sne.s32 s9, s15  }
.Ltmp1:
0x24: {  	_ = 	snop;
	(pc) =	sbr.rel @!p2 .LBB2_41-.Ltmp1, $3  }
0x25: {  	_ =	sdelay $0x1  }
0x26: {  	[sflag:s10] =	ssyncset.done @!p1 $0x0  }
0x27: {  	[sflag:s10] =	ssyncadd.s32 @!p1 $0xFFFFD800  }
.LBB2_1:
0x28: {  	s10 =	simm.s32 $0x70;
	s12 =	simm.s32 $0x3C0  }
.LBB2_2:
0x29: {  	p2 =	sne.s32 s12, $0xF9C0;
	[tilespmem:s10+$0x300] =	vst v0  }
0x2a: {  	[tilespmem:s10+$0x290] =	vst v0  }
0x2b: {  	[tilespmem:s10+$0x2A0] =	vst v0  }
.Ltmp2:
0x2c: {  	[tilespmem:s10+$0x2B0] =	vst v0;
	(pc) =	sbr.rel @p2 .LBB2_2-.Ltmp2, $4  }
0x2d: {  	[tilespmem:s10+$0x2C0] =	vst v0  }
0x2e: {  	[tilespmem:s10+$0x2D0] =	vst v0  }
0x2f: {  	[tilespmem:s10+$0x2E0] =	vst v0  }
0x30: {  	[tilespmem:s10+$0x2F0] =	vst v0;
	s10 =	sshra.s32 s12, $0x2;
	s12 =	sadd.s32 $0x200, s12  }
0x31: {  	[tilespmem:s10+$0x300] =	vst v0  }
0x32: {  	[tilespmem:s10+$0x290] =	vst v0  }
0x33: {  	[tilespmem:s10+$0x2A0] =	vst v0  }
0x34: {  	[tilespmem:s10+$0x2B0] =	vst v0  }
0x35: {  	[tilespmem:s10+$0x2C0] =	vst v0;
	s12 =	simm.s32 $0x0  }
0x36: {  	[tilespmem:s10+$0x2D0] =	vst v0;
	s12 =	sand.u32 $0xF, s12  }
0x37: {  	[tilespmem:s10+$0x2E0] =	vst v0;
	p2 =	sne.s32 s12, s3  }
0x38: {  	[tilespmem:s10+$0x2F0] =	vst v0;
	s10 =	simm.s32 @!p2 $0x300;
	s13 =	simm.s32 @!p2 $0x7  }
0x39: {  	[spmem:s1] =	stream.linear.scatter @!p2 [tilespmem:s10], [sflag:$0x7], $0x3E80, $0x38;
	[tilespmem:$0x1FB80] =	vst v63  }
0x3a: {  	s15 =	simm.s32 $0x1;
	_ =	swait.ge @!p2 [sflag:s13], $0x3E80  }
0x3b: {  	s12 =	simm.s32 $0x2;
	s10 =	sadd.s32 $0x3E80, s1;
	[sflag:s13] =	ssyncset.done @!p2 $0x0  }
.LBB2_4:
0x3c: {  	s14 =	sand.u32 $0xF, s15;
	s15 =	smov.u32 s12;
	s12 =	sadd.s32 $0x1, s12  }
0x3d: {  	[sflag:s13] =	ssyncadd.s32 @!p2 $0xFFFFC180;
	p3 =	sne.s32 s12, $0x50  }
.Ltmp3:
0x3e: {  	p2 =	sne.s32 s14, s3;
	(pc) =	sbr.rel @p3 .LBB2_4-.Ltmp3, $4  }
0x3f: {  	s14 =	simm.s32 @!p2 $0x300;
	s13 =	simm.s32 @!p2 $0x7  }
0x40: {  	[spmem:s10] =	stream.linear.scatter @!p2 [tilespmem:s14], [sflag:$0x7], $0x3E80, $0x38;
	[tilespmem:$0x1FB80] =	vst v63  }
0x41: {  	_ =	swait.ge @!p2 [sflag:s13], $0x3E80  }
0x42: {  	s10 =	sadd.s32 $0x3E80, s10;
	[sflag:s13] =	ssyncset.done @!p2 $0x0  }
0x43: {  	s12 =	sand.u32 $0xF, s15  }
0x44: {  	p3 =	sne.s32 s12, s3  }
0x45: {  	[sflag:s13] =	ssyncadd.s32 @!p2 $0xFFFFC180;
	s12 =	simm.s32 @!p3 $0x300;
	s13 =	simm.s32 @!p3 $0x7  }
0x46: {  	[spmem:s10] =	stream.linear.scatter @!p3 [tilespmem:s12], [sflag:$0x7], $0x3E80, $0x38;
	[tilespmem:$0x1FB80] =	vst v63  }
0x47: {  	_ =	swait.ge @!p3 [sflag:s13], $0x3E80  }
0x48: {  	[sflag:s13] =	ssyncset.done @!p3 $0x0  }
0x49: {  	[sflag:s13] =	ssyncadd.s32 @!p3 $0xFFFFC180  }
0x4a: {  	[bflag:$0x0] =	sbarrier.arrive $0xFFFF  }
0x4b: {  	[tilespmem:s2], [sflag:$0x7] =	stream.linear.gather [hbm4b:s6+s2], $0x80, $0x38;
	[tilespmem:$0x1FB80] =	vst v63  }
0x4c: {  	_ =	swait.ge [sflag:s16], $0x80  }
0x4d: {  	[sflag:s16] =	ssyncset.done $0x0  }
.Ltmp4:
0x4e: {  	[sflag:s16] =	ssyncadd.s32 $0xFFFFFF80;
	(pc) =	sbr.rel @!p0 .LBB2_6-.Ltmp4, $4  }
0x4f: {  	[tilespmem:s17], [sflag:$0x7] =	stream.linear.gather [hbm4b:s7+s2], $0x80, $0x38;
	[tilespmem:$0x1FB80] =	vst v63  }
0x50: {  	_ =	swait.ge [sflag:s16], $0x80  }
0x51: {  	[sflag:s16] =	ssyncset.done $0x0  }
0x52: {  	s10 =	simm.s32 $0x0;
	[sflag:s16] =	ssyncadd.s32 $0xFFFFFF80  }
0x53: {  	[tilespmem:s19], [sflag:$0x1] =	stream.indirect.gather [hbm4b:s5+s18], $0x80, s10, s18, $0xb8;
	[tilespmem:$0x1FB80] =	vst v63  }
0x54: {  	s12 =	rddreg [dreg:$0x3]  }
0x55: {  	[tilespmem:s18], [sflag:$0x7] =	stream.linear.gather [hbm4b:s12+s10], $0x80, $0x38;
	[tilespmem:$0x1FB80] =	vst v63  }
0x56: {  	_ =	swait.ge [sflag:s16], $0x80  }
0x57: {  	[sflag:s16] =	ssyncset.done $0x0  }
0x58: {  	s13 =	rddreg [dreg:$0x4];
	[sflag:s16] =	ssyncadd.s32 $0xFFFFFF80  }
0x59: {  	[tilespmem:s20], [sflag:$0x7] =	stream.linear.gather [hbm4b:s13+s10], $0x80, $0x38;
	[tilespmem:$0x1FB80] =	vst v63  }
0x5a: {  	_ =	swait.ge [sflag:s16], $0x80  }
0x5b: {  	[sflag:s16] =	ssyncset.done $0x0  }
0x5c: {  	[sflag:s16] =	ssyncadd.s32 $0xFFFFFF80  }
0x5d: {  	[tilespmem:s21], [sflag:$0x2] =	stream.indirect.gather [hbm4b:s5+s18], $0x80, s18, s18, $0xb8;
	[tilespmem:$0x1FB80] =	vst v63  }
.Ltmp5:
0x5e: {  	s14 =	rddreg [dreg:$0x5];
	(pc) =	sbr.rel .LBB2_24-.Ltmp5, $4  }
0x5f: {  	[tilespmem:s22], [sflag:$0x6] =	stream.linear.gather [hbm4b:s14+s10], $0x80, $0x38;
	[tilespmem:$0x1FB80] =	vst v63  }
0x60: {  	s15 =	rddreg [dreg:$0x6]  }
0x61: {  	[tilespmem:s23], [sflag:$0x6] =	stream.linear.gather [hbm4b:s15+s10], $0x80, $0x38;
	[tilespmem:$0x1FB80] =	vst v63  }
0x62: {  	s15 =	smov.u32 s11  }
.LBB2_36:
0x63: {  	s12 =	sadd.s32 s10, s6  }
0x64: {  	s14 =	sadd.s32 s10, s7;
	s12 =	sadd.s32 $0x500, s12  }
0x65: {  	[tilespmem:s22], [sflag:$0x6] =	stream.linear.gather [hbm4b:s12+s2], $0x80, $0x38;
	[tilespmem:$0x1FB80] =	vst v63  }
0x66: {  	s12 =	sadd.s32 $0x500, s14  }
0x67: {  	[tilespmem:s23], [sflag:$0x6] =	stream.linear.gather [hbm4b:s12+s2], $0x80, $0x38;
	[tilespmem:$0x1FB80] =	vst v63  }
.LBB2_38:
0x68: {  	_ =	swait.ge [sflag:s8], $0x80  }
0x69: {  	[sflag:s8] =	ssyncset.done $0x0  }
0x6a: {  	[sflag:s8] =	ssyncadd.s32 $0xFFFFFF80  }
0x6b: {  	_ =	swait.ge [sflag:s8], $0x80  }
0x6c: {  	[sflag:s8] =	ssyncset.done $0x0  }
0x6d: {  	[sflag:s8] =	ssyncadd.s32 $0xFFFFFF80  }
0x6e: {  	[tilespmem:s21], [sflag:$0x2] =	stream.indirect.gather [hbm4b:s5+s18], $0x80, s18, s18, $0xb8;
	[tilespmem:$0x1FB80] =	vst v63  }
.LBB2_39:
0x6f: {  	s10 =	sadd.s32 $0x300, s10  }
0x70: {  	p2 =	sne.s32 s10, $0x9F00  }
.Ltmp6:
0x71: {  	_ = 	snop;
	(pc) =	sbr.rel @!p2 .LBB2_40-.Ltmp6, $2  }
0x72: {  	_ =	sdelay $0x2  }
0x73: {  	s15 =	sadd.s32 $0x30, s15  }
.LBB2_24:
0x74: {  	s12 =	sadd.s32 $0xFFFFFFE0, s15  }
0x75: {  	p2 =	sgt.u32 s12, $0x9C3  }
.Ltmp7:
0x76: {  	_ = 	snop;
	(pc) =	sbr.rel @p2 .LBB2_29-.Ltmp7, $1  }
0x77: {  	_ =	sdelay $0x3  }
0x78: {  	_ =	swait.ge [sflag:s26], $0x4000  }
0x79: {  	p2 =	sgt.u32 s12, $0x993;
	[sflag:s26] =	ssyncset.done $0x0  }
.Ltmp8:
0x7a: {  	[sflag:s26] =	ssyncadd.s32 $0xFFFFC000;
	(pc) =	sbr.rel @p2 .LBB2_27-.Ltmp8, $4  }
0x7b: {  	[spmem:s1] =	stream.indirect.scatter.add.f32 [tilespmem:s19], [sflag:$0x7], $0x80, s17, s18, $0xb8;
	[tilespmem:$0x1FB80] =	vst v63  }
0x7c: {  	_ =	swait.ge [sflag:s16], $0x4000  }
0x7d: {  	[sflag:s16] =	ssyncset.done $0x0  }
0x7e: {  	[sflag:s16] =	ssyncadd.s32 $0xFFFFC000  }
.Ltmp9:
0x7f: {  	s12 =	sadd.s32 s10, s6;
	(pc) =	sbr.rel .LBB2_28-.Ltmp9, $4  }
0x80: {  	s14 =	sadd.s32 s10, s7;
	s12 =	sadd.s32 $0x300, s12  }
0x81: {  	[tilespmem:s2], [sflag:$0x4] =	stream.linear.gather [hbm4b:s12+s2], $0x80, $0x38;
	[tilespmem:$0x1FB80] =	vst v63  }
0x82: {  	s12 =	sadd.s32 $0x300, s14  }
0x83: {  	[tilespmem:s17], [sflag:$0x4] =	stream.linear.gather [hbm4b:s12+s2], $0x80, $0x38;
	[tilespmem:$0x1FB80] =	vst v63  }
.LBB2_27:
0x84: {  	p2 =	sgt.u32 s12, $0x9A3  }
.Ltmp10:
0x85: {  	_ = 	snop;
	(pc) =	sbr.rel @p2 .LBB2_29-.Ltmp10, $1  }
0x86: {  	_ =	sdelay $0x3  }
.LBB2_28:
0x87: {  	_ =	swait.ge [sflag:s28], $0x80  }
0x88: {  	[sflag:s28] =	ssyncset.done $0x0  }
0x89: {  	[sflag:s28] =	ssyncadd.s32 $0xFFFFFF80  }
0x8a: {  	_ =	swait.ge [sflag:s28], $0x80  }
0x8b: {  	[sflag:s28] =	ssyncset.done $0x0  }
0x8c: {  	[sflag:s28] =	ssyncadd.s32 $0xFFFFFF80  }
0x8d: {  	[tilespmem:s29], [sflag:$0x3] =	stream.indirect.gather [hbm4b:s5+s18], $0x80, s22, s18, $0xb8;
	[tilespmem:$0x1FB80] =	vst v63  }
.LBB2_29:
0x8e: {  	s12 =	sadd.s32 $0xFFFFFFF0, s15  }
0x8f: {  	p2 =	sgt.u32 s12, $0x9C3  }
.Ltmp11:
0x90: {  	_ = 	snop;
	(pc) =	sbr.rel @p2 .LBB2_34-.Ltmp11, $1  }
0x91: {  	_ =	sdelay $0x3  }
0x92: {  	_ =	swait.ge [sflag:s30], $0x4000  }
0x93: {  	p2 =	sgt.u32 s12, $0x993;
	[sflag:s30] =	ssyncset.done $0x0  }
.Ltmp12:
0x94: {  	[sflag:s30] =	ssyncadd.s32 $0xFFFFC000;
	(pc) =	sbr.rel @p2 .LBB2_32-.Ltmp12, $4  }
0x95: {  	[spmem:s1] =	stream.indirect.scatter.add.f32 [tilespmem:s21], [sflag:$0x7], $0x80, s20, s18, $0xb8;
	[tilespmem:$0x1FB80] =	vst v63  }
0x96: {  	_ =	swait.ge [sflag:s16], $0x4000  }
0x97: {  	[sflag:s16] =	ssyncset.done $0x0  }
0x98: {  	[sflag:s16] =	ssyncadd.s32 $0xFFFFC000  }
.Ltmp13:
0x99: {  	s12 =	sadd.s32 s10, s6;
	(pc) =	sbr.rel .LBB2_33-.Ltmp13, $4  }
0x9a: {  	s14 =	sadd.s32 s10, s7;
	s12 =	sadd.s32 $0x400, s12  }
0x9b: {  	[tilespmem:s18], [sflag:$0x5] =	stream.linear.gather [hbm4b:s12+s2], $0x80, $0x38;
	[tilespmem:$0x1FB80] =	vst v63  }
0x9c: {  	s12 =	sadd.s32 $0x400, s14  }
0x9d: {  	[tilespmem:s20], [sflag:$0x5] =	stream.linear.gather [hbm4b:s12+s2], $0x80, $0x38;
	[tilespmem:$0x1FB80] =	vst v63  }
.LBB2_32:
0x9e: {  	p2 =	sgt.u32 s12, $0x9A3  }
.Ltmp14:
0x9f: {  	_ = 	snop;
	(pc) =	sbr.rel @p2 .LBB2_34-.Ltmp14, $1  }
0xa0: {  	_ =	sdelay $0x3  }
.LBB2_33:
0xa1: {  	_ =	swait.ge [sflag:s31], $0x80  }
0xa2: {  	[sflag:s31] =	ssyncset.done $0x0  }
0xa3: {  	[sflag:s31] =	ssyncadd.s32 $0xFFFFFF80  }
0xa4: {  	_ =	swait.ge [sflag:s31], $0x80  }
0xa5: {  	[sflag:s31] =	ssyncset.done $0x0  }
0xa6: {  	[sflag:s31] =	ssyncadd.s32 $0xFFFFFF80  }
0xa7: {  	[tilespmem:s19], [sflag:$0x1] =	stream.indirect.gather [hbm4b:s5+s18], $0x80, s2, s18, $0xb8;
	[tilespmem:$0x1FB80] =	vst v63  }
.LBB2_34:
0xa8: {  	p2 =	sgt.u32 s15, $0x9C3  }
.Ltmp15:
0xa9: {  	_ = 	snop;
	(pc) =	sbr.rel @p2 .LBB2_39-.Ltmp15, $1  }
0xaa: {  	_ =	sdelay $0x3  }
0xab: {  	_ =	swait.ge [sflag:s0], $0x4000  }
0xac: {  	p2 =	sgt.u32 s15, $0x993;
	[sflag:s0] =	ssyncset.done $0x0  }
.Ltmp16:
0xad: {  	[sflag:s0] =	ssyncadd.s32 $0xFFFFC000;
	(pc) =	sbr.rel @!p2 .LBB2_36-.Ltmp16, $4  }
0xae: {  	[spmem:s1] =	stream.indirect.scatter.add.f32 [tilespmem:s29], [sflag:$0x7], $0x80, s23, s18, $0xb8;
	[tilespmem:$0x1FB80] =	vst v63  }
0xaf: {  	_ =	swait.ge [sflag:s16], $0x4000  }
0xb0: {  	[sflag:s16] =	ssyncset.done $0x0  }
0xb1: {  	[sflag:s16] =	ssyncadd.s32 $0xFFFFC000  }
0xb2: {  	p2 =	sgt.u32 s15, $0x9A3  }
.Ltmp17:
0xb3: {  	_ = 	snop;
	(pc) =	sbr.rel @p2 .LBB2_39-.Ltmp17, $4  }
.Ltmp18:
0xb4: {  	_ = 	snop;
	(pc) =	sbr.rel @!p2 .LBB2_38-.Ltmp18, $4  }
0xb5: {  	_ = 	snop  }
0xb6: {  	_ = 	snop  }
0xb7: {  	_ = 	snop  }
0xb8: {  	_ = 	snop  }
.LBB2_6:
0xb9: {  	[tilespmem:s19], [sflag:$0x1] =	stream.indirect.gather [hbm4b:s4+s18], $0x80, s10, s18, $0xb8;
	[tilespmem:$0x1FB80] =	vst v63  }
0xba: {  	s12 =	rddreg [dreg:$0x3]  }
0xbb: {  	[tilespmem:s18], [sflag:$0x7] =	stream.linear.gather [hbm4b:s12+s10], $0x80, $0x38;
	[tilespmem:$0x1FB80] =	vst v63  }
0xbc: {  	_ =	swait.ge [sflag:s16], $0x80  }
0xbd: {  	[sflag:s16] =	ssyncset.done $0x0  }
0xbe: {  	s13 =	rddreg [dreg:$0x4];
	[sflag:s16] =	ssyncadd.s32 $0xFFFFFF80  }
0xbf: {  	[tilespmem:s20], [sflag:$0x7] =	stream.linear.gather [hbm4b:s13+s10], $0x80, $0x38;
	[tilespmem:$0x1FB80] =	vst v63  }
0xc0: {  	_ =	swait.ge [sflag:s16], $0x80  }
0xc1: {  	[sflag:s16] =	ssyncset.done $0x0  }
0xc2: {  	[sflag:s16] =	ssyncadd.s32 $0xFFFFFF80  }
0xc3: {  	[tilespmem:s21], [sflag:$0x2] =	stream.indirect.gather [hbm4b:s4+s18], $0x80, s18, s18, $0xb8;
	[tilespmem:$0x1FB80] =	vst v63  }
.Ltmp19:
0xc4: {  	s14 =	rddreg [dreg:$0x5];
	(pc) =	sbr.rel .LBB2_7-.Ltmp19, $4  }
0xc5: {  	[tilespmem:s22], [sflag:$0x6] =	stream.linear.gather [hbm4b:s14+s10], $0x80, $0x38;
	[tilespmem:$0x1FB80] =	vst v63  }
0xc6: {  	s15 =	rddreg [dreg:$0x6]  }
0xc7: {  	[tilespmem:s23], [sflag:$0x6] =	stream.linear.gather [hbm4b:s15+s10], $0x80, $0x38;
	[tilespmem:$0x1FB80] =	vst v63  }
0xc8: {  	s15 =	smov.u32 s11  }
.LBB2_19:
0xc9: {  	s12 =	sadd.s32 s10, s6  }
0xca: {  	s14 =	sadd.s32 s10, s7;
	s12 =	sadd.s32 $0x500, s12  }
0xcb: {  	[tilespmem:s22], [sflag:$0x6] =	stream.linear.gather [hbm4b:s12+s2], $0x80, $0x38;
	[tilespmem:$0x1FB80] =	vst v63  }
0xcc: {  	s12 =	sadd.s32 $0x500, s14  }
0xcd: {  	[tilespmem:s23], [sflag:$0x6] =	stream.linear.gather [hbm4b:s12+s2], $0x80, $0x38;
	[tilespmem:$0x1FB80] =	vst v63  }
.LBB2_21:
0xce: {  	_ =	swait.ge [sflag:s8], $0x80  }
0xcf: {  	[sflag:s8] =	ssyncset.done $0x0  }
0xd0: {  	[sflag:s8] =	ssyncadd.s32 $0xFFFFFF80  }
0xd1: {  	_ =	swait.ge [sflag:s8], $0x80  }
0xd2: {  	[sflag:s8] =	ssyncset.done $0x0  }
0xd3: {  	[sflag:s8] =	ssyncadd.s32 $0xFFFFFF80  }
0xd4: {  	[tilespmem:s21], [sflag:$0x2] =	stream.indirect.gather [hbm4b:s4+s18], $0x80, s18, s18, $0xb8;
	[tilespmem:$0x1FB80] =	vst v63  }
.LBB2_22:
0xd5: {  	s10 =	sadd.s32 $0x300, s10  }
0xd6: {  	p2 =	seq.s32 s10, $0x9F00  }
.Ltmp20:
0xd7: {  	_ = 	snop;
	(pc) =	sbr.rel @p2 .LBB2_40-.Ltmp20, $2  }
0xd8: {  	_ =	sdelay $0x2  }
0xd9: {  	s15 =	sadd.s32 $0x30, s15  }
.LBB2_7:
0xda: {  	s12 =	sadd.s32 $0xFFFFFFE0, s15  }
0xdb: {  	p2 =	sgt.u32 s12, $0x9C3  }
.Ltmp21:
0xdc: {  	_ = 	snop;
	(pc) =	sbr.rel @p2 .LBB2_12-.Ltmp21, $1  }
0xdd: {  	_ =	sdelay $0x3  }
0xde: {  	_ =	swait.ge [sflag:s26], $0x4000  }
0xdf: {  	p2 =	sgt.u32 s12, $0x993;
	[sflag:s26] =	ssyncset.done $0x0  }
.Ltmp22:
0xe0: {  	[sflag:s26] =	ssyncadd.s32 $0xFFFFC000;
	(pc) =	sbr.rel @p2 .LBB2_10-.Ltmp22, $4  }
0xe1: {  	[spmem:s1] =	stream.indirect.scatter.add.f32 [tilespmem:s19], [sflag:$0x7], $0x80, s17, s18, $0xb8;
	[tilespmem:$0x1FB80] =	vst v63  }
0xe2: {  	_ =	swait.ge [sflag:s16], $0x4000  }
0xe3: {  	[sflag:s16] =	ssyncset.done $0x0  }
0xe4: {  	[sflag:s16] =	ssyncadd.s32 $0xFFFFC000  }
.Ltmp23:
0xe5: {  	s12 =	sadd.s32 s10, s6;
	(pc) =	sbr.rel .LBB2_11-.Ltmp23, $4  }
0xe6: {  	s14 =	sadd.s32 s10, s7;
	s12 =	sadd.s32 $0x300, s12  }
0xe7: {  	[tilespmem:s2], [sflag:$0x4] =	stream.linear.gather [hbm4b:s12+s2], $0x80, $0x38;
	[tilespmem:$0x1FB80] =	vst v63  }
0xe8: {  	s12 =	sadd.s32 $0x300, s14  }
0xe9: {  	[tilespmem:s17], [sflag:$0x4] =	stream.linear.gather [hbm4b:s12+s2], $0x80, $0x38;
	[tilespmem:$0x1FB80] =	vst v63  }
.LBB2_10:
0xea: {  	p2 =	sgt.u32 s12, $0x9A3  }
.Ltmp24:
0xeb: {  	_ = 	snop;
	(pc) =	sbr.rel @p2 .LBB2_12-.Ltmp24, $1  }
0xec: {  	_ =	sdelay $0x3  }
.LBB2_11:
0xed: {  	_ =	swait.ge [sflag:s28], $0x80  }
0xee: {  	[sflag:s28] =	ssyncset.done $0x0  }
0xef: {  	[sflag:s28] =	ssyncadd.s32 $0xFFFFFF80  }
0xf0: {  	_ =	swait.ge [sflag:s28], $0x80  }
0xf1: {  	[sflag:s28] =	ssyncset.done $0x0  }
0xf2: {  	[sflag:s28] =	ssyncadd.s32 $0xFFFFFF80  }
0xf3: {  	[tilespmem:s29], [sflag:$0x3] =	stream.indirect.gather [hbm4b:s4+s18], $0x80, s22, s18, $0xb8;
	[tilespmem:$0x1FB80] =	vst v63  }
.LBB2_12:
0xf4: {  	s12 =	sadd.s32 $0xFFFFFFF0, s15  }
0xf5: {  	p2 =	sgt.u32 s12, $0x9C3  }
.Ltmp25:
0xf6: {  	_ = 	snop;
	(pc) =	sbr.rel @p2 .LBB2_17-.Ltmp25, $1  }
0xf7: {  	_ =	sdelay $0x3  }
0xf8: {  	_ =	swait.ge [sflag:s30], $0x4000  }
0xf9: {  	p2 =	sgt.u32 s12, $0x993;
	[sflag:s30] =	ssyncset.done $0x0  }
.Ltmp26:
0xfa: {  	[sflag:s30] =	ssyncadd.s32 $0xFFFFC000;
	(pc) =	sbr.rel @p2 .LBB2_15-.Ltmp26, $4  }
0xfb: {  	[spmem:s1] =	stream.indirect.scatter.add.f32 [tilespmem:s21], [sflag:$0x7], $0x80, s20, s18, $0xb8;
	[tilespmem:$0x1FB80] =	vst v63  }
0xfc: {  	_ =	swait.ge [sflag:s16], $0x4000  }
0xfd: {  	[sflag:s16] =	ssyncset.done $0x0  }
0xfe: {  	[sflag:s16] =	ssyncadd.s32 $0xFFFFC000  }
.Ltmp27:
0xff: {  	s12 =	sadd.s32 s10, s6;
	(pc) =	sbr.rel .LBB2_16-.Ltmp27, $4  }
0x100: {  	s14 =	sadd.s32 s10, s7;
	s12 =	sadd.s32 $0x400, s12  }
0x101: {  	[tilespmem:s18], [sflag:$0x5] =	stream.linear.gather [hbm4b:s12+s2], $0x80, $0x38;
	[tilespmem:$0x1FB80] =	vst v63  }
0x102: {  	s12 =	sadd.s32 $0x400, s14  }
0x103: {  	[tilespmem:s20], [sflag:$0x5] =	stream.linear.gather [hbm4b:s12+s2], $0x80, $0x38;
	[tilespmem:$0x1FB80] =	vst v63  }
.LBB2_15:
0x104: {  	p2 =	sgt.u32 s12, $0x9A3  }
.Ltmp28:
0x105: {  	_ = 	snop;
	(pc) =	sbr.rel @p2 .LBB2_17-.Ltmp28, $1  }
0x106: {  	_ =	sdelay $0x3  }
.LBB2_16:
0x107: {  	_ =	swait.ge [sflag:s31], $0x80  }
0x108: {  	[sflag:s31] =	ssyncset.done $0x0  }
0x109: {  	[sflag:s31] =	ssyncadd.s32 $0xFFFFFF80  }
0x10a: {  	_ =	swait.ge [sflag:s31], $0x80  }
0x10b: {  	[sflag:s31] =	ssyncset.done $0x0  }
0x10c: {  	[sflag:s31] =	ssyncadd.s32 $0xFFFFFF80  }
0x10d: {  	[tilespmem:s19], [sflag:$0x1] =	stream.indirect.gather [hbm4b:s4+s18], $0x80, s2, s18, $0xb8;
	[tilespmem:$0x1FB80] =	vst v63  }
.LBB2_17:
0x10e: {  	p2 =	sgt.u32 s15, $0x9C3  }
.Ltmp29:
0x10f: {  	_ = 	snop;
	(pc) =	sbr.rel @p2 .LBB2_22-.Ltmp29, $1  }
0x110: {  	_ =	sdelay $0x3  }
0x111: {  	_ =	swait.ge [sflag:s0], $0x4000  }
0x112: {  	p2 =	sgt.u32 s15, $0x993;
	[sflag:s0] =	ssyncset.done $0x0  }
.Ltmp30:
0x113: {  	[sflag:s0] =	ssyncadd.s32 $0xFFFFC000;
	(pc) =	sbr.rel @!p2 .LBB2_19-.Ltmp30, $4  }
0x114: {  	[spmem:s1] =	stream.indirect.scatter.add.f32 [tilespmem:s29], [sflag:$0x7], $0x80, s23, s18, $0xb8;
	[tilespmem:$0x1FB80] =	vst v63  }
0x115: {  	_ =	swait.ge [sflag:s16], $0x4000  }
0x116: {  	[sflag:s16] =	ssyncset.done $0x0  }
0x117: {  	[sflag:s16] =	ssyncadd.s32 $0xFFFFC000  }
0x118: {  	p2 =	sgt.u32 s15, $0x9A3  }
.Ltmp31:
0x119: {  	_ = 	snop;
	(pc) =	sbr.rel @p2 .LBB2_22-.Ltmp31, $4  }
.Ltmp32:
0x11a: {  	_ = 	snop;
	(pc) =	sbr.rel @!p2 .LBB2_21-.Ltmp32, $4  }
0x11b: {  	_ = 	snop  }
0x11c: {  	_ = 	snop  }
0x11d: {  	_ = 	snop  }
0x11e: {  	_ = 	snop  }
.LBB2_41:
0x11f: {  	_ =	sfence.sel $0x180000  }
0x120: {  	[bflag:$0x0] =	sbarrier.arrive $0xFFFF  }
0x121: {  	_ =	strace $0x9000004D  }
0x122: {  	[bflag:$0x2] =	sbarrier.arrive $0xFFFF  }
0x123: {  	p0 =	sne.s32 s3, $0x0;
	s0 =	rddreg [dreg:$0x2]  }
0x124: {  	s0 =	sadd.s32 @!p0 $0x100000, s0  }
0x125: {  	[sflag:s0] =	ssyncadd.tile.s32 @!p0 $0x1;
	_ =	shalt  }
.Lfunc_end2:
_tile_overlayer_lowered:
.L_overlay_start_2:
0x126: {  	(tag) =	ssettag $0x2  }
0x127: {  	s0 =	rddreg [dreg:$0x0];
	s2 =	stileid.u32  }
0x128: {  	s1 =	rddreg [dreg:$0x1];
	p0 =	sne.s32 s2, $0x0  }
0x129: {  	s3 =	rddreg [dreg:$0x2];
	[bflag:$0x3] =	sbarrier.arrive $0xFFFF;
	s2 =	simm.s32 @!p0 $0x1C07  }
0x12a: {  	[timem:s3], [sflag:s2] =	dma.local @!p0 [hbm:s0], s1  }
0x12b: {  	s0 =	simm.s32 @!p0 $0x7  }
0x12c: {  	_ =	swait.ge @!p0 [sflag:s0], s1  }
0x12d: {  	s1 =	ssub.s32 @!p0 $0x0, s1;
	[sflag:s0] =	ssyncset.done @!p0 $0x0  }
0x12e: {  	[sflag:s0] =	ssyncadd.s32 @!p0 s1  }
0x12f: {  	[bflag:$0x3] =	sbarrier.arrive $0xFFFF  }
0x130: {  	_ =	shalt  }

// kernel: kernel.20.cloned.1.call-start
scs
__scs_entry_jumppad:
0x0: {  	(pc) =	sbr.rel $0x88, $3  }
0x1: {  	(tag) =	ssettag $0x0;
	lr =	simm.s32 $0x1  }
0x2: {  	[smem:$0x3F95] =	sst lr;
	_ =	strace $0xD0000000  }
0x3: {  	_ = 	snop  }
0x4: {  	_ = 	snop  }
0x5: {  	_ = 	snop  }
0x6: {  	_ = 	snop  }
0x7: {  	_ = 	snop  }
__scs_overlays_trampoline_lowered:
0x8: {  	[smem:$0x3FA4] =	sst s0  }
0x9: {  	[smem:$0x3FA5] =	sst s1  }
0xa: {  	[smem:$0x3FA6] =	sst s2  }
0xb: {  	[smem:$0x3FA7] =	sst s3  }
0xc: {  	[smem:$0x3FA8] =	sst s4  }
0xd: {  	[smem:$0x3FA9] =	sst s5  }
0xe: {  	[smem:$0x3FAA] =	sst s6  }
0xf: {  	[smem:$0x3FAB] =	sst s7  }
0x10: {  	[smem:$0x3FAC] =	sst s8  }
0x11: {  	[smem:$0x3FAD] =	sst s9;
	s0 =	simm.s32 @!p0 $0x0  }
0x12: {  	s1 =	sld [smem:$0x3F93];
	s0 =	simm.s32 @p0 $0x1  }
0x13: {  	[smem:$0x3FAE] =	sst s0;
	s0 =	simm.s32 @!p1 $0x0  }
0x14: {  	s2 =	sld [smem:$0x3F92];
	s0 =	simm.s32 @p1 $0x1  }
0x15: {  	[smem:$0x3FAF] =	sst s0;
	s0 =	simm.s32 @!p2 $0x0  }
0x16: {  	s3 =	sld [smem:$0x3FDB];
	s0 =	simm.s32 @p2 $0x1  }
0x17: {  	s4 =	simm.s32 $0x1BF5;
	[smem:$0x3FB1] =	sst s0  }
0x18: {  	s0 =	sld [smem:$0x3F94];
	_ =	swait.ge [sflag:s4], $0x0  }
0x19: {  	s7 =	sld [smem:$0x3F95]  }
0x1a: {  	s8 =	sadd.s32 $0xFFFFE003, lr  }
0x1b: {  	s9 =	sadd.s32 $0xFFFFFEF7, lr;
	s5 =	simm.s32 $0xFFFFFFFF;
	p2 =	slt.u32 s8, $0xFFFFF086  }
0x1c: {  	p1 =	slt.u32 s9, $0xF7A;
	s5 =	simm.s32 @!p2 $0x0  }
0x1d: {  	s5 =	simm.s32 @p1 $0x1;
	p0 =	seq.s32 s7, s2  }
0x1e: {  	s7 =	smul.u32 @!p0 $0xF7A, s2;
	p2 =	seq.s32 @!p0 s5, $0x0  }
0x1f: {  	s9 =	smul.u32 $0xF7A, s1;
	s8 =	simm.s32 @!p0 $0x1BF5;
	p2 =	por !p2, p0  }
0x20: {  	[sflag:s8] =	ssyncset.s32 @!p0 $0xFFFFF086;
	s6 =	sadd.s32 @!p0 s3, s7;
	s7 =	simm.s32 @!p0 $0x108  }
0x21: {  	s3 =	sadd.s32 s3, s9;
	s6 =	sadd.s32 @!p0 $0x88, s6;
	s7 =	simm.s32 @p2 $0x1082  }
0x22: {  	[simem:s7], [sflag:s8] =	dma.local @!p0 [hbm:s6], $0xF7A  }
0x23: {  	s9 =	sor.u32 $0xD0000000, s2;
	s6 =	simm.s32 $0x108;
	_ =	swait.ge @!p0 [sflag:s8], $0x0  }
0x24: {  	s3 =	sadd.s32 $0x88, s3;
	s6 =	simm.s32 @!p1 $0x1082;
	[sflag:s4] =	ssyncset.s32 $0xFFFFF086  }
0x25: {  	[simem:s6], [sflag:s4] =	dma.local [hbm:s3], $0xF7A  }
0x26: {  	[smem:$0x3F95] =	sst s1;
	(tag) =	ssettag s2;
	_ =	strace s9  }
0x27: {  	s1 =	sld [smem:$0x3FA5]  }
0x28: {  	s2 =	sld [smem:$0x3FA6]  }
0x29: {  	s4 =	sld [smem:$0x3FA8]  }
0x2a: {  	p0 =	seq.s32 s5, $0x0;
	s5 =	sld [smem:$0x3FA9]  }
0x2b: {  	s6 =	sld [smem:$0x3FAA]  }
0x2c: {  	s7 =	sld [smem:$0x3FAB]  }
0x2d: {  	s3 =	simm.s32 $0x108;
	s8 =	sld [smem:$0x3FAC]  }
0x2e: {  	s3 =	simm.s32 @!p0 $0x1082;
	s9 =	sld [smem:$0x3FAD]  }
0x2f: {  	lr =	sadd.s32 s0, s3;
	s0 =	sld [smem:$0x3FA4]  }
0x30: {  	s3 =	sld [smem:$0x3FA7]  }
0x31: {  	[smem:$0x3FB0] =	sst s10  }
0x32: {  	s10 =	sld [smem:$0x3FAE];
	_ =	sdelay $0x3  }
0x33: {  	p0 =	seq.s32 s10, $0x1;
	s10 =	sld [smem:$0x3FB0];
	_ =	sdelay $0x3  }
0x34: {  	[smem:$0x3FB0] =	sst s10  }
0x35: {  	s10 =	sld [smem:$0x3FAF];
	_ =	sdelay $0x3  }
0x36: {  	p1 =	seq.s32 s10, $0x1;
	s10 =	sld [smem:$0x3FB0];
	_ =	sdelay $0x3  }
0x37: {  	[smem:$0x3FB0] =	sst s10  }
0x38: {  	s10 =	sld [smem:$0x3FB1]  }
0x39: {  	_ = 	snop;
	(pc) =	sbr.ind lr, $3  }
0x3a: {  	_ = 	snop  }
0x3b: {  	_ = 	snop  }
0x3c: {  	p2 =	seq.s32 s10, $0x1;
	s10 =	sld [smem:$0x3FB0]  }
0x3d: {  	_ =	shalt  }
0x3e: {  	_ =	shalt  }
0x3f: {  	_ =	shalt  }
0x40: {  	_ =	shalt  }
0x41: {  	_ =	shalt  }
0x42: {  	_ =	shalt  }
0x43: {  	_ =	shalt  }
0x44: {  	_ =	shalt  }
0x45: {  	_ =	shalt  }
0x46: {  	_ =	shalt  }
0x47: {  	_ =	shalt  }
0x48: {  	_ =	shalt  }
0x49: {  	_ =	shalt  }
0x4a: {  	_ =	shalt  }
0x4b: {  	_ =	shalt  }
0x4c: {  	_ =	shalt  }
0x4d: {  	_ =	shalt  }
0x4e: {  	_ =	shalt  }
0x4f: {  	_ =	shalt  }
0x50: {  	_ =	shalt  }
0x51: {  	_ =	shalt  }
0x52: {  	_ =	shalt  }
0x53: {  	_ =	shalt  }
0x54: {  	_ =	shalt  }
0x55: {  	_ =	shalt  }
0x56: {  	_ =	shalt  }
0x57: {  	_ =	shalt  }
0x58: {  	_ =	shalt  }
0x59: {  	_ =	shalt  }
0x5a: {  	_ =	shalt  }
0x5b: {  	_ =	shalt  }
0x5c: {  	_ =	shalt  }
0x5d: {  	_ =	shalt  }
0x5e: {  	_ =	shalt  }
0x5f: {  	_ =	shalt  }
0x60: {  	_ =	shalt  }
0x61: {  	_ =	shalt  }
0x62: {  	_ =	shalt  }
0x63: {  	_ =	shalt  }
0x64: {  	_ =	shalt  }
0x65: {  	_ =	shalt  }
0x66: {  	_ =	shalt  }
0x67: {  	_ =	shalt  }
0x68: {  	_ =	shalt  }
0x69: {  	_ =	shalt  }
0x6a: {  	_ =	shalt  }
0x6b: {  	_ =	shalt  }
0x6c: {  	_ =	shalt  }
0x6d: {  	_ =	shalt  }
0x6e: {  	_ =	shalt  }
0x6f: {  	_ =	shalt  }
0x70: {  	_ =	shalt  }
0x71: {  	_ =	shalt  }
0x72: {  	_ =	shalt  }
0x73: {  	_ =	shalt  }
0x74: {  	_ =	shalt  }
0x75: {  	_ =	shalt  }
0x76: {  	_ =	shalt  }
0x77: {  	_ =	shalt  }
0x78: {  	_ =	shalt  }
0x79: {  	_ =	shalt  }
0x7a: {  	_ =	shalt  }
0x7b: {  	_ =	shalt  }
0x7c: {  	_ =	shalt  }
0x7d: {  	_ =	shalt  }
0x7e: {  	_ =	shalt  }
0x7f: {  	_ =	shalt  }
0x80: {  	_ =	shalt  }
0x81: {  	_ =	shalt  }
0x82: {  	_ =	shalt  }
0x83: {  	_ =	shalt  }
0x84: {  	_ =	shalt  }
0x85: {  	_ =	shalt  }
0x86: {  	_ =	shalt  }
0x87: {  	_ =	shalt  }
.Lfunc_end0:
.L_simem_size_0:
called_computation.3_lowered:
.L_overlay_start_0:
0x88: {  	s2 =	sld [smem:$0x3FD9]  }
0x89: {  	s3 =	sld [smem:$0x3FFE];
	_ =	sdelay $0x1  }
0x8a: {  	s1 =	srdreg.scid  }
0x8b: {  	s0 =	sand.u32 $0x1, s1  }
0x8c: {  	s16 =	sshll.u32 s0, $0xA;
	s2 =	sadd.s32 s3, s2  }
0x8d: {  	s2 =	sadd.s32 s2, s16  }
0x8e: {  	[smem:$0x3FBC] =	sst s2  }
0x8f: {  	_ = 	snop  }
0x90: {  	(tm) =	ssettm $0x1  }
0x91: {  	s17 =	sld [smem:$0x3FFB];
	_ =	sdelay $0x3  }
0x92: {  	_ =	strace s17  }
0x93: {  	s2 =	sld [smem:$0x3FFC];
	_ =	sdelay $0x3  }
0x94: {  	_ =	strace s2  }
0x95: {  	s2 =	sld [smem:$0x3FFD];
	_ =	sdelay $0x3  }
0x96: {  	_ =	strace s2  }
0x97: {  	_ =	strace $0x8FFFFFFF  }
0x98: {  	s18 =	sld [smem:$0x3FDB];
	_ =	sdelay $0x1  }
0x99: {  	s19 =	simm.s32 $_scs_section_size  }
0x9a: {  	s4 =	simm.s32 $_size__tile_overlayer_lowered;
	s5 =	simm.s32 $_tile_overlayer_lowered  }
0x9b: {  	s22 =	simm.s32 $0x1BFF;
	s21 =	sshll.u32 s5, $0x1;
	s2 =	sadd.s32 s19, s18  }
0x9c: {  	s6 =	simm.s32 $0x0;
	s20 =	sshll.u32 s4, $0x1;
	s4 =	sadd.s32 s21, s2  }
0x9d: {  	[timem:s6], [sflag:s22] =	dma.local [hbm:s4], s20  }
0x9e: {  	_ =	swait.ge [sflag:s22], s20  }
0x9f: {  	s3 =	ssub.s32 $0x0, s20;
	[sflag:s22] =	ssyncset.done $0x0  }
0xa0: {  	[sflag:s22] =	ssyncadd.s32 s3;
	_ =	sdelay $0x1  }
0xa1: {  	s23 =	simm.s32 $0x1B8B  }
0xa2: {  	_ =	swait.ge [sflag:s23], $0x1  }
0xa3: {  	[sflag:s23] =	ssyncset.done $0x0  }
0xa4: {  	s25 =	simm.s32 $0x1B8E;
	s24 =	sld [smem:$0x3FFE];
	[sflag:s23] =	ssyncadd.s32 $0xFFFFFFFF  }
0xa5: {  	s26 =	simm.s32 $execute0_lowered;
	[smem:$0x3FD2] =	sst s25  }
0xa6: {  	s4 =	sshll.u32 s26, $0x1;
	_ =	strace $0x8000004F;
	[dreg:$0x1] =	wrdreg $0xFFFFFFFF  }
0xa7: {  	s28 =	simm.s32 $_size_execute0_lowered;
	s2 =	sadd.s32 s2, s4;
	[dreg:$0x0] =	wrdreg $0x0  }
0xa8: {  	s4 =	sshll.u32 s28, $0x1;
	[dreg:$0x2] =	wrdreg s2  }
0xa9: {  	[dreg:$0x3] =	wrdreg s4  }
0xaa: {  	[dreg:$0x4] =	wrdreg $0xC0  }
0xab: {  	_ =	task [dreg:s6], $0x5FFFF  }
0xac: {  	[dreg:$0x1] =	wrdreg $0xFFFFFFFF  }
0xad: {  	[dreg:$0x0] =	wrdreg $0x60  }
0xae: {  	[dreg:$0x2] =	wrdreg s24  }
0xaf: {  	[dreg:$0x3] =	wrdreg $0xC3000  }
0xb0: {  	[dreg:$0x4] =	wrdreg $0x9  }
0xb1: {  	_ =	task.clear_ibuf [dreg:s6], $0x5FFFF;
	_ =	strace $0x9000004F  }
0xb2: {  	s29 =	simm.s32 $0x9;
	_ =	strace $0x80000051  }
0xb3: {  	_ =	swait.ge [sflag:s29], $0x1  }
0xb4: {  	[sflag:s29] =	ssyncadd.s32 $0xFFFFFFFF  }
0xb5: {  	_ =	strace $0x90000051  }
0xb6: {  	_ =	sfence  }
0xb7: {  	s30 =	sld [smem:$0x0];
	_ =	sdelay $0x2  }
0xb8: {  	s31 =	sshll.u32 s1, $0xD;
	s1 =	sshrl.u32 s1, $0x2  }
0xb9: {  	s3 =	sand.u32 $0x4000, s31;
	s1 =	sadd.s32 s1, s30  }
0xba: {  	s0 =	sor.u32 s3, s0;
	s1 =	sshll.u32 s1, $0x11  }
0xbb: {  	s0 =	sor.u32 s1, s0  }
0xbc: {  	s0 =	sadd.s32 $0x8F2B, s0  }
0xbd: {  	[sflag:s0] =	ssyncadd.remote.s32 $0x1  }
0xbe: {  	_ =	sfence.sel $0xFFFF  }
0xbf: {  	[dreg:$0x0] =	wrdreg $0xFFFFFFFF;
	(pc) =	sbr.abs _section_cstart, $3  }
0xc0: {  	[dreg:$0x1] =	wrdreg $0xFFFFFFFF  }
0xc1: {  	_ =	task.clear_ibuf [dreg:s6], $0x2FFFF;
	_ =	strace $0x9FFFFFFF  }
0xc2: {  	(tm) =	ssettm $0x7FFFFFFF  }
0xc3: {  	_ =	shalt  }
tec
execute0_lowered:
.L_overlay_start_1:
0x0: {  	(tag) =	ssettag $0x1  }
0x1: {  	s0 =	rddreg [dreg:$0x0]  }
0x2: {  	s1 =	rddreg [dreg:$0x1];
	s2 =	simm.s32 $0x0;
	s3 =	srdreg.scid  }
0x3: {  	s16 =	simm.s32 $0x7;
	s17 =	simm.s32 $0x180;
	s18 =	simm.s32 $0x80  }
0x4: {  	s19 =	simm.s32 $0x300;
	s20 =	simm.s32 $0x200;
	s21 =	simm.s32 $0x4300  }
0x5: {  	s28 =	simm.s32 $0x6;
	s29 =	simm.s32 $0x8300;
	s30 =	simm.s32 $0x2  }
0x6: {  	s31 =	simm.s32 $0x4;
	[smem:$0x7FF] =	sst s2;
	s8 =	sadd.s32 $0xD600, s0  }
0x7: {  	s7 =	sand.u32 $0x1, s3;
	s9 =	sadd.s32 $0x3800, s0;
	s4 =	sadd.s32 $0x17400, s0  }
0x8: {  	s5 =	sadd.s32 $0x3E600, s0;
	s3 =	stileid.u32;
	s0 =	sadd.s32 $0x65800, s0  }
0x9: {  	_ =	strace $0x80000050;
	s6 =	ssub.s32 $0x2, s7;
	s12 =	smul.u32 $0x138800, s7  }
0xa: {  	s11 =	sshll.u32 s3, $0x4;
	p0 =	seq.s32 s7, $0x1;
	s14 =	smul.u32 $0x14000, s3  }
0xb: {  	s23 =	smul.u32 $0x50000, s3;
	p1 =	seq.s32 s3, $0xF;
	s10 =	sshrl.u32 s6, $0x1  }
0xc: {  	s7 =	sadd.s32 s9, s11;
	s13 =	sor.u32 $0x100, s11;
	s10 =	ssub.s32 s6, s10  }
0xd: {  	s6 =	sadd.s32 s8, s11;
	s15 =	sadd.s32 s8, s13;
	s13 =	sadd.s32 s9, s13  }
0xe: {  	s11 =	sor.u32 $0x200, s11;
	s22 =	sadd.s32 s14, s12;
	[dreg:$0x3] =	wrdreg s15  }
0xf: {  	s24 =	sshrl.u32 s12, $0x3;
	[dreg:$0x4] =	wrdreg s13;
	s8 =	sadd.s32 s8, s11  }
0x10: {  	s25 =	sshrl.u32 s23, $0x2;
	s9 =	sadd.s32 s9, s11;
	[dreg:$0x5] =	wrdreg s8  }
0x11: {  	s23 =	simm.s32 $0x280;
	s26 =	smax.u32 s10, $0x1;
	[dreg:$0x6] =	wrdreg s9  }
0x12: {  	s11 =	sor.u32 $0x20, s3;
	s8 =	sshrl.u32 s22, $0x3;
	[dreg:$0x9] =	wrdreg s26  }
.Ltmp0:
0x13: {  	s22 =	simm.s32 $0x100;
	s26 =	simm.s32 $0x1;
	(pc) =	sbr.rel .LBB2_1-.Ltmp0, $4  }
0x14: {  	s9 =	simm.s32 $0x0;
	s8 =	sadd.s32 s0, s8;
	s0 =	sadd.s32 s0, s24  }
0x15: {  	[dreg:$0x7] =	wrdreg s8;
	s8 =	sadd.s32 s25, s1;
	s0 =	sadd.s32 $0x25800, s0  }
0x16: {  	[dreg:$0x8] =	wrdreg s0;
	s0 =	sadd.s32 $0x12C000, s1;
	s25 =	sshrl.u32 @!p1 s8, $0x3  }
0x17: {  	v0 =	vimm.f32 $0.0e+00;
	s8 =	simm.s32 $0x5;
	s24 =	sshrl.u32 @p1 s0, $0x3;
	s0 =	simm.s32 $0x3  }
.LBB2_40:
0x18: {  	[bflag:$0x0] =	sbarrier.arrive $0xFFFF  }
0x19: {  	s10 =	simm.s32 @p1 $0x1FC7;
	s12 =	rddreg [dreg:$0x8]  }
0x1a: {  	[hbm:s12], [sflag:s10] =	dma.local @p1 [spmem:s24], $0x1900  }
0x1b: {  	s10 =	simm.s32 @p1 $0x7  }
0x1c: {  	_ =	swait.ge @p1 [sflag:s10], $0x1900  }
0x1d: {  	s12 =	sshll.u32 @!p1 s3, $0x6;
	[sflag:s10] =	ssyncset.done @p1 $0x0  }
0x1e: {  	[sflag:s10] =	ssyncadd.s32 @p1 $0xFFFFE700;
	s10 =	sor.u32 @!p1 $0x1C07, s12;
	s12 =	rddreg [dreg:$0x7]  }
0x1f: {  	[hbm:s12], [sflag:s10] =	dma.local @!p1 [spmem:s25], $0x2800  }
0x20: {  	s10 =	simm.s32 @!p1 $0x7  }
0x21: {  	_ =	swait.ge @!p1 [sflag:s10], $0x2800  }
0x22: {  	s9 =	sadd.s32 $0x1, s9;
	s15 =	rddreg [dreg:$0x9]  }
0x23: {  	p2 =	sne.s32 s9, s15  }
.Ltmp1:
0x24: {  	_ = 	snop;
	(pc) =	sbr.rel @!p2 .LBB2_41-.Ltmp1, $3  }
0x25: {  	_ =	sdelay $0x1  }
0x26: {  	[sflag:s10] =	ssyncset.done @!p1 $0x0  }
0x27: {  	[sflag:s10] =	ssyncadd.s32 @!p1 $0xFFFFD800  }
.LBB2_1:
0x28: {  	s10 =	simm.s32 $0x70;
	s12 =	simm.s32 $0x3C0  }
.LBB2_2:
0x29: {  	p2 =	sne.s32 s12, $0xF9C0;
	[tilespmem:s10+$0x300] =	vst v0  }
0x2a: {  	[tilespmem:s10+$0x290] =	vst v0  }
0x2b: {  	[tilespmem:s10+$0x2A0] =	vst v0  }
.Ltmp2:
0x2c: {  	[tilespmem:s10+$0x2B0] =	vst v0;
	(pc) =	sbr.rel @p2 .LBB2_2-.Ltmp2, $4  }
0x2d: {  	[tilespmem:s10+$0x2C0] =	vst v0  }
0x2e: {  	[tilespmem:s10+$0x2D0] =	vst v0  }
0x2f: {  	[tilespmem:s10+$0x2E0] =	vst v0  }
0x30: {  	[tilespmem:s10+$0x2F0] =	vst v0;
	s10 =	sshra.s32 s12, $0x2;
	s12 =	sadd.s32 $0x200, s12  }
0x31: {  	[tilespmem:s10+$0x300] =	vst v0  }
0x32: {  	[tilespmem:s10+$0x290] =	vst v0  }
0x33: {  	[tilespmem:s10+$0x2A0] =	vst v0  }
0x34: {  	[tilespmem:s10+$0x2B0] =	vst v0  }
0x35: {  	[tilespmem:s10+$0x2C0] =	vst v0;
	s12 =	simm.s32 $0x0  }
0x36: {  	[tilespmem:s10+$0x2D0] =	vst v0;
	s12 =	sand.u32 $0xF, s12  }
0x37: {  	[tilespmem:s10+$0x2E0] =	vst v0;
	p2 =	sne.s32 s12, s3  }
0x38: {  	[tilespmem:s10+$0x2F0] =	vst v0;
	s10 =	simm.s32 @!p2 $0x300;
	s13 =	simm.s32 @!p2 $0x7  }
0x39: {  	[spmem:s1] =	stream.linear.scatter @!p2 [tilespmem:s10], [sflag:$0x7], $0x3E80, $0x38;
	[tilespmem:$0x1FB80] =	vst v63  }
0x3a: {  	s15 =	simm.s32 $0x1;
	_ =	swait.ge @!p2 [sflag:s13], $0x3E80  }
0x3b: {  	s12 =	simm.s32 $0x2;
	s10 =	sadd.s32 $0x3E80, s1;
	[sflag:s13] =	ssyncset.done @!p2 $0x0  }
.LBB2_4:
0x3c: {  	s14 =	sand.u32 $0xF, s15;
	s15 =	smov.u32 s12;
	s12 =	sadd.s32 $0x1, s12  }
0x3d: {  	[sflag:s13] =	ssyncadd.s32 @!p2 $0xFFFFC180;
	p3 =	sne.s32 s12, $0x50  }
.Ltmp3:
0x3e: {  	p2 =	sne.s32 s14, s3;
	(pc) =	sbr.rel @p3 .LBB2_4-.Ltmp3, $4  }
0x3f: {  	s14 =	simm.s32 @!p2 $0x300;
	s13 =	simm.s32 @!p2 $0x7  }
0x40: {  	[spmem:s10] =	stream.linear.scatter @!p2 [tilespmem:s14], [sflag:$0x7], $0x3E80, $0x38;
	[tilespmem:$0x1FB80] =	vst v63  }
0x41: {  	_ =	swait.ge @!p2 [sflag:s13], $0x3E80  }
0x42: {  	s10 =	sadd.s32 $0x3E80, s10;
	[sflag:s13] =	ssyncset.done @!p2 $0x0  }
0x43: {  	s12 =	sand.u32 $0xF, s15  }
0x44: {  	p3 =	sne.s32 s12, s3  }
0x45: {  	[sflag:s13] =	ssyncadd.s32 @!p2 $0xFFFFC180;
	s12 =	simm.s32 @!p3 $0x300;
	s13 =	simm.s32 @!p3 $0x7  }
0x46: {  	[spmem:s10] =	stream.linear.scatter @!p3 [tilespmem:s12], [sflag:$0x7], $0x3E80, $0x38;
	[tilespmem:$0x1FB80] =	vst v63  }
0x47: {  	_ =	swait.ge @!p3 [sflag:s13], $0x3E80  }
0x48: {  	[sflag:s13] =	ssyncset.done @!p3 $0x0  }
0x49: {  	[sflag:s13] =	ssyncadd.s32 @!p3 $0xFFFFC180  }
0x4a: {  	[bflag:$0x0] =	sbarrier.arrive $0xFFFF  }
0x4b: {  	[tilespmem:s2], [sflag:$0x7] =	stream.linear.gather [hbm4b:s6+s2], $0x80, $0x38;
	[tilespmem:$0x1FB80] =	vst v63  }
0x4c: {  	_ =	swait.ge [sflag:s16], $0x80  }
0x4d: {  	[sflag:s16] =	ssyncset.done $0x0  }
.Ltmp4:
0x4e: {  	[sflag:s16] =	ssyncadd.s32 $0xFFFFFF80;
	(pc) =	sbr.rel @!p0 .LBB2_6-.Ltmp4, $4  }
0x4f: {  	[tilespmem:s17], [sflag:$0x7] =	stream.linear.gather [hbm4b:s7+s2], $0x80, $0x38;
	[tilespmem:$0x1FB80] =	vst v63  }
0x50: {  	_ =	swait.ge [sflag:s16], $0x80  }
0x51: {  	[sflag:s16] =	ssyncset.done $0x0  }
0x52: {  	s10 =	simm.s32 $0x0;
	[sflag:s16] =	ssyncadd.s32 $0xFFFFFF80  }
0x53: {  	[tilespmem:s19], [sflag:$0x1] =	stream.indirect.gather [hbm4b:s5+s18], $0x80, s10, s18, $0xb8;
	[tilespmem:$0x1FB80] =	vst v63  }
0x54: {  	s12 =	rddreg [dreg:$0x3]  }
0x55: {  	[tilespmem:s18], [sflag:$0x7] =	stream.linear.gather [hbm4b:s12+s10], $0x80, $0x38;
	[tilespmem:$0x1FB80] =	vst v63  }
0x56: {  	_ =	swait.ge [sflag:s16], $0x80  }
0x57: {  	[sflag:s16] =	ssyncset.done $0x0  }
0x58: {  	s13 =	rddreg [dreg:$0x4];
	[sflag:s16] =	ssyncadd.s32 $0xFFFFFF80  }
0x59: {  	[tilespmem:s20], [sflag:$0x7] =	stream.linear.gather [hbm4b:s13+s10], $0x80, $0x38;
	[tilespmem:$0x1FB80] =	vst v63  }
0x5a: {  	_ =	swait.ge [sflag:s16], $0x80  }
0x5b: {  	[sflag:s16] =	ssyncset.done $0x0  }
0x5c: {  	[sflag:s16] =	ssyncadd.s32 $0xFFFFFF80  }
0x5d: {  	[tilespmem:s21], [sflag:$0x2] =	stream.indirect.gather [hbm4b:s5+s18], $0x80, s18, s18, $0xb8;
	[tilespmem:$0x1FB80] =	vst v63  }
.Ltmp5:
0x5e: {  	s14 =	rddreg [dreg:$0x5];
	(pc) =	sbr.rel .LBB2_24-.Ltmp5, $4  }
0x5f: {  	[tilespmem:s22], [sflag:$0x6] =	stream.linear.gather [hbm4b:s14+s10], $0x80, $0x38;
	[tilespmem:$0x1FB80] =	vst v63  }
0x60: {  	s15 =	rddreg [dreg:$0x6]  }
0x61: {  	[tilespmem:s23], [sflag:$0x6] =	stream.linear.gather [hbm4b:s15+s10], $0x80, $0x38;
	[tilespmem:$0x1FB80] =	vst v63  }
0x62: {  	s15 =	smov.u32 s11  }
.LBB2_36:
0x63: {  	s12 =	sadd.s32 s10, s6  }
0x64: {  	s14 =	sadd.s32 s10, s7;
	s12 =	sadd.s32 $0x500, s12  }
0x65: {  	[tilespmem:s22], [sflag:$0x6] =	stream.linear.gather [hbm4b:s12+s2], $0x80, $0x38;
	[tilespmem:$0x1FB80] =	vst v63  }
0x66: {  	s12 =	sadd.s32 $0x500, s14  }
0x67: {  	[tilespmem:s23], [sflag:$0x6] =	stream.linear.gather [hbm4b:s12+s2], $0x80, $0x38;
	[tilespmem:$0x1FB80] =	vst v63  }
.LBB2_38:
0x68: {  	_ =	swait.ge [sflag:s8], $0x80  }
0x69: {  	[sflag:s8] =	ssyncset.done $0x0  }
0x6a: {  	[sflag:s8] =	ssyncadd.s32 $0xFFFFFF80  }
0x6b: {  	_ =	swait.ge [sflag:s8], $0x80  }
0x6c: {  	[sflag:s8] =	ssyncset.done $0x0  }
0x6d: {  	[sflag:s8] =	ssyncadd.s32 $0xFFFFFF80  }
0x6e: {  	[tilespmem:s21], [sflag:$0x2] =	stream.indirect.gather [hbm4b:s5+s18], $0x80, s18, s18, $0xb8;
	[tilespmem:$0x1FB80] =	vst v63  }
.LBB2_39:
0x6f: {  	s10 =	sadd.s32 $0x300, s10  }
0x70: {  	p2 =	sne.s32 s10, $0x9F00  }
.Ltmp6:
0x71: {  	_ = 	snop;
	(pc) =	sbr.rel @!p2 .LBB2_40-.Ltmp6, $2  }
0x72: {  	_ =	sdelay $0x2  }
0x73: {  	s15 =	sadd.s32 $0x30, s15  }
.LBB2_24:
0x74: {  	s12 =	sadd.s32 $0xFFFFFFE0, s15  }
0x75: {  	p2 =	sgt.u32 s12, $0x9C3  }
.Ltmp7:
0x76: {  	_ = 	snop;
	(pc) =	sbr.rel @p2 .LBB2_29-.Ltmp7, $1  }
0x77: {  	_ =	sdelay $0x3  }
0x78: {  	_ =	swait.ge [sflag:s26], $0x4000  }
0x79: {  	p2 =	sgt.u32 s12, $0x993;
	[sflag:s26] =	ssyncset.done $0x0  }
.Ltmp8:
0x7a: {  	[sflag:s26] =	ssyncadd.s32 $0xFFFFC000;
	(pc) =	sbr.rel @p2 .LBB2_27-.Ltmp8, $4  }
0x7b: {  	[spmem:s1] =	stream.indirect.scatter.add.f32 [tilespmem:s19], [sflag:$0x7], $0x80, s17, s18, $0xb8;
	[tilespmem:$0x1FB80] =	vst v63  }
0x7c: {  	_ =	swait.ge [sflag:s16], $0x4000  }
0x7d: {  	[sflag:s16] =	ssyncset.done $0x0  }
0x7e: {  	[sflag:s16] =	ssyncadd.s32 $0xFFFFC000  }
.Ltmp9:
0x7f: {  	s12 =	sadd.s32 s10, s6;
	(pc) =	sbr.rel .LBB2_28-.Ltmp9, $4  }
0x80: {  	s14 =	sadd.s32 s10, s7;
	s12 =	sadd.s32 $0x300, s12  }
0x81: {  	[tilespmem:s2], [sflag:$0x4] =	stream.linear.gather [hbm4b:s12+s2], $0x80, $0x38;
	[tilespmem:$0x1FB80] =	vst v63  }
0x82: {  	s12 =	sadd.s32 $0x300, s14  }
0x83: {  	[tilespmem:s17], [sflag:$0x4] =	stream.linear.gather [hbm4b:s12+s2], $0x80, $0x38;
	[tilespmem:$0x1FB80] =	vst v63  }
.LBB2_27:
0x84: {  	p2 =	sgt.u32 s12, $0x9A3  }
.Ltmp10:
0x85: {  	_ = 	snop;
	(pc) =	sbr.rel @p2 .LBB2_29-.Ltmp10, $1  }
0x86: {  	_ =	sdelay $0x3  }
.LBB2_28:
0x87: {  	_ =	swait.ge [sflag:s28], $0x80  }
0x88: {  	[sflag:s28] =	ssyncset.done $0x0  }
0x89: {  	[sflag:s28] =	ssyncadd.s32 $0xFFFFFF80  }
0x8a: {  	_ =	swait.ge [sflag:s28], $0x80  }
0x8b: {  	[sflag:s28] =	ssyncset.done $0x0  }
0x8c: {  	[sflag:s28] =	ssyncadd.s32 $0xFFFFFF80  }
0x8d: {  	[tilespmem:s29], [sflag:$0x3] =	stream.indirect.gather [hbm4b:s5+s18], $0x80, s22, s18, $0xb8;
	[tilespmem:$0x1FB80] =	vst v63  }
.LBB2_29:
0x8e: {  	s12 =	sadd.s32 $0xFFFFFFF0, s15  }
0x8f: {  	p2 =	sgt.u32 s12, $0x9C3  }
.Ltmp11:
0x90: {  	_ = 	snop;
	(pc) =	sbr.rel @p2 .LBB2_34-.Ltmp11, $1  }
0x91: {  	_ =	sdelay $0x3  }
0x92: {  	_ =	swait.ge [sflag:s30], $0x4000  }
0x93: {  	p2 =	sgt.u32 s12, $0x993;
	[sflag:s30] =	ssyncset.done $0x0  }
.Ltmp12:
0x94: {  	[sflag:s30] =	ssyncadd.s32 $0xFFFFC000;
	(pc) =	sbr.rel @p2 .LBB2_32-.Ltmp12, $4  }
0x95: {  	[spmem:s1] =	stream.indirect.scatter.add.f32 [tilespmem:s21], [sflag:$0x7], $0x80, s20, s18, $0xb8;
	[tilespmem:$0x1FB80] =	vst v63  }
0x96: {  	_ =	swait.ge [sflag:s16], $0x4000  }
0x97: {  	[sflag:s16] =	ssyncset.done $0x0  }
0x98: {  	[sflag:s16] =	ssyncadd.s32 $0xFFFFC000  }
.Ltmp13:
0x99: {  	s12 =	sadd.s32 s10, s6;
	(pc) =	sbr.rel .LBB2_33-.Ltmp13, $4  }
0x9a: {  	s14 =	sadd.s32 s10, s7;
	s12 =	sadd.s32 $0x400, s12  }
0x9b: {  	[tilespmem:s18], [sflag:$0x5] =	stream.linear.gather [hbm4b:s12+s2], $0x80, $0x38;
	[tilespmem:$0x1FB80] =	vst v63  }
0x9c: {  	s12 =	sadd.s32 $0x400, s14  }
0x9d: {  	[tilespmem:s20], [sflag:$0x5] =	stream.linear.gather [hbm4b:s12+s2], $0x80, $0x38;
	[tilespmem:$0x1FB80] =	vst v63  }
.LBB2_32:
0x9e: {  	p2 =	sgt.u32 s12, $0x9A3  }
.Ltmp14:
0x9f: {  	_ = 	snop;
	(pc) =	sbr.rel @p2 .LBB2_34-.Ltmp14, $1  }
0xa0: {  	_ =	sdelay $0x3  }
.LBB2_33:
0xa1: {  	_ =	swait.ge [sflag:s31], $0x80  }
0xa2: {  	[sflag:s31] =	ssyncset.done $0x0  }
0xa3: {  	[sflag:s31] =	ssyncadd.s32 $0xFFFFFF80  }
0xa4: {  	_ =	swait.ge [sflag:s31], $0x80  }
0xa5: {  	[sflag:s31] =	ssyncset.done $0x0  }
0xa6: {  	[sflag:s31] =	ssyncadd.s32 $0xFFFFFF80  }
0xa7: {  	[tilespmem:s19], [sflag:$0x1] =	stream.indirect.gather [hbm4b:s5+s18], $0x80, s2, s18, $0xb8;
	[tilespmem:$0x1FB80] =	vst v63  }
.LBB2_34:
0xa8: {  	p2 =	sgt.u32 s15, $0x9C3  }
.Ltmp15:
0xa9: {  	_ = 	snop;
	(pc) =	sbr.rel @p2 .LBB2_39-.Ltmp15, $1  }
0xaa: {  	_ =	sdelay $0x3  }
0xab: {  	_ =	swait.ge [sflag:s0], $0x4000  }
0xac: {  	p2 =	sgt.u32 s15, $0x993;
	[sflag:s0] =	ssyncset.done $0x0  }
.Ltmp16:
0xad: {  	[sflag:s0] =	ssyncadd.s32 $0xFFFFC000;
	(pc) =	sbr.rel @!p2 .LBB2_36-.Ltmp16, $4  }
0xae: {  	[spmem:s1] =	stream.indirect.scatter.add.f32 [tilespmem:s29], [sflag:$0x7], $0x80, s23, s18, $0xb8;
	[tilespmem:$0x1FB80] =	vst v63  }
0xaf: {  	_ =	swait.ge [sflag:s16], $0x4000  }
0xb0: {  	[sflag:s16] =	ssyncset.done $0x0  }
0xb1: {  	[sflag:s16] =	ssyncadd.s32 $0xFFFFC000  }
0xb2: {  	p2 =	sgt.u32 s15, $0x9A3  }
.Ltmp17:
0xb3: {  	_ = 	snop;
	(pc) =	sbr.rel @p2 .LBB2_39-.Ltmp17, $4  }
.Ltmp18:
0xb4: {  	_ = 	snop;
	(pc) =	sbr.rel @!p2 .LBB2_38-.Ltmp18, $4  }
0xb5: {  	_ = 	snop  }
0xb6: {  	_ = 	snop  }
0xb7: {  	_ = 	snop  }
0xb8: {  	_ = 	snop  }
.LBB2_6:
0xb9: {  	[tilespmem:s19], [sflag:$0x1] =	stream.indirect.gather [hbm4b:s4+s18], $0x80, s10, s18, $0xb8;
	[tilespmem:$0x1FB80] =	vst v63  }
0xba: {  	s12 =	rddreg [dreg:$0x3]  }
0xbb: {  	[tilespmem:s18], [sflag:$0x7] =	stream.linear.gather [hbm4b:s12+s10], $0x80, $0x38;
	[tilespmem:$0x1FB80] =	vst v63  }
0xbc: {  	_ =	swait.ge [sflag:s16], $0x80  }
0xbd: {  	[sflag:s16] =	ssyncset.done $0x0  }
0xbe: {  	s13 =	rddreg [dreg:$0x4];
	[sflag:s16] =	ssyncadd.s32 $0xFFFFFF80  }
0xbf: {  	[tilespmem:s20], [sflag:$0x7] =	stream.linear.gather [hbm4b:s13+s10], $0x80, $0x38;
	[tilespmem:$0x1FB80] =	vst v63  }
0xc0: {  	_ =	swait.ge [sflag:s16], $0x80  }
0xc1: {  	[sflag:s16] =	ssyncset.done $0x0  }
0xc2: {  	[sflag:s16] =	ssyncadd.s32 $0xFFFFFF80  }
0xc3: {  	[tilespmem:s21], [sflag:$0x2] =	stream.indirect.gather [hbm4b:s4+s18], $0x80, s18, s18, $0xb8;
	[tilespmem:$0x1FB80] =	vst v63  }
.Ltmp19:
0xc4: {  	s14 =	rddreg [dreg:$0x5];
	(pc) =	sbr.rel .LBB2_7-.Ltmp19, $4  }
0xc5: {  	[tilespmem:s22], [sflag:$0x6] =	stream.linear.gather [hbm4b:s14+s10], $0x80, $0x38;
	[tilespmem:$0x1FB80] =	vst v63  }
0xc6: {  	s15 =	rddreg [dreg:$0x6]  }
0xc7: {  	[tilespmem:s23], [sflag:$0x6] =	stream.linear.gather [hbm4b:s15+s10], $0x80, $0x38;
	[tilespmem:$0x1FB80] =	vst v63  }
0xc8: {  	s15 =	smov.u32 s11  }
.LBB2_19:
0xc9: {  	s12 =	sadd.s32 s10, s6  }
0xca: {  	s14 =	sadd.s32 s10, s7;
	s12 =	sadd.s32 $0x500, s12  }
0xcb: {  	[tilespmem:s22], [sflag:$0x6] =	stream.linear.gather [hbm4b:s12+s2], $0x80, $0x38;
	[tilespmem:$0x1FB80] =	vst v63  }
0xcc: {  	s12 =	sadd.s32 $0x500, s14  }
0xcd: {  	[tilespmem:s23], [sflag:$0x6] =	stream.linear.gather [hbm4b:s12+s2], $0x80, $0x38;
	[tilespmem:$0x1FB80] =	vst v63  }
.LBB2_21:
0xce: {  	_ =	swait.ge [sflag:s8], $0x80  }
0xcf: {  	[sflag:s8] =	ssyncset.done $0x0  }
0xd0: {  	[sflag:s8] =	ssyncadd.s32 $0xFFFFFF80  }
0xd1: {  	_ =	swait.ge [sflag:s8], $0x80  }
0xd2: {  	[sflag:s8] =	ssyncset.done $0x0  }
0xd3: {  	[sflag:s8] =	ssyncadd.s32 $0xFFFFFF80  }
0xd4: {  	[tilespmem:s21], [sflag:$0x2] =	stream.indirect.gather [hbm4b:s4+s18], $0x80, s18, s18, $0xb8;
	[tilespmem:$0x1FB80] =	vst v63  }
.LBB2_22:
0xd5: {  	s10 =	sadd.s32 $0x300, s10  }
0xd6: {  	p2 =	seq.s32 s10, $0x9F00  }
.Ltmp20:
0xd7: {  	_ = 	snop;
	(pc) =	sbr.rel @p2 .LBB2_40-.Ltmp20, $2  }
0xd8: {  	_ =	sdelay $0x2  }
0xd9: {  	s15 =	sadd.s32 $0x30, s15  }
.LBB2_7:
0xda: {  	s12 =	sadd.s32 $0xFFFFFFE0, s15  }
0xdb: {  	p2 =	sgt.u32 s12, $0x9C3  }
.Ltmp21:
0xdc: {  	_ = 	snop;
	(pc) =	sbr.rel @p2 .LBB2_12-.Ltmp21, $1  }
0xdd: {  	_ =	sdelay $0x3  }
0xde: {  	_ =	swait.ge [sflag:s26], $0x4000  }
0xdf: {  	p2 =	sgt.u32 s12, $0x993;
	[sflag:s26] =	ssyncset.done $0x0  }
.Ltmp22:
0xe0: {  	[sflag:s26] =	ssyncadd.s32 $0xFFFFC000;
	(pc) =	sbr.rel @p2 .LBB2_10-.Ltmp22, $4  }
0xe1: {  	[spmem:s1] =	stream.indirect.scatter.add.f32 [tilespmem:s19], [sflag:$0x7], $0x80, s17, s18, $0xb8;
	[tilespmem:$0x1FB80] =	vst v63  }
0xe2: {  	_ =	swait.ge [sflag:s16], $0x4000  }
0xe3: {  	[sflag:s16] =	ssyncset.done $0x0  }
0xe4: {  	[sflag:s16] =	ssyncadd.s32 $0xFFFFC000  }
.Ltmp23:
0xe5: {  	s12 =	sadd.s32 s10, s6;
	(pc) =	sbr.rel .LBB2_11-.Ltmp23, $4  }
0xe6: {  	s14 =	sadd.s32 s10, s7;
	s12 =	sadd.s32 $0x300, s12  }
0xe7: {  	[tilespmem:s2], [sflag:$0x4] =	stream.linear.gather [hbm4b:s12+s2], $0x80, $0x38;
	[tilespmem:$0x1FB80] =	vst v63  }
0xe8: {  	s12 =	sadd.s32 $0x300, s14  }
0xe9: {  	[tilespmem:s17], [sflag:$0x4] =	stream.linear.gather [hbm4b:s12+s2], $0x80, $0x38;
	[tilespmem:$0x1FB80] =	vst v63  }
.LBB2_10:
0xea: {  	p2 =	sgt.u32 s12, $0x9A3  }
.Ltmp24:
0xeb: {  	_ = 	snop;
	(pc) =	sbr.rel @p2 .LBB2_12-.Ltmp24, $1  }
0xec: {  	_ =	sdelay $0x3  }
.LBB2_11:
0xed: {  	_ =	swait.ge [sflag:s28], $0x80  }
0xee: {  	[sflag:s28] =	ssyncset.done $0x0  }
0xef: {  	[sflag:s28] =	ssyncadd.s32 $0xFFFFFF80  }
0xf0: {  	_ =	swait.ge [sflag:s28], $0x80  }
0xf1: {  	[sflag:s28] =	ssyncset.done $0x0  }
0xf2: {  	[sflag:s28] =	ssyncadd.s32 $0xFFFFFF80  }
0xf3: {  	[tilespmem:s29], [sflag:$0x3] =	stream.indirect.gather [hbm4b:s4+s18], $0x80, s22, s18, $0xb8;
	[tilespmem:$0x1FB80] =	vst v63  }
.LBB2_12:
0xf4: {  	s12 =	sadd.s32 $0xFFFFFFF0, s15  }
0xf5: {  	p2 =	sgt.u32 s12, $0x9C3  }
.Ltmp25:
0xf6: {  	_ = 	snop;
	(pc) =	sbr.rel @p2 .LBB2_17-.Ltmp25, $1  }
0xf7: {  	_ =	sdelay $0x3  }
0xf8: {  	_ =	swait.ge [sflag:s30], $0x4000  }
0xf9: {  	p2 =	sgt.u32 s12, $0x993;
	[sflag:s30] =	ssyncset.done $0x0  }
.Ltmp26:
0xfa: {  	[sflag:s30] =	ssyncadd.s32 $0xFFFFC000;
	(pc) =	sbr.rel @p2 .LBB2_15-.Ltmp26, $4  }
0xfb: {  	[spmem:s1] =	stream.indirect.scatter.add.f32 [tilespmem:s21], [sflag:$0x7], $0x80, s20, s18, $0xb8;
	[tilespmem:$0x1FB80] =	vst v63  }
0xfc: {  	_ =	swait.ge [sflag:s16], $0x4000  }
0xfd: {  	[sflag:s16] =	ssyncset.done $0x0  }
0xfe: {  	[sflag:s16] =	ssyncadd.s32 $0xFFFFC000  }
.Ltmp27:
0xff: {  	s12 =	sadd.s32 s10, s6;
	(pc) =	sbr.rel .LBB2_16-.Ltmp27, $4  }
0x100: {  	s14 =	sadd.s32 s10, s7;
	s12 =	sadd.s32 $0x400, s12  }
0x101: {  	[tilespmem:s18], [sflag:$0x5] =	stream.linear.gather [hbm4b:s12+s2], $0x80, $0x38;
	[tilespmem:$0x1FB80] =	vst v63  }
0x102: {  	s12 =	sadd.s32 $0x400, s14  }
0x103: {  	[tilespmem:s20], [sflag:$0x5] =	stream.linear.gather [hbm4b:s12+s2], $0x80, $0x38;
	[tilespmem:$0x1FB80] =	vst v63  }
.LBB2_15:
0x104: {  	p2 =	sgt.u32 s12, $0x9A3  }
.Ltmp28:
0x105: {  	_ = 	snop;
	(pc) =	sbr.rel @p2 .LBB2_17-.Ltmp28, $1  }
0x106: {  	_ =	sdelay $0x3  }
.LBB2_16:
0x107: {  	_ =	swait.ge [sflag:s31], $0x80  }
0x108: {  	[sflag:s31] =	ssyncset.done $0x0  }
0x109: {  	[sflag:s31] =	ssyncadd.s32 $0xFFFFFF80  }
0x10a: {  	_ =	swait.ge [sflag:s31], $0x80  }
0x10b: {  	[sflag:s31] =	ssyncset.done $0x0  }
0x10c: {  	[sflag:s31] =	ssyncadd.s32 $0xFFFFFF80  }
0x10d: {  	[tilespmem:s19], [sflag:$0x1] =	stream.indirect.gather [hbm4b:s4+s18], $0x80, s2, s18, $0xb8;
	[tilespmem:$0x1FB80] =	vst v63  }
.LBB2_17:
0x10e: {  	p2 =	sgt.u32 s15, $0x9C3  }
.Ltmp29:
0x10f: {  	_ = 	snop;
	(pc) =	sbr.rel @p2 .LBB2_22-.Ltmp29, $1  }
0x110: {  	_ =	sdelay $0x3  }
0x111: {  	_ =	swait.ge [sflag:s0], $0x4000  }
0x112: {  	p2 =	sgt.u32 s15, $0x993;
	[sflag:s0] =	ssyncset.done $0x0  }
.Ltmp30:
0x113: {  	[sflag:s0] =	ssyncadd.s32 $0xFFFFC000;
	(pc) =	sbr.rel @!p2 .LBB2_19-.Ltmp30, $4  }
0x114: {  	[spmem:s1] =	stream.indirect.scatter.add.f32 [tilespmem:s29], [sflag:$0x7], $0x80, s23, s18, $0xb8;
	[tilespmem:$0x1FB80] =	vst v63  }
0x115: {  	_ =	swait.ge [sflag:s16], $0x4000  }
0x116: {  	[sflag:s16] =	ssyncset.done $0x0  }
0x117: {  	[sflag:s16] =	ssyncadd.s32 $0xFFFFC000  }
0x118: {  	p2 =	sgt.u32 s15, $0x9A3  }
.Ltmp31:
0x119: {  	_ = 	snop;
	(pc) =	sbr.rel @p2 .LBB2_22-.Ltmp31, $4  }
.Ltmp32:
0x11a: {  	_ = 	snop;
	(pc) =	sbr.rel @!p2 .LBB2_21-.Ltmp32, $4  }
0x11b: {  	_ = 	snop  }
0x11c: {  	_ = 	snop  }
0x11d: {  	_ = 	snop  }
0x11e: {  	_ = 	snop  }
.LBB2_41:
0x11f: {  	_ =	sfence.sel $0x180000  }
0x120: {  	[bflag:$0x0] =	sbarrier.arrive $0xFFFF  }
0x121: {  	_ =	strace $0x90000050  }
0x122: {  	[bflag:$0x2] =	sbarrier.arrive $0xFFFF  }
0x123: {  	p0 =	sne.s32 s3, $0x0;
	s0 =	rddreg [dreg:$0x2]  }
0x124: {  	s0 =	sadd.s32 @!p0 $0x100000, s0  }
0x125: {  	[sflag:s0] =	ssyncadd.tile.s32 @!p0 $0x1;
	_ =	shalt  }
.Lfunc_end2:
_tile_overlayer_lowered:
.L_overlay_start_2:
0x126: {  	(tag) =	ssettag $0x2  }
0x127: {  	s0 =	rddreg [dreg:$0x0];
	s2 =	stileid.u32  }
0x128: {  	s1 =	rddreg [dreg:$0x1];
	p0 =	sne.s32 s2, $0x0  }
0x129: {  	s3 =	rddreg [dreg:$0x2];
	[bflag:$0x3] =	sbarrier.arrive $0xFFFF;
	s2 =	simm.s32 @!p0 $0x1C07  }
0x12a: {  	[timem:s3], [sflag:s2] =	dma.local @!p0 [hbm:s0], s1  }
0x12b: {  	s0 =	simm.s32 @!p0 $0x7  }
0x12c: {  	_ =	swait.ge @!p0 [sflag:s0], s1  }
0x12d: {  	s1 =	ssub.s32 @!p0 $0x0, s1;
	[sflag:s0] =	ssyncset.done @!p0 $0x0  }
0x12e: {  	[sflag:s0] =	ssyncadd.s32 @!p0 s1  }
0x12f: {  	[bflag:$0x3] =	sbarrier.arrive $0xFFFF  }
0x130: {  	_ =	shalt  }

</sc_bundles>
